<compile_context>
chip_gen: v7x
topology: tpu7x:2x2x1
jax: 0.10.2.dev20260603
libtpu: 0.0.44.dev20260713+nightly
codegen_flags: <defaults>
</compile_context>

<pallas_src>
import functools

import jax
import jax.numpy as jnp
from jax import lax
from jax.experimental import pallas as pl
from jax.experimental.pallas import tpu as pltpu
from jax.experimental.pallas import tpu_sc as plsc

_NC = 2
_NS = 16
_LN = 16



def _dot(a, b):
    return jnp.dot(a, b, preferred_element_type=jnp.float32)


def _dot_t(a, b):
    return jax.lax.dot_general(a, b, (((0,), (1,)), ((), ())),
                               preferred_element_type=jnp.float32)


def _dot_tl(a, b):
    return jax.lax.dot_general(a, b, (((0,), (0,)), ((), ())),
                               preferred_element_type=jnp.float32)


def _attn_tables(h, wl_ref, as_ref, ad_ref, hst_ref, sst_ref, sdt_ref):
    hst = _dot_t(wl_ref[...], h)
    hst_ref[...] = hst
    sst_ref[...] = _dot_tl(as_ref[...], hst)
    sdt_ref[...] = _dot_tl(ad_ref[...], hst)


def _enc_body(x_ref, wn1_ref, bn1_ref, wn2_ref, bn2_ref, wl_ref, as_ref,
              ad_ref, h_ref, hst_ref, sst_ref, sdt_ref):
    h1 = jnp.maximum(_dot(x_ref[...], wn1_ref[...]) + bn1_ref[...], 0.0)
    h = _dot(h1, wn2_ref[...]) + bn2_ref[...]
    h_ref[...] = h
    _attn_tables(h, wl_ref, as_ref, ad_ref, hst_ref, sst_ref, sdt_ref)


def _enc_call(x, wn1, bn1, wn2, bn2, wl, am_s, am_d):
    n = x.shape[0]
    hid = wn1.shape[1]
    nh = am_s.shape[1]
    f32 = jnp.float32
    return pl.pallas_call(
        _enc_body,
        out_shape=(jax.ShapeDtypeStruct((n, hid), f32),
                   jax.ShapeDtypeStruct((hid, n), f32),
                   jax.ShapeDtypeStruct((nh, n), f32),
                   jax.ShapeDtypeStruct((nh, n), f32)),
    )(x, wn1, bn1, wn2, bn2, wl, am_s, am_d)


def _make_elog_body(blk, n_blk):
    def body(ea_ref, m_ref, c_ref, out_ref, eab0, eab1, ob, sin, sout):
        eabs = (eab0, eab1)

        def in_cp(i, b):
            return pltpu.make_async_copy(
                ea_ref.at[pl.ds(lax.rem(i, n_blk) * blk, blk), :], eabs[b],
                sin)

        def out_cp(i):
            return pltpu.make_async_copy(
                ob, out_ref.at[:, pl.ds(i * blk, blk)], sout)

        in_cp(0, 0).start()
        in_cp(1, 1).start()

        def step(j, c):
            for b in range(2):
                i = j * 2 + b
                in_cp(i, b).wait()
                ob[...] = _dot_t(m_ref[...], eabs[b][...]) + c_ref[...]
                in_cp(i + 2, b).start()
                cp = out_cp(i)
                cp.start()
                cp.wait()
            return c

        lax.fori_loop(0, n_blk // 2, step, 0)
        in_cp(0, 0).wait()
        in_cp(1, 1).wait()

    return body


def _elog_call(ea, m, c):
    e_cnt, de = ea.shape
    ko = m.shape[1]
    blk = 16000
    f32 = jnp.float32
    return pl.pallas_call(
        _make_elog_body(blk, e_cnt // blk),
        in_specs=[pl.BlockSpec(memory_space=pl.ANY),
                  pl.BlockSpec(memory_space=pltpu.MemorySpace.VMEM),
                  pl.BlockSpec(memory_space=pltpu.MemorySpace.VMEM)],
        out_specs=pl.BlockSpec(memory_space=pl.ANY),
        out_shape=jax.ShapeDtypeStruct((ko, e_cnt), f32),
        scratch_shapes=[pltpu.VMEM((blk, de), f32), pltpu.VMEM((blk, de), f32),
                        pltpu.VMEM((ko, blk), f32),
                        pltpu.SemaphoreType.DMA, pltpu.SemaphoreType.DMA],
    )(ea, m, c)


def _norm(h_ref, numt_ref, dnt_ref, eye_ref, b4_ref, g_ref, b_ref):
    hid = eye_ref.shape[0]
    nh = b4_ref.shape[0]
    numt = numt_ref[0:hid, :] + numt_ref[hid:2 * hid, :]
    dnt = dnt_ref[0:nh, :] + dnt_ref[nh:2 * nh, :]
    num = _dot_tl(numt, eye_ref[...])
    dnb = _dot_tl(dnt + 1e-16, b4_ref[...])
    agg = num / dnb
    a = h_ref[...] + jnp.where(agg > 0, agg, jnp.exp(agg) - 1.0)
    m = jnp.mean(a, axis=-1, keepdims=True)
    v = jnp.mean((a - m) ** 2, axis=-1, keepdims=True)
    return (a - m) / jnp.sqrt(v + 1e-5) * g_ref[...] + b_ref[...]


def _comb_body(h_ref, numt_ref, dnt_ref, eye_ref, b4_ref, g_ref, b_ref,
               wl_ref, as_ref, ad_ref, ho_ref, hst_ref, sst_ref, sdt_ref):
    hn = _norm(h_ref, numt_ref, dnt_ref, eye_ref, b4_ref, g_ref, b_ref)
    ho_ref[...] = hn
    _attn_tables(hn, wl_ref, as_ref, ad_ref, hst_ref, sst_ref, sdt_ref)


def _comb_call(h, numt, dnt, eye, b4, g, b, wl, am_s, am_d):
    n, hid = h.shape
    nh = am_s.shape[1]
    f32 = jnp.float32
    return pl.pallas_call(
        _comb_body,
        out_shape=(jax.ShapeDtypeStruct((n, hid), f32),
                   jax.ShapeDtypeStruct((hid, n), f32),
                   jax.ShapeDtypeStruct((nh, n), f32),
                   jax.ShapeDtypeStruct((nh, n), f32)),
    )(h, numt, dnt, eye, b4, g, b, wl, am_s, am_d)


def _final_body(h_ref, numt_ref, dnt_ref, eye_ref, b4_ref, g_ref, b_ref,
                wo_ref, bo_ref, out_ref):
    hn = _norm(h_ref, numt_ref, dnt_ref, eye_ref, b4_ref, g_ref, b_ref)
    out_ref[...] = _dot(hn, wo_ref[...]) + bo_ref[...]


def _final_call(h, numt, dnt, eye, b4, g, b, wo, bo):
    n = h.shape[0]
    ko = wo.shape[1]
    return pl.pallas_call(
        _final_body,
        out_shape=jax.ShapeDtypeStruct((n, ko), jnp.float32),
    )(h, numt, dnt, eye, b4, g, b, wo, bo)



_G = 4


def _make_sc_layer(n_nodes, n_edges, nh, chunk, layer):
    mesh = plsc.VectorSubcoreMesh(core_axis_name="c", subcore_axis_name="s",
                                  num_cores=_NC, num_subcores=_NS)
    nw = _NC * _NS
    hid = 2 * nw
    ncg = hid // _G
    neh = nw // ncg
    half = n_edges // neh
    n_chunks = half // chunk
    grp = chunk // _LN
    cg_per_head = ncg // nh
    f32 = jnp.float32

    @functools.partial(
        pl.kernel,
        out_type=(jax.ShapeDtypeStruct((neh * hid * n_nodes,), f32),
                  jax.ShapeDtypeStruct((nw * n_nodes,), f32)),
        mesh=mesh,
        compiler_params=pltpu.CompilerParams(needs_layout_passes=False),
        scratch_types=(
            [pltpu.VMEM((n_nodes,), f32)] * 2
            + [pltpu.VMEM((n_nodes,), f32)] * _G
            + [pltpu.VMEM((n_nodes,), f32)] * _G
            + [pltpu.VMEM((n_nodes,), f32)]
            + [pltpu.VMEM((chunk,), jnp.int32), pltpu.VMEM((chunk,), jnp.int32),
               pltpu.VMEM((chunk,), f32)] * 2
            + [pltpu.SemaphoreType.DMA, pltpu.SemaphoreType.DMA]
        ),
    )
    def sc_layer(src_hbm, dst_hbm, elog_hbm, ssrc_hbm, sdst_hbm, hst_hbm,
                 numt_hbm, dnt_hbm, ssrc_v, sdst_v, *rest):
        hs_v = rest[:_G]
        num_v = rest[_G:2 * _G]
        dn_v = rest[2 * _G]
        srcb0, dstb0, elogb0, srcb1, dstb1, elogb1, sem0, sem1 = rest[2 * _G + 1:]

        w = lax.axis_index("s") * _NC + lax.axis_index("c")
        cg = w // neh
        eh = w % neh
        head = cg // cg_per_head
        col0 = _G * cg
        ebase = eh * half
        elog_base = nh * layer * n_edges + head * n_edges + ebase

        pltpu.sync_copy(ssrc_hbm.at[pl.ds(head * n_nodes, n_nodes)], ssrc_v)
        pltpu.sync_copy(sdst_hbm.at[pl.ds(head * n_nodes, n_nodes)], sdst_v)
        for j in range(_G):
            pltpu.sync_copy(hst_hbm.at[pl.ds((col0 + j) * n_nodes, n_nodes)],
                            hs_v[j])

        zv = jnp.zeros((_LN,), f32)

        @plsc.parallel_loop(0, n_nodes // _LN, unroll=5)
        def _(i):
            for j in range(_G):
                num_v[j][pl.ds(i * _LN, _LN)] = zv
            dn_v[pl.ds(i * _LN, _LN)] = zv

        bufs = ((srcb0, dstb0, elogb0, sem0), (srcb1, dstb1, elogb1, sem1))

        def dma_descs(ci, b):
            sb, db, eb, sem = bufs[b]
            off = ci * chunk
            return (
                pltpu.make_async_copy(src_hbm.at[pl.ds(ebase + off, chunk)],
                                      sb, sem),
                pltpu.make_async_copy(dst_hbm.at[pl.ds(ebase + off, chunk)],
                                      db, sem),
                pltpu.make_async_copy(elog_hbm.at[pl.ds(elog_base + off, chunk)],
                                      eb, sem),
            )

        def start(ci, b):
            for cp in dma_descs(ci, b):
                cp.start()

        def wait(ci, b):
            for cp in dma_descs(ci, b):
                cp.wait()

        start(0, 0)
        start(1, 1)

        def process(b):
            sb, db, eb, _ = bufs[b]

            @plsc.parallel_loop(0, grp, unroll=5)
            def _(g):
                s = sb[pl.ds(g * _LN, _LN)]
                d = db[pl.ds(g * _LN, _LN)]
                lo = (plsc.load_gather(ssrc_v, [s])
                      + plsc.load_gather(sdst_v, [d])
                      + eb[pl.ds(g * _LN, _LN)])
                lo = jnp.where(lo > 0, lo, 0.2 * lo)
                ex = jnp.exp(lo)
                for j in range(_G):
                    hj = plsc.load_gather(hs_v[j], [s])
                    plsc.addupdate_scatter(num_v[j], [d], ex * hj)
                plsc.addupdate_scatter(dn_v, [d], ex)

        def cbody(cj, c):
            for b in range(2):
                ci = cj * 2 + b
                wait(ci, b)
                process(b)
                start(lax.rem(ci + 2, n_chunks), b)
            return c

        lax.fori_loop(0, n_chunks // 2, cbody, 0)
        wait(0, 0)
        wait(1, 1)

        for j in range(_G):
            pltpu.sync_copy(
                num_v[j],
                numt_hbm.at[pl.ds((eh * hid + col0 + j) * n_nodes, n_nodes)])
        dn_row = (cg % cg_per_head) * (neh * nh) + eh * nh + head
        pltpu.sync_copy(dn_v, dnt_hbm.at[pl.ds(dn_row * n_nodes, n_nodes)])

    return sc_layer



def kernel(x, edge_index, edge_attr, Wn1, bn1, Wn2, bn2, We, be, Wl, a_src,
           a_dst, a_edge, ln_g, ln_b, Wout, bout):
    n = x.shape[0]
    e_cnt = edge_index.shape[1]
    hid = Wn1.shape[1]
    nl = Wl.shape[0]
    nh, d = a_src.shape[1], a_src.shape[2]

    src = edge_index[0].astype(jnp.int32)
    dst = edge_index[1].astype(jnp.int32)

    sel = (jnp.arange(hid)[:, None] // d
           == jnp.arange(nh)[None, :]).astype(jnp.float32)

    def headmat(a):
        return sel * a.reshape(hid)[:, None]

    b4 = sel.T

    m12 = jnp.concatenate([_dot(We, headmat(a_edge[l])) for l in range(nl)],
                          axis=1)
    c12 = jnp.concatenate([_dot(be, headmat(a_edge[l])) for l in range(nl)]
                          )[:, None]
    elog12 = _elog_call(edge_attr, m12, c12).reshape(-1)

    asrc_m = [headmat(a_src[l]) for l in range(nl)]
    adst_m = [headmat(a_dst[l]) for l in range(nl)]
    eye = jnp.eye(hid, dtype=jnp.float32)

    h, hst, sst, sdt = _enc_call(x, Wn1, bn1[None], Wn2, bn2[None], Wl[0],
                                 asrc_m[0], adst_m[0])

    out = None
    for l in range(nl):
        sc_layer = _make_sc_layer(n, e_cnt, nh, 2000, l)
        numt, dnt = sc_layer(src, dst, elog12, sst.reshape(-1),
                             sdt.reshape(-1), hst.reshape(-1))
        numt = numt.reshape(2 * hid, n)
        dnt4 = dnt[:2 * nh * n].reshape(2 * nh, n)
        if l + 1 < nl:
            h, hst, sst, sdt = _comb_call(h, numt, dnt4, eye, b4,
                                          ln_g[l][None], ln_b[l][None],
                                          Wl[l + 1], asrc_m[l + 1],
                                          adst_m[l + 1])
        else:
            out = _final_call(h, numt, dnt4, eye, b4, ln_g[l][None],
                              ln_b[l][None], Wout, bout[None])
    return out

# --- scband reference (transcript-rebuilt; emitter-appended) ---
"""Pipeline reference for scband-gnnencoder-2611340116103 (READ-ONLY COPY).

The authoritative reference and input builder live on the scoring server;
editing this copy changes nothing except your own understanding.
"""

import jax, jax.numpy as jnp
import numpy as np

N = 10000
E = 320000
DIN = 128
DE = 16
H = 4
D = 16
HID = 64
L = 3


def _layernorm(x, g, b):
    m = jnp.mean(x, axis=-1, keepdims=True)
    v = jnp.var(x, axis=-1, keepdims=True)
    return (x - m) / jnp.sqrt(v + 1e-5) * g + b


def setup_inputs(seed: int = 0) -> dict:
    key = jax.random.key(seed)
    ks = jax.random.split(key, 20)
    inp = {}
    inp["x"] = jax.random.normal(ks[0], (N, DIN), dtype=jnp.float32)
    inp["edge_index"] = jax.random.randint(ks[1], (2, E), 0, N)
    inp["edge_attr"] = jax.random.normal(ks[2], (E, DE), dtype=jnp.float32)
    inp["Wn1"] = 0.05 * jax.random.normal(ks[3], (DIN, HID), dtype=jnp.float32)
    inp["bn1"] = jnp.zeros((HID,), dtype=jnp.float32)
    inp["Wn2"] = 0.05 * jax.random.normal(ks[4], (HID, HID), dtype=jnp.float32)
    inp["bn2"] = jnp.zeros((HID,), dtype=jnp.float32)
    inp["We"] = 0.05 * jax.random.normal(ks[5], (DE, HID), dtype=jnp.float32)
    inp["be"] = jnp.zeros((HID,), dtype=jnp.float32)
    inp["Wl"] = 0.05 * jax.random.normal(ks[6], (L, HID, HID), dtype=jnp.float32)
    inp["a_src"] = 0.05 * jax.random.normal(ks[7], (L, H, D), dtype=jnp.float32)
    inp["a_dst"] = 0.05 * jax.random.normal(ks[8], (L, H, D), dtype=jnp.float32)
    inp["a_edge"] = 0.05 * jax.random.normal(ks[9], (L, H, D), dtype=jnp.float32)
    inp["ln_g"] = jnp.ones((L, HID), dtype=jnp.float32)
    inp["ln_b"] = jnp.zeros((L, HID), dtype=jnp.float32)
    inp["Wout"] = 0.05 * jax.random.normal(ks[10], (HID, HID), dtype=jnp.float32)
    inp["bout"] = jnp.zeros((HID,), dtype=jnp.float32)
    return inp


def reference(x, edge_index, edge_attr, Wn1, bn1, Wn2, bn2, We, be, Wl, a_src, a_dst, a_edge, ln_g, ln_b, Wout, bout):
    src = edge_index[0]
    dst = edge_index[1]
    # NodeEncoder: 2-layer MLP with ReLU
    h = jnp.dot(jax.nn.relu(jnp.dot(x, Wn1) + bn1), Wn2) + bn2
    # EdgeEncoder: linear projection, reshaped per-head
    e = (jnp.dot(edge_attr, We) + be).reshape(E, H, D)
    for l in range(L):
        hs = jnp.dot(h, Wl[l]).reshape(N, H, D)
        m_src = hs[src]
        m_dst = hs[dst]
        logits = jax.nn.leaky_relu(
            (m_src * a_src[l]).sum(-1) + (m_dst * a_dst[l]).sum(-1) + (e * a_edge[l]).sum(-1),
            negative_slope=0.2,
        )  # [E, H]
        mx = jax.ops.segment_max(logits, dst, num_segments=N)
        mx = jnp.where(jnp.isfinite(mx), mx, 0.0)
        ex = jnp.exp(logits - mx[dst])
        dn = jax.ops.segment_sum(ex, dst, num_segments=N)
        alpha = ex / (dn[dst] + 1e-16)  # segment softmax over incoming edges
        agg = jax.ops.segment_sum(alpha[..., None] * m_src, dst, num_segments=N).reshape(N, HID)
        h = _layernorm(h + jax.nn.elu(agg), ln_g[l], ln_b[l])
    return jnp.dot(h, Wout) + bout

if __name__ == "__main__":
    import jax
    _d = setup_inputs()
    print(jax.jit(kernel)(*tuple(_d.values())))

</pallas_src>

<mosaic_0001>
#map = affine_map<(d0, d1) -> (0)>
module attributes {stable_mosaic.version = 14 : i64} {
  func.func @sc_layer(%arg0: i32, %arg1: i32, %arg2: memref<320000xi32, #tpu.memory_space<hbm>>, %arg3: memref<320000xi32, #tpu.memory_space<hbm>>, %arg4: memref<3840000xf32, #tpu.memory_space<hbm>>, %arg5: memref<40000xf32, #tpu.memory_space<hbm>>, %arg6: memref<40000xf32, #tpu.memory_space<hbm>>, %arg7: memref<640000xf32, #tpu.memory_space<hbm>>, %arg8: memref<1280000xf32, #tpu.memory_space<hbm>>, %arg9: memref<320000xf32, #tpu.memory_space<hbm>>, %arg10: memref<10000xf32, #tpu.memory_space<vmem>>, %arg11: memref<10000xf32, #tpu.memory_space<vmem>>, %arg12: memref<10000xf32, #tpu.memory_space<vmem>>, %arg13: memref<10000xf32, #tpu.memory_space<vmem>>, %arg14: memref<10000xf32, #tpu.memory_space<vmem>>, %arg15: memref<10000xf32, #tpu.memory_space<vmem>>, %arg16: memref<10000xf32, #tpu.memory_space<vmem>>, %arg17: memref<10000xf32, #tpu.memory_space<vmem>>, %arg18: memref<10000xf32, #tpu.memory_space<vmem>>, %arg19: memref<10000xf32, #tpu.memory_space<vmem>>, %arg20: memref<10000xf32, #tpu.memory_space<vmem>>, %arg21: memref<2000xi32, #tpu.memory_space<vmem>>, %arg22: memref<2000xi32, #tpu.memory_space<vmem>>, %arg23: memref<2000xf32, #tpu.memory_space<vmem>>, %arg24: memref<2000xi32, #tpu.memory_space<vmem>>, %arg25: memref<2000xi32, #tpu.memory_space<vmem>>, %arg26: memref<2000xf32, #tpu.memory_space<vmem>>, %arg27: memref<!tpu.dma_semaphore, #tpu.memory_space<semaphore_mem>>, %arg28: memref<!tpu.dma_semaphore, #tpu.memory_space<semaphore_mem>>) attributes {dimension_semantics = [#tpu.dimension_semantics<core_parallel>, #tpu.dimension_semantics<subcore_parallel>], iteration_bounds = array<i64: 2, 16>, scalar_prefetch = 0 : i64, scratch_operands = 19 : i64, tpu.core_type = #tpu.core_type<sc_vector_subcore>, window_params = [{transform_indices = #map}, {transform_indices = #map}, {transform_indices = #map}, {transform_indices = #map}, {transform_indices = #map}, {transform_indices = #map}, {transform_indices = #map}, {transform_indices = #map}]} {
    %mul3A = arith.constant 2 : i32
    %mul3A_0 = arith.muli %arg1, %mul3A : i32
    %add3A = arith.addi %mul3A_0, %arg0 : i32
    %jit3A = arith.constant 2 : i32
    %div3A = arith.divsi %add3A, %jit3A : i32
    %sign3A = arith.constant 0 : i32
    %sign3A_1 = arith.cmpi sgt, %add3A, %sign3A : i32
    %sign3A_2 = arith.extui %sign3A_1 : i1 to i32
    %sign3A_3 = arith.constant 0 : i32
    %sign3A_4 = arith.cmpi slt, %add3A, %sign3A_3 : i32
    %sign3A_5 = arith.extui %sign3A_4 : i1 to i32
    %sign3A_6 = arith.subi %sign3A_2, %sign3A_5 : i32
    %sign3A_7 = arith.constant 0 : i32
    %sign3A_8 = arith.cmpi sgt, %jit3A, %sign3A_7 : i32
    %sign3A_9 = arith.extui %sign3A_8 : i1 to i32
    %sign3A_10 = arith.constant 0 : i32
    %sign3A_11 = arith.cmpi slt, %jit3A, %sign3A_10 : i32
    %sign3A_12 = arith.extui %sign3A_11 : i1 to i32
    %sign3A_13 = arith.subi %sign3A_9, %sign3A_12 : i32
    %ne3A = arith.cmpi ne, %sign3A_6, %sign3A_13 : i32
    %rem3A = arith.remsi %add3A, %jit3A : i32
    %ne3A_14 = arith.constant 0 : i32
    %ne3A_15 = arith.cmpi ne, %rem3A, %ne3A_14 : i32
    %and3A = arith.andi %ne3A, %ne3A_15 : i1
    %sub3A = arith.constant 1 : i32
    %sub3A_16 = arith.subi %div3A, %sub3A : i32
    %select_n3A = arith.select %and3A, %sub3A_16, %div3A : i32
    %jit3A_17 = arith.constant 2 : i32
    %eq3A = arith.constant 0 : i32
    %eq3A_18 = arith.cmpi eq, %jit3A_17, %eq3A : i32
    %jit3A_19 = arith.constant 1 : i32
    %select_n3A_20 = arith.select %eq3A_18, %jit3A_19, %jit3A_17 : i32
    %rem3A_21 = arith.remsi %add3A, %select_n3A_20 : i32
    %ne3A_22 = arith.constant 0 : i32
    %ne3A_23 = arith.cmpi ne, %rem3A_21, %ne3A_22 : i32
    %lt3A = arith.constant 0 : i32
    %lt3A_24 = arith.cmpi slt, %rem3A_21, %lt3A : i32
    %lt3A_25 = arith.constant 0 : i32
    %lt3A_26 = arith.cmpi slt, %select_n3A_20, %lt3A_25 : i32
    %ne3A_27 = arith.xori %lt3A_24, %lt3A_26 : i1
    %and3A_28 = arith.andi %ne3A_27, %ne3A_23 : i1
    %add3A_29 = arith.addi %rem3A_21, %select_n3A_20 : i32
    %select_n3A_30 = arith.select %and3A_28, %add3A_29, %rem3A_21 : i32
    %jit3A_31 = arith.constant 4 : i32
    %div3A_32 = arith.divsi %select_n3A, %jit3A_31 : i32
    %sign3A_33 = arith.constant 0 : i32
    %sign3A_34 = arith.cmpi sgt, %select_n3A, %sign3A_33 : i32
    %sign3A_35 = arith.extui %sign3A_34 : i1 to i32
    %sign3A_36 = arith.constant 0 : i32
    %sign3A_37 = arith.cmpi slt, %select_n3A, %sign3A_36 : i32
    %sign3A_38 = arith.extui %sign3A_37 : i1 to i32
    %sign3A_39 = arith.subi %sign3A_35, %sign3A_38 : i32
    %sign3A_40 = arith.constant 0 : i32
    %sign3A_41 = arith.cmpi sgt, %jit3A_31, %sign3A_40 : i32
    %sign3A_42 = arith.extui %sign3A_41 : i1 to i32
    %sign3A_43 = arith.constant 0 : i32
    %sign3A_44 = arith.cmpi slt, %jit3A_31, %sign3A_43 : i32
    %sign3A_45 = arith.extui %sign3A_44 : i1 to i32
    %sign3A_46 = arith.subi %sign3A_42, %sign3A_45 : i32
    %ne3A_47 = arith.cmpi ne, %sign3A_39, %sign3A_46 : i32
    %rem3A_48 = arith.remsi %select_n3A, %jit3A_31 : i32
    %ne3A_49 = arith.constant 0 : i32
    %ne3A_50 = arith.cmpi ne, %rem3A_48, %ne3A_49 : i32
    %and3A_51 = arith.andi %ne3A_47, %ne3A_50 : i1
    %sub3A_52 = arith.constant 1 : i32
    %sub3A_53 = arith.subi %div3A_32, %sub3A_52 : i32
    %select_n3A_54 = arith.select %and3A_51, %sub3A_53, %div3A_32 : i32
    %mul3A_55 = arith.constant 4 : i32
    %mul3A_56 = arith.muli %mul3A_55, %select_n3A : i32
    %mul3A_57 = arith.constant 160000 : i32
    %mul3A_58 = arith.muli %select_n3A_30, %mul3A_57 : i32
    %mul3A_59 = arith.constant 320000 : i32
    %mul3A_60 = arith.muli %select_n3A_54, %mul3A_59 : i32
    %add3A_61 = arith.constant 1280000 : i32
    %add3A_62 = arith.addi %add3A_61, %mul3A_60 : i32
    %add3A_63 = arith.addi %add3A_62, %mul3A_58 : i32
    %mul3A_64 = arith.constant 10000 : i32
    %mul3A_65 = arith.muli %select_n3A_54, %mul3A_64 : i32
    "tpu.region"() ({
      %run_scoped3A = tpu.sem_alloc : memref<!tpu.dma_semaphore, #tpu.memory_space<semaphore_mem>>
      %dma_start3A_190 = tpu.memref_slice %arg5[%mul3A_65] : memref<40000xf32, #tpu.memory_space<hbm>> -> memref<10000xf32, #tpu.memory_space<hbm>>
      %dma_start3A_191 = tpu.memref_slice %arg5[%mul3A_65] : memref<40000xf32, #tpu.memory_space<hbm>> -> memref<10000xf32, #tpu.memory_space<hbm>>
      tpu.enqueue_dma source(%dma_start3A_191 : memref<10000xf32, #tpu.memory_space<hbm>>) target(%arg10 : memref<10000xf32, #tpu.memory_space<vmem>>) target_semaphore(%run_scoped3A : memref<!tpu.dma_semaphore, #tpu.memory_space<semaphore_mem>>)
      %dma_wait3A_192 = tpu.memref_slice %arg5[%mul3A_65] : memref<40000xf32, #tpu.memory_space<hbm>> -> memref<10000xf32, #tpu.memory_space<hbm>>
      %dma_wait3A_193 = tpu.memref_slice %arg5[%mul3A_65] : memref<40000xf32, #tpu.memory_space<hbm>> -> memref<10000xf32, #tpu.memory_space<hbm>>
      tpu.wait_dma2 semaphore(%run_scoped3A : memref<!tpu.dma_semaphore, #tpu.memory_space<semaphore_mem>>) src(%dma_wait3A_193 : memref<10000xf32, #tpu.memory_space<hbm>>) dst(%arg10 : memref<10000xf32, #tpu.memory_space<vmem>>)
      tpu.yield
    }) : () -> ()
    %mul3A_66 = arith.constant 10000 : i32
    %mul3A_67 = arith.muli %select_n3A_54, %mul3A_66 : i32
    "tpu.region"() ({
      %run_scoped3A = tpu.sem_alloc : memref<!tpu.dma_semaphore, #tpu.memory_space<semaphore_mem>>
      %dma_start3A_190 = tpu.memref_slice %arg6[%mul3A_67] : memref<40000xf32, #tpu.memory_space<hbm>> -> memref<10000xf32, #tpu.memory_space<hbm>>
      %dma_start3A_191 = tpu.memref_slice %arg6[%mul3A_67] : memref<40000xf32, #tpu.memory_space<hbm>> -> memref<10000xf32, #tpu.memory_space<hbm>>
      tpu.enqueue_dma source(%dma_start3A_191 : memref<10000xf32, #tpu.memory_space<hbm>>) target(%arg11 : memref<10000xf32, #tpu.memory_space<vmem>>) target_semaphore(%run_scoped3A : memref<!tpu.dma_semaphore, #tpu.memory_space<semaphore_mem>>)
      %dma_wait3A_192 = tpu.memref_slice %arg6[%mul3A_67] : memref<40000xf32, #tpu.memory_space<hbm>> -> memref<10000xf32, #tpu.memory_space<hbm>>
      %dma_wait3A_193 = tpu.memref_slice %arg6[%mul3A_67] : memref<40000xf32, #tpu.memory_space<hbm>> -> memref<10000xf32, #tpu.memory_space<hbm>>
      tpu.wait_dma2 semaphore(%run_scoped3A : memref<!tpu.dma_semaphore, #tpu.memory_space<semaphore_mem>>) src(%dma_wait3A_193 : memref<10000xf32, #tpu.memory_space<hbm>>) dst(%arg11 : memref<10000xf32, #tpu.memory_space<vmem>>)
      tpu.yield
    }) : () -> ()
    %add3A_68 = arith.constant 0 : i32
    %add3A_69 = arith.addi %mul3A_56, %add3A_68 : i32
    %mul3A_70 = arith.constant 10000 : i32
    %mul3A_71 = arith.muli %add3A_69, %mul3A_70 : i32
    "tpu.region"() ({
      %run_scoped3A = tpu.sem_alloc : memref<!tpu.dma_semaphore, #tpu.memory_space<semaphore_mem>>
      %dma_start3A_190 = tpu.memref_slice %arg7[%mul3A_71] : memref<640000xf32, #tpu.memory_space<hbm>> -> memref<10000xf32, #tpu.memory_space<hbm>>
      %dma_start3A_191 = tpu.memref_slice %arg7[%mul3A_71] : memref<640000xf32, #tpu.memory_space<hbm>> -> memref<10000xf32, #tpu.memory_space<hbm>>
      tpu.enqueue_dma source(%dma_start3A_191 : memref<10000xf32, #tpu.memory_space<hbm>>) target(%arg12 : memref<10000xf32, #tpu.memory_space<vmem>>) target_semaphore(%run_scoped3A : memref<!tpu.dma_semaphore, #tpu.memory_space<semaphore_mem>>)
      %dma_wait3A_192 = tpu.memref_slice %arg7[%mul3A_71] : memref<640000xf32, #tpu.memory_space<hbm>> -> memref<10000xf32, #tpu.memory_space<hbm>>
      %dma_wait3A_193 = tpu.memref_slice %arg7[%mul3A_71] : memref<640000xf32, #tpu.memory_space<hbm>> -> memref<10000xf32, #tpu.memory_space<hbm>>
      tpu.wait_dma2 semaphore(%run_scoped3A : memref<!tpu.dma_semaphore, #tpu.memory_space<semaphore_mem>>) src(%dma_wait3A_193 : memref<10000xf32, #tpu.memory_space<hbm>>) dst(%arg12 : memref<10000xf32, #tpu.memory_space<vmem>>)
      tpu.yield
    }) : () -> ()
    %add3A_72 = arith.constant 1 : i32
    %add3A_73 = arith.addi %mul3A_56, %add3A_72 : i32
    %mul3A_74 = arith.constant 10000 : i32
    %mul3A_75 = arith.muli %add3A_73, %mul3A_74 : i32
    "tpu.region"() ({
      %run_scoped3A = tpu.sem_alloc : memref<!tpu.dma_semaphore, #tpu.memory_space<semaphore_mem>>
      %dma_start3A_190 = tpu.memref_slice %arg7[%mul3A_75] : memref<640000xf32, #tpu.memory_space<hbm>> -> memref<10000xf32, #tpu.memory_space<hbm>>
      %dma_start3A_191 = tpu.memref_slice %arg7[%mul3A_75] : memref<640000xf32, #tpu.memory_space<hbm>> -> memref<10000xf32, #tpu.memory_space<hbm>>
      tpu.enqueue_dma source(%dma_start3A_191 : memref<10000xf32, #tpu.memory_space<hbm>>) target(%arg13 : memref<10000xf32, #tpu.memory_space<vmem>>) target_semaphore(%run_scoped3A : memref<!tpu.dma_semaphore, #tpu.memory_space<semaphore_mem>>)
      %dma_wait3A_192 = tpu.memref_slice %arg7[%mul3A_75] : memref<640000xf32, #tpu.memory_space<hbm>> -> memref<10000xf32, #tpu.memory_space<hbm>>
      %dma_wait3A_193 = tpu.memref_slice %arg7[%mul3A_75] : memref<640000xf32, #tpu.memory_space<hbm>> -> memref<10000xf32, #tpu.memory_space<hbm>>
      tpu.wait_dma2 semaphore(%run_scoped3A : memref<!tpu.dma_semaphore, #tpu.memory_space<semaphore_mem>>) src(%dma_wait3A_193 : memref<10000xf32, #tpu.memory_space<hbm>>) dst(%arg13 : memref<10000xf32, #tpu.memory_space<vmem>>)
      tpu.yield
    }) : () -> ()
    %add3A_76 = arith.constant 2 : i32
    %add3A_77 = arith.addi %mul3A_56, %add3A_76 : i32
    %mul3A_78 = arith.constant 10000 : i32
    %mul3A_79 = arith.muli %add3A_77, %mul3A_78 : i32
    "tpu.region"() ({
      %run_scoped3A = tpu.sem_alloc : memref<!tpu.dma_semaphore, #tpu.memory_space<semaphore_mem>>
      %dma_start3A_190 = tpu.memref_slice %arg7[%mul3A_79] : memref<640000xf32, #tpu.memory_space<hbm>> -> memref<10000xf32, #tpu.memory_space<hbm>>
      %dma_start3A_191 = tpu.memref_slice %arg7[%mul3A_79] : memref<640000xf32, #tpu.memory_space<hbm>> -> memref<10000xf32, #tpu.memory_space<hbm>>
      tpu.enqueue_dma source(%dma_start3A_191 : memref<10000xf32, #tpu.memory_space<hbm>>) target(%arg14 : memref<10000xf32, #tpu.memory_space<vmem>>) target_semaphore(%run_scoped3A : memref<!tpu.dma_semaphore, #tpu.memory_space<semaphore_mem>>)
      %dma_wait3A_192 = tpu.memref_slice %arg7[%mul3A_79] : memref<640000xf32, #tpu.memory_space<hbm>> -> memref<10000xf32, #tpu.memory_space<hbm>>
      %dma_wait3A_193 = tpu.memref_slice %arg7[%mul3A_79] : memref<640000xf32, #tpu.memory_space<hbm>> -> memref<10000xf32, #tpu.memory_space<hbm>>
      tpu.wait_dma2 semaphore(%run_scoped3A : memref<!tpu.dma_semaphore, #tpu.memory_space<semaphore_mem>>) src(%dma_wait3A_193 : memref<10000xf32, #tpu.memory_space<hbm>>) dst(%arg14 : memref<10000xf32, #tpu.memory_space<vmem>>)
      tpu.yield
    }) : () -> ()
    %add3A_80 = arith.constant 3 : i32
    %add3A_81 = arith.addi %mul3A_56, %add3A_80 : i32
    %mul3A_82 = arith.constant 10000 : i32
    %mul3A_83 = arith.muli %add3A_81, %mul3A_82 : i32
    "tpu.region"() ({
      %run_scoped3A = tpu.sem_alloc : memref<!tpu.dma_semaphore, #tpu.memory_space<semaphore_mem>>
      %dma_start3A_190 = tpu.memref_slice %arg7[%mul3A_83] : memref<640000xf32, #tpu.memory_space<hbm>> -> memref<10000xf32, #tpu.memory_space<hbm>>
      %dma_start3A_191 = tpu.memref_slice %arg7[%mul3A_83] : memref<640000xf32, #tpu.memory_space<hbm>> -> memref<10000xf32, #tpu.memory_space<hbm>>
      tpu.enqueue_dma source(%dma_start3A_191 : memref<10000xf32, #tpu.memory_space<hbm>>) target(%arg15 : memref<10000xf32, #tpu.memory_space<vmem>>) target_semaphore(%run_scoped3A : memref<!tpu.dma_semaphore, #tpu.memory_space<semaphore_mem>>)
      %dma_wait3A_192 = tpu.memref_slice %arg7[%mul3A_83] : memref<640000xf32, #tpu.memory_space<hbm>> -> memref<10000xf32, #tpu.memory_space<hbm>>
      %dma_wait3A_193 = tpu.memref_slice %arg7[%mul3A_83] : memref<640000xf32, #tpu.memory_space<hbm>> -> memref<10000xf32, #tpu.memory_space<hbm>>
      tpu.wait_dma2 semaphore(%run_scoped3A : memref<!tpu.dma_semaphore, #tpu.memory_space<semaphore_mem>>) src(%dma_wait3A_193 : memref<10000xf32, #tpu.memory_space<hbm>>) dst(%arg15 : memref<10000xf32, #tpu.memory_space<vmem>>)
      tpu.yield
    }) : () -> ()
    %broadcast_in_dim3A = arith.constant 0.000000e+00 : f32
    %broadcast_in_dim3A_84 = vector.broadcast %broadcast_in_dim3A : f32 to vector<16xf32>
    %parallel_loop3A = arith.constant 0 : i32
    %parallel_loop3A_85 = arith.constant 625 : i32
    %parallel_loop3A_86 = arith.constant 1 : i32
    scf.for %parallel_loop3A_190 = %parallel_loop3A to %parallel_loop3A_85 step %parallel_loop3A_86  : i32 {
      %parallel_loop3A_191 = arith.constant 16 : i32
      %parallel_loop3A_192 = arith.muli %parallel_loop3A_190, %parallel_loop3A_191 : i32
      %parallel_loop3A_193 = arith.index_cast %parallel_loop3A_192 : i32 to index
      %parallel_loop3A_194 = tpu.vector_load %arg16[%parallel_loop3A_193] {strides = array<i32>} : memref<10000xf32, #tpu.memory_space<vmem>>, vector<16xf32>,
      tpu.vector_store %arg16[%parallel_loop3A_193], %broadcast_in_dim3A_84 {strides = array<i32>} : memref<10000xf32, #tpu.memory_space<vmem>>, vector<16xf32>,
      %parallel_loop3A_195 = arith.constant 16 : i32
      %parallel_loop3A_196 = arith.muli %parallel_loop3A_190, %parallel_loop3A_195 : i32
      %parallel_loop3A_197 = arith.index_cast %parallel_loop3A_196 : i32 to index
      %parallel_loop3A_198 = tpu.vector_load %arg17[%parallel_loop3A_197] {strides = array<i32>} : memref<10000xf32, #tpu.memory_space<vmem>>, vector<16xf32>,
      tpu.vector_store %arg17[%parallel_loop3A_197], %broadcast_in_dim3A_84 {strides = array<i32>} : memref<10000xf32, #tpu.memory_space<vmem>>, vector<16xf32>,
      %parallel_loop3A_199 = arith.constant 16 : i32
      %parallel_loop3A_200 = arith.muli %parallel_loop3A_190, %parallel_loop3A_199 : i32
      %parallel_loop3A_201 = arith.index_cast %parallel_loop3A_200 : i32 to index
      %parallel_loop3A_202 = tpu.vector_load %arg18[%parallel_loop3A_201] {strides = array<i32>} : memref<10000xf32, #tpu.memory_space<vmem>>, vector<16xf32>,
      tpu.vector_store %arg18[%parallel_loop3A_201], %broadcast_in_dim3A_84 {strides = array<i32>} : memref<10000xf32, #tpu.memory_space<vmem>>, vector<16xf32>,
      %parallel_loop3A_203 = arith.constant 16 : i32
      %parallel_loop3A_204 = arith.muli %parallel_loop3A_190, %parallel_loop3A_203 : i32
      %parallel_loop3A_205 = arith.index_cast %parallel_loop3A_204 : i32 to index
      %parallel_loop3A_206 = tpu.vector_load %arg19[%parallel_loop3A_205] {strides = array<i32>} : memref<10000xf32, #tpu.memory_space<vmem>>, vector<16xf32>,
      tpu.vector_store %arg19[%parallel_loop3A_205], %broadcast_in_dim3A_84 {strides = array<i32>} : memref<10000xf32, #tpu.memory_space<vmem>>, vector<16xf32>,
      %parallel_loop3A_207 = arith.constant 16 : i32
      %parallel_loop3A_208 = arith.muli %parallel_loop3A_190, %parallel_loop3A_207 : i32
      %parallel_loop3A_209 = arith.index_cast %parallel_loop3A_208 : i32 to index
      %parallel_loop3A_210 = tpu.vector_load %arg20[%parallel_loop3A_209] {strides = array<i32>} : memref<10000xf32, #tpu.memory_space<vmem>>, vector<16xf32>,
      tpu.vector_store %arg20[%parallel_loop3A_209], %broadcast_in_dim3A_84 {strides = array<i32>} : memref<10000xf32, #tpu.memory_space<vmem>>, vector<16xf32>,
    } {sc.loop_unroll_factor = 5 : i64, sc.parallel_access}
    %add3A_87 = arith.constant 0 : i32
    %add3A_88 = arith.addi %mul3A_58, %add3A_87 : i32
    %add3A_89 = arith.constant 0 : i32
    %add3A_90 = arith.addi %mul3A_58, %add3A_89 : i32
    %add3A_91 = arith.constant 0 : i32
    %add3A_92 = arith.addi %add3A_63, %add3A_91 : i32
    %dma_start3A = tpu.memref_slice %arg2[%add3A_88] : memref<320000xi32, #tpu.memory_space<hbm>> -> memref<2000xi32, #tpu.memory_space<hbm>>
    %dma_start3A_93 = tpu.memref_slice %arg2[%add3A_88] : memref<320000xi32, #tpu.memory_space<hbm>> -> memref<2000xi32, #tpu.memory_space<hbm>>
    tpu.enqueue_dma source(%dma_start3A_93 : memref<2000xi32, #tpu.memory_space<hbm>>) target(%arg21 : memref<2000xi32, #tpu.memory_space<vmem>>) target_semaphore(%arg27 : memref<!tpu.dma_semaphore, #tpu.memory_space<semaphore_mem>>)
    %dma_start3A_94 = tpu.memref_slice %arg3[%add3A_90] : memref<320000xi32, #tpu.memory_space<hbm>> -> memref<2000xi32, #tpu.memory_space<hbm>>
    %dma_start3A_95 = tpu.memref_slice %arg3[%add3A_90] : memref<320000xi32, #tpu.memory_space<hbm>> -> memref<2000xi32, #tpu.memory_space<hbm>>
    tpu.enqueue_dma source(%dma_start3A_95 : memref<2000xi32, #tpu.memory_space<hbm>>) target(%arg22 : memref<2000xi32, #tpu.memory_space<vmem>>) target_semaphore(%arg27 : memref<!tpu.dma_semaphore, #tpu.memory_space<semaphore_mem>>)
    %dma_start3A_96 = tpu.memref_slice %arg4[%add3A_92] : memref<3840000xf32, #tpu.memory_space<hbm>> -> memref<2000xf32, #tpu.memory_space<hbm>>
    %dma_start3A_97 = tpu.memref_slice %arg4[%add3A_92] : memref<3840000xf32, #tpu.memory_space<hbm>> -> memref<2000xf32, #tpu.memory_space<hbm>>
    tpu.enqueue_dma source(%dma_start3A_97 : memref<2000xf32, #tpu.memory_space<hbm>>) target(%arg23 : memref<2000xf32, #tpu.memory_space<vmem>>) target_semaphore(%arg27 : memref<!tpu.dma_semaphore, #tpu.memory_space<semaphore_mem>>)
    %add3A_98 = arith.constant 2000 : i32
    %add3A_99 = arith.addi %mul3A_58, %add3A_98 : i32
    %add3A_100 = arith.constant 2000 : i32
    %add3A_101 = arith.addi %mul3A_58, %add3A_100 : i32
    %add3A_102 = arith.constant 2000 : i32
    %add3A_103 = arith.addi %add3A_63, %add3A_102 : i32
    %dma_start3A_104 = tpu.memref_slice %arg2[%add3A_99] : memref<320000xi32, #tpu.memory_space<hbm>> -> memref<2000xi32, #tpu.memory_space<hbm>>
    %dma_start3A_105 = tpu.memref_slice %arg2[%add3A_99] : memref<320000xi32, #tpu.memory_space<hbm>> -> memref<2000xi32, #tpu.memory_space<hbm>>
    tpu.enqueue_dma source(%dma_start3A_105 : memref<2000xi32, #tpu.memory_space<hbm>>) target(%arg24 : memref<2000xi32, #tpu.memory_space<vmem>>) target_semaphore(%arg28 : memref<!tpu.dma_semaphore, #tpu.memory_space<semaphore_mem>>)
    %dma_start3A_106 = tpu.memref_slice %arg3[%add3A_101] : memref<320000xi32, #tpu.memory_space<hbm>> -> memref<2000xi32, #tpu.memory_space<hbm>>
    %dma_start3A_107 = tpu.memref_slice %arg3[%add3A_101] : memref<320000xi32, #tpu.memory_space<hbm>> -> memref<2000xi32, #tpu.memory_space<hbm>>
    tpu.enqueue_dma source(%dma_start3A_107 : memref<2000xi32, #tpu.memory_space<hbm>>) target(%arg25 : memref<2000xi32, #tpu.memory_space<vmem>>) target_semaphore(%arg28 : memref<!tpu.dma_semaphore, #tpu.memory_space<semaphore_mem>>)
    %dma_start3A_108 = tpu.memref_slice %arg4[%add3A_103] : memref<3840000xf32, #tpu.memory_space<hbm>> -> memref<2000xf32, #tpu.memory_space<hbm>>
    %dma_start3A_109 = tpu.memref_slice %arg4[%add3A_103] : memref<3840000xf32, #tpu.memory_space<hbm>> -> memref<2000xf32, #tpu.memory_space<hbm>>
    tpu.enqueue_dma source(%dma_start3A_109 : memref<2000xf32, #tpu.memory_space<hbm>>) target(%arg26 : memref<2000xf32, #tpu.memory_space<vmem>>) target_semaphore(%arg28 : memref<!tpu.dma_semaphore, #tpu.memory_space<semaphore_mem>>)
    %scan3A = arith.constant 0 : i32
    %scan3A_110 = arith.constant 0 : i32
    %scan3A_111 = arith.constant 40 : i32
    %scan3A_112 = arith.addi %scan3A_110, %scan3A_111 : i32
    %scan3A_113 = arith.constant 1 : i32
    scf.for %scan3A_190 = %scan3A_110 to %scan3A_112 step %scan3A_113  : i32 {
      %mul3A_191 = arith.constant 2 : i32
      %mul3A_192 = arith.muli %scan3A_190, %mul3A_191 : i32
      %add3A_193 = arith.constant 0 : i32
      %add3A_194 = arith.addi %mul3A_192, %add3A_193 : i32
      %mul3A_195 = arith.constant 2000 : i32
      %mul3A_196 = arith.muli %add3A_194, %mul3A_195 : i32
      %add3A_197 = arith.addi %mul3A_58, %mul3A_196 : i32
      %add3A_198 = arith.addi %mul3A_58, %mul3A_196 : i32
      %add3A_199 = arith.addi %add3A_63, %mul3A_196 : i32
      %dma_wait3A_200 = tpu.memref_slice %arg2[%add3A_197] : memref<320000xi32, #tpu.memory_space<hbm>> -> memref<2000xi32, #tpu.memory_space<hbm>>
      %dma_wait3A_201 = tpu.memref_slice %arg2[%add3A_197] : memref<320000xi32, #tpu.memory_space<hbm>> -> memref<2000xi32, #tpu.memory_space<hbm>>
      tpu.wait_dma2 semaphore(%arg27 : memref<!tpu.dma_semaphore, #tpu.memory_space<semaphore_mem>>) src(%dma_wait3A_201 : memref<2000xi32, #tpu.memory_space<hbm>>) dst(%arg21 : memref<2000xi32, #tpu.memory_space<vmem>>)
      %dma_wait3A_202 = tpu.memref_slice %arg3[%add3A_198] : memref<320000xi32, #tpu.memory_space<hbm>> -> memref<2000xi32, #tpu.memory_space<hbm>>
      %dma_wait3A_203 = tpu.memref_slice %arg3[%add3A_198] : memref<320000xi32, #tpu.memory_space<hbm>> -> memref<2000xi32, #tpu.memory_space<hbm>>
      tpu.wait_dma2 semaphore(%arg27 : memref<!tpu.dma_semaphore, #tpu.memory_space<semaphore_mem>>) src(%dma_wait3A_203 : memref<2000xi32, #tpu.memory_space<hbm>>) dst(%arg22 : memref<2000xi32, #tpu.memory_space<vmem>>)
      %dma_wait3A_204 = tpu.memref_slice %arg4[%add3A_199] : memref<3840000xf32, #tpu.memory_space<hbm>> -> memref<2000xf32, #tpu.memory_space<hbm>>
      %dma_wait3A_205 = tpu.memref_slice %arg4[%add3A_199] : memref<3840000xf32, #tpu.memory_space<hbm>> -> memref<2000xf32, #tpu.memory_space<hbm>>
      tpu.wait_dma2 semaphore(%arg27 : memref<!tpu.dma_semaphore, #tpu.memory_space<semaphore_mem>>) src(%dma_wait3A_205 : memref<2000xf32, #tpu.memory_space<hbm>>) dst(%arg23 : memref<2000xf32, #tpu.memory_space<vmem>>)
      %parallel_loop3A_206 = arith.constant 0 : i32
      %parallel_loop3A_207 = arith.constant 125 : i32
      %parallel_loop3A_208 = arith.constant 1 : i32
      scf.for %parallel_loop3A_257 = %parallel_loop3A_206 to %parallel_loop3A_207 step %parallel_loop3A_208  : i32 {
        %parallel_loop3A_258 = arith.constant 16 : i32
        %parallel_loop3A_259 = arith.muli %parallel_loop3A_257, %parallel_loop3A_258 : i32
        %parallel_loop3A_260 = arith.index_cast %parallel_loop3A_259 : i32 to index
        %parallel_loop3A_261 = tpu.vector_load %arg21[%parallel_loop3A_260] {strides = array<i32>} : memref<2000xi32, #tpu.memory_space<vmem>>, vector<16xi32>,
        %parallel_loop3A_262 = arith.constant 16 : i32
        %parallel_loop3A_263 = arith.muli %parallel_loop3A_257, %parallel_loop3A_262 : i32
        %parallel_loop3A_264 = arith.index_cast %parallel_loop3A_263 : i32 to index
        %parallel_loop3A_265 = tpu.vector_load %arg22[%parallel_loop3A_264] {strides = array<i32>} : memref<2000xi32, #tpu.memory_space<vmem>>, vector<16xi32>,
        %parallel_loop3A_266 = tpu.vector_load_idx %arg10[%parallel_loop3A_261] : memref<10000xf32, #tpu.memory_space<vmem>>[vector<16xi32>], vector<16xf32>,
        %parallel_loop3A_267 = tpu.vector_load_idx %arg11[%parallel_loop3A_265] : memref<10000xf32, #tpu.memory_space<vmem>>[vector<16xi32>], vector<16xf32>,
        %parallel_loop3A_268 = arith.addf %parallel_loop3A_266, %parallel_loop3A_267 : vector<16xf32>
        %parallel_loop3A_269 = arith.constant 16 : i32
        %parallel_loop3A_270 = arith.muli %parallel_loop3A_257, %parallel_loop3A_269 : i32
        %parallel_loop3A_271 = arith.index_cast %parallel_loop3A_270 : i32 to index
        %parallel_loop3A_272 = tpu.vector_load %arg23[%parallel_loop3A_271] {strides = array<i32>} : memref<2000xf32, #tpu.memory_space<vmem>>, vector<16xf32>,
        %parallel_loop3A_273 = arith.addf %parallel_loop3A_268, %parallel_loop3A_272 : vector<16xf32>
        %parallel_loop3A_274 = arith.constant 0.000000e+00 : f32
        %parallel_loop3A_275 = vector.broadcast %parallel_loop3A_274 : f32 to vector<16xf32>
        %parallel_loop3A_276 = arith.cmpf ogt, %parallel_loop3A_273, %parallel_loop3A_275 : vector<16xf32>
        %parallel_loop3A_277 = arith.constant 2.000000e-01 : f32
        %parallel_loop3A_278 = vector.broadcast %parallel_loop3A_277 : f32 to vector<16xf32>
        %parallel_loop3A_279 = arith.mulf %parallel_loop3A_278, %parallel_loop3A_273 : vector<16xf32>
        %parallel_loop3A_280 = arith.select %parallel_loop3A_276, %parallel_loop3A_273, %parallel_loop3A_279 : vector<16xi1>, vector<16xf32>
        %parallel_loop3A_281 = math.exp %parallel_loop3A_280 : vector<16xf32>
        %parallel_loop3A_282 = tpu.vector_load_idx %arg12[%parallel_loop3A_261] : memref<10000xf32, #tpu.memory_space<vmem>>[vector<16xi32>], vector<16xf32>,
        %parallel_loop3A_283 = arith.mulf %parallel_loop3A_281, %parallel_loop3A_282 : vector<16xf32>
        tpu.vector_store_idx %arg16[%parallel_loop3A_265], %parallel_loop3A_283 {add = true} : memref<10000xf32, #tpu.memory_space<vmem>>[vector<16xi32>], vector<16xf32>,
        %parallel_loop3A_284 = tpu.vector_load_idx %arg13[%parallel_loop3A_261] : memref<10000xf32, #tpu.memory_space<vmem>>[vector<16xi32>], vector<16xf32>,
        %parallel_loop3A_285 = arith.mulf %parallel_loop3A_281, %parallel_loop3A_284 : vector<16xf32>
        tpu.vector_store_idx %arg17[%parallel_loop3A_265], %parallel_loop3A_285 {add = true} : memref<10000xf32, #tpu.memory_space<vmem>>[vector<16xi32>], vector<16xf32>,
        %parallel_loop3A_286 = tpu.vector_load_idx %arg14[%parallel_loop3A_261] : memref<10000xf32, #tpu.memory_space<vmem>>[vector<16xi32>], vector<16xf32>,
        %parallel_loop3A_287 = arith.mulf %parallel_loop3A_281, %parallel_loop3A_286 : vector<16xf32>
        tpu.vector_store_idx %arg18[%parallel_loop3A_265], %parallel_loop3A_287 {add = true} : memref<10000xf32, #tpu.memory_space<vmem>>[vector<16xi32>], vector<16xf32>,
        %parallel_loop3A_288 = tpu.vector_load_idx %arg15[%parallel_loop3A_261] : memref<10000xf32, #tpu.memory_space<vmem>>[vector<16xi32>], vector<16xf32>,
        %parallel_loop3A_289 = arith.mulf %parallel_loop3A_281, %parallel_loop3A_288 : vector<16xf32>
        tpu.vector_store_idx %arg19[%parallel_loop3A_265], %parallel_loop3A_289 {add = true} : memref<10000xf32, #tpu.memory_space<vmem>>[vector<16xi32>], vector<16xf32>,
        tpu.vector_store_idx %arg20[%parallel_loop3A_265], %parallel_loop3A_281 {add = true} : memref<10000xf32, #tpu.memory_space<vmem>>[vector<16xi32>], vector<16xf32>,
      } {sc.loop_unroll_factor = 5 : i64, sc.parallel_access}
      %add3A_209 = arith.constant 2 : i32
      %add3A_210 = arith.addi %add3A_194, %add3A_209 : i32
      %rem3A_211 = arith.constant 80 : i32
      %rem3A_212 = arith.remsi %add3A_210, %rem3A_211 : i32
      %mul3A_213 = arith.constant 2000 : i32
      %mul3A_214 = arith.muli %rem3A_212, %mul3A_213 : i32
      %add3A_215 = arith.addi %mul3A_58, %mul3A_214 : i32
      %add3A_216 = arith.addi %mul3A_58, %mul3A_214 : i32
      %add3A_217 = arith.addi %add3A_63, %mul3A_214 : i32
      %dma_start3A_218 = tpu.memref_slice %arg2[%add3A_215] : memref<320000xi32, #tpu.memory_space<hbm>> -> memref<2000xi32, #tpu.memory_space<hbm>>
      %dma_start3A_219 = tpu.memref_slice %arg2[%add3A_215] : memref<320000xi32, #tpu.memory_space<hbm>> -> memref<2000xi32, #tpu.memory_space<hbm>>
      tpu.enqueue_dma source(%dma_start3A_219 : memref<2000xi32, #tpu.memory_space<hbm>>) target(%arg21 : memref<2000xi32, #tpu.memory_space<vmem>>) target_semaphore(%arg27 : memref<!tpu.dma_semaphore, #tpu.memory_space<semaphore_mem>>)
      %dma_start3A_220 = tpu.memref_slice %arg3[%add3A_216] : memref<320000xi32, #tpu.memory_space<hbm>> -> memref<2000xi32, #tpu.memory_space<hbm>>
      %dma_start3A_221 = tpu.memref_slice %arg3[%add3A_216] : memref<320000xi32, #tpu.memory_space<hbm>> -> memref<2000xi32, #tpu.memory_space<hbm>>
      tpu.enqueue_dma source(%dma_start3A_221 : memref<2000xi32, #tpu.memory_space<hbm>>) target(%arg22 : memref<2000xi32, #tpu.memory_space<vmem>>) target_semaphore(%arg27 : memref<!tpu.dma_semaphore, #tpu.memory_space<semaphore_mem>>)
      %dma_start3A_222 = tpu.memref_slice %arg4[%add3A_217] : memref<3840000xf32, #tpu.memory_space<hbm>> -> memref<2000xf32, #tpu.memory_space<hbm>>
      %dma_start3A_223 = tpu.memref_slice %arg4[%add3A_217] : memref<3840000xf32, #tpu.memory_space<hbm>> -> memref<2000xf32, #tpu.memory_space<hbm>>
      tpu.enqueue_dma source(%dma_start3A_223 : memref<2000xf32, #tpu.memory_space<hbm>>) target(%arg23 : memref<2000xf32, #tpu.memory_space<vmem>>) target_semaphore(%arg27 : memref<!tpu.dma_semaphore, #tpu.memory_space<semaphore_mem>>)
      %mul3A_224 = arith.constant 2 : i32
      %mul3A_225 = arith.muli %scan3A_190, %mul3A_224 : i32
      %add3A_226 = arith.constant 1 : i32
      %add3A_227 = arith.addi %mul3A_225, %add3A_226 : i32
      %mul3A_228 = arith.constant 2000 : i32
      %mul3A_229 = arith.muli %add3A_227, %mul3A_228 : i32
      %add3A_230 = arith.addi %mul3A_58, %mul3A_229 : i32
      %add3A_231 = arith.addi %mul3A_58, %mul3A_229 : i32
      %add3A_232 = arith.addi %add3A_63, %mul3A_229 : i32
      %dma_wait3A_233 = tpu.memref_slice %arg2[%add3A_230] : memref<320000xi32, #tpu.memory_space<hbm>> -> memref<2000xi32, #tpu.memory_space<hbm>>
      %dma_wait3A_234 = tpu.memref_slice %arg2[%add3A_230] : memref<320000xi32, #tpu.memory_space<hbm>> -> memref<2000xi32, #tpu.memory_space<hbm>>
      tpu.wait_dma2 semaphore(%arg28 : memref<!tpu.dma_semaphore, #tpu.memory_space<semaphore_mem>>) src(%dma_wait3A_234 : memref<2000xi32, #tpu.memory_space<hbm>>) dst(%arg24 : memref<2000xi32, #tpu.memory_space<vmem>>)
      %dma_wait3A_235 = tpu.memref_slice %arg3[%add3A_231] : memref<320000xi32, #tpu.memory_space<hbm>> -> memref<2000xi32, #tpu.memory_space<hbm>>
      %dma_wait3A_236 = tpu.memref_slice %arg3[%add3A_231] : memref<320000xi32, #tpu.memory_space<hbm>> -> memref<2000xi32, #tpu.memory_space<hbm>>
      tpu.wait_dma2 semaphore(%arg28 : memref<!tpu.dma_semaphore, #tpu.memory_space<semaphore_mem>>) src(%dma_wait3A_236 : memref<2000xi32, #tpu.memory_space<hbm>>) dst(%arg25 : memref<2000xi32, #tpu.memory_space<vmem>>)
      %dma_wait3A_237 = tpu.memref_slice %arg4[%add3A_232] : memref<3840000xf32, #tpu.memory_space<hbm>> -> memref<2000xf32, #tpu.memory_space<hbm>>
      %dma_wait3A_238 = tpu.memref_slice %arg4[%add3A_232] : memref<3840000xf32, #tpu.memory_space<hbm>> -> memref<2000xf32, #tpu.memory_space<hbm>>
      tpu.wait_dma2 semaphore(%arg28 : memref<!tpu.dma_semaphore, #tpu.memory_space<semaphore_mem>>) src(%dma_wait3A_238 : memref<2000xf32, #tpu.memory_space<hbm>>) dst(%arg26 : memref<2000xf32, #tpu.memory_space<vmem>>)
      %parallel_loop3A_239 = arith.constant 0 : i32
      %parallel_loop3A_240 = arith.constant 125 : i32
      %parallel_loop3A_241 = arith.constant 1 : i32
      scf.for %parallel_loop3A_257 = %parallel_loop3A_239 to %parallel_loop3A_240 step %parallel_loop3A_241  : i32 {
        %parallel_loop3A_258 = arith.constant 16 : i32
        %parallel_loop3A_259 = arith.muli %parallel_loop3A_257, %parallel_loop3A_258 : i32
        %parallel_loop3A_260 = arith.index_cast %parallel_loop3A_259 : i32 to index
        %parallel_loop3A_261 = tpu.vector_load %arg24[%parallel_loop3A_260] {strides = array<i32>} : memref<2000xi32, #tpu.memory_space<vmem>>, vector<16xi32>,
        %parallel_loop3A_262 = arith.constant 16 : i32
        %parallel_loop3A_263 = arith.muli %parallel_loop3A_257, %parallel_loop3A_262 : i32
        %parallel_loop3A_264 = arith.index_cast %parallel_loop3A_263 : i32 to index
        %parallel_loop3A_265 = tpu.vector_load %arg25[%parallel_loop3A_264] {strides = array<i32>} : memref<2000xi32, #tpu.memory_space<vmem>>, vector<16xi32>,
        %parallel_loop3A_266 = tpu.vector_load_idx %arg10[%parallel_loop3A_261] : memref<10000xf32, #tpu.memory_space<vmem>>[vector<16xi32>], vector<16xf32>,
        %parallel_loop3A_267 = tpu.vector_load_idx %arg11[%parallel_loop3A_265] : memref<10000xf32, #tpu.memory_space<vmem>>[vector<16xi32>], vector<16xf32>,
        %parallel_loop3A_268 = arith.addf %parallel_loop3A_266, %parallel_loop3A_267 : vector<16xf32>
        %parallel_loop3A_269 = arith.constant 16 : i32
        %parallel_loop3A_270 = arith.muli %parallel_loop3A_257, %parallel_loop3A_269 : i32
        %parallel_loop3A_271 = arith.index_cast %parallel_loop3A_270 : i32 to index
        %parallel_loop3A_272 = tpu.vector_load %arg26[%parallel_loop3A_271] {strides = array<i32>} : memref<2000xf32, #tpu.memory_space<vmem>>, vector<16xf32>,
        %parallel_loop3A_273 = arith.addf %parallel_loop3A_268, %parallel_loop3A_272 : vector<16xf32>
        %parallel_loop3A_274 = arith.constant 0.000000e+00 : f32
        %parallel_loop3A_275 = vector.broadcast %parallel_loop3A_274 : f32 to vector<16xf32>
        %parallel_loop3A_276 = arith.cmpf ogt, %parallel_loop3A_273, %parallel_loop3A_275 : vector<16xf32>
        %parallel_loop3A_277 = arith.constant 2.000000e-01 : f32
        %parallel_loop3A_278 = vector.broadcast %parallel_loop3A_277 : f32 to vector<16xf32>
        %parallel_loop3A_279 = arith.mulf %parallel_loop3A_278, %parallel_loop3A_273 : vector<16xf32>
        %parallel_loop3A_280 = arith.select %parallel_loop3A_276, %parallel_loop3A_273, %parallel_loop3A_279 : vector<16xi1>, vector<16xf32>
        %parallel_loop3A_281 = math.exp %parallel_loop3A_280 : vector<16xf32>
        %parallel_loop3A_282 = tpu.vector_load_idx %arg12[%parallel_loop3A_261] : memref<10000xf32, #tpu.memory_space<vmem>>[vector<16xi32>], vector<16xf32>,
        %parallel_loop3A_283 = arith.mulf %parallel_loop3A_281, %parallel_loop3A_282 : vector<16xf32>
        tpu.vector_store_idx %arg16[%parallel_loop3A_265], %parallel_loop3A_283 {add = true} : memref<10000xf32, #tpu.memory_space<vmem>>[vector<16xi32>], vector<16xf32>,
        %parallel_loop3A_284 = tpu.vector_load_idx %arg13[%parallel_loop3A_261] : memref<10000xf32, #tpu.memory_space<vmem>>[vector<16xi32>], vector<16xf32>,
        %parallel_loop3A_285 = arith.mulf %parallel_loop3A_281, %parallel_loop3A_284 : vector<16xf32>
        tpu.vector_store_idx %arg17[%parallel_loop3A_265], %parallel_loop3A_285 {add = true} : memref<10000xf32, #tpu.memory_space<vmem>>[vector<16xi32>], vector<16xf32>,
        %parallel_loop3A_286 = tpu.vector_load_idx %arg14[%parallel_loop3A_261] : memref<10000xf32, #tpu.memory_space<vmem>>[vector<16xi32>], vector<16xf32>,
        %parallel_loop3A_287 = arith.mulf %parallel_loop3A_281, %parallel_loop3A_286 : vector<16xf32>
        tpu.vector_store_idx %arg18[%parallel_loop3A_265], %parallel_loop3A_287 {add = true} : memref<10000xf32, #tpu.memory_space<vmem>>[vector<16xi32>], vector<16xf32>,
        %parallel_loop3A_288 = tpu.vector_load_idx %arg15[%parallel_loop3A_261] : memref<10000xf32, #tpu.memory_space<vmem>>[vector<16xi32>], vector<16xf32>,
        %parallel_loop3A_289 = arith.mulf %parallel_loop3A_281, %parallel_loop3A_288 : vector<16xf32>
        tpu.vector_store_idx %arg19[%parallel_loop3A_265], %parallel_loop3A_289 {add = true} : memref<10000xf32, #tpu.memory_space<vmem>>[vector<16xi32>], vector<16xf32>,
        tpu.vector_store_idx %arg20[%parallel_loop3A_265], %parallel_loop3A_281 {add = true} : memref<10000xf32, #tpu.memory_space<vmem>>[vector<16xi32>], vector<16xf32>,
      } {sc.loop_unroll_factor = 5 : i64, sc.parallel_access}
      %add3A_242 = arith.constant 2 : i32
      %add3A_243 = arith.addi %add3A_227, %add3A_242 : i32
      %rem3A_244 = arith.constant 80 : i32
      %rem3A_245 = arith.remsi %add3A_243, %rem3A_244 : i32
      %mul3A_246 = arith.constant 2000 : i32
      %mul3A_247 = arith.muli %rem3A_245, %mul3A_246 : i32
      %add3A_248 = arith.addi %mul3A_58, %mul3A_247 : i32
      %add3A_249 = arith.addi %mul3A_58, %mul3A_247 : i32
      %add3A_250 = arith.addi %add3A_63, %mul3A_247 : i32
      %dma_start3A_251 = tpu.memref_slice %arg2[%add3A_248] : memref<320000xi32, #tpu.memory_space<hbm>> -> memref<2000xi32, #tpu.memory_space<hbm>>
      %dma_start3A_252 = tpu.memref_slice %arg2[%add3A_248] : memref<320000xi32, #tpu.memory_space<hbm>> -> memref<2000xi32, #tpu.memory_space<hbm>>
      tpu.enqueue_dma source(%dma_start3A_252 : memref<2000xi32, #tpu.memory_space<hbm>>) target(%arg24 : memref<2000xi32, #tpu.memory_space<vmem>>) target_semaphore(%arg28 : memref<!tpu.dma_semaphore, #tpu.memory_space<semaphore_mem>>)
      %dma_start3A_253 = tpu.memref_slice %arg3[%add3A_249] : memref<320000xi32, #tpu.memory_space<hbm>> -> memref<2000xi32, #tpu.memory_space<hbm>>
      %dma_start3A_254 = tpu.memref_slice %arg3[%add3A_249] : memref<320000xi32, #tpu.memory_space<hbm>> -> memref<2000xi32, #tpu.memory_space<hbm>>
      tpu.enqueue_dma source(%dma_start3A_254 : memref<2000xi32, #tpu.memory_space<hbm>>) target(%arg25 : memref<2000xi32, #tpu.memory_space<vmem>>) target_semaphore(%arg28 : memref<!tpu.dma_semaphore, #tpu.memory_space<semaphore_mem>>)
      %dma_start3A_255 = tpu.memref_slice %arg4[%add3A_250] : memref<3840000xf32, #tpu.memory_space<hbm>> -> memref<2000xf32, #tpu.memory_space<hbm>>
      %dma_start3A_256 = tpu.memref_slice %arg4[%add3A_250] : memref<3840000xf32, #tpu.memory_space<hbm>> -> memref<2000xf32, #tpu.memory_space<hbm>>
      tpu.enqueue_dma source(%dma_start3A_256 : memref<2000xf32, #tpu.memory_space<hbm>>) target(%arg26 : memref<2000xf32, #tpu.memory_space<vmem>>) target_semaphore(%arg28 : memref<!tpu.dma_semaphore, #tpu.memory_space<semaphore_mem>>)
    }
    %scan3A_114 = arith.constant 40 : i32
    %add3A_115 = arith.constant 0 : i32
    %add3A_116 = arith.addi %mul3A_58, %add3A_115 : i32
    %add3A_117 = arith.constant 0 : i32
    %add3A_118 = arith.addi %mul3A_58, %add3A_117 : i32
    %add3A_119 = arith.constant 0 : i32
    %add3A_120 = arith.addi %add3A_63, %add3A_119 : i32
    %dma_wait3A = tpu.memref_slice %arg2[%add3A_116] : memref<320000xi32, #tpu.memory_space<hbm>> -> memref<2000xi32, #tpu.memory_space<hbm>>
    %dma_wait3A_121 = tpu.memref_slice %arg2[%add3A_116] : memref<320000xi32, #tpu.memory_space<hbm>> -> memref<2000xi32, #tpu.memory_space<hbm>>
    tpu.wait_dma2 semaphore(%arg27 : memref<!tpu.dma_semaphore, #tpu.memory_space<semaphore_mem>>) src(%dma_wait3A_121 : memref<2000xi32, #tpu.memory_space<hbm>>) dst(%arg21 : memref<2000xi32, #tpu.memory_space<vmem>>)
    %dma_wait3A_122 = tpu.memref_slice %arg3[%add3A_118] : memref<320000xi32, #tpu.memory_space<hbm>> -> memref<2000xi32, #tpu.memory_space<hbm>>
    %dma_wait3A_123 = tpu.memref_slice %arg3[%add3A_118] : memref<320000xi32, #tpu.memory_space<hbm>> -> memref<2000xi32, #tpu.memory_space<hbm>>
    tpu.wait_dma2 semaphore(%arg27 : memref<!tpu.dma_semaphore, #tpu.memory_space<semaphore_mem>>) src(%dma_wait3A_123 : memref<2000xi32, #tpu.memory_space<hbm>>) dst(%arg22 : memref<2000xi32, #tpu.memory_space<vmem>>)
    %dma_wait3A_124 = tpu.memref_slice %arg4[%add3A_120] : memref<3840000xf32, #tpu.memory_space<hbm>> -> memref<2000xf32, #tpu.memory_space<hbm>>
    %dma_wait3A_125 = tpu.memref_slice %arg4[%add3A_120] : memref<3840000xf32, #tpu.memory_space<hbm>> -> memref<2000xf32, #tpu.memory_space<hbm>>
    tpu.wait_dma2 semaphore(%arg27 : memref<!tpu.dma_semaphore, #tpu.memory_space<semaphore_mem>>) src(%dma_wait3A_125 : memref<2000xf32, #tpu.memory_space<hbm>>) dst(%arg23 : memref<2000xf32, #tpu.memory_space<vmem>>)
    %add3A_126 = arith.constant 2000 : i32
    %add3A_127 = arith.addi %mul3A_58, %add3A_126 : i32
    %add3A_128 = arith.constant 2000 : i32
    %add3A_129 = arith.addi %mul3A_58, %add3A_128 : i32
    %add3A_130 = arith.constant 2000 : i32
    %add3A_131 = arith.addi %add3A_63, %add3A_130 : i32
    %dma_wait3A_132 = tpu.memref_slice %arg2[%add3A_127] : memref<320000xi32, #tpu.memory_space<hbm>> -> memref<2000xi32, #tpu.memory_space<hbm>>
    %dma_wait3A_133 = tpu.memref_slice %arg2[%add3A_127] : memref<320000xi32, #tpu.memory_space<hbm>> -> memref<2000xi32, #tpu.memory_space<hbm>>
    tpu.wait_dma2 semaphore(%arg28 : memref<!tpu.dma_semaphore, #tpu.memory_space<semaphore_mem>>) src(%dma_wait3A_133 : memref<2000xi32, #tpu.memory_space<hbm>>) dst(%arg24 : memref<2000xi32, #tpu.memory_space<vmem>>)
    %dma_wait3A_134 = tpu.memref_slice %arg3[%add3A_129] : memref<320000xi32, #tpu.memory_space<hbm>> -> memref<2000xi32, #tpu.memory_space<hbm>>
    %dma_wait3A_135 = tpu.memref_slice %arg3[%add3A_129] : memref<320000xi32, #tpu.memory_space<hbm>> -> memref<2000xi32, #tpu.memory_space<hbm>>
    tpu.wait_dma2 semaphore(%arg28 : memref<!tpu.dma_semaphore, #tpu.memory_space<semaphore_mem>>) src(%dma_wait3A_135 : memref<2000xi32, #tpu.memory_space<hbm>>) dst(%arg25 : memref<2000xi32, #tpu.memory_space<vmem>>)
    %dma_wait3A_136 = tpu.memref_slice %arg4[%add3A_131] : memref<3840000xf32, #tpu.memory_space<hbm>> -> memref<2000xf32, #tpu.memory_space<hbm>>
    %dma_wait3A_137 = tpu.memref_slice %arg4[%add3A_131] : memref<3840000xf32, #tpu.memory_space<hbm>> -> memref<2000xf32, #tpu.memory_space<hbm>>
    tpu.wait_dma2 semaphore(%arg28 : memref<!tpu.dma_semaphore, #tpu.memory_space<semaphore_mem>>) src(%dma_wait3A_137 : memref<2000xf32, #tpu.memory_space<hbm>>) dst(%arg26 : memref<2000xf32, #tpu.memory_space<vmem>>)
    %mul3A_138 = arith.constant 64 : i32
    %mul3A_139 = arith.muli %select_n3A_30, %mul3A_138 : i32
    %add3A_140 = arith.addi %mul3A_139, %mul3A_56 : i32
    %add3A_141 = arith.constant 0 : i32
    %add3A_142 = arith.addi %add3A_140, %add3A_141 : i32
    %mul3A_143 = arith.constant 10000 : i32
    %mul3A_144 = arith.muli %add3A_142, %mul3A_143 : i32
    "tpu.region"() ({
      %run_scoped3A = tpu.sem_alloc : memref<!tpu.dma_semaphore, #tpu.memory_space<semaphore_mem>>
      %dma_start3A_190 = tpu.memref_slice %arg8[%mul3A_144] : memref<1280000xf32, #tpu.memory_space<hbm>> -> memref<10000xf32, #tpu.memory_space<hbm>>
      %dma_start3A_191 = tpu.memref_slice %arg8[%mul3A_144] : memref<1280000xf32, #tpu.memory_space<hbm>> -> memref<10000xf32, #tpu.memory_space<hbm>>
      tpu.enqueue_dma source(%arg16 : memref<10000xf32, #tpu.memory_space<vmem>>) target(%dma_start3A_191 : memref<10000xf32, #tpu.memory_space<hbm>>) target_semaphore(%run_scoped3A : memref<!tpu.dma_semaphore, #tpu.memory_space<semaphore_mem>>)
      %dma_wait3A_192 = tpu.memref_slice %arg8[%mul3A_144] : memref<1280000xf32, #tpu.memory_space<hbm>> -> memref<10000xf32, #tpu.memory_space<hbm>>
      %dma_wait3A_193 = tpu.memref_slice %arg8[%mul3A_144] : memref<1280000xf32, #tpu.memory_space<hbm>> -> memref<10000xf32, #tpu.memory_space<hbm>>
      tpu.wait_dma2 semaphore(%run_scoped3A : memref<!tpu.dma_semaphore, #tpu.memory_space<semaphore_mem>>) src(%arg16 : memref<10000xf32, #tpu.memory_space<vmem>>) dst(%dma_wait3A_193 : memref<10000xf32, #tpu.memory_space<hbm>>)
      tpu.yield
    }) : () -> ()
    %mul3A_145 = arith.constant 64 : i32
    %mul3A_146 = arith.muli %select_n3A_30, %mul3A_145 : i32
    %add3A_147 = arith.addi %mul3A_146, %mul3A_56 : i32
    %add3A_148 = arith.constant 1 : i32
    %add3A_149 = arith.addi %add3A_147, %add3A_148 : i32
    %mul3A_150 = arith.constant 10000 : i32
    %mul3A_151 = arith.muli %add3A_149, %mul3A_150 : i32
    "tpu.region"() ({
      %run_scoped3A = tpu.sem_alloc : memref<!tpu.dma_semaphore, #tpu.memory_space<semaphore_mem>>
      %dma_start3A_190 = tpu.memref_slice %arg8[%mul3A_151] : memref<1280000xf32, #tpu.memory_space<hbm>> -> memref<10000xf32, #tpu.memory_space<hbm>>
      %dma_start3A_191 = tpu.memref_slice %arg8[%mul3A_151] : memref<1280000xf32, #tpu.memory_space<hbm>> -> memref<10000xf32, #tpu.memory_space<hbm>>
      tpu.enqueue_dma source(%arg17 : memref<10000xf32, #tpu.memory_space<vmem>>) target(%dma_start3A_191 : memref<10000xf32, #tpu.memory_space<hbm>>) target_semaphore(%run_scoped3A : memref<!tpu.dma_semaphore, #tpu.memory_space<semaphore_mem>>)
      %dma_wait3A_192 = tpu.memref_slice %arg8[%mul3A_151] : memref<1280000xf32, #tpu.memory_space<hbm>> -> memref<10000xf32, #tpu.memory_space<hbm>>
      %dma_wait3A_193 = tpu.memref_slice %arg8[%mul3A_151] : memref<1280000xf32, #tpu.memory_space<hbm>> -> memref<10000xf32, #tpu.memory_space<hbm>>
      tpu.wait_dma2 semaphore(%run_scoped3A : memref<!tpu.dma_semaphore, #tpu.memory_space<semaphore_mem>>) src(%arg17 : memref<10000xf32, #tpu.memory_space<vmem>>) dst(%dma_wait3A_193 : memref<10000xf32, #tpu.memory_space<hbm>>)
      tpu.yield
    }) : () -> ()
    %mul3A_152 = arith.constant 64 : i32
    %mul3A_153 = arith.muli %select_n3A_30, %mul3A_152 : i32
    %add3A_154 = arith.addi %mul3A_153, %mul3A_56 : i32
    %add3A_155 = arith.constant 2 : i32
    %add3A_156 = arith.addi %add3A_154, %add3A_155 : i32
    %mul3A_157 = arith.constant 10000 : i32
    %mul3A_158 = arith.muli %add3A_156, %mul3A_157 : i32
    "tpu.region"() ({
      %run_scoped3A = tpu.sem_alloc : memref<!tpu.dma_semaphore, #tpu.memory_space<semaphore_mem>>
      %dma_start3A_190 = tpu.memref_slice %arg8[%mul3A_158] : memref<1280000xf32, #tpu.memory_space<hbm>> -> memref<10000xf32, #tpu.memory_space<hbm>>
      %dma_start3A_191 = tpu.memref_slice %arg8[%mul3A_158] : memref<1280000xf32, #tpu.memory_space<hbm>> -> memref<10000xf32, #tpu.memory_space<hbm>>
      tpu.enqueue_dma source(%arg18 : memref<10000xf32, #tpu.memory_space<vmem>>) target(%dma_start3A_191 : memref<10000xf32, #tpu.memory_space<hbm>>) target_semaphore(%run_scoped3A : memref<!tpu.dma_semaphore, #tpu.memory_space<semaphore_mem>>)
      %dma_wait3A_192 = tpu.memref_slice %arg8[%mul3A_158] : memref<1280000xf32, #tpu.memory_space<hbm>> -> memref<10000xf32, #tpu.memory_space<hbm>>
      %dma_wait3A_193 = tpu.memref_slice %arg8[%mul3A_158] : memref<1280000xf32, #tpu.memory_space<hbm>> -> memref<10000xf32, #tpu.memory_space<hbm>>
      tpu.wait_dma2 semaphore(%run_scoped3A : memref<!tpu.dma_semaphore, #tpu.memory_space<semaphore_mem>>) src(%arg18 : memref<10000xf32, #tpu.memory_space<vmem>>) dst(%dma_wait3A_193 : memref<10000xf32, #tpu.memory_space<hbm>>)
      tpu.yield
    }) : () -> ()
    %mul3A_159 = arith.constant 64 : i32
    %mul3A_160 = arith.muli %select_n3A_30, %mul3A_159 : i32
    %add3A_161 = arith.addi %mul3A_160, %mul3A_56 : i32
    %add3A_162 = arith.constant 3 : i32
    %add3A_163 = arith.addi %add3A_161, %add3A_162 : i32
    %mul3A_164 = arith.constant 10000 : i32
    %mul3A_165 = arith.muli %add3A_163, %mul3A_164 : i32
    "tpu.region"() ({
      %run_scoped3A = tpu.sem_alloc : memref<!tpu.dma_semaphore, #tpu.memory_space<semaphore_mem>>
      %dma_start3A_190 = tpu.memref_slice %arg8[%mul3A_165] : memref<1280000xf32, #tpu.memory_space<hbm>> -> memref<10000xf32, #tpu.memory_space<hbm>>
      %dma_start3A_191 = tpu.memref_slice %arg8[%mul3A_165] : memref<1280000xf32, #tpu.memory_space<hbm>> -> memref<10000xf32, #tpu.memory_space<hbm>>
      tpu.enqueue_dma source(%arg19 : memref<10000xf32, #tpu.memory_space<vmem>>) target(%dma_start3A_191 : memref<10000xf32, #tpu.memory_space<hbm>>) target_semaphore(%run_scoped3A : memref<!tpu.dma_semaphore, #tpu.memory_space<semaphore_mem>>)
      %dma_wait3A_192 = tpu.memref_slice %arg8[%mul3A_165] : memref<1280000xf32, #tpu.memory_space<hbm>> -> memref<10000xf32, #tpu.memory_space<hbm>>
      %dma_wait3A_193 = tpu.memref_slice %arg8[%mul3A_165] : memref<1280000xf32, #tpu.memory_space<hbm>> -> memref<10000xf32, #tpu.memory_space<hbm>>
      tpu.wait_dma2 semaphore(%run_scoped3A : memref<!tpu.dma_semaphore, #tpu.memory_space<semaphore_mem>>) src(%arg19 : memref<10000xf32, #tpu.memory_space<vmem>>) dst(%dma_wait3A_193 : memref<10000xf32, #tpu.memory_space<hbm>>)
      tpu.yield
    }) : () -> ()
    %jit3A_166 = arith.constant 4 : i32
    %eq3A_167 = arith.constant 0 : i32
    %eq3A_168 = arith.cmpi eq, %jit3A_166, %eq3A_167 : i32
    %jit3A_169 = arith.constant 1 : i32
    %select_n3A_170 = arith.select %eq3A_168, %jit3A_169, %jit3A_166 : i32
    %rem3A_171 = arith.remsi %select_n3A, %select_n3A_170 : i32
    %ne3A_172 = arith.constant 0 : i32
    %ne3A_173 = arith.cmpi ne, %rem3A_171, %ne3A_172 : i32
    %lt3A_174 = arith.constant 0 : i32
    %lt3A_175 = arith.cmpi slt, %rem3A_171, %lt3A_174 : i32
    %lt3A_176 = arith.constant 0 : i32
    %lt3A_177 = arith.cmpi slt, %select_n3A_170, %lt3A_176 : i32
    %ne3A_178 = arith.xori %lt3A_175, %lt3A_177 : i1
    %and3A_179 = arith.andi %ne3A_178, %ne3A_173 : i1
    %add3A_180 = arith.addi %rem3A_171, %select_n3A_170 : i32
    %select_n3A_181 = arith.select %and3A_179, %add3A_180, %rem3A_171 : i32
    %mul3A_182 = arith.constant 8 : i32
    %mul3A_183 = arith.muli %select_n3A_181, %mul3A_182 : i32
    %mul3A_184 = arith.constant 4 : i32
    %mul3A_185 = arith.muli %select_n3A_30, %mul3A_184 : i32
    %add3A_186 = arith.addi %mul3A_183, %mul3A_185 : i32
    %add3A_187 = arith.addi %add3A_186, %select_n3A_54 : i32
    %mul3A_188 = arith.constant 10000 : i32
    %mul3A_189 = arith.muli %add3A_187, %mul3A_188 : i32
    "tpu.region"() ({
      %run_scoped3A = tpu.sem_alloc : memref<!tpu.dma_semaphore, #tpu.memory_space<semaphore_mem>>
      %dma_start3A_190 = tpu.memref_slice %arg9[%mul3A_189] : memref<320000xf32, #tpu.memory_space<hbm>> -> memref<10000xf32, #tpu.memory_space<hbm>>
      %dma_start3A_191 = tpu.memref_slice %arg9[%mul3A_189] : memref<320000xf32, #tpu.memory_space<hbm>> -> memref<10000xf32, #tpu.memory_space<hbm>>
      tpu.enqueue_dma source(%arg20 : memref<10000xf32, #tpu.memory_space<vmem>>) target(%dma_start3A_191 : memref<10000xf32, #tpu.memory_space<hbm>>) target_semaphore(%run_scoped3A : memref<!tpu.dma_semaphore, #tpu.memory_space<semaphore_mem>>)
      %dma_wait3A_192 = tpu.memref_slice %arg9[%mul3A_189] : memref<320000xf32, #tpu.memory_space<hbm>> -> memref<10000xf32, #tpu.memory_space<hbm>>
      %dma_wait3A_193 = tpu.memref_slice %arg9[%mul3A_189] : memref<320000xf32, #tpu.memory_space<hbm>> -> memref<10000xf32, #tpu.memory_space<hbm>>
      tpu.wait_dma2 semaphore(%run_scoped3A : memref<!tpu.dma_semaphore, #tpu.memory_space<semaphore_mem>>) src(%arg20 : memref<10000xf32, #tpu.memory_space<vmem>>) dst(%dma_wait3A_193 : memref<10000xf32, #tpu.memory_space<hbm>>)
      tpu.yield
    }) : () -> ()
    return
  }
}

#map = affine_map<(d0, d1) -> (0)>
module attributes {stable_mosaic.version = 14 : i64} {
  func.func @sc_layer(%arg0: i32, %arg1: i32, %arg2: memref<320000xi32, #tpu.memory_space<hbm>>, %arg3: memref<320000xi32, #tpu.memory_space<hbm>>, %arg4: memref<3840000xf32, #tpu.memory_space<hbm>>, %arg5: memref<40000xf32, #tpu.memory_space<hbm>>, %arg6: memref<40000xf32, #tpu.memory_space<hbm>>, %arg7: memref<640000xf32, #tpu.memory_space<hbm>>, %arg8: memref<1280000xf32, #tpu.memory_space<hbm>>, %arg9: memref<320000xf32, #tpu.memory_space<hbm>>, %arg10: memref<10000xf32, #tpu.memory_space<vmem>>, %arg11: memref<10000xf32, #tpu.memory_space<vmem>>, %arg12: memref<10000xf32, #tpu.memory_space<vmem>>, %arg13: memref<10000xf32, #tpu.memory_space<vmem>>, %arg14: memref<10000xf32, #tpu.memory_space<vmem>>, %arg15: memref<10000xf32, #tpu.memory_space<vmem>>, %arg16: memref<10000xf32, #tpu.memory_space<vmem>>, %arg17: memref<10000xf32, #tpu.memory_space<vmem>>, %arg18: memref<10000xf32, #tpu.memory_space<vmem>>, %arg19: memref<10000xf32, #tpu.memory_space<vmem>>, %arg20: memref<10000xf32, #tpu.memory_space<vmem>>, %arg21: memref<2000xi32, #tpu.memory_space<vmem>>, %arg22: memref<2000xi32, #tpu.memory_space<vmem>>, %arg23: memref<2000xf32, #tpu.memory_space<vmem>>, %arg24: memref<2000xi32, #tpu.memory_space<vmem>>, %arg25: memref<2000xi32, #tpu.memory_space<vmem>>, %arg26: memref<2000xf32, #tpu.memory_space<vmem>>, %arg27: memref<!tpu.dma_semaphore, #tpu.memory_space<semaphore_mem>>, %arg28: memref<!tpu.dma_semaphore, #tpu.memory_space<semaphore_mem>>) attributes {dimension_semantics = [#tpu.dimension_semantics<core_parallel>, #tpu.dimension_semantics<subcore_parallel>], iteration_bounds = array<i64: 2, 16>, scalar_prefetch = 0 : i64, scratch_operands = 19 : i64, tpu.core_type = #tpu.core_type<sc_vector_subcore>, window_params = [{transform_indices = #map}, {transform_indices = #map}, {transform_indices = #map}, {transform_indices = #map}, {transform_indices = #map}, {transform_indices = #map}, {transform_indices = #map}, {transform_indices = #map}]} {
    %mul3A = arith.constant 2 : i32
    %mul3A_0 = arith.muli %arg1, %mul3A : i32
    %add3A = arith.addi %mul3A_0, %arg0 : i32
    %jit3A = arith.constant 2 : i32
    %div3A = arith.divsi %add3A, %jit3A : i32
    %sign3A = arith.constant 0 : i32
    %sign3A_1 = arith.cmpi sgt, %add3A, %sign3A : i32
    %sign3A_2 = arith.extui %sign3A_1 : i1 to i32
    %sign3A_3 = arith.constant 0 : i32
    %sign3A_4 = arith.cmpi slt, %add3A, %sign3A_3 : i32
    %sign3A_5 = arith.extui %sign3A_4 : i1 to i32
    %sign3A_6 = arith.subi %sign3A_2, %sign3A_5 : i32
    %sign3A_7 = arith.constant 0 : i32
    %sign3A_8 = arith.cmpi sgt, %jit3A, %sign3A_7 : i32
    %sign3A_9 = arith.extui %sign3A_8 : i1 to i32
    %sign3A_10 = arith.constant 0 : i32
    %sign3A_11 = arith.cmpi slt, %jit3A, %sign3A_10 : i32
    %sign3A_12 = arith.extui %sign3A_11 : i1 to i32
    %sign3A_13 = arith.subi %sign3A_9, %sign3A_12 : i32
    %ne3A = arith.cmpi ne, %sign3A_6, %sign3A_13 : i32
    %rem3A = arith.remsi %add3A, %jit3A : i32
    %ne3A_14 = arith.constant 0 : i32
    %ne3A_15 = arith.cmpi ne, %rem3A, %ne3A_14 : i32
    %and3A = arith.andi %ne3A, %ne3A_15 : i1
    %sub3A = arith.constant 1 : i32
    %sub3A_16 = arith.subi %div3A, %sub3A : i32
    %select_n3A = arith.select %and3A, %sub3A_16, %div3A : i32
    %jit3A_17 = arith.constant 2 : i32
    %eq3A = arith.constant 0 : i32
    %eq3A_18 = arith.cmpi eq, %jit3A_17, %eq3A : i32
    %jit3A_19 = arith.constant 1 : i32
    %select_n3A_20 = arith.select %eq3A_18, %jit3A_19, %jit3A_17 : i32
    %rem3A_21 = arith.remsi %add3A, %select_n3A_20 : i32
    %ne3A_22 = arith.constant 0 : i32
    %ne3A_23 = arith.cmpi ne, %rem3A_21, %ne3A_22 : i32
    %lt3A = arith.constant 0 : i32
    %lt3A_24 = arith.cmpi slt, %rem3A_21, %lt3A : i32
    %lt3A_25 = arith.constant 0 : i32
    %lt3A_26 = arith.cmpi slt, %select_n3A_20, %lt3A_25 : i32
    %ne3A_27 = arith.xori %lt3A_24, %lt3A_26 : i1
    %and3A_28 = arith.andi %ne3A_27, %ne3A_23 : i1
    %add3A_29 = arith.addi %rem3A_21, %select_n3A_20 : i32
    %select_n3A_30 = arith.select %and3A_28, %add3A_29, %rem3A_21 : i32
    %jit3A_31 = arith.constant 4 : i32
    %div3A_32 = arith.divsi %select_n3A, %jit3A_31 : i32
    %sign3A_33 = arith.constant 0 : i32
    %sign3A_34 = arith.cmpi sgt, %select_n3A, %sign3A_33 : i32
    %sign3A_35 = arith.extui %sign3A_34 : i1 to i32
    %sign3A_36 = arith.constant 0 : i32
    %sign3A_37 = arith.cmpi slt, %select_n3A, %sign3A_36 : i32
    %sign3A_38 = arith.extui %sign3A_37 : i1 to i32
    %sign3A_39 = arith.subi %sign3A_35, %sign3A_38 : i32
    %sign3A_40 = arith.constant 0 : i32
    %sign3A_41 = arith.cmpi sgt, %jit3A_31, %sign3A_40 : i32
    %sign3A_42 = arith.extui %sign3A_41 : i1 to i32
    %sign3A_43 = arith.constant 0 : i32
    %sign3A_44 = arith.cmpi slt, %jit3A_31, %sign3A_43 : i32
    %sign3A_45 = arith.extui %sign3A_44 : i1 to i32
    %sign3A_46 = arith.subi %sign3A_42, %sign3A_45 : i32
    %ne3A_47 = arith.cmpi ne, %sign3A_39, %sign3A_46 : i32
    %rem3A_48 = arith.remsi %select_n3A, %jit3A_31 : i32
    %ne3A_49 = arith.constant 0 : i32
    %ne3A_50 = arith.cmpi ne, %rem3A_48, %ne3A_49 : i32
    %and3A_51 = arith.andi %ne3A_47, %ne3A_50 : i1
    %sub3A_52 = arith.constant 1 : i32
    %sub3A_53 = arith.subi %div3A_32, %sub3A_52 : i32
    %select_n3A_54 = arith.select %and3A_51, %sub3A_53, %div3A_32 : i32
    %mul3A_55 = arith.constant 4 : i32
    %mul3A_56 = arith.muli %mul3A_55, %select_n3A : i32
    %mul3A_57 = arith.constant 160000 : i32
    %mul3A_58 = arith.muli %select_n3A_30, %mul3A_57 : i32
    %mul3A_59 = arith.constant 320000 : i32
    %mul3A_60 = arith.muli %select_n3A_54, %mul3A_59 : i32
    %add3A_61 = arith.constant 0 : i32
    %add3A_62 = arith.addi %add3A_61, %mul3A_60 : i32
    %add3A_63 = arith.addi %add3A_62, %mul3A_58 : i32
    %mul3A_64 = arith.constant 10000 : i32
    %mul3A_65 = arith.muli %select_n3A_54, %mul3A_64 : i32
    "tpu.region"() ({
      %run_scoped3A = tpu.sem_alloc : memref<!tpu.dma_semaphore, #tpu.memory_space<semaphore_mem>>
      %dma_start3A_190 = tpu.memref_slice %arg5[%mul3A_65] : memref<40000xf32, #tpu.memory_space<hbm>> -> memref<10000xf32, #tpu.memory_space<hbm>>
      %dma_start3A_191 = tpu.memref_slice %arg5[%mul3A_65] : memref<40000xf32, #tpu.memory_space<hbm>> -> memref<10000xf32, #tpu.memory_space<hbm>>
      tpu.enqueue_dma source(%dma_start3A_191 : memref<10000xf32, #tpu.memory_space<hbm>>) target(%arg10 : memref<10000xf32, #tpu.memory_space<vmem>>) target_semaphore(%run_scoped3A : memref<!tpu.dma_semaphore, #tpu.memory_space<semaphore_mem>>)
      %dma_wait3A_192 = tpu.memref_slice %arg5[%mul3A_65] : memref<40000xf32, #tpu.memory_space<hbm>> -> memref<10000xf32, #tpu.memory_space<hbm>>
      %dma_wait3A_193 = tpu.memref_slice %arg5[%mul3A_65] : memref<40000xf32, #tpu.memory_space<hbm>> -> memref<10000xf32, #tpu.memory_space<hbm>>
      tpu.wait_dma2 semaphore(%run_scoped3A : memref<!tpu.dma_semaphore, #tpu.memory_space<semaphore_mem>>) src(%dma_wait3A_193 : memref<10000xf32, #tpu.memory_space<hbm>>) dst(%arg10 : memref<10000xf32, #tpu.memory_space<vmem>>)
      tpu.yield
    }) : () -> ()
    %mul3A_66 = arith.constant 10000 : i32
    %mul3A_67 = arith.muli %select_n3A_54, %mul3A_66 : i32
    "tpu.region"() ({
      %run_scoped3A = tpu.sem_alloc : memref<!tpu.dma_semaphore, #tpu.memory_space<semaphore_mem>>
      %dma_start3A_190 = tpu.memref_slice %arg6[%mul3A_67] : memref<40000xf32, #tpu.memory_space<hbm>> -> memref<10000xf32, #tpu.memory_space<hbm>>
      %dma_start3A_191 = tpu.memref_slice %arg6[%mul3A_67] : memref<40000xf32, #tpu.memory_space<hbm>> -> memref<10000xf32, #tpu.memory_space<hbm>>
      tpu.enqueue_dma source(%dma_start3A_191 : memref<10000xf32, #tpu.memory_space<hbm>>) target(%arg11 : memref<10000xf32, #tpu.memory_space<vmem>>) target_semaphore(%run_scoped3A : memref<!tpu.dma_semaphore, #tpu.memory_space<semaphore_mem>>)
      %dma_wait3A_192 = tpu.memref_slice %arg6[%mul3A_67] : memref<40000xf32, #tpu.memory_space<hbm>> -> memref<10000xf32, #tpu.memory_space<hbm>>
      %dma_wait3A_193 = tpu.memref_slice %arg6[%mul3A_67] : memref<40000xf32, #tpu.memory_space<hbm>> -> memref<10000xf32, #tpu.memory_space<hbm>>
      tpu.wait_dma2 semaphore(%run_scoped3A : memref<!tpu.dma_semaphore, #tpu.memory_space<semaphore_mem>>) src(%dma_wait3A_193 : memref<10000xf32, #tpu.memory_space<hbm>>) dst(%arg11 : memref<10000xf32, #tpu.memory_space<vmem>>)
      tpu.yield
    }) : () -> ()
    %add3A_68 = arith.constant 0 : i32
    %add3A_69 = arith.addi %mul3A_56, %add3A_68 : i32
    %mul3A_70 = arith.constant 10000 : i32
    %mul3A_71 = arith.muli %add3A_69, %mul3A_70 : i32
    "tpu.region"() ({
      %run_scoped3A = tpu.sem_alloc : memref<!tpu.dma_semaphore, #tpu.memory_space<semaphore_mem>>
      %dma_start3A_190 = tpu.memref_slice %arg7[%mul3A_71] : memref<640000xf32, #tpu.memory_space<hbm>> -> memref<10000xf32, #tpu.memory_space<hbm>>
      %dma_start3A_191 = tpu.memref_slice %arg7[%mul3A_71] : memref<640000xf32, #tpu.memory_space<hbm>> -> memref<10000xf32, #tpu.memory_space<hbm>>
      tpu.enqueue_dma source(%dma_start3A_191 : memref<10000xf32, #tpu.memory_space<hbm>>) target(%arg12 : memref<10000xf32, #tpu.memory_space<vmem>>) target_semaphore(%run_scoped3A : memref<!tpu.dma_semaphore, #tpu.memory_space<semaphore_mem>>)
      %dma_wait3A_192 = tpu.memref_slice %arg7[%mul3A_71] : memref<640000xf32, #tpu.memory_space<hbm>> -> memref<10000xf32, #tpu.memory_space<hbm>>
      %dma_wait3A_193 = tpu.memref_slice %arg7[%mul3A_71] : memref<640000xf32, #tpu.memory_space<hbm>> -> memref<10000xf32, #tpu.memory_space<hbm>>
      tpu.wait_dma2 semaphore(%run_scoped3A : memref<!tpu.dma_semaphore, #tpu.memory_space<semaphore_mem>>) src(%dma_wait3A_193 : memref<10000xf32, #tpu.memory_space<hbm>>) dst(%arg12 : memref<10000xf32, #tpu.memory_space<vmem>>)
      tpu.yield
    }) : () -> ()
    %add3A_72 = arith.constant 1 : i32
    %add3A_73 = arith.addi %mul3A_56, %add3A_72 : i32
    %mul3A_74 = arith.constant 10000 : i32
    %mul3A_75 = arith.muli %add3A_73, %mul3A_74 : i32
    "tpu.region"() ({
      %run_scoped3A = tpu.sem_alloc : memref<!tpu.dma_semaphore, #tpu.memory_space<semaphore_mem>>
      %dma_start3A_190 = tpu.memref_slice %arg7[%mul3A_75] : memref<640000xf32, #tpu.memory_space<hbm>> -> memref<10000xf32, #tpu.memory_space<hbm>>
      %dma_start3A_191 = tpu.memref_slice %arg7[%mul3A_75] : memref<640000xf32, #tpu.memory_space<hbm>> -> memref<10000xf32, #tpu.memory_space<hbm>>
      tpu.enqueue_dma source(%dma_start3A_191 : memref<10000xf32, #tpu.memory_space<hbm>>) target(%arg13 : memref<10000xf32, #tpu.memory_space<vmem>>) target_semaphore(%run_scoped3A : memref<!tpu.dma_semaphore, #tpu.memory_space<semaphore_mem>>)
      %dma_wait3A_192 = tpu.memref_slice %arg7[%mul3A_75] : memref<640000xf32, #tpu.memory_space<hbm>> -> memref<10000xf32, #tpu.memory_space<hbm>>
      %dma_wait3A_193 = tpu.memref_slice %arg7[%mul3A_75] : memref<640000xf32, #tpu.memory_space<hbm>> -> memref<10000xf32, #tpu.memory_space<hbm>>
      tpu.wait_dma2 semaphore(%run_scoped3A : memref<!tpu.dma_semaphore, #tpu.memory_space<semaphore_mem>>) src(%dma_wait3A_193 : memref<10000xf32, #tpu.memory_space<hbm>>) dst(%arg13 : memref<10000xf32, #tpu.memory_space<vmem>>)
      tpu.yield
    }) : () -> ()
    %add3A_76 = arith.constant 2 : i32
    %add3A_77 = arith.addi %mul3A_56, %add3A_76 : i32
    %mul3A_78 = arith.constant 10000 : i32
    %mul3A_79 = arith.muli %add3A_77, %mul3A_78 : i32
    "tpu.region"() ({
      %run_scoped3A = tpu.sem_alloc : memref<!tpu.dma_semaphore, #tpu.memory_space<semaphore_mem>>
      %dma_start3A_190 = tpu.memref_slice %arg7[%mul3A_79] : memref<640000xf32, #tpu.memory_space<hbm>> -> memref<10000xf32, #tpu.memory_space<hbm>>
      %dma_start3A_191 = tpu.memref_slice %arg7[%mul3A_79] : memref<640000xf32, #tpu.memory_space<hbm>> -> memref<10000xf32, #tpu.memory_space<hbm>>
      tpu.enqueue_dma source(%dma_start3A_191 : memref<10000xf32, #tpu.memory_space<hbm>>) target(%arg14 : memref<10000xf32, #tpu.memory_space<vmem>>) target_semaphore(%run_scoped3A : memref<!tpu.dma_semaphore, #tpu.memory_space<semaphore_mem>>)
      %dma_wait3A_192 = tpu.memref_slice %arg7[%mul3A_79] : memref<640000xf32, #tpu.memory_space<hbm>> -> memref<10000xf32, #tpu.memory_space<hbm>>
      %dma_wait3A_193 = tpu.memref_slice %arg7[%mul3A_79] : memref<640000xf32, #tpu.memory_space<hbm>> -> memref<10000xf32, #tpu.memory_space<hbm>>
      tpu.wait_dma2 semaphore(%run_scoped3A : memref<!tpu.dma_semaphore, #tpu.memory_space<semaphore_mem>>) src(%dma_wait3A_193 : memref<10000xf32, #tpu.memory_space<hbm>>) dst(%arg14 : memref<10000xf32, #tpu.memory_space<vmem>>)
      tpu.yield
    }) : () -> ()
    %add3A_80 = arith.constant 3 : i32
    %add3A_81 = arith.addi %mul3A_56, %add3A_80 : i32
    %mul3A_82 = arith.constant 10000 : i32
    %mul3A_83 = arith.muli %add3A_81, %mul3A_82 : i32
    "tpu.region"() ({
      %run_scoped3A = tpu.sem_alloc : memref<!tpu.dma_semaphore, #tpu.memory_space<semaphore_mem>>
      %dma_start3A_190 = tpu.memref_slice %arg7[%mul3A_83] : memref<640000xf32, #tpu.memory_space<hbm>> -> memref<10000xf32, #tpu.memory_space<hbm>>
      %dma_start3A_191 = tpu.memref_slice %arg7[%mul3A_83] : memref<640000xf32, #tpu.memory_space<hbm>> -> memref<10000xf32, #tpu.memory_space<hbm>>
      tpu.enqueue_dma source(%dma_start3A_191 : memref<10000xf32, #tpu.memory_space<hbm>>) target(%arg15 : memref<10000xf32, #tpu.memory_space<vmem>>) target_semaphore(%run_scoped3A : memref<!tpu.dma_semaphore, #tpu.memory_space<semaphore_mem>>)
      %dma_wait3A_192 = tpu.memref_slice %arg7[%mul3A_83] : memref<640000xf32, #tpu.memory_space<hbm>> -> memref<10000xf32, #tpu.memory_space<hbm>>
      %dma_wait3A_193 = tpu.memref_slice %arg7[%mul3A_83] : memref<640000xf32, #tpu.memory_space<hbm>> -> memref<10000xf32, #tpu.memory_space<hbm>>
      tpu.wait_dma2 semaphore(%run_scoped3A : memref<!tpu.dma_semaphore, #tpu.memory_space<semaphore_mem>>) src(%dma_wait3A_193 : memref<10000xf32, #tpu.memory_space<hbm>>) dst(%arg15 : memref<10000xf32, #tpu.memory_space<vmem>>)
      tpu.yield
    }) : () -> ()
    %broadcast_in_dim3A = arith.constant 0.000000e+00 : f32
    %broadcast_in_dim3A_84 = vector.broadcast %broadcast_in_dim3A : f32 to vector<16xf32>
    %parallel_loop3A = arith.constant 0 : i32
    %parallel_loop3A_85 = arith.constant 625 : i32
    %parallel_loop3A_86 = arith.constant 1 : i32
    scf.for %parallel_loop3A_190 = %parallel_loop3A to %parallel_loop3A_85 step %parallel_loop3A_86  : i32 {
      %parallel_loop3A_191 = arith.constant 16 : i32
      %parallel_loop3A_192 = arith.muli %parallel_loop3A_190, %parallel_loop3A_191 : i32
      %parallel_loop3A_193 = arith.index_cast %parallel_loop3A_192 : i32 to index
      %parallel_loop3A_194 = tpu.vector_load %arg16[%parallel_loop3A_193] {strides = array<i32>} : memref<10000xf32, #tpu.memory_space<vmem>>, vector<16xf32>,
      tpu.vector_store %arg16[%parallel_loop3A_193], %broadcast_in_dim3A_84 {strides = array<i32>} : memref<10000xf32, #tpu.memory_space<vmem>>, vector<16xf32>,
      %parallel_loop3A_195 = arith.constant 16 : i32
      %parallel_loop3A_196 = arith.muli %parallel_loop3A_190, %parallel_loop3A_195 : i32
      %parallel_loop3A_197 = arith.index_cast %parallel_loop3A_196 : i32 to index
      %parallel_loop3A_198 = tpu.vector_load %arg17[%parallel_loop3A_197] {strides = array<i32>} : memref<10000xf32, #tpu.memory_space<vmem>>, vector<16xf32>,
      tpu.vector_store %arg17[%parallel_loop3A_197], %broadcast_in_dim3A_84 {strides = array<i32>} : memref<10000xf32, #tpu.memory_space<vmem>>, vector<16xf32>,
      %parallel_loop3A_199 = arith.constant 16 : i32
      %parallel_loop3A_200 = arith.muli %parallel_loop3A_190, %parallel_loop3A_199 : i32
      %parallel_loop3A_201 = arith.index_cast %parallel_loop3A_200 : i32 to index
      %parallel_loop3A_202 = tpu.vector_load %arg18[%parallel_loop3A_201] {strides = array<i32>} : memref<10000xf32, #tpu.memory_space<vmem>>, vector<16xf32>,
      tpu.vector_store %arg18[%parallel_loop3A_201], %broadcast_in_dim3A_84 {strides = array<i32>} : memref<10000xf32, #tpu.memory_space<vmem>>, vector<16xf32>,
      %parallel_loop3A_203 = arith.constant 16 : i32
      %parallel_loop3A_204 = arith.muli %parallel_loop3A_190, %parallel_loop3A_203 : i32
      %parallel_loop3A_205 = arith.index_cast %parallel_loop3A_204 : i32 to index
      %parallel_loop3A_206 = tpu.vector_load %arg19[%parallel_loop3A_205] {strides = array<i32>} : memref<10000xf32, #tpu.memory_space<vmem>>, vector<16xf32>,
      tpu.vector_store %arg19[%parallel_loop3A_205], %broadcast_in_dim3A_84 {strides = array<i32>} : memref<10000xf32, #tpu.memory_space<vmem>>, vector<16xf32>,
      %parallel_loop3A_207 = arith.constant 16 : i32
      %parallel_loop3A_208 = arith.muli %parallel_loop3A_190, %parallel_loop3A_207 : i32
      %parallel_loop3A_209 = arith.index_cast %parallel_loop3A_208 : i32 to index
      %parallel_loop3A_210 = tpu.vector_load %arg20[%parallel_loop3A_209] {strides = array<i32>} : memref<10000xf32, #tpu.memory_space<vmem>>, vector<16xf32>,
      tpu.vector_store %arg20[%parallel_loop3A_209], %broadcast_in_dim3A_84 {strides = array<i32>} : memref<10000xf32, #tpu.memory_space<vmem>>, vector<16xf32>,
    } {sc.loop_unroll_factor = 5 : i64, sc.parallel_access}
    %add3A_87 = arith.constant 0 : i32
    %add3A_88 = arith.addi %mul3A_58, %add3A_87 : i32
    %add3A_89 = arith.constant 0 : i32
    %add3A_90 = arith.addi %mul3A_58, %add3A_89 : i32
    %add3A_91 = arith.constant 0 : i32
    %add3A_92 = arith.addi %add3A_63, %add3A_91 : i32
    %dma_start3A = tpu.memref_slice %arg2[%add3A_88] : memref<320000xi32, #tpu.memory_space<hbm>> -> memref<2000xi32, #tpu.memory_space<hbm>>
    %dma_start3A_93 = tpu.memref_slice %arg2[%add3A_88] : memref<320000xi32, #tpu.memory_space<hbm>> -> memref<2000xi32, #tpu.memory_space<hbm>>
    tpu.enqueue_dma source(%dma_start3A_93 : memref<2000xi32, #tpu.memory_space<hbm>>) target(%arg21 : memref<2000xi32, #tpu.memory_space<vmem>>) target_semaphore(%arg27 : memref<!tpu.dma_semaphore, #tpu.memory_space<semaphore_mem>>)
    %dma_start3A_94 = tpu.memref_slice %arg3[%add3A_90] : memref<320000xi32, #tpu.memory_space<hbm>> -> memref<2000xi32, #tpu.memory_space<hbm>>
    %dma_start3A_95 = tpu.memref_slice %arg3[%add3A_90] : memref<320000xi32, #tpu.memory_space<hbm>> -> memref<2000xi32, #tpu.memory_space<hbm>>
    tpu.enqueue_dma source(%dma_start3A_95 : memref<2000xi32, #tpu.memory_space<hbm>>) target(%arg22 : memref<2000xi32, #tpu.memory_space<vmem>>) target_semaphore(%arg27 : memref<!tpu.dma_semaphore, #tpu.memory_space<semaphore_mem>>)
    %dma_start3A_96 = tpu.memref_slice %arg4[%add3A_92] : memref<3840000xf32, #tpu.memory_space<hbm>> -> memref<2000xf32, #tpu.memory_space<hbm>>
    %dma_start3A_97 = tpu.memref_slice %arg4[%add3A_92] : memref<3840000xf32, #tpu.memory_space<hbm>> -> memref<2000xf32, #tpu.memory_space<hbm>>
    tpu.enqueue_dma source(%dma_start3A_97 : memref<2000xf32, #tpu.memory_space<hbm>>) target(%arg23 : memref<2000xf32, #tpu.memory_space<vmem>>) target_semaphore(%arg27 : memref<!tpu.dma_semaphore, #tpu.memory_space<semaphore_mem>>)
    %add3A_98 = arith.constant 2000 : i32
    %add3A_99 = arith.addi %mul3A_58, %add3A_98 : i32
    %add3A_100 = arith.constant 2000 : i32
    %add3A_101 = arith.addi %mul3A_58, %add3A_100 : i32
    %add3A_102 = arith.constant 2000 : i32
    %add3A_103 = arith.addi %add3A_63, %add3A_102 : i32
    %dma_start3A_104 = tpu.memref_slice %arg2[%add3A_99] : memref<320000xi32, #tpu.memory_space<hbm>> -> memref<2000xi32, #tpu.memory_space<hbm>>
    %dma_start3A_105 = tpu.memref_slice %arg2[%add3A_99] : memref<320000xi32, #tpu.memory_space<hbm>> -> memref<2000xi32, #tpu.memory_space<hbm>>
    tpu.enqueue_dma source(%dma_start3A_105 : memref<2000xi32, #tpu.memory_space<hbm>>) target(%arg24 : memref<2000xi32, #tpu.memory_space<vmem>>) target_semaphore(%arg28 : memref<!tpu.dma_semaphore, #tpu.memory_space<semaphore_mem>>)
    %dma_start3A_106 = tpu.memref_slice %arg3[%add3A_101] : memref<320000xi32, #tpu.memory_space<hbm>> -> memref<2000xi32, #tpu.memory_space<hbm>>
    %dma_start3A_107 = tpu.memref_slice %arg3[%add3A_101] : memref<320000xi32, #tpu.memory_space<hbm>> -> memref<2000xi32, #tpu.memory_space<hbm>>
    tpu.enqueue_dma source(%dma_start3A_107 : memref<2000xi32, #tpu.memory_space<hbm>>) target(%arg25 : memref<2000xi32, #tpu.memory_space<vmem>>) target_semaphore(%arg28 : memref<!tpu.dma_semaphore, #tpu.memory_space<semaphore_mem>>)
    %dma_start3A_108 = tpu.memref_slice %arg4[%add3A_103] : memref<3840000xf32, #tpu.memory_space<hbm>> -> memref<2000xf32, #tpu.memory_space<hbm>>
    %dma_start3A_109 = tpu.memref_slice %arg4[%add3A_103] : memref<3840000xf32, #tpu.memory_space<hbm>> -> memref<2000xf32, #tpu.memory_space<hbm>>
    tpu.enqueue_dma source(%dma_start3A_109 : memref<2000xf32, #tpu.memory_space<hbm>>) target(%arg26 : memref<2000xf32, #tpu.memory_space<vmem>>) target_semaphore(%arg28 : memref<!tpu.dma_semaphore, #tpu.memory_space<semaphore_mem>>)
    %scan3A = arith.constant 0 : i32
    %scan3A_110 = arith.constant 0 : i32
    %scan3A_111 = arith.constant 40 : i32
    %scan3A_112 = arith.addi %scan3A_110, %scan3A_111 : i32
    %scan3A_113 = arith.constant 1 : i32
    scf.for %scan3A_190 = %scan3A_110 to %scan3A_112 step %scan3A_113  : i32 {
      %mul3A_191 = arith.constant 2 : i32
      %mul3A_192 = arith.muli %scan3A_190, %mul3A_191 : i32
      %add3A_193 = arith.constant 0 : i32
      %add3A_194 = arith.addi %mul3A_192, %add3A_193 : i32
      %mul3A_195 = arith.constant 2000 : i32
      %mul3A_196 = arith.muli %add3A_194, %mul3A_195 : i32
      %add3A_197 = arith.addi %mul3A_58, %mul3A_196 : i32
      %add3A_198 = arith.addi %mul3A_58, %mul3A_196 : i32
      %add3A_199 = arith.addi %add3A_63, %mul3A_196 : i32
      %dma_wait3A_200 = tpu.memref_slice %arg2[%add3A_197] : memref<320000xi32, #tpu.memory_space<hbm>> -> memref<2000xi32, #tpu.memory_space<hbm>>
      %dma_wait3A_201 = tpu.memref_slice %arg2[%add3A_197] : memref<320000xi32, #tpu.memory_space<hbm>> -> memref<2000xi32, #tpu.memory_space<hbm>>
      tpu.wait_dma2 semaphore(%arg27 : memref<!tpu.dma_semaphore, #tpu.memory_space<semaphore_mem>>) src(%dma_wait3A_201 : memref<2000xi32, #tpu.memory_space<hbm>>) dst(%arg21 : memref<2000xi32, #tpu.memory_space<vmem>>)
      %dma_wait3A_202 = tpu.memref_slice %arg3[%add3A_198] : memref<320000xi32, #tpu.memory_space<hbm>> -> memref<2000xi32, #tpu.memory_space<hbm>>
      %dma_wait3A_203 = tpu.memref_slice %arg3[%add3A_198] : memref<320000xi32, #tpu.memory_space<hbm>> -> memref<2000xi32, #tpu.memory_space<hbm>>
      tpu.wait_dma2 semaphore(%arg27 : memref<!tpu.dma_semaphore, #tpu.memory_space<semaphore_mem>>) src(%dma_wait3A_203 : memref<2000xi32, #tpu.memory_space<hbm>>) dst(%arg22 : memref<2000xi32, #tpu.memory_space<vmem>>)
      %dma_wait3A_204 = tpu.memref_slice %arg4[%add3A_199] : memref<3840000xf32, #tpu.memory_space<hbm>> -> memref<2000xf32, #tpu.memory_space<hbm>>
      %dma_wait3A_205 = tpu.memref_slice %arg4[%add3A_199] : memref<3840000xf32, #tpu.memory_space<hbm>> -> memref<2000xf32, #tpu.memory_space<hbm>>
      tpu.wait_dma2 semaphore(%arg27 : memref<!tpu.dma_semaphore, #tpu.memory_space<semaphore_mem>>) src(%dma_wait3A_205 : memref<2000xf32, #tpu.memory_space<hbm>>) dst(%arg23 : memref<2000xf32, #tpu.memory_space<vmem>>)
      %parallel_loop3A_206 = arith.constant 0 : i32
      %parallel_loop3A_207 = arith.constant 125 : i32
      %parallel_loop3A_208 = arith.constant 1 : i32
      scf.for %parallel_loop3A_257 = %parallel_loop3A_206 to %parallel_loop3A_207 step %parallel_loop3A_208  : i32 {
        %parallel_loop3A_258 = arith.constant 16 : i32
        %parallel_loop3A_259 = arith.muli %parallel_loop3A_257, %parallel_loop3A_258 : i32
        %parallel_loop3A_260 = arith.index_cast %parallel_loop3A_259 : i32 to index
        %parallel_loop3A_261 = tpu.vector_load %arg21[%parallel_loop3A_260] {strides = array<i32>} : memref<2000xi32, #tpu.memory_space<vmem>>, vector<16xi32>,
        %parallel_loop3A_262 = arith.constant 16 : i32
        %parallel_loop3A_263 = arith.muli %parallel_loop3A_257, %parallel_loop3A_262 : i32
        %parallel_loop3A_264 = arith.index_cast %parallel_loop3A_263 : i32 to index
        %parallel_loop3A_265 = tpu.vector_load %arg22[%parallel_loop3A_264] {strides = array<i32>} : memref<2000xi32, #tpu.memory_space<vmem>>, vector<16xi32>,
        %parallel_loop3A_266 = tpu.vector_load_idx %arg10[%parallel_loop3A_261] : memref<10000xf32, #tpu.memory_space<vmem>>[vector<16xi32>], vector<16xf32>,
        %parallel_loop3A_267 = tpu.vector_load_idx %arg11[%parallel_loop3A_265] : memref<10000xf32, #tpu.memory_space<vmem>>[vector<16xi32>], vector<16xf32>,
        %parallel_loop3A_268 = arith.addf %parallel_loop3A_266, %parallel_loop3A_267 : vector<16xf32>
        %parallel_loop3A_269 = arith.constant 16 : i32
        %parallel_loop3A_270 = arith.muli %parallel_loop3A_257, %parallel_loop3A_269 : i32
        %parallel_loop3A_271 = arith.index_cast %parallel_loop3A_270 : i32 to index
        %parallel_loop3A_272 = tpu.vector_load %arg23[%parallel_loop3A_271] {strides = array<i32>} : memref<2000xf32, #tpu.memory_space<vmem>>, vector<16xf32>,
        %parallel_loop3A_273 = arith.addf %parallel_loop3A_268, %parallel_loop3A_272 : vector<16xf32>
        %parallel_loop3A_274 = arith.constant 0.000000e+00 : f32
        %parallel_loop3A_275 = vector.broadcast %parallel_loop3A_274 : f32 to vector<16xf32>
        %parallel_loop3A_276 = arith.cmpf ogt, %parallel_loop3A_273, %parallel_loop3A_275 : vector<16xf32>
        %parallel_loop3A_277 = arith.constant 2.000000e-01 : f32
        %parallel_loop3A_278 = vector.broadcast %parallel_loop3A_277 : f32 to vector<16xf32>
        %parallel_loop3A_279 = arith.mulf %parallel_loop3A_278, %parallel_loop3A_273 : vector<16xf32>
        %parallel_loop3A_280 = arith.select %parallel_loop3A_276, %parallel_loop3A_273, %parallel_loop3A_279 : vector<16xi1>, vector<16xf32>
        %parallel_loop3A_281 = math.exp %parallel_loop3A_280 : vector<16xf32>
        %parallel_loop3A_282 = tpu.vector_load_idx %arg12[%parallel_loop3A_261] : memref<10000xf32, #tpu.memory_space<vmem>>[vector<16xi32>], vector<16xf32>,
        %parallel_loop3A_283 = arith.mulf %parallel_loop3A_281, %parallel_loop3A_282 : vector<16xf32>
        tpu.vector_store_idx %arg16[%parallel_loop3A_265], %parallel_loop3A_283 {add = true} : memref<10000xf32, #tpu.memory_space<vmem>>[vector<16xi32>], vector<16xf32>,
        %parallel_loop3A_284 = tpu.vector_load_idx %arg13[%parallel_loop3A_261] : memref<10000xf32, #tpu.memory_space<vmem>>[vector<16xi32>], vector<16xf32>,
        %parallel_loop3A_285 = arith.mulf %parallel_loop3A_281, %parallel_loop3A_284 : vector<16xf32>
        tpu.vector_store_idx %arg17[%parallel_loop3A_265], %parallel_loop3A_285 {add = true} : memref<10000xf32, #tpu.memory_space<vmem>>[vector<16xi32>], vector<16xf32>,
        %parallel_loop3A_286 = tpu.vector_load_idx %arg14[%parallel_loop3A_261] : memref<10000xf32, #tpu.memory_space<vmem>>[vector<16xi32>], vector<16xf32>,
        %parallel_loop3A_287 = arith.mulf %parallel_loop3A_281, %parallel_loop3A_286 : vector<16xf32>
        tpu.vector_store_idx %arg18[%parallel_loop3A_265], %parallel_loop3A_287 {add = true} : memref<10000xf32, #tpu.memory_space<vmem>>[vector<16xi32>], vector<16xf32>,
        %parallel_loop3A_288 = tpu.vector_load_idx %arg15[%parallel_loop3A_261] : memref<10000xf32, #tpu.memory_space<vmem>>[vector<16xi32>], vector<16xf32>,
        %parallel_loop3A_289 = arith.mulf %parallel_loop3A_281, %parallel_loop3A_288 : vector<16xf32>
        tpu.vector_store_idx %arg19[%parallel_loop3A_265], %parallel_loop3A_289 {add = true} : memref<10000xf32, #tpu.memory_space<vmem>>[vector<16xi32>], vector<16xf32>,
        tpu.vector_store_idx %arg20[%parallel_loop3A_265], %parallel_loop3A_281 {add = true} : memref<10000xf32, #tpu.memory_space<vmem>>[vector<16xi32>], vector<16xf32>,
      } {sc.loop_unroll_factor = 5 : i64, sc.parallel_access}
      %add3A_209 = arith.constant 2 : i32
      %add3A_210 = arith.addi %add3A_194, %add3A_209 : i32
      %rem3A_211 = arith.constant 80 : i32
      %rem3A_212 = arith.remsi %add3A_210, %rem3A_211 : i32
      %mul3A_213 = arith.constant 2000 : i32
      %mul3A_214 = arith.muli %rem3A_212, %mul3A_213 : i32
      %add3A_215 = arith.addi %mul3A_58, %mul3A_214 : i32
      %add3A_216 = arith.addi %mul3A_58, %mul3A_214 : i32
      %add3A_217 = arith.addi %add3A_63, %mul3A_214 : i32
      %dma_start3A_218 = tpu.memref_slice %arg2[%add3A_215] : memref<320000xi32, #tpu.memory_space<hbm>> -> memref<2000xi32, #tpu.memory_space<hbm>>
      %dma_start3A_219 = tpu.memref_slice %arg2[%add3A_215] : memref<320000xi32, #tpu.memory_space<hbm>> -> memref<2000xi32, #tpu.memory_space<hbm>>
      tpu.enqueue_dma source(%dma_start3A_219 : memref<2000xi32, #tpu.memory_space<hbm>>) target(%arg21 : memref<2000xi32, #tpu.memory_space<vmem>>) target_semaphore(%arg27 : memref<!tpu.dma_semaphore, #tpu.memory_space<semaphore_mem>>)
      %dma_start3A_220 = tpu.memref_slice %arg3[%add3A_216] : memref<320000xi32, #tpu.memory_space<hbm>> -> memref<2000xi32, #tpu.memory_space<hbm>>
      %dma_start3A_221 = tpu.memref_slice %arg3[%add3A_216] : memref<320000xi32, #tpu.memory_space<hbm>> -> memref<2000xi32, #tpu.memory_space<hbm>>
      tpu.enqueue_dma source(%dma_start3A_221 : memref<2000xi32, #tpu.memory_space<hbm>>) target(%arg22 : memref<2000xi32, #tpu.memory_space<vmem>>) target_semaphore(%arg27 : memref<!tpu.dma_semaphore, #tpu.memory_space<semaphore_mem>>)
      %dma_start3A_222 = tpu.memref_slice %arg4[%add3A_217] : memref<3840000xf32, #tpu.memory_space<hbm>> -> memref<2000xf32, #tpu.memory_space<hbm>>
      %dma_start3A_223 = tpu.memref_slice %arg4[%add3A_217] : memref<3840000xf32, #tpu.memory_space<hbm>> -> memref<2000xf32, #tpu.memory_space<hbm>>
      tpu.enqueue_dma source(%dma_start3A_223 : memref<2000xf32, #tpu.memory_space<hbm>>) target(%arg23 : memref<2000xf32, #tpu.memory_space<vmem>>) target_semaphore(%arg27 : memref<!tpu.dma_semaphore, #tpu.memory_space<semaphore_mem>>)
      %mul3A_224 = arith.constant 2 : i32
      %mul3A_225 = arith.muli %scan3A_190, %mul3A_224 : i32
      %add3A_226 = arith.constant 1 : i32
      %add3A_227 = arith.addi %mul3A_225, %add3A_226 : i32
      %mul3A_228 = arith.constant 2000 : i32
      %mul3A_229 = arith.muli %add3A_227, %mul3A_228 : i32
      %add3A_230 = arith.addi %mul3A_58, %mul3A_229 : i32
      %add3A_231 = arith.addi %mul3A_58, %mul3A_229 : i32
      %add3A_232 = arith.addi %add3A_63, %mul3A_229 : i32
      %dma_wait3A_233 = tpu.memref_slice %arg2[%add3A_230] : memref<320000xi32, #tpu.memory_space<hbm>> -> memref<2000xi32, #tpu.memory_space<hbm>>
      %dma_wait3A_234 = tpu.memref_slice %arg2[%add3A_230] : memref<320000xi32, #tpu.memory_space<hbm>> -> memref<2000xi32, #tpu.memory_space<hbm>>
      tpu.wait_dma2 semaphore(%arg28 : memref<!tpu.dma_semaphore, #tpu.memory_space<semaphore_mem>>) src(%dma_wait3A_234 : memref<2000xi32, #tpu.memory_space<hbm>>) dst(%arg24 : memref<2000xi32, #tpu.memory_space<vmem>>)
      %dma_wait3A_235 = tpu.memref_slice %arg3[%add3A_231] : memref<320000xi32, #tpu.memory_space<hbm>> -> memref<2000xi32, #tpu.memory_space<hbm>>
      %dma_wait3A_236 = tpu.memref_slice %arg3[%add3A_231] : memref<320000xi32, #tpu.memory_space<hbm>> -> memref<2000xi32, #tpu.memory_space<hbm>>
      tpu.wait_dma2 semaphore(%arg28 : memref<!tpu.dma_semaphore, #tpu.memory_space<semaphore_mem>>) src(%dma_wait3A_236 : memref<2000xi32, #tpu.memory_space<hbm>>) dst(%arg25 : memref<2000xi32, #tpu.memory_space<vmem>>)
      %dma_wait3A_237 = tpu.memref_slice %arg4[%add3A_232] : memref<3840000xf32, #tpu.memory_space<hbm>> -> memref<2000xf32, #tpu.memory_space<hbm>>
      %dma_wait3A_238 = tpu.memref_slice %arg4[%add3A_232] : memref<3840000xf32, #tpu.memory_space<hbm>> -> memref<2000xf32, #tpu.memory_space<hbm>>
      tpu.wait_dma2 semaphore(%arg28 : memref<!tpu.dma_semaphore, #tpu.memory_space<semaphore_mem>>) src(%dma_wait3A_238 : memref<2000xf32, #tpu.memory_space<hbm>>) dst(%arg26 : memref<2000xf32, #tpu.memory_space<vmem>>)
      %parallel_loop3A_239 = arith.constant 0 : i32
      %parallel_loop3A_240 = arith.constant 125 : i32
      %parallel_loop3A_241 = arith.constant 1 : i32
      scf.for %parallel_loop3A_257 = %parallel_loop3A_239 to %parallel_loop3A_240 step %parallel_loop3A_241  : i32 {
        %parallel_loop3A_258 = arith.constant 16 : i32
        %parallel_loop3A_259 = arith.muli %parallel_loop3A_257, %parallel_loop3A_258 : i32
        %parallel_loop3A_260 = arith.index_cast %parallel_loop3A_259 : i32 to index
        %parallel_loop3A_261 = tpu.vector_load %arg24[%parallel_loop3A_260] {strides = array<i32>} : memref<2000xi32, #tpu.memory_space<vmem>>, vector<16xi32>,
        %parallel_loop3A_262 = arith.constant 16 : i32
        %parallel_loop3A_263 = arith.muli %parallel_loop3A_257, %parallel_loop3A_262 : i32
        %parallel_loop3A_264 = arith.index_cast %parallel_loop3A_263 : i32 to index
        %parallel_loop3A_265 = tpu.vector_load %arg25[%parallel_loop3A_264] {strides = array<i32>} : memref<2000xi32, #tpu.memory_space<vmem>>, vector<16xi32>,
        %parallel_loop3A_266 = tpu.vector_load_idx %arg10[%parallel_loop3A_261] : memref<10000xf32, #tpu.memory_space<vmem>>[vector<16xi32>], vector<16xf32>,
        %parallel_loop3A_267 = tpu.vector_load_idx %arg11[%parallel_loop3A_265] : memref<10000xf32, #tpu.memory_space<vmem>>[vector<16xi32>], vector<16xf32>,
        %parallel_loop3A_268 = arith.addf %parallel_loop3A_266, %parallel_loop3A_267 : vector<16xf32>
        %parallel_loop3A_269 = arith.constant 16 : i32
        %parallel_loop3A_270 = arith.muli %parallel_loop3A_257, %parallel_loop3A_269 : i32
        %parallel_loop3A_271 = arith.index_cast %parallel_loop3A_270 : i32 to index
        %parallel_loop3A_272 = tpu.vector_load %arg26[%parallel_loop3A_271] {strides = array<i32>} : memref<2000xf32, #tpu.memory_space<vmem>>, vector<16xf32>,
        %parallel_loop3A_273 = arith.addf %parallel_loop3A_268, %parallel_loop3A_272 : vector<16xf32>
        %parallel_loop3A_274 = arith.constant 0.000000e+00 : f32
        %parallel_loop3A_275 = vector.broadcast %parallel_loop3A_274 : f32 to vector<16xf32>
        %parallel_loop3A_276 = arith.cmpf ogt, %parallel_loop3A_273, %parallel_loop3A_275 : vector<16xf32>
        %parallel_loop3A_277 = arith.constant 2.000000e-01 : f32
        %parallel_loop3A_278 = vector.broadcast %parallel_loop3A_277 : f32 to vector<16xf32>
        %parallel_loop3A_279 = arith.mulf %parallel_loop3A_278, %parallel_loop3A_273 : vector<16xf32>
        %parallel_loop3A_280 = arith.select %parallel_loop3A_276, %parallel_loop3A_273, %parallel_loop3A_279 : vector<16xi1>, vector<16xf32>
        %parallel_loop3A_281 = math.exp %parallel_loop3A_280 : vector<16xf32>
        %parallel_loop3A_282 = tpu.vector_load_idx %arg12[%parallel_loop3A_261] : memref<10000xf32, #tpu.memory_space<vmem>>[vector<16xi32>], vector<16xf32>,
        %parallel_loop3A_283 = arith.mulf %parallel_loop3A_281, %parallel_loop3A_282 : vector<16xf32>
        tpu.vector_store_idx %arg16[%parallel_loop3A_265], %parallel_loop3A_283 {add = true} : memref<10000xf32, #tpu.memory_space<vmem>>[vector<16xi32>], vector<16xf32>,
        %parallel_loop3A_284 = tpu.vector_load_idx %arg13[%parallel_loop3A_261] : memref<10000xf32, #tpu.memory_space<vmem>>[vector<16xi32>], vector<16xf32>,
        %parallel_loop3A_285 = arith.mulf %parallel_loop3A_281, %parallel_loop3A_284 : vector<16xf32>
        tpu.vector_store_idx %arg17[%parallel_loop3A_265], %parallel_loop3A_285 {add = true} : memref<10000xf32, #tpu.memory_space<vmem>>[vector<16xi32>], vector<16xf32>,
        %parallel_loop3A_286 = tpu.vector_load_idx %arg14[%parallel_loop3A_261] : memref<10000xf32, #tpu.memory_space<vmem>>[vector<16xi32>], vector<16xf32>,
        %parallel_loop3A_287 = arith.mulf %parallel_loop3A_281, %parallel_loop3A_286 : vector<16xf32>
        tpu.vector_store_idx %arg18[%parallel_loop3A_265], %parallel_loop3A_287 {add = true} : memref<10000xf32, #tpu.memory_space<vmem>>[vector<16xi32>], vector<16xf32>,
        %parallel_loop3A_288 = tpu.vector_load_idx %arg15[%parallel_loop3A_261] : memref<10000xf32, #tpu.memory_space<vmem>>[vector<16xi32>], vector<16xf32>,
        %parallel_loop3A_289 = arith.mulf %parallel_loop3A_281, %parallel_loop3A_288 : vector<16xf32>
        tpu.vector_store_idx %arg19[%parallel_loop3A_265], %parallel_loop3A_289 {add = true} : memref<10000xf32, #tpu.memory_space<vmem>>[vector<16xi32>], vector<16xf32>,
        tpu.vector_store_idx %arg20[%parallel_loop3A_265], %parallel_loop3A_281 {add = true} : memref<10000xf32, #tpu.memory_space<vmem>>[vector<16xi32>], vector<16xf32>,
      } {sc.loop_unroll_factor = 5 : i64, sc.parallel_access}
      %add3A_242 = arith.constant 2 : i32
      %add3A_243 = arith.addi %add3A_227, %add3A_242 : i32
      %rem3A_244 = arith.constant 80 : i32
      %rem3A_245 = arith.remsi %add3A_243, %rem3A_244 : i32
      %mul3A_246 = arith.constant 2000 : i32
      %mul3A_247 = arith.muli %rem3A_245, %mul3A_246 : i32
      %add3A_248 = arith.addi %mul3A_58, %mul3A_247 : i32
      %add3A_249 = arith.addi %mul3A_58, %mul3A_247 : i32
      %add3A_250 = arith.addi %add3A_63, %mul3A_247 : i32
      %dma_start3A_251 = tpu.memref_slice %arg2[%add3A_248] : memref<320000xi32, #tpu.memory_space<hbm>> -> memref<2000xi32, #tpu.memory_space<hbm>>
      %dma_start3A_252 = tpu.memref_slice %arg2[%add3A_248] : memref<320000xi32, #tpu.memory_space<hbm>> -> memref<2000xi32, #tpu.memory_space<hbm>>
      tpu.enqueue_dma source(%dma_start3A_252 : memref<2000xi32, #tpu.memory_space<hbm>>) target(%arg24 : memref<2000xi32, #tpu.memory_space<vmem>>) target_semaphore(%arg28 : memref<!tpu.dma_semaphore, #tpu.memory_space<semaphore_mem>>)
      %dma_start3A_253 = tpu.memref_slice %arg3[%add3A_249] : memref<320000xi32, #tpu.memory_space<hbm>> -> memref<2000xi32, #tpu.memory_space<hbm>>
      %dma_start3A_254 = tpu.memref_slice %arg3[%add3A_249] : memref<320000xi32, #tpu.memory_space<hbm>> -> memref<2000xi32, #tpu.memory_space<hbm>>
      tpu.enqueue_dma source(%dma_start3A_254 : memref<2000xi32, #tpu.memory_space<hbm>>) target(%arg25 : memref<2000xi32, #tpu.memory_space<vmem>>) target_semaphore(%arg28 : memref<!tpu.dma_semaphore, #tpu.memory_space<semaphore_mem>>)
      %dma_start3A_255 = tpu.memref_slice %arg4[%add3A_250] : memref<3840000xf32, #tpu.memory_space<hbm>> -> memref<2000xf32, #tpu.memory_space<hbm>>
      %dma_start3A_256 = tpu.memref_slice %arg4[%add3A_250] : memref<3840000xf32, #tpu.memory_space<hbm>> -> memref<2000xf32, #tpu.memory_space<hbm>>
      tpu.enqueue_dma source(%dma_start3A_256 : memref<2000xf32, #tpu.memory_space<hbm>>) target(%arg26 : memref<2000xf32, #tpu.memory_space<vmem>>) target_semaphore(%arg28 : memref<!tpu.dma_semaphore, #tpu.memory_space<semaphore_mem>>)
    }
    %scan3A_114 = arith.constant 40 : i32
    %add3A_115 = arith.constant 0 : i32
    %add3A_116 = arith.addi %mul3A_58, %add3A_115 : i32
    %add3A_117 = arith.constant 0 : i32
    %add3A_118 = arith.addi %mul3A_58, %add3A_117 : i32
    %add3A_119 = arith.constant 0 : i32
    %add3A_120 = arith.addi %add3A_63, %add3A_119 : i32
    %dma_wait3A = tpu.memref_slice %arg2[%add3A_116] : memref<320000xi32, #tpu.memory_space<hbm>> -> memref<2000xi32, #tpu.memory_space<hbm>>
    %dma_wait3A_121 = tpu.memref_slice %arg2[%add3A_116] : memref<320000xi32, #tpu.memory_space<hbm>> -> memref<2000xi32, #tpu.memory_space<hbm>>
    tpu.wait_dma2 semaphore(%arg27 : memref<!tpu.dma_semaphore, #tpu.memory_space<semaphore_mem>>) src(%dma_wait3A_121 : memref<2000xi32, #tpu.memory_space<hbm>>) dst(%arg21 : memref<2000xi32, #tpu.memory_space<vmem>>)
    %dma_wait3A_122 = tpu.memref_slice %arg3[%add3A_118] : memref<320000xi32, #tpu.memory_space<hbm>> -> memref<2000xi32, #tpu.memory_space<hbm>>
    %dma_wait3A_123 = tpu.memref_slice %arg3[%add3A_118] : memref<320000xi32, #tpu.memory_space<hbm>> -> memref<2000xi32, #tpu.memory_space<hbm>>
    tpu.wait_dma2 semaphore(%arg27 : memref<!tpu.dma_semaphore, #tpu.memory_space<semaphore_mem>>) src(%dma_wait3A_123 : memref<2000xi32, #tpu.memory_space<hbm>>) dst(%arg22 : memref<2000xi32, #tpu.memory_space<vmem>>)
    %dma_wait3A_124 = tpu.memref_slice %arg4[%add3A_120] : memref<3840000xf32, #tpu.memory_space<hbm>> -> memref<2000xf32, #tpu.memory_space<hbm>>
    %dma_wait3A_125 = tpu.memref_slice %arg4[%add3A_120] : memref<3840000xf32, #tpu.memory_space<hbm>> -> memref<2000xf32, #tpu.memory_space<hbm>>
    tpu.wait_dma2 semaphore(%arg27 : memref<!tpu.dma_semaphore, #tpu.memory_space<semaphore_mem>>) src(%dma_wait3A_125 : memref<2000xf32, #tpu.memory_space<hbm>>) dst(%arg23 : memref<2000xf32, #tpu.memory_space<vmem>>)
    %add3A_126 = arith.constant 2000 : i32
    %add3A_127 = arith.addi %mul3A_58, %add3A_126 : i32
    %add3A_128 = arith.constant 2000 : i32
    %add3A_129 = arith.addi %mul3A_58, %add3A_128 : i32
    %add3A_130 = arith.constant 2000 : i32
    %add3A_131 = arith.addi %add3A_63, %add3A_130 : i32
    %dma_wait3A_132 = tpu.memref_slice %arg2[%add3A_127] : memref<320000xi32, #tpu.memory_space<hbm>> -> memref<2000xi32, #tpu.memory_space<hbm>>
    %dma_wait3A_133 = tpu.memref_slice %arg2[%add3A_127] : memref<320000xi32, #tpu.memory_space<hbm>> -> memref<2000xi32, #tpu.memory_space<hbm>>
    tpu.wait_dma2 semaphore(%arg28 : memref<!tpu.dma_semaphore, #tpu.memory_space<semaphore_mem>>) src(%dma_wait3A_133 : memref<2000xi32, #tpu.memory_space<hbm>>) dst(%arg24 : memref<2000xi32, #tpu.memory_space<vmem>>)
    %dma_wait3A_134 = tpu.memref_slice %arg3[%add3A_129] : memref<320000xi32, #tpu.memory_space<hbm>> -> memref<2000xi32, #tpu.memory_space<hbm>>
    %dma_wait3A_135 = tpu.memref_slice %arg3[%add3A_129] : memref<320000xi32, #tpu.memory_space<hbm>> -> memref<2000xi32, #tpu.memory_space<hbm>>
    tpu.wait_dma2 semaphore(%arg28 : memref<!tpu.dma_semaphore, #tpu.memory_space<semaphore_mem>>) src(%dma_wait3A_135 : memref<2000xi32, #tpu.memory_space<hbm>>) dst(%arg25 : memref<2000xi32, #tpu.memory_space<vmem>>)
    %dma_wait3A_136 = tpu.memref_slice %arg4[%add3A_131] : memref<3840000xf32, #tpu.memory_space<hbm>> -> memref<2000xf32, #tpu.memory_space<hbm>>
    %dma_wait3A_137 = tpu.memref_slice %arg4[%add3A_131] : memref<3840000xf32, #tpu.memory_space<hbm>> -> memref<2000xf32, #tpu.memory_space<hbm>>
    tpu.wait_dma2 semaphore(%arg28 : memref<!tpu.dma_semaphore, #tpu.memory_space<semaphore_mem>>) src(%dma_wait3A_137 : memref<2000xf32, #tpu.memory_space<hbm>>) dst(%arg26 : memref<2000xf32, #tpu.memory_space<vmem>>)
    %mul3A_138 = arith.constant 64 : i32
    %mul3A_139 = arith.muli %select_n3A_30, %mul3A_138 : i32
    %add3A_140 = arith.addi %mul3A_139, %mul3A_56 : i32
    %add3A_141 = arith.constant 0 : i32
    %add3A_142 = arith.addi %add3A_140, %add3A_141 : i32
    %mul3A_143 = arith.constant 10000 : i32
    %mul3A_144 = arith.muli %add3A_142, %mul3A_143 : i32
    "tpu.region"() ({
      %run_scoped3A = tpu.sem_alloc : memref<!tpu.dma_semaphore, #tpu.memory_space<semaphore_mem>>
      %dma_start3A_190 = tpu.memref_slice %arg8[%mul3A_144] : memref<1280000xf32, #tpu.memory_space<hbm>> -> memref<10000xf32, #tpu.memory_space<hbm>>
      %dma_start3A_191 = tpu.memref_slice %arg8[%mul3A_144] : memref<1280000xf32, #tpu.memory_space<hbm>> -> memref<10000xf32, #tpu.memory_space<hbm>>
      tpu.enqueue_dma source(%arg16 : memref<10000xf32, #tpu.memory_space<vmem>>) target(%dma_start3A_191 : memref<10000xf32, #tpu.memory_space<hbm>>) target_semaphore(%run_scoped3A : memref<!tpu.dma_semaphore, #tpu.memory_space<semaphore_mem>>)
      %dma_wait3A_192 = tpu.memref_slice %arg8[%mul3A_144] : memref<1280000xf32, #tpu.memory_space<hbm>> -> memref<10000xf32, #tpu.memory_space<hbm>>
      %dma_wait3A_193 = tpu.memref_slice %arg8[%mul3A_144] : memref<1280000xf32, #tpu.memory_space<hbm>> -> memref<10000xf32, #tpu.memory_space<hbm>>
      tpu.wait_dma2 semaphore(%run_scoped3A : memref<!tpu.dma_semaphore, #tpu.memory_space<semaphore_mem>>) src(%arg16 : memref<10000xf32, #tpu.memory_space<vmem>>) dst(%dma_wait3A_193 : memref<10000xf32, #tpu.memory_space<hbm>>)
      tpu.yield
    }) : () -> ()
    %mul3A_145 = arith.constant 64 : i32
    %mul3A_146 = arith.muli %select_n3A_30, %mul3A_145 : i32
    %add3A_147 = arith.addi %mul3A_146, %mul3A_56 : i32
    %add3A_148 = arith.constant 1 : i32
    %add3A_149 = arith.addi %add3A_147, %add3A_148 : i32
    %mul3A_150 = arith.constant 10000 : i32
    %mul3A_151 = arith.muli %add3A_149, %mul3A_150 : i32
    "tpu.region"() ({
      %run_scoped3A = tpu.sem_alloc : memref<!tpu.dma_semaphore, #tpu.memory_space<semaphore_mem>>
      %dma_start3A_190 = tpu.memref_slice %arg8[%mul3A_151] : memref<1280000xf32, #tpu.memory_space<hbm>> -> memref<10000xf32, #tpu.memory_space<hbm>>
      %dma_start3A_191 = tpu.memref_slice %arg8[%mul3A_151] : memref<1280000xf32, #tpu.memory_space<hbm>> -> memref<10000xf32, #tpu.memory_space<hbm>>
      tpu.enqueue_dma source(%arg17 : memref<10000xf32, #tpu.memory_space<vmem>>) target(%dma_start3A_191 : memref<10000xf32, #tpu.memory_space<hbm>>) target_semaphore(%run_scoped3A : memref<!tpu.dma_semaphore, #tpu.memory_space<semaphore_mem>>)
      %dma_wait3A_192 = tpu.memref_slice %arg8[%mul3A_151] : memref<1280000xf32, #tpu.memory_space<hbm>> -> memref<10000xf32, #tpu.memory_space<hbm>>
      %dma_wait3A_193 = tpu.memref_slice %arg8[%mul3A_151] : memref<1280000xf32, #tpu.memory_space<hbm>> -> memref<10000xf32, #tpu.memory_space<hbm>>
      tpu.wait_dma2 semaphore(%run_scoped3A : memref<!tpu.dma_semaphore, #tpu.memory_space<semaphore_mem>>) src(%arg17 : memref<10000xf32, #tpu.memory_space<vmem>>) dst(%dma_wait3A_193 : memref<10000xf32, #tpu.memory_space<hbm>>)
      tpu.yield
    }) : () -> ()
    %mul3A_152 = arith.constant 64 : i32
    %mul3A_153 = arith.muli %select_n3A_30, %mul3A_152 : i32
    %add3A_154 = arith.addi %mul3A_153, %mul3A_56 : i32
    %add3A_155 = arith.constant 2 : i32
    %add3A_156 = arith.addi %add3A_154, %add3A_155 : i32
    %mul3A_157 = arith.constant 10000 : i32
    %mul3A_158 = arith.muli %add3A_156, %mul3A_157 : i32
    "tpu.region"() ({
      %run_scoped3A = tpu.sem_alloc : memref<!tpu.dma_semaphore, #tpu.memory_space<semaphore_mem>>
      %dma_start3A_190 = tpu.memref_slice %arg8[%mul3A_158] : memref<1280000xf32, #tpu.memory_space<hbm>> -> memref<10000xf32, #tpu.memory_space<hbm>>
      %dma_start3A_191 = tpu.memref_slice %arg8[%mul3A_158] : memref<1280000xf32, #tpu.memory_space<hbm>> -> memref<10000xf32, #tpu.memory_space<hbm>>
      tpu.enqueue_dma source(%arg18 : memref<10000xf32, #tpu.memory_space<vmem>>) target(%dma_start3A_191 : memref<10000xf32, #tpu.memory_space<hbm>>) target_semaphore(%run_scoped3A : memref<!tpu.dma_semaphore, #tpu.memory_space<semaphore_mem>>)
      %dma_wait3A_192 = tpu.memref_slice %arg8[%mul3A_158] : memref<1280000xf32, #tpu.memory_space<hbm>> -> memref<10000xf32, #tpu.memory_space<hbm>>
      %dma_wait3A_193 = tpu.memref_slice %arg8[%mul3A_158] : memref<1280000xf32, #tpu.memory_space<hbm>> -> memref<10000xf32, #tpu.memory_space<hbm>>
      tpu.wait_dma2 semaphore(%run_scoped3A : memref<!tpu.dma_semaphore, #tpu.memory_space<semaphore_mem>>) src(%arg18 : memref<10000xf32, #tpu.memory_space<vmem>>) dst(%dma_wait3A_193 : memref<10000xf32, #tpu.memory_space<hbm>>)
      tpu.yield
    }) : () -> ()
    %mul3A_159 = arith.constant 64 : i32
    %mul3A_160 = arith.muli %select_n3A_30, %mul3A_159 : i32
    %add3A_161 = arith.addi %mul3A_160, %mul3A_56 : i32
    %add3A_162 = arith.constant 3 : i32
    %add3A_163 = arith.addi %add3A_161, %add3A_162 : i32
    %mul3A_164 = arith.constant 10000 : i32
    %mul3A_165 = arith.muli %add3A_163, %mul3A_164 : i32
    "tpu.region"() ({
      %run_scoped3A = tpu.sem_alloc : memref<!tpu.dma_semaphore, #tpu.memory_space<semaphore_mem>>
      %dma_start3A_190 = tpu.memref_slice %arg8[%mul3A_165] : memref<1280000xf32, #tpu.memory_space<hbm>> -> memref<10000xf32, #tpu.memory_space<hbm>>
      %dma_start3A_191 = tpu.memref_slice %arg8[%mul3A_165] : memref<1280000xf32, #tpu.memory_space<hbm>> -> memref<10000xf32, #tpu.memory_space<hbm>>
      tpu.enqueue_dma source(%arg19 : memref<10000xf32, #tpu.memory_space<vmem>>) target(%dma_start3A_191 : memref<10000xf32, #tpu.memory_space<hbm>>) target_semaphore(%run_scoped3A : memref<!tpu.dma_semaphore, #tpu.memory_space<semaphore_mem>>)
      %dma_wait3A_192 = tpu.memref_slice %arg8[%mul3A_165] : memref<1280000xf32, #tpu.memory_space<hbm>> -> memref<10000xf32, #tpu.memory_space<hbm>>
      %dma_wait3A_193 = tpu.memref_slice %arg8[%mul3A_165] : memref<1280000xf32, #tpu.memory_space<hbm>> -> memref<10000xf32, #tpu.memory_space<hbm>>
      tpu.wait_dma2 semaphore(%run_scoped3A : memref<!tpu.dma_semaphore, #tpu.memory_space<semaphore_mem>>) src(%arg19 : memref<10000xf32, #tpu.memory_space<vmem>>) dst(%dma_wait3A_193 : memref<10000xf32, #tpu.memory_space<hbm>>)
      tpu.yield
    }) : () -> ()
    %jit3A_166 = arith.constant 4 : i32
    %eq3A_167 = arith.constant 0 : i32
    %eq3A_168 = arith.cmpi eq, %jit3A_166, %eq3A_167 : i32
    %jit3A_169 = arith.constant 1 : i32
    %select_n3A_170 = arith.select %eq3A_168, %jit3A_169, %jit3A_166 : i32
    %rem3A_171 = arith.remsi %select_n3A, %select_n3A_170 : i32
    %ne3A_172 = arith.constant 0 : i32
    %ne3A_173 = arith.cmpi ne, %rem3A_171, %ne3A_172 : i32
    %lt3A_174 = arith.constant 0 : i32
    %lt3A_175 = arith.cmpi slt, %rem3A_171, %lt3A_174 : i32
    %lt3A_176 = arith.constant 0 : i32
    %lt3A_177 = arith.cmpi slt, %select_n3A_170, %lt3A_176 : i32
    %ne3A_178 = arith.xori %lt3A_175, %lt3A_177 : i1
    %and3A_179 = arith.andi %ne3A_178, %ne3A_173 : i1
    %add3A_180 = arith.addi %rem3A_171, %select_n3A_170 : i32
    %select_n3A_181 = arith.select %and3A_179, %add3A_180, %rem3A_171 : i32
    %mul3A_182 = arith.constant 8 : i32
    %mul3A_183 = arith.muli %select_n3A_181, %mul3A_182 : i32
    %mul3A_184 = arith.constant 4 : i32
    %mul3A_185 = arith.muli %select_n3A_30, %mul3A_184 : i32
    %add3A_186 = arith.addi %mul3A_183, %mul3A_185 : i32
    %add3A_187 = arith.addi %add3A_186, %select_n3A_54 : i32
    %mul3A_188 = arith.constant 10000 : i32
    %mul3A_189 = arith.muli %add3A_187, %mul3A_188 : i32
    "tpu.region"() ({
      %run_scoped3A = tpu.sem_alloc : memref<!tpu.dma_semaphore, #tpu.memory_space<semaphore_mem>>
      %dma_start3A_190 = tpu.memref_slice %arg9[%mul3A_189] : memref<320000xf32, #tpu.memory_space<hbm>> -> memref<10000xf32, #tpu.memory_space<hbm>>
      %dma_start3A_191 = tpu.memref_slice %arg9[%mul3A_189] : memref<320000xf32, #tpu.memory_space<hbm>> -> memref<10000xf32, #tpu.memory_space<hbm>>
      tpu.enqueue_dma source(%arg20 : memref<10000xf32, #tpu.memory_space<vmem>>) target(%dma_start3A_191 : memref<10000xf32, #tpu.memory_space<hbm>>) target_semaphore(%run_scoped3A : memref<!tpu.dma_semaphore, #tpu.memory_space<semaphore_mem>>)
      %dma_wait3A_192 = tpu.memref_slice %arg9[%mul3A_189] : memref<320000xf32, #tpu.memory_space<hbm>> -> memref<10000xf32, #tpu.memory_space<hbm>>
      %dma_wait3A_193 = tpu.memref_slice %arg9[%mul3A_189] : memref<320000xf32, #tpu.memory_space<hbm>> -> memref<10000xf32, #tpu.memory_space<hbm>>
      tpu.wait_dma2 semaphore(%run_scoped3A : memref<!tpu.dma_semaphore, #tpu.memory_space<semaphore_mem>>) src(%arg20 : memref<10000xf32, #tpu.memory_space<vmem>>) dst(%dma_wait3A_193 : memref<10000xf32, #tpu.memory_space<hbm>>)
      tpu.yield
    }) : () -> ()
    return
  }
}

#map = affine_map<(d0, d1) -> (0)>
module attributes {stable_mosaic.version = 14 : i64} {
  func.func @sc_layer(%arg0: i32, %arg1: i32, %arg2: memref<320000xi32, #tpu.memory_space<hbm>>, %arg3: memref<320000xi32, #tpu.memory_space<hbm>>, %arg4: memref<3840000xf32, #tpu.memory_space<hbm>>, %arg5: memref<40000xf32, #tpu.memory_space<hbm>>, %arg6: memref<40000xf32, #tpu.memory_space<hbm>>, %arg7: memref<640000xf32, #tpu.memory_space<hbm>>, %arg8: memref<1280000xf32, #tpu.memory_space<hbm>>, %arg9: memref<320000xf32, #tpu.memory_space<hbm>>, %arg10: memref<10000xf32, #tpu.memory_space<vmem>>, %arg11: memref<10000xf32, #tpu.memory_space<vmem>>, %arg12: memref<10000xf32, #tpu.memory_space<vmem>>, %arg13: memref<10000xf32, #tpu.memory_space<vmem>>, %arg14: memref<10000xf32, #tpu.memory_space<vmem>>, %arg15: memref<10000xf32, #tpu.memory_space<vmem>>, %arg16: memref<10000xf32, #tpu.memory_space<vmem>>, %arg17: memref<10000xf32, #tpu.memory_space<vmem>>, %arg18: memref<10000xf32, #tpu.memory_space<vmem>>, %arg19: memref<10000xf32, #tpu.memory_space<vmem>>, %arg20: memref<10000xf32, #tpu.memory_space<vmem>>, %arg21: memref<2000xi32, #tpu.memory_space<vmem>>, %arg22: memref<2000xi32, #tpu.memory_space<vmem>>, %arg23: memref<2000xf32, #tpu.memory_space<vmem>>, %arg24: memref<2000xi32, #tpu.memory_space<vmem>>, %arg25: memref<2000xi32, #tpu.memory_space<vmem>>, %arg26: memref<2000xf32, #tpu.memory_space<vmem>>, %arg27: memref<!tpu.dma_semaphore, #tpu.memory_space<semaphore_mem>>, %arg28: memref<!tpu.dma_semaphore, #tpu.memory_space<semaphore_mem>>) attributes {dimension_semantics = [#tpu.dimension_semantics<core_parallel>, #tpu.dimension_semantics<subcore_parallel>], iteration_bounds = array<i64: 2, 16>, scalar_prefetch = 0 : i64, scratch_operands = 19 : i64, tpu.core_type = #tpu.core_type<sc_vector_subcore>, window_params = [{transform_indices = #map}, {transform_indices = #map}, {transform_indices = #map}, {transform_indices = #map}, {transform_indices = #map}, {transform_indices = #map}, {transform_indices = #map}, {transform_indices = #map}]} {
    %mul3A = arith.constant 2 : i32
    %mul3A_0 = arith.muli %arg1, %mul3A : i32
    %add3A = arith.addi %mul3A_0, %arg0 : i32
    %jit3A = arith.constant 2 : i32
    %div3A = arith.divsi %add3A, %jit3A : i32
    %sign3A = arith.constant 0 : i32
    %sign3A_1 = arith.cmpi sgt, %add3A, %sign3A : i32
    %sign3A_2 = arith.extui %sign3A_1 : i1 to i32
    %sign3A_3 = arith.constant 0 : i32
    %sign3A_4 = arith.cmpi slt, %add3A, %sign3A_3 : i32
    %sign3A_5 = arith.extui %sign3A_4 : i1 to i32
    %sign3A_6 = arith.subi %sign3A_2, %sign3A_5 : i32
    %sign3A_7 = arith.constant 0 : i32
    %sign3A_8 = arith.cmpi sgt, %jit3A, %sign3A_7 : i32
    %sign3A_9 = arith.extui %sign3A_8 : i1 to i32
    %sign3A_10 = arith.constant 0 : i32
    %sign3A_11 = arith.cmpi slt, %jit3A, %sign3A_10 : i32
    %sign3A_12 = arith.extui %sign3A_11 : i1 to i32
    %sign3A_13 = arith.subi %sign3A_9, %sign3A_12 : i32
    %ne3A = arith.cmpi ne, %sign3A_6, %sign3A_13 : i32
    %rem3A = arith.remsi %add3A, %jit3A : i32
    %ne3A_14 = arith.constant 0 : i32
    %ne3A_15 = arith.cmpi ne, %rem3A, %ne3A_14 : i32
    %and3A = arith.andi %ne3A, %ne3A_15 : i1
    %sub3A = arith.constant 1 : i32
    %sub3A_16 = arith.subi %div3A, %sub3A : i32
    %select_n3A = arith.select %and3A, %sub3A_16, %div3A : i32
    %jit3A_17 = arith.constant 2 : i32
    %eq3A = arith.constant 0 : i32
    %eq3A_18 = arith.cmpi eq, %jit3A_17, %eq3A : i32
    %jit3A_19 = arith.constant 1 : i32
    %select_n3A_20 = arith.select %eq3A_18, %jit3A_19, %jit3A_17 : i32
    %rem3A_21 = arith.remsi %add3A, %select_n3A_20 : i32
    %ne3A_22 = arith.constant 0 : i32
    %ne3A_23 = arith.cmpi ne, %rem3A_21, %ne3A_22 : i32
    %lt3A = arith.constant 0 : i32
    %lt3A_24 = arith.cmpi slt, %rem3A_21, %lt3A : i32
    %lt3A_25 = arith.constant 0 : i32
    %lt3A_26 = arith.cmpi slt, %select_n3A_20, %lt3A_25 : i32
    %ne3A_27 = arith.xori %lt3A_24, %lt3A_26 : i1
    %and3A_28 = arith.andi %ne3A_27, %ne3A_23 : i1
    %add3A_29 = arith.addi %rem3A_21, %select_n3A_20 : i32
    %select_n3A_30 = arith.select %and3A_28, %add3A_29, %rem3A_21 : i32
    %jit3A_31 = arith.constant 4 : i32
    %div3A_32 = arith.divsi %select_n3A, %jit3A_31 : i32
    %sign3A_33 = arith.constant 0 : i32
    %sign3A_34 = arith.cmpi sgt, %select_n3A, %sign3A_33 : i32
    %sign3A_35 = arith.extui %sign3A_34 : i1 to i32
    %sign3A_36 = arith.constant 0 : i32
    %sign3A_37 = arith.cmpi slt, %select_n3A, %sign3A_36 : i32
    %sign3A_38 = arith.extui %sign3A_37 : i1 to i32
    %sign3A_39 = arith.subi %sign3A_35, %sign3A_38 : i32
    %sign3A_40 = arith.constant 0 : i32
    %sign3A_41 = arith.cmpi sgt, %jit3A_31, %sign3A_40 : i32
    %sign3A_42 = arith.extui %sign3A_41 : i1 to i32
    %sign3A_43 = arith.constant 0 : i32
    %sign3A_44 = arith.cmpi slt, %jit3A_31, %sign3A_43 : i32
    %sign3A_45 = arith.extui %sign3A_44 : i1 to i32
    %sign3A_46 = arith.subi %sign3A_42, %sign3A_45 : i32
    %ne3A_47 = arith.cmpi ne, %sign3A_39, %sign3A_46 : i32
    %rem3A_48 = arith.remsi %select_n3A, %jit3A_31 : i32
    %ne3A_49 = arith.constant 0 : i32
    %ne3A_50 = arith.cmpi ne, %rem3A_48, %ne3A_49 : i32
    %and3A_51 = arith.andi %ne3A_47, %ne3A_50 : i1
    %sub3A_52 = arith.constant 1 : i32
    %sub3A_53 = arith.subi %div3A_32, %sub3A_52 : i32
    %select_n3A_54 = arith.select %and3A_51, %sub3A_53, %div3A_32 : i32
    %mul3A_55 = arith.constant 4 : i32
    %mul3A_56 = arith.muli %mul3A_55, %select_n3A : i32
    %mul3A_57 = arith.constant 160000 : i32
    %mul3A_58 = arith.muli %select_n3A_30, %mul3A_57 : i32
    %mul3A_59 = arith.constant 320000 : i32
    %mul3A_60 = arith.muli %select_n3A_54, %mul3A_59 : i32
    %add3A_61 = arith.constant 2560000 : i32
    %add3A_62 = arith.addi %add3A_61, %mul3A_60 : i32
    %add3A_63 = arith.addi %add3A_62, %mul3A_58 : i32
    %mul3A_64 = arith.constant 10000 : i32
    %mul3A_65 = arith.muli %select_n3A_54, %mul3A_64 : i32
    "tpu.region"() ({
      %run_scoped3A = tpu.sem_alloc : memref<!tpu.dma_semaphore, #tpu.memory_space<semaphore_mem>>
      %dma_start3A_190 = tpu.memref_slice %arg5[%mul3A_65] : memref<40000xf32, #tpu.memory_space<hbm>> -> memref<10000xf32, #tpu.memory_space<hbm>>
      %dma_start3A_191 = tpu.memref_slice %arg5[%mul3A_65] : memref<40000xf32, #tpu.memory_space<hbm>> -> memref<10000xf32, #tpu.memory_space<hbm>>
      tpu.enqueue_dma source(%dma_start3A_191 : memref<10000xf32, #tpu.memory_space<hbm>>) target(%arg10 : memref<10000xf32, #tpu.memory_space<vmem>>) target_semaphore(%run_scoped3A : memref<!tpu.dma_semaphore, #tpu.memory_space<semaphore_mem>>)
      %dma_wait3A_192 = tpu.memref_slice %arg5[%mul3A_65] : memref<40000xf32, #tpu.memory_space<hbm>> -> memref<10000xf32, #tpu.memory_space<hbm>>
      %dma_wait3A_193 = tpu.memref_slice %arg5[%mul3A_65] : memref<40000xf32, #tpu.memory_space<hbm>> -> memref<10000xf32, #tpu.memory_space<hbm>>
      tpu.wait_dma2 semaphore(%run_scoped3A : memref<!tpu.dma_semaphore, #tpu.memory_space<semaphore_mem>>) src(%dma_wait3A_193 : memref<10000xf32, #tpu.memory_space<hbm>>) dst(%arg10 : memref<10000xf32, #tpu.memory_space<vmem>>)
      tpu.yield
    }) : () -> ()
    %mul3A_66 = arith.constant 10000 : i32
    %mul3A_67 = arith.muli %select_n3A_54, %mul3A_66 : i32
    "tpu.region"() ({
      %run_scoped3A = tpu.sem_alloc : memref<!tpu.dma_semaphore, #tpu.memory_space<semaphore_mem>>
      %dma_start3A_190 = tpu.memref_slice %arg6[%mul3A_67] : memref<40000xf32, #tpu.memory_space<hbm>> -> memref<10000xf32, #tpu.memory_space<hbm>>
      %dma_start3A_191 = tpu.memref_slice %arg6[%mul3A_67] : memref<40000xf32, #tpu.memory_space<hbm>> -> memref<10000xf32, #tpu.memory_space<hbm>>
      tpu.enqueue_dma source(%dma_start3A_191 : memref<10000xf32, #tpu.memory_space<hbm>>) target(%arg11 : memref<10000xf32, #tpu.memory_space<vmem>>) target_semaphore(%run_scoped3A : memref<!tpu.dma_semaphore, #tpu.memory_space<semaphore_mem>>)
      %dma_wait3A_192 = tpu.memref_slice %arg6[%mul3A_67] : memref<40000xf32, #tpu.memory_space<hbm>> -> memref<10000xf32, #tpu.memory_space<hbm>>
      %dma_wait3A_193 = tpu.memref_slice %arg6[%mul3A_67] : memref<40000xf32, #tpu.memory_space<hbm>> -> memref<10000xf32, #tpu.memory_space<hbm>>
      tpu.wait_dma2 semaphore(%run_scoped3A : memref<!tpu.dma_semaphore, #tpu.memory_space<semaphore_mem>>) src(%dma_wait3A_193 : memref<10000xf32, #tpu.memory_space<hbm>>) dst(%arg11 : memref<10000xf32, #tpu.memory_space<vmem>>)
      tpu.yield
    }) : () -> ()
    %add3A_68 = arith.constant 0 : i32
    %add3A_69 = arith.addi %mul3A_56, %add3A_68 : i32
    %mul3A_70 = arith.constant 10000 : i32
    %mul3A_71 = arith.muli %add3A_69, %mul3A_70 : i32
    "tpu.region"() ({
      %run_scoped3A = tpu.sem_alloc : memref<!tpu.dma_semaphore, #tpu.memory_space<semaphore_mem>>
      %dma_start3A_190 = tpu.memref_slice %arg7[%mul3A_71] : memref<640000xf32, #tpu.memory_space<hbm>> -> memref<10000xf32, #tpu.memory_space<hbm>>
      %dma_start3A_191 = tpu.memref_slice %arg7[%mul3A_71] : memref<640000xf32, #tpu.memory_space<hbm>> -> memref<10000xf32, #tpu.memory_space<hbm>>
      tpu.enqueue_dma source(%dma_start3A_191 : memref<10000xf32, #tpu.memory_space<hbm>>) target(%arg12 : memref<10000xf32, #tpu.memory_space<vmem>>) target_semaphore(%run_scoped3A : memref<!tpu.dma_semaphore, #tpu.memory_space<semaphore_mem>>)
      %dma_wait3A_192 = tpu.memref_slice %arg7[%mul3A_71] : memref<640000xf32, #tpu.memory_space<hbm>> -> memref<10000xf32, #tpu.memory_space<hbm>>
      %dma_wait3A_193 = tpu.memref_slice %arg7[%mul3A_71] : memref<640000xf32, #tpu.memory_space<hbm>> -> memref<10000xf32, #tpu.memory_space<hbm>>
      tpu.wait_dma2 semaphore(%run_scoped3A : memref<!tpu.dma_semaphore, #tpu.memory_space<semaphore_mem>>) src(%dma_wait3A_193 : memref<10000xf32, #tpu.memory_space<hbm>>) dst(%arg12 : memref<10000xf32, #tpu.memory_space<vmem>>)
      tpu.yield
    }) : () -> ()
    %add3A_72 = arith.constant 1 : i32
    %add3A_73 = arith.addi %mul3A_56, %add3A_72 : i32
    %mul3A_74 = arith.constant 10000 : i32
    %mul3A_75 = arith.muli %add3A_73, %mul3A_74 : i32
    "tpu.region"() ({
      %run_scoped3A = tpu.sem_alloc : memref<!tpu.dma_semaphore, #tpu.memory_space<semaphore_mem>>
      %dma_start3A_190 = tpu.memref_slice %arg7[%mul3A_75] : memref<640000xf32, #tpu.memory_space<hbm>> -> memref<10000xf32, #tpu.memory_space<hbm>>
      %dma_start3A_191 = tpu.memref_slice %arg7[%mul3A_75] : memref<640000xf32, #tpu.memory_space<hbm>> -> memref<10000xf32, #tpu.memory_space<hbm>>
      tpu.enqueue_dma source(%dma_start3A_191 : memref<10000xf32, #tpu.memory_space<hbm>>) target(%arg13 : memref<10000xf32, #tpu.memory_space<vmem>>) target_semaphore(%run_scoped3A : memref<!tpu.dma_semaphore, #tpu.memory_space<semaphore_mem>>)
      %dma_wait3A_192 = tpu.memref_slice %arg7[%mul3A_75] : memref<640000xf32, #tpu.memory_space<hbm>> -> memref<10000xf32, #tpu.memory_space<hbm>>
      %dma_wait3A_193 = tpu.memref_slice %arg7[%mul3A_75] : memref<640000xf32, #tpu.memory_space<hbm>> -> memref<10000xf32, #tpu.memory_space<hbm>>
      tpu.wait_dma2 semaphore(%run_scoped3A : memref<!tpu.dma_semaphore, #tpu.memory_space<semaphore_mem>>) src(%dma_wait3A_193 : memref<10000xf32, #tpu.memory_space<hbm>>) dst(%arg13 : memref<10000xf32, #tpu.memory_space<vmem>>)
      tpu.yield
    }) : () -> ()
    %add3A_76 = arith.constant 2 : i32
    %add3A_77 = arith.addi %mul3A_56, %add3A_76 : i32
    %mul3A_78 = arith.constant 10000 : i32
    %mul3A_79 = arith.muli %add3A_77, %mul3A_78 : i32
    "tpu.region"() ({
      %run_scoped3A = tpu.sem_alloc : memref<!tpu.dma_semaphore, #tpu.memory_space<semaphore_mem>>
      %dma_start3A_190 = tpu.memref_slice %arg7[%mul3A_79] : memref<640000xf32, #tpu.memory_space<hbm>> -> memref<10000xf32, #tpu.memory_space<hbm>>
      %dma_start3A_191 = tpu.memref_slice %arg7[%mul3A_79] : memref<640000xf32, #tpu.memory_space<hbm>> -> memref<10000xf32, #tpu.memory_space<hbm>>
      tpu.enqueue_dma source(%dma_start3A_191 : memref<10000xf32, #tpu.memory_space<hbm>>) target(%arg14 : memref<10000xf32, #tpu.memory_space<vmem>>) target_semaphore(%run_scoped3A : memref<!tpu.dma_semaphore, #tpu.memory_space<semaphore_mem>>)
      %dma_wait3A_192 = tpu.memref_slice %arg7[%mul3A_79] : memref<640000xf32, #tpu.memory_space<hbm>> -> memref<10000xf32, #tpu.memory_space<hbm>>
      %dma_wait3A_193 = tpu.memref_slice %arg7[%mul3A_79] : memref<640000xf32, #tpu.memory_space<hbm>> -> memref<10000xf32, #tpu.memory_space<hbm>>
      tpu.wait_dma2 semaphore(%run_scoped3A : memref<!tpu.dma_semaphore, #tpu.memory_space<semaphore_mem>>) src(%dma_wait3A_193 : memref<10000xf32, #tpu.memory_space<hbm>>) dst(%arg14 : memref<10000xf32, #tpu.memory_space<vmem>>)
      tpu.yield
    }) : () -> ()
    %add3A_80 = arith.constant 3 : i32
    %add3A_81 = arith.addi %mul3A_56, %add3A_80 : i32
    %mul3A_82 = arith.constant 10000 : i32
    %mul3A_83 = arith.muli %add3A_81, %mul3A_82 : i32
    "tpu.region"() ({
      %run_scoped3A = tpu.sem_alloc : memref<!tpu.dma_semaphore, #tpu.memory_space<semaphore_mem>>
      %dma_start3A_190 = tpu.memref_slice %arg7[%mul3A_83] : memref<640000xf32, #tpu.memory_space<hbm>> -> memref<10000xf32, #tpu.memory_space<hbm>>
      %dma_start3A_191 = tpu.memref_slice %arg7[%mul3A_83] : memref<640000xf32, #tpu.memory_space<hbm>> -> memref<10000xf32, #tpu.memory_space<hbm>>
      tpu.enqueue_dma source(%dma_start3A_191 : memref<10000xf32, #tpu.memory_space<hbm>>) target(%arg15 : memref<10000xf32, #tpu.memory_space<vmem>>) target_semaphore(%run_scoped3A : memref<!tpu.dma_semaphore, #tpu.memory_space<semaphore_mem>>)
      %dma_wait3A_192 = tpu.memref_slice %arg7[%mul3A_83] : memref<640000xf32, #tpu.memory_space<hbm>> -> memref<10000xf32, #tpu.memory_space<hbm>>
      %dma_wait3A_193 = tpu.memref_slice %arg7[%mul3A_83] : memref<640000xf32, #tpu.memory_space<hbm>> -> memref<10000xf32, #tpu.memory_space<hbm>>
      tpu.wait_dma2 semaphore(%run_scoped3A : memref<!tpu.dma_semaphore, #tpu.memory_space<semaphore_mem>>) src(%dma_wait3A_193 : memref<10000xf32, #tpu.memory_space<hbm>>) dst(%arg15 : memref<10000xf32, #tpu.memory_space<vmem>>)
      tpu.yield
    }) : () -> ()
    %broadcast_in_dim3A = arith.constant 0.000000e+00 : f32
    %broadcast_in_dim3A_84 = vector.broadcast %broadcast_in_dim3A : f32 to vector<16xf32>
    %parallel_loop3A = arith.constant 0 : i32
    %parallel_loop3A_85 = arith.constant 625 : i32
    %parallel_loop3A_86 = arith.constant 1 : i32
    scf.for %parallel_loop3A_190 = %parallel_loop3A to %parallel_loop3A_85 step %parallel_loop3A_86  : i32 {
      %parallel_loop3A_191 = arith.constant 16 : i32
      %parallel_loop3A_192 = arith.muli %parallel_loop3A_190, %parallel_loop3A_191 : i32
      %parallel_loop3A_193 = arith.index_cast %parallel_loop3A_192 : i32 to index
      %parallel_loop3A_194 = tpu.vector_load %arg16[%parallel_loop3A_193] {strides = array<i32>} : memref<10000xf32, #tpu.memory_space<vmem>>, vector<16xf32>,
      tpu.vector_store %arg16[%parallel_loop3A_193], %broadcast_in_dim3A_84 {strides = array<i32>} : memref<10000xf32, #tpu.memory_space<vmem>>, vector<16xf32>,
      %parallel_loop3A_195 = arith.constant 16 : i32
      %parallel_loop3A_196 = arith.muli %parallel_loop3A_190, %parallel_loop3A_195 : i32
      %parallel_loop3A_197 = arith.index_cast %parallel_loop3A_196 : i32 to index
      %parallel_loop3A_198 = tpu.vector_load %arg17[%parallel_loop3A_197] {strides = array<i32>} : memref<10000xf32, #tpu.memory_space<vmem>>, vector<16xf32>,
      tpu.vector_store %arg17[%parallel_loop3A_197], %broadcast_in_dim3A_84 {strides = array<i32>} : memref<10000xf32, #tpu.memory_space<vmem>>, vector<16xf32>,
      %parallel_loop3A_199 = arith.constant 16 : i32
      %parallel_loop3A_200 = arith.muli %parallel_loop3A_190, %parallel_loop3A_199 : i32
      %parallel_loop3A_201 = arith.index_cast %parallel_loop3A_200 : i32 to index
      %parallel_loop3A_202 = tpu.vector_load %arg18[%parallel_loop3A_201] {strides = array<i32>} : memref<10000xf32, #tpu.memory_space<vmem>>, vector<16xf32>,
      tpu.vector_store %arg18[%parallel_loop3A_201], %broadcast_in_dim3A_84 {strides = array<i32>} : memref<10000xf32, #tpu.memory_space<vmem>>, vector<16xf32>,
      %parallel_loop3A_203 = arith.constant 16 : i32
      %parallel_loop3A_204 = arith.muli %parallel_loop3A_190, %parallel_loop3A_203 : i32
      %parallel_loop3A_205 = arith.index_cast %parallel_loop3A_204 : i32 to index
      %parallel_loop3A_206 = tpu.vector_load %arg19[%parallel_loop3A_205] {strides = array<i32>} : memref<10000xf32, #tpu.memory_space<vmem>>, vector<16xf32>,
      tpu.vector_store %arg19[%parallel_loop3A_205], %broadcast_in_dim3A_84 {strides = array<i32>} : memref<10000xf32, #tpu.memory_space<vmem>>, vector<16xf32>,
      %parallel_loop3A_207 = arith.constant 16 : i32
      %parallel_loop3A_208 = arith.muli %parallel_loop3A_190, %parallel_loop3A_207 : i32
      %parallel_loop3A_209 = arith.index_cast %parallel_loop3A_208 : i32 to index
      %parallel_loop3A_210 = tpu.vector_load %arg20[%parallel_loop3A_209] {strides = array<i32>} : memref<10000xf32, #tpu.memory_space<vmem>>, vector<16xf32>,
      tpu.vector_store %arg20[%parallel_loop3A_209], %broadcast_in_dim3A_84 {strides = array<i32>} : memref<10000xf32, #tpu.memory_space<vmem>>, vector<16xf32>,
    } {sc.loop_unroll_factor = 5 : i64, sc.parallel_access}
    %add3A_87 = arith.constant 0 : i32
    %add3A_88 = arith.addi %mul3A_58, %add3A_87 : i32
    %add3A_89 = arith.constant 0 : i32
    %add3A_90 = arith.addi %mul3A_58, %add3A_89 : i32
    %add3A_91 = arith.constant 0 : i32
    %add3A_92 = arith.addi %add3A_63, %add3A_91 : i32
    %dma_start3A = tpu.memref_slice %arg2[%add3A_88] : memref<320000xi32, #tpu.memory_space<hbm>> -> memref<2000xi32, #tpu.memory_space<hbm>>
    %dma_start3A_93 = tpu.memref_slice %arg2[%add3A_88] : memref<320000xi32, #tpu.memory_space<hbm>> -> memref<2000xi32, #tpu.memory_space<hbm>>
    tpu.enqueue_dma source(%dma_start3A_93 : memref<2000xi32, #tpu.memory_space<hbm>>) target(%arg21 : memref<2000xi32, #tpu.memory_space<vmem>>) target_semaphore(%arg27 : memref<!tpu.dma_semaphore, #tpu.memory_space<semaphore_mem>>)
    %dma_start3A_94 = tpu.memref_slice %arg3[%add3A_90] : memref<320000xi32, #tpu.memory_space<hbm>> -> memref<2000xi32, #tpu.memory_space<hbm>>
    %dma_start3A_95 = tpu.memref_slice %arg3[%add3A_90] : memref<320000xi32, #tpu.memory_space<hbm>> -> memref<2000xi32, #tpu.memory_space<hbm>>
    tpu.enqueue_dma source(%dma_start3A_95 : memref<2000xi32, #tpu.memory_space<hbm>>) target(%arg22 : memref<2000xi32, #tpu.memory_space<vmem>>) target_semaphore(%arg27 : memref<!tpu.dma_semaphore, #tpu.memory_space<semaphore_mem>>)
    %dma_start3A_96 = tpu.memref_slice %arg4[%add3A_92] : memref<3840000xf32, #tpu.memory_space<hbm>> -> memref<2000xf32, #tpu.memory_space<hbm>>
    %dma_start3A_97 = tpu.memref_slice %arg4[%add3A_92] : memref<3840000xf32, #tpu.memory_space<hbm>> -> memref<2000xf32, #tpu.memory_space<hbm>>
    tpu.enqueue_dma source(%dma_start3A_97 : memref<2000xf32, #tpu.memory_space<hbm>>) target(%arg23 : memref<2000xf32, #tpu.memory_space<vmem>>) target_semaphore(%arg27 : memref<!tpu.dma_semaphore, #tpu.memory_space<semaphore_mem>>)
    %add3A_98 = arith.constant 2000 : i32
    %add3A_99 = arith.addi %mul3A_58, %add3A_98 : i32
    %add3A_100 = arith.constant 2000 : i32
    %add3A_101 = arith.addi %mul3A_58, %add3A_100 : i32
    %add3A_102 = arith.constant 2000 : i32
    %add3A_103 = arith.addi %add3A_63, %add3A_102 : i32
    %dma_start3A_104 = tpu.memref_slice %arg2[%add3A_99] : memref<320000xi32, #tpu.memory_space<hbm>> -> memref<2000xi32, #tpu.memory_space<hbm>>
    %dma_start3A_105 = tpu.memref_slice %arg2[%add3A_99] : memref<320000xi32, #tpu.memory_space<hbm>> -> memref<2000xi32, #tpu.memory_space<hbm>>
    tpu.enqueue_dma source(%dma_start3A_105 : memref<2000xi32, #tpu.memory_space<hbm>>) target(%arg24 : memref<2000xi32, #tpu.memory_space<vmem>>) target_semaphore(%arg28 : memref<!tpu.dma_semaphore, #tpu.memory_space<semaphore_mem>>)
    %dma_start3A_106 = tpu.memref_slice %arg3[%add3A_101] : memref<320000xi32, #tpu.memory_space<hbm>> -> memref<2000xi32, #tpu.memory_space<hbm>>
    %dma_start3A_107 = tpu.memref_slice %arg3[%add3A_101] : memref<320000xi32, #tpu.memory_space<hbm>> -> memref<2000xi32, #tpu.memory_space<hbm>>
    tpu.enqueue_dma source(%dma_start3A_107 : memref<2000xi32, #tpu.memory_space<hbm>>) target(%arg25 : memref<2000xi32, #tpu.memory_space<vmem>>) target_semaphore(%arg28 : memref<!tpu.dma_semaphore, #tpu.memory_space<semaphore_mem>>)
    %dma_start3A_108 = tpu.memref_slice %arg4[%add3A_103] : memref<3840000xf32, #tpu.memory_space<hbm>> -> memref<2000xf32, #tpu.memory_space<hbm>>
    %dma_start3A_109 = tpu.memref_slice %arg4[%add3A_103] : memref<3840000xf32, #tpu.memory_space<hbm>> -> memref<2000xf32, #tpu.memory_space<hbm>>
    tpu.enqueue_dma source(%dma_start3A_109 : memref<2000xf32, #tpu.memory_space<hbm>>) target(%arg26 : memref<2000xf32, #tpu.memory_space<vmem>>) target_semaphore(%arg28 : memref<!tpu.dma_semaphore, #tpu.memory_space<semaphore_mem>>)
    %scan3A = arith.constant 0 : i32
    %scan3A_110 = arith.constant 0 : i32
    %scan3A_111 = arith.constant 40 : i32
    %scan3A_112 = arith.addi %scan3A_110, %scan3A_111 : i32
    %scan3A_113 = arith.constant 1 : i32
    scf.for %scan3A_190 = %scan3A_110 to %scan3A_112 step %scan3A_113  : i32 {
      %mul3A_191 = arith.constant 2 : i32
      %mul3A_192 = arith.muli %scan3A_190, %mul3A_191 : i32
      %add3A_193 = arith.constant 0 : i32
      %add3A_194 = arith.addi %mul3A_192, %add3A_193 : i32
      %mul3A_195 = arith.constant 2000 : i32
      %mul3A_196 = arith.muli %add3A_194, %mul3A_195 : i32
      %add3A_197 = arith.addi %mul3A_58, %mul3A_196 : i32
      %add3A_198 = arith.addi %mul3A_58, %mul3A_196 : i32
      %add3A_199 = arith.addi %add3A_63, %mul3A_196 : i32
      %dma_wait3A_200 = tpu.memref_slice %arg2[%add3A_197] : memref<320000xi32, #tpu.memory_space<hbm>> -> memref<2000xi32, #tpu.memory_space<hbm>>
      %dma_wait3A_201 = tpu.memref_slice %arg2[%add3A_197] : memref<320000xi32, #tpu.memory_space<hbm>> -> memref<2000xi32, #tpu.memory_space<hbm>>
      tpu.wait_dma2 semaphore(%arg27 : memref<!tpu.dma_semaphore, #tpu.memory_space<semaphore_mem>>) src(%dma_wait3A_201 : memref<2000xi32, #tpu.memory_space<hbm>>) dst(%arg21 : memref<2000xi32, #tpu.memory_space<vmem>>)
      %dma_wait3A_202 = tpu.memref_slice %arg3[%add3A_198] : memref<320000xi32, #tpu.memory_space<hbm>> -> memref<2000xi32, #tpu.memory_space<hbm>>
      %dma_wait3A_203 = tpu.memref_slice %arg3[%add3A_198] : memref<320000xi32, #tpu.memory_space<hbm>> -> memref<2000xi32, #tpu.memory_space<hbm>>
      tpu.wait_dma2 semaphore(%arg27 : memref<!tpu.dma_semaphore, #tpu.memory_space<semaphore_mem>>) src(%dma_wait3A_203 : memref<2000xi32, #tpu.memory_space<hbm>>) dst(%arg22 : memref<2000xi32, #tpu.memory_space<vmem>>)
      %dma_wait3A_204 = tpu.memref_slice %arg4[%add3A_199] : memref<3840000xf32, #tpu.memory_space<hbm>> -> memref<2000xf32, #tpu.memory_space<hbm>>
      %dma_wait3A_205 = tpu.memref_slice %arg4[%add3A_199] : memref<3840000xf32, #tpu.memory_space<hbm>> -> memref<2000xf32, #tpu.memory_space<hbm>>
      tpu.wait_dma2 semaphore(%arg27 : memref<!tpu.dma_semaphore, #tpu.memory_space<semaphore_mem>>) src(%dma_wait3A_205 : memref<2000xf32, #tpu.memory_space<hbm>>) dst(%arg23 : memref<2000xf32, #tpu.memory_space<vmem>>)
      %parallel_loop3A_206 = arith.constant 0 : i32
      %parallel_loop3A_207 = arith.constant 125 : i32
      %parallel_loop3A_208 = arith.constant 1 : i32
      scf.for %parallel_loop3A_257 = %parallel_loop3A_206 to %parallel_loop3A_207 step %parallel_loop3A_208  : i32 {
        %parallel_loop3A_258 = arith.constant 16 : i32
        %parallel_loop3A_259 = arith.muli %parallel_loop3A_257, %parallel_loop3A_258 : i32
        %parallel_loop3A_260 = arith.index_cast %parallel_loop3A_259 : i32 to index
        %parallel_loop3A_261 = tpu.vector_load %arg21[%parallel_loop3A_260] {strides = array<i32>} : memref<2000xi32, #tpu.memory_space<vmem>>, vector<16xi32>,
        %parallel_loop3A_262 = arith.constant 16 : i32
        %parallel_loop3A_263 = arith.muli %parallel_loop3A_257, %parallel_loop3A_262 : i32
        %parallel_loop3A_264 = arith.index_cast %parallel_loop3A_263 : i32 to index
        %parallel_loop3A_265 = tpu.vector_load %arg22[%parallel_loop3A_264] {strides = array<i32>} : memref<2000xi32, #tpu.memory_space<vmem>>, vector<16xi32>,
        %parallel_loop3A_266 = tpu.vector_load_idx %arg10[%parallel_loop3A_261] : memref<10000xf32, #tpu.memory_space<vmem>>[vector<16xi32>], vector<16xf32>,
        %parallel_loop3A_267 = tpu.vector_load_idx %arg11[%parallel_loop3A_265] : memref<10000xf32, #tpu.memory_space<vmem>>[vector<16xi32>], vector<16xf32>,
        %parallel_loop3A_268 = arith.addf %parallel_loop3A_266, %parallel_loop3A_267 : vector<16xf32>
        %parallel_loop3A_269 = arith.constant 16 : i32
        %parallel_loop3A_270 = arith.muli %parallel_loop3A_257, %parallel_loop3A_269 : i32
        %parallel_loop3A_271 = arith.index_cast %parallel_loop3A_270 : i32 to index
        %parallel_loop3A_272 = tpu.vector_load %arg23[%parallel_loop3A_271] {strides = array<i32>} : memref<2000xf32, #tpu.memory_space<vmem>>, vector<16xf32>,
        %parallel_loop3A_273 = arith.addf %parallel_loop3A_268, %parallel_loop3A_272 : vector<16xf32>
        %parallel_loop3A_274 = arith.constant 0.000000e+00 : f32
        %parallel_loop3A_275 = vector.broadcast %parallel_loop3A_274 : f32 to vector<16xf32>
        %parallel_loop3A_276 = arith.cmpf ogt, %parallel_loop3A_273, %parallel_loop3A_275 : vector<16xf32>
        %parallel_loop3A_277 = arith.constant 2.000000e-01 : f32
        %parallel_loop3A_278 = vector.broadcast %parallel_loop3A_277 : f32 to vector<16xf32>
        %parallel_loop3A_279 = arith.mulf %parallel_loop3A_278, %parallel_loop3A_273 : vector<16xf32>
        %parallel_loop3A_280 = arith.select %parallel_loop3A_276, %parallel_loop3A_273, %parallel_loop3A_279 : vector<16xi1>, vector<16xf32>
        %parallel_loop3A_281 = math.exp %parallel_loop3A_280 : vector<16xf32>
        %parallel_loop3A_282 = tpu.vector_load_idx %arg12[%parallel_loop3A_261] : memref<10000xf32, #tpu.memory_space<vmem>>[vector<16xi32>], vector<16xf32>,
        %parallel_loop3A_283 = arith.mulf %parallel_loop3A_281, %parallel_loop3A_282 : vector<16xf32>
        tpu.vector_store_idx %arg16[%parallel_loop3A_265], %parallel_loop3A_283 {add = true} : memref<10000xf32, #tpu.memory_space<vmem>>[vector<16xi32>], vector<16xf32>,
        %parallel_loop3A_284 = tpu.vector_load_idx %arg13[%parallel_loop3A_261] : memref<10000xf32, #tpu.memory_space<vmem>>[vector<16xi32>], vector<16xf32>,
        %parallel_loop3A_285 = arith.mulf %parallel_loop3A_281, %parallel_loop3A_284 : vector<16xf32>
        tpu.vector_store_idx %arg17[%parallel_loop3A_265], %parallel_loop3A_285 {add = true} : memref<10000xf32, #tpu.memory_space<vmem>>[vector<16xi32>], vector<16xf32>,
        %parallel_loop3A_286 = tpu.vector_load_idx %arg14[%parallel_loop3A_261] : memref<10000xf32, #tpu.memory_space<vmem>>[vector<16xi32>], vector<16xf32>,
        %parallel_loop3A_287 = arith.mulf %parallel_loop3A_281, %parallel_loop3A_286 : vector<16xf32>
        tpu.vector_store_idx %arg18[%parallel_loop3A_265], %parallel_loop3A_287 {add = true} : memref<10000xf32, #tpu.memory_space<vmem>>[vector<16xi32>], vector<16xf32>,
        %parallel_loop3A_288 = tpu.vector_load_idx %arg15[%parallel_loop3A_261] : memref<10000xf32, #tpu.memory_space<vmem>>[vector<16xi32>], vector<16xf32>,
        %parallel_loop3A_289 = arith.mulf %parallel_loop3A_281, %parallel_loop3A_288 : vector<16xf32>
        tpu.vector_store_idx %arg19[%parallel_loop3A_265], %parallel_loop3A_289 {add = true} : memref<10000xf32, #tpu.memory_space<vmem>>[vector<16xi32>], vector<16xf32>,
        tpu.vector_store_idx %arg20[%parallel_loop3A_265], %parallel_loop3A_281 {add = true} : memref<10000xf32, #tpu.memory_space<vmem>>[vector<16xi32>], vector<16xf32>,
      } {sc.loop_unroll_factor = 5 : i64, sc.parallel_access}
      %add3A_209 = arith.constant 2 : i32
      %add3A_210 = arith.addi %add3A_194, %add3A_209 : i32
      %rem3A_211 = arith.constant 80 : i32
      %rem3A_212 = arith.remsi %add3A_210, %rem3A_211 : i32
      %mul3A_213 = arith.constant 2000 : i32
      %mul3A_214 = arith.muli %rem3A_212, %mul3A_213 : i32
      %add3A_215 = arith.addi %mul3A_58, %mul3A_214 : i32
      %add3A_216 = arith.addi %mul3A_58, %mul3A_214 : i32
      %add3A_217 = arith.addi %add3A_63, %mul3A_214 : i32
      %dma_start3A_218 = tpu.memref_slice %arg2[%add3A_215] : memref<320000xi32, #tpu.memory_space<hbm>> -> memref<2000xi32, #tpu.memory_space<hbm>>
      %dma_start3A_219 = tpu.memref_slice %arg2[%add3A_215] : memref<320000xi32, #tpu.memory_space<hbm>> -> memref<2000xi32, #tpu.memory_space<hbm>>
      tpu.enqueue_dma source(%dma_start3A_219 : memref<2000xi32, #tpu.memory_space<hbm>>) target(%arg21 : memref<2000xi32, #tpu.memory_space<vmem>>) target_semaphore(%arg27 : memref<!tpu.dma_semaphore, #tpu.memory_space<semaphore_mem>>)
      %dma_start3A_220 = tpu.memref_slice %arg3[%add3A_216] : memref<320000xi32, #tpu.memory_space<hbm>> -> memref<2000xi32, #tpu.memory_space<hbm>>
      %dma_start3A_221 = tpu.memref_slice %arg3[%add3A_216] : memref<320000xi32, #tpu.memory_space<hbm>> -> memref<2000xi32, #tpu.memory_space<hbm>>
      tpu.enqueue_dma source(%dma_start3A_221 : memref<2000xi32, #tpu.memory_space<hbm>>) target(%arg22 : memref<2000xi32, #tpu.memory_space<vmem>>) target_semaphore(%arg27 : memref<!tpu.dma_semaphore, #tpu.memory_space<semaphore_mem>>)
      %dma_start3A_222 = tpu.memref_slice %arg4[%add3A_217] : memref<3840000xf32, #tpu.memory_space<hbm>> -> memref<2000xf32, #tpu.memory_space<hbm>>
      %dma_start3A_223 = tpu.memref_slice %arg4[%add3A_217] : memref<3840000xf32, #tpu.memory_space<hbm>> -> memref<2000xf32, #tpu.memory_space<hbm>>
      tpu.enqueue_dma source(%dma_start3A_223 : memref<2000xf32, #tpu.memory_space<hbm>>) target(%arg23 : memref<2000xf32, #tpu.memory_space<vmem>>) target_semaphore(%arg27 : memref<!tpu.dma_semaphore, #tpu.memory_space<semaphore_mem>>)
      %mul3A_224 = arith.constant 2 : i32
      %mul3A_225 = arith.muli %scan3A_190, %mul3A_224 : i32
      %add3A_226 = arith.constant 1 : i32
      %add3A_227 = arith.addi %mul3A_225, %add3A_226 : i32
      %mul3A_228 = arith.constant 2000 : i32
      %mul3A_229 = arith.muli %add3A_227, %mul3A_228 : i32
      %add3A_230 = arith.addi %mul3A_58, %mul3A_229 : i32
      %add3A_231 = arith.addi %mul3A_58, %mul3A_229 : i32
      %add3A_232 = arith.addi %add3A_63, %mul3A_229 : i32
      %dma_wait3A_233 = tpu.memref_slice %arg2[%add3A_230] : memref<320000xi32, #tpu.memory_space<hbm>> -> memref<2000xi32, #tpu.memory_space<hbm>>
      %dma_wait3A_234 = tpu.memref_slice %arg2[%add3A_230] : memref<320000xi32, #tpu.memory_space<hbm>> -> memref<2000xi32, #tpu.memory_space<hbm>>
      tpu.wait_dma2 semaphore(%arg28 : memref<!tpu.dma_semaphore, #tpu.memory_space<semaphore_mem>>) src(%dma_wait3A_234 : memref<2000xi32, #tpu.memory_space<hbm>>) dst(%arg24 : memref<2000xi32, #tpu.memory_space<vmem>>)
      %dma_wait3A_235 = tpu.memref_slice %arg3[%add3A_231] : memref<320000xi32, #tpu.memory_space<hbm>> -> memref<2000xi32, #tpu.memory_space<hbm>>
      %dma_wait3A_236 = tpu.memref_slice %arg3[%add3A_231] : memref<320000xi32, #tpu.memory_space<hbm>> -> memref<2000xi32, #tpu.memory_space<hbm>>
      tpu.wait_dma2 semaphore(%arg28 : memref<!tpu.dma_semaphore, #tpu.memory_space<semaphore_mem>>) src(%dma_wait3A_236 : memref<2000xi32, #tpu.memory_space<hbm>>) dst(%arg25 : memref<2000xi32, #tpu.memory_space<vmem>>)
      %dma_wait3A_237 = tpu.memref_slice %arg4[%add3A_232] : memref<3840000xf32, #tpu.memory_space<hbm>> -> memref<2000xf32, #tpu.memory_space<hbm>>
      %dma_wait3A_238 = tpu.memref_slice %arg4[%add3A_232] : memref<3840000xf32, #tpu.memory_space<hbm>> -> memref<2000xf32, #tpu.memory_space<hbm>>
      tpu.wait_dma2 semaphore(%arg28 : memref<!tpu.dma_semaphore, #tpu.memory_space<semaphore_mem>>) src(%dma_wait3A_238 : memref<2000xf32, #tpu.memory_space<hbm>>) dst(%arg26 : memref<2000xf32, #tpu.memory_space<vmem>>)
      %parallel_loop3A_239 = arith.constant 0 : i32
      %parallel_loop3A_240 = arith.constant 125 : i32
      %parallel_loop3A_241 = arith.constant 1 : i32
      scf.for %parallel_loop3A_257 = %parallel_loop3A_239 to %parallel_loop3A_240 step %parallel_loop3A_241  : i32 {
        %parallel_loop3A_258 = arith.constant 16 : i32
        %parallel_loop3A_259 = arith.muli %parallel_loop3A_257, %parallel_loop3A_258 : i32
        %parallel_loop3A_260 = arith.index_cast %parallel_loop3A_259 : i32 to index
        %parallel_loop3A_261 = tpu.vector_load %arg24[%parallel_loop3A_260] {strides = array<i32>} : memref<2000xi32, #tpu.memory_space<vmem>>, vector<16xi32>,
        %parallel_loop3A_262 = arith.constant 16 : i32
        %parallel_loop3A_263 = arith.muli %parallel_loop3A_257, %parallel_loop3A_262 : i32
        %parallel_loop3A_264 = arith.index_cast %parallel_loop3A_263 : i32 to index
        %parallel_loop3A_265 = tpu.vector_load %arg25[%parallel_loop3A_264] {strides = array<i32>} : memref<2000xi32, #tpu.memory_space<vmem>>, vector<16xi32>,
        %parallel_loop3A_266 = tpu.vector_load_idx %arg10[%parallel_loop3A_261] : memref<10000xf32, #tpu.memory_space<vmem>>[vector<16xi32>], vector<16xf32>,
        %parallel_loop3A_267 = tpu.vector_load_idx %arg11[%parallel_loop3A_265] : memref<10000xf32, #tpu.memory_space<vmem>>[vector<16xi32>], vector<16xf32>,
        %parallel_loop3A_268 = arith.addf %parallel_loop3A_266, %parallel_loop3A_267 : vector<16xf32>
        %parallel_loop3A_269 = arith.constant 16 : i32
        %parallel_loop3A_270 = arith.muli %parallel_loop3A_257, %parallel_loop3A_269 : i32
        %parallel_loop3A_271 = arith.index_cast %parallel_loop3A_270 : i32 to index
        %parallel_loop3A_272 = tpu.vector_load %arg26[%parallel_loop3A_271] {strides = array<i32>} : memref<2000xf32, #tpu.memory_space<vmem>>, vector<16xf32>,
        %parallel_loop3A_273 = arith.addf %parallel_loop3A_268, %parallel_loop3A_272 : vector<16xf32>
        %parallel_loop3A_274 = arith.constant 0.000000e+00 : f32
        %parallel_loop3A_275 = vector.broadcast %parallel_loop3A_274 : f32 to vector<16xf32>
        %parallel_loop3A_276 = arith.cmpf ogt, %parallel_loop3A_273, %parallel_loop3A_275 : vector<16xf32>
        %parallel_loop3A_277 = arith.constant 2.000000e-01 : f32
        %parallel_loop3A_278 = vector.broadcast %parallel_loop3A_277 : f32 to vector<16xf32>
        %parallel_loop3A_279 = arith.mulf %parallel_loop3A_278, %parallel_loop3A_273 : vector<16xf32>
        %parallel_loop3A_280 = arith.select %parallel_loop3A_276, %parallel_loop3A_273, %parallel_loop3A_279 : vector<16xi1>, vector<16xf32>
        %parallel_loop3A_281 = math.exp %parallel_loop3A_280 : vector<16xf32>
        %parallel_loop3A_282 = tpu.vector_load_idx %arg12[%parallel_loop3A_261] : memref<10000xf32, #tpu.memory_space<vmem>>[vector<16xi32>], vector<16xf32>,
        %parallel_loop3A_283 = arith.mulf %parallel_loop3A_281, %parallel_loop3A_282 : vector<16xf32>
        tpu.vector_store_idx %arg16[%parallel_loop3A_265], %parallel_loop3A_283 {add = true} : memref<10000xf32, #tpu.memory_space<vmem>>[vector<16xi32>], vector<16xf32>,
        %parallel_loop3A_284 = tpu.vector_load_idx %arg13[%parallel_loop3A_261] : memref<10000xf32, #tpu.memory_space<vmem>>[vector<16xi32>], vector<16xf32>,
        %parallel_loop3A_285 = arith.mulf %parallel_loop3A_281, %parallel_loop3A_284 : vector<16xf32>
        tpu.vector_store_idx %arg17[%parallel_loop3A_265], %parallel_loop3A_285 {add = true} : memref<10000xf32, #tpu.memory_space<vmem>>[vector<16xi32>], vector<16xf32>,
        %parallel_loop3A_286 = tpu.vector_load_idx %arg14[%parallel_loop3A_261] : memref<10000xf32, #tpu.memory_space<vmem>>[vector<16xi32>], vector<16xf32>,
        %parallel_loop3A_287 = arith.mulf %parallel_loop3A_281, %parallel_loop3A_286 : vector<16xf32>
        tpu.vector_store_idx %arg18[%parallel_loop3A_265], %parallel_loop3A_287 {add = true} : memref<10000xf32, #tpu.memory_space<vmem>>[vector<16xi32>], vector<16xf32>,
        %parallel_loop3A_288 = tpu.vector_load_idx %arg15[%parallel_loop3A_261] : memref<10000xf32, #tpu.memory_space<vmem>>[vector<16xi32>], vector<16xf32>,
        %parallel_loop3A_289 = arith.mulf %parallel_loop3A_281, %parallel_loop3A_288 : vector<16xf32>
        tpu.vector_store_idx %arg19[%parallel_loop3A_265], %parallel_loop3A_289 {add = true} : memref<10000xf32, #tpu.memory_space<vmem>>[vector<16xi32>], vector<16xf32>,
        tpu.vector_store_idx %arg20[%parallel_loop3A_265], %parallel_loop3A_281 {add = true} : memref<10000xf32, #tpu.memory_space<vmem>>[vector<16xi32>], vector<16xf32>,
      } {sc.loop_unroll_factor = 5 : i64, sc.parallel_access}
      %add3A_242 = arith.constant 2 : i32
      %add3A_243 = arith.addi %add3A_227, %add3A_242 : i32
      %rem3A_244 = arith.constant 80 : i32
      %rem3A_245 = arith.remsi %add3A_243, %rem3A_244 : i32
      %mul3A_246 = arith.constant 2000 : i32
      %mul3A_247 = arith.muli %rem3A_245, %mul3A_246 : i32
      %add3A_248 = arith.addi %mul3A_58, %mul3A_247 : i32
      %add3A_249 = arith.addi %mul3A_58, %mul3A_247 : i32
      %add3A_250 = arith.addi %add3A_63, %mul3A_247 : i32
      %dma_start3A_251 = tpu.memref_slice %arg2[%add3A_248] : memref<320000xi32, #tpu.memory_space<hbm>> -> memref<2000xi32, #tpu.memory_space<hbm>>
      %dma_start3A_252 = tpu.memref_slice %arg2[%add3A_248] : memref<320000xi32, #tpu.memory_space<hbm>> -> memref<2000xi32, #tpu.memory_space<hbm>>
      tpu.enqueue_dma source(%dma_start3A_252 : memref<2000xi32, #tpu.memory_space<hbm>>) target(%arg24 : memref<2000xi32, #tpu.memory_space<vmem>>) target_semaphore(%arg28 : memref<!tpu.dma_semaphore, #tpu.memory_space<semaphore_mem>>)
      %dma_start3A_253 = tpu.memref_slice %arg3[%add3A_249] : memref<320000xi32, #tpu.memory_space<hbm>> -> memref<2000xi32, #tpu.memory_space<hbm>>
      %dma_start3A_254 = tpu.memref_slice %arg3[%add3A_249] : memref<320000xi32, #tpu.memory_space<hbm>> -> memref<2000xi32, #tpu.memory_space<hbm>>
      tpu.enqueue_dma source(%dma_start3A_254 : memref<2000xi32, #tpu.memory_space<hbm>>) target(%arg25 : memref<2000xi32, #tpu.memory_space<vmem>>) target_semaphore(%arg28 : memref<!tpu.dma_semaphore, #tpu.memory_space<semaphore_mem>>)
      %dma_start3A_255 = tpu.memref_slice %arg4[%add3A_250] : memref<3840000xf32, #tpu.memory_space<hbm>> -> memref<2000xf32, #tpu.memory_space<hbm>>
      %dma_start3A_256 = tpu.memref_slice %arg4[%add3A_250] : memref<3840000xf32, #tpu.memory_space<hbm>> -> memref<2000xf32, #tpu.memory_space<hbm>>
      tpu.enqueue_dma source(%dma_start3A_256 : memref<2000xf32, #tpu.memory_space<hbm>>) target(%arg26 : memref<2000xf32, #tpu.memory_space<vmem>>) target_semaphore(%arg28 : memref<!tpu.dma_semaphore, #tpu.memory_space<semaphore_mem>>)
    }
    %scan3A_114 = arith.constant 40 : i32
    %add3A_115 = arith.constant 0 : i32
    %add3A_116 = arith.addi %mul3A_58, %add3A_115 : i32
    %add3A_117 = arith.constant 0 : i32
    %add3A_118 = arith.addi %mul3A_58, %add3A_117 : i32
    %add3A_119 = arith.constant 0 : i32
    %add3A_120 = arith.addi %add3A_63, %add3A_119 : i32
    %dma_wait3A = tpu.memref_slice %arg2[%add3A_116] : memref<320000xi32, #tpu.memory_space<hbm>> -> memref<2000xi32, #tpu.memory_space<hbm>>
    %dma_wait3A_121 = tpu.memref_slice %arg2[%add3A_116] : memref<320000xi32, #tpu.memory_space<hbm>> -> memref<2000xi32, #tpu.memory_space<hbm>>
    tpu.wait_dma2 semaphore(%arg27 : memref<!tpu.dma_semaphore, #tpu.memory_space<semaphore_mem>>) src(%dma_wait3A_121 : memref<2000xi32, #tpu.memory_space<hbm>>) dst(%arg21 : memref<2000xi32, #tpu.memory_space<vmem>>)
    %dma_wait3A_122 = tpu.memref_slice %arg3[%add3A_118] : memref<320000xi32, #tpu.memory_space<hbm>> -> memref<2000xi32, #tpu.memory_space<hbm>>
    %dma_wait3A_123 = tpu.memref_slice %arg3[%add3A_118] : memref<320000xi32, #tpu.memory_space<hbm>> -> memref<2000xi32, #tpu.memory_space<hbm>>
    tpu.wait_dma2 semaphore(%arg27 : memref<!tpu.dma_semaphore, #tpu.memory_space<semaphore_mem>>) src(%dma_wait3A_123 : memref<2000xi32, #tpu.memory_space<hbm>>) dst(%arg22 : memref<2000xi32, #tpu.memory_space<vmem>>)
    %dma_wait3A_124 = tpu.memref_slice %arg4[%add3A_120] : memref<3840000xf32, #tpu.memory_space<hbm>> -> memref<2000xf32, #tpu.memory_space<hbm>>
    %dma_wait3A_125 = tpu.memref_slice %arg4[%add3A_120] : memref<3840000xf32, #tpu.memory_space<hbm>> -> memref<2000xf32, #tpu.memory_space<hbm>>
    tpu.wait_dma2 semaphore(%arg27 : memref<!tpu.dma_semaphore, #tpu.memory_space<semaphore_mem>>) src(%dma_wait3A_125 : memref<2000xf32, #tpu.memory_space<hbm>>) dst(%arg23 : memref<2000xf32, #tpu.memory_space<vmem>>)
    %add3A_126 = arith.constant 2000 : i32
    %add3A_127 = arith.addi %mul3A_58, %add3A_126 : i32
    %add3A_128 = arith.constant 2000 : i32
    %add3A_129 = arith.addi %mul3A_58, %add3A_128 : i32
    %add3A_130 = arith.constant 2000 : i32
    %add3A_131 = arith.addi %add3A_63, %add3A_130 : i32
    %dma_wait3A_132 = tpu.memref_slice %arg2[%add3A_127] : memref<320000xi32, #tpu.memory_space<hbm>> -> memref<2000xi32, #tpu.memory_space<hbm>>
    %dma_wait3A_133 = tpu.memref_slice %arg2[%add3A_127] : memref<320000xi32, #tpu.memory_space<hbm>> -> memref<2000xi32, #tpu.memory_space<hbm>>
    tpu.wait_dma2 semaphore(%arg28 : memref<!tpu.dma_semaphore, #tpu.memory_space<semaphore_mem>>) src(%dma_wait3A_133 : memref<2000xi32, #tpu.memory_space<hbm>>) dst(%arg24 : memref<2000xi32, #tpu.memory_space<vmem>>)
    %dma_wait3A_134 = tpu.memref_slice %arg3[%add3A_129] : memref<320000xi32, #tpu.memory_space<hbm>> -> memref<2000xi32, #tpu.memory_space<hbm>>
    %dma_wait3A_135 = tpu.memref_slice %arg3[%add3A_129] : memref<320000xi32, #tpu.memory_space<hbm>> -> memref<2000xi32, #tpu.memory_space<hbm>>
    tpu.wait_dma2 semaphore(%arg28 : memref<!tpu.dma_semaphore, #tpu.memory_space<semaphore_mem>>) src(%dma_wait3A_135 : memref<2000xi32, #tpu.memory_space<hbm>>) dst(%arg25 : memref<2000xi32, #tpu.memory_space<vmem>>)
    %dma_wait3A_136 = tpu.memref_slice %arg4[%add3A_131] : memref<3840000xf32, #tpu.memory_space<hbm>> -> memref<2000xf32, #tpu.memory_space<hbm>>
    %dma_wait3A_137 = tpu.memref_slice %arg4[%add3A_131] : memref<3840000xf32, #tpu.memory_space<hbm>> -> memref<2000xf32, #tpu.memory_space<hbm>>
    tpu.wait_dma2 semaphore(%arg28 : memref<!tpu.dma_semaphore, #tpu.memory_space<semaphore_mem>>) src(%dma_wait3A_137 : memref<2000xf32, #tpu.memory_space<hbm>>) dst(%arg26 : memref<2000xf32, #tpu.memory_space<vmem>>)
    %mul3A_138 = arith.constant 64 : i32
    %mul3A_139 = arith.muli %select_n3A_30, %mul3A_138 : i32
    %add3A_140 = arith.addi %mul3A_139, %mul3A_56 : i32
    %add3A_141 = arith.constant 0 : i32
    %add3A_142 = arith.addi %add3A_140, %add3A_141 : i32
    %mul3A_143 = arith.constant 10000 : i32
    %mul3A_144 = arith.muli %add3A_142, %mul3A_143 : i32
    "tpu.region"() ({
      %run_scoped3A = tpu.sem_alloc : memref<!tpu.dma_semaphore, #tpu.memory_space<semaphore_mem>>
      %dma_start3A_190 = tpu.memref_slice %arg8[%mul3A_144] : memref<1280000xf32, #tpu.memory_space<hbm>> -> memref<10000xf32, #tpu.memory_space<hbm>>
      %dma_start3A_191 = tpu.memref_slice %arg8[%mul3A_144] : memref<1280000xf32, #tpu.memory_space<hbm>> -> memref<10000xf32, #tpu.memory_space<hbm>>
      tpu.enqueue_dma source(%arg16 : memref<10000xf32, #tpu.memory_space<vmem>>) target(%dma_start3A_191 : memref<10000xf32, #tpu.memory_space<hbm>>) target_semaphore(%run_scoped3A : memref<!tpu.dma_semaphore, #tpu.memory_space<semaphore_mem>>)
      %dma_wait3A_192 = tpu.memref_slice %arg8[%mul3A_144] : memref<1280000xf32, #tpu.memory_space<hbm>> -> memref<10000xf32, #tpu.memory_space<hbm>>
      %dma_wait3A_193 = tpu.memref_slice %arg8[%mul3A_144] : memref<1280000xf32, #tpu.memory_space<hbm>> -> memref<10000xf32, #tpu.memory_space<hbm>>
      tpu.wait_dma2 semaphore(%run_scoped3A : memref<!tpu.dma_semaphore, #tpu.memory_space<semaphore_mem>>) src(%arg16 : memref<10000xf32, #tpu.memory_space<vmem>>) dst(%dma_wait3A_193 : memref<10000xf32, #tpu.memory_space<hbm>>)
      tpu.yield
    }) : () -> ()
    %mul3A_145 = arith.constant 64 : i32
    %mul3A_146 = arith.muli %select_n3A_30, %mul3A_145 : i32
    %add3A_147 = arith.addi %mul3A_146, %mul3A_56 : i32
    %add3A_148 = arith.constant 1 : i32
    %add3A_149 = arith.addi %add3A_147, %add3A_148 : i32
    %mul3A_150 = arith.constant 10000 : i32
    %mul3A_151 = arith.muli %add3A_149, %mul3A_150 : i32
    "tpu.region"() ({
      %run_scoped3A = tpu.sem_alloc : memref<!tpu.dma_semaphore, #tpu.memory_space<semaphore_mem>>
      %dma_start3A_190 = tpu.memref_slice %arg8[%mul3A_151] : memref<1280000xf32, #tpu.memory_space<hbm>> -> memref<10000xf32, #tpu.memory_space<hbm>>
      %dma_start3A_191 = tpu.memref_slice %arg8[%mul3A_151] : memref<1280000xf32, #tpu.memory_space<hbm>> -> memref<10000xf32, #tpu.memory_space<hbm>>
      tpu.enqueue_dma source(%arg17 : memref<10000xf32, #tpu.memory_space<vmem>>) target(%dma_start3A_191 : memref<10000xf32, #tpu.memory_space<hbm>>) target_semaphore(%run_scoped3A : memref<!tpu.dma_semaphore, #tpu.memory_space<semaphore_mem>>)
      %dma_wait3A_192 = tpu.memref_slice %arg8[%mul3A_151] : memref<1280000xf32, #tpu.memory_space<hbm>> -> memref<10000xf32, #tpu.memory_space<hbm>>
      %dma_wait3A_193 = tpu.memref_slice %arg8[%mul3A_151] : memref<1280000xf32, #tpu.memory_space<hbm>> -> memref<10000xf32, #tpu.memory_space<hbm>>
      tpu.wait_dma2 semaphore(%run_scoped3A : memref<!tpu.dma_semaphore, #tpu.memory_space<semaphore_mem>>) src(%arg17 : memref<10000xf32, #tpu.memory_space<vmem>>) dst(%dma_wait3A_193 : memref<10000xf32, #tpu.memory_space<hbm>>)
      tpu.yield
    }) : () -> ()
    %mul3A_152 = arith.constant 64 : i32
    %mul3A_153 = arith.muli %select_n3A_30, %mul3A_152 : i32
    %add3A_154 = arith.addi %mul3A_153, %mul3A_56 : i32
    %add3A_155 = arith.constant 2 : i32
    %add3A_156 = arith.addi %add3A_154, %add3A_155 : i32
    %mul3A_157 = arith.constant 10000 : i32
    %mul3A_158 = arith.muli %add3A_156, %mul3A_157 : i32
    "tpu.region"() ({
      %run_scoped3A = tpu.sem_alloc : memref<!tpu.dma_semaphore, #tpu.memory_space<semaphore_mem>>
      %dma_start3A_190 = tpu.memref_slice %arg8[%mul3A_158] : memref<1280000xf32, #tpu.memory_space<hbm>> -> memref<10000xf32, #tpu.memory_space<hbm>>
      %dma_start3A_191 = tpu.memref_slice %arg8[%mul3A_158] : memref<1280000xf32, #tpu.memory_space<hbm>> -> memref<10000xf32, #tpu.memory_space<hbm>>
      tpu.enqueue_dma source(%arg18 : memref<10000xf32, #tpu.memory_space<vmem>>) target(%dma_start3A_191 : memref<10000xf32, #tpu.memory_space<hbm>>) target_semaphore(%run_scoped3A : memref<!tpu.dma_semaphore, #tpu.memory_space<semaphore_mem>>)
      %dma_wait3A_192 = tpu.memref_slice %arg8[%mul3A_158] : memref<1280000xf32, #tpu.memory_space<hbm>> -> memref<10000xf32, #tpu.memory_space<hbm>>
      %dma_wait3A_193 = tpu.memref_slice %arg8[%mul3A_158] : memref<1280000xf32, #tpu.memory_space<hbm>> -> memref<10000xf32, #tpu.memory_space<hbm>>
      tpu.wait_dma2 semaphore(%run_scoped3A : memref<!tpu.dma_semaphore, #tpu.memory_space<semaphore_mem>>) src(%arg18 : memref<10000xf32, #tpu.memory_space<vmem>>) dst(%dma_wait3A_193 : memref<10000xf32, #tpu.memory_space<hbm>>)
      tpu.yield
    }) : () -> ()
    %mul3A_159 = arith.constant 64 : i32
    %mul3A_160 = arith.muli %select_n3A_30, %mul3A_159 : i32
    %add3A_161 = arith.addi %mul3A_160, %mul3A_56 : i32
    %add3A_162 = arith.constant 3 : i32
    %add3A_163 = arith.addi %add3A_161, %add3A_162 : i32
    %mul3A_164 = arith.constant 10000 : i32
    %mul3A_165 = arith.muli %add3A_163, %mul3A_164 : i32
    "tpu.region"() ({
      %run_scoped3A = tpu.sem_alloc : memref<!tpu.dma_semaphore, #tpu.memory_space<semaphore_mem>>
      %dma_start3A_190 = tpu.memref_slice %arg8[%mul3A_165] : memref<1280000xf32, #tpu.memory_space<hbm>> -> memref<10000xf32, #tpu.memory_space<hbm>>
      %dma_start3A_191 = tpu.memref_slice %arg8[%mul3A_165] : memref<1280000xf32, #tpu.memory_space<hbm>> -> memref<10000xf32, #tpu.memory_space<hbm>>
      tpu.enqueue_dma source(%arg19 : memref<10000xf32, #tpu.memory_space<vmem>>) target(%dma_start3A_191 : memref<10000xf32, #tpu.memory_space<hbm>>) target_semaphore(%run_scoped3A : memref<!tpu.dma_semaphore, #tpu.memory_space<semaphore_mem>>)
      %dma_wait3A_192 = tpu.memref_slice %arg8[%mul3A_165] : memref<1280000xf32, #tpu.memory_space<hbm>> -> memref<10000xf32, #tpu.memory_space<hbm>>
      %dma_wait3A_193 = tpu.memref_slice %arg8[%mul3A_165] : memref<1280000xf32, #tpu.memory_space<hbm>> -> memref<10000xf32, #tpu.memory_space<hbm>>
      tpu.wait_dma2 semaphore(%run_scoped3A : memref<!tpu.dma_semaphore, #tpu.memory_space<semaphore_mem>>) src(%arg19 : memref<10000xf32, #tpu.memory_space<vmem>>) dst(%dma_wait3A_193 : memref<10000xf32, #tpu.memory_space<hbm>>)
      tpu.yield
    }) : () -> ()
    %jit3A_166 = arith.constant 4 : i32
    %eq3A_167 = arith.constant 0 : i32
    %eq3A_168 = arith.cmpi eq, %jit3A_166, %eq3A_167 : i32
    %jit3A_169 = arith.constant 1 : i32
    %select_n3A_170 = arith.select %eq3A_168, %jit3A_169, %jit3A_166 : i32
    %rem3A_171 = arith.remsi %select_n3A, %select_n3A_170 : i32
    %ne3A_172 = arith.constant 0 : i32
    %ne3A_173 = arith.cmpi ne, %rem3A_171, %ne3A_172 : i32
    %lt3A_174 = arith.constant 0 : i32
    %lt3A_175 = arith.cmpi slt, %rem3A_171, %lt3A_174 : i32
    %lt3A_176 = arith.constant 0 : i32
    %lt3A_177 = arith.cmpi slt, %select_n3A_170, %lt3A_176 : i32
    %ne3A_178 = arith.xori %lt3A_175, %lt3A_177 : i1
    %and3A_179 = arith.andi %ne3A_178, %ne3A_173 : i1
    %add3A_180 = arith.addi %rem3A_171, %select_n3A_170 : i32
    %select_n3A_181 = arith.select %and3A_179, %add3A_180, %rem3A_171 : i32
    %mul3A_182 = arith.constant 8 : i32
    %mul3A_183 = arith.muli %select_n3A_181, %mul3A_182 : i32
    %mul3A_184 = arith.constant 4 : i32
    %mul3A_185 = arith.muli %select_n3A_30, %mul3A_184 : i32
    %add3A_186 = arith.addi %mul3A_183, %mul3A_185 : i32
    %add3A_187 = arith.addi %add3A_186, %select_n3A_54 : i32
    %mul3A_188 = arith.constant 10000 : i32
    %mul3A_189 = arith.muli %add3A_187, %mul3A_188 : i32
    "tpu.region"() ({
      %run_scoped3A = tpu.sem_alloc : memref<!tpu.dma_semaphore, #tpu.memory_space<semaphore_mem>>
      %dma_start3A_190 = tpu.memref_slice %arg9[%mul3A_189] : memref<320000xf32, #tpu.memory_space<hbm>> -> memref<10000xf32, #tpu.memory_space<hbm>>
      %dma_start3A_191 = tpu.memref_slice %arg9[%mul3A_189] : memref<320000xf32, #tpu.memory_space<hbm>> -> memref<10000xf32, #tpu.memory_space<hbm>>
      tpu.enqueue_dma source(%arg20 : memref<10000xf32, #tpu.memory_space<vmem>>) target(%dma_start3A_191 : memref<10000xf32, #tpu.memory_space<hbm>>) target_semaphore(%run_scoped3A : memref<!tpu.dma_semaphore, #tpu.memory_space<semaphore_mem>>)
      %dma_wait3A_192 = tpu.memref_slice %arg9[%mul3A_189] : memref<320000xf32, #tpu.memory_space<hbm>> -> memref<10000xf32, #tpu.memory_space<hbm>>
      %dma_wait3A_193 = tpu.memref_slice %arg9[%mul3A_189] : memref<320000xf32, #tpu.memory_space<hbm>> -> memref<10000xf32, #tpu.memory_space<hbm>>
      tpu.wait_dma2 semaphore(%run_scoped3A : memref<!tpu.dma_semaphore, #tpu.memory_space<semaphore_mem>>) src(%arg20 : memref<10000xf32, #tpu.memory_space<vmem>>) dst(%dma_wait3A_193 : memref<10000xf32, #tpu.memory_space<hbm>>)
      tpu.yield
    }) : () -> ()
    return
  }
}

module attributes {stable_mosaic.version = 14 : i64} {
  func.func @body(%arg0: memref<320000x16xf32, #tpu.memory_space<any>>, %arg1: memref<16x12xf32, #tpu.memory_space<vmem>>, %arg2: memref<12x1xf32, #tpu.memory_space<vmem>>, %arg3: memref<12x320000xf32, #tpu.memory_space<any>>, %arg4: memref<16000x16xf32, #tpu.memory_space<vmem>>, %arg5: memref<16000x16xf32, #tpu.memory_space<vmem>>, %arg6: memref<12x16000xf32, #tpu.memory_space<vmem>>, %arg7: memref<!tpu.dma_semaphore, #tpu.memory_space<semaphore_mem>>, %arg8: memref<!tpu.dma_semaphore, #tpu.memory_space<semaphore_mem>>) attributes {dimension_semantics = [], scalar_prefetch = 0 : i64, scratch_operands = 5 : i64, tpu.core_type = #tpu.core_type<tc>} {
    %rem3A = arith.constant 0 : i32
    %rem3A_0 = arith.constant 20 : i32
    %rem3A_1 = arith.remsi %rem3A, %rem3A_0 : i32
    %mul3A = arith.constant 16000 : i32
    %mul3A_2 = arith.muli %rem3A_1, %mul3A : i32
    %dma_start3A = arith.constant 0 : i32
    %dma_start3A_3 = tpu.memref_slice %arg0[%mul3A_2, %dma_start3A] : memref<320000x16xf32, #tpu.memory_space<any>> -> memref<16000x16xf32, #tpu.memory_space<any>>
    tpu.enqueue_dma source(%dma_start3A_3 : memref<16000x16xf32, #tpu.memory_space<any>>) target(%arg4 : memref<16000x16xf32, #tpu.memory_space<vmem>>) target_semaphore(%arg7 : memref<!tpu.dma_semaphore, #tpu.memory_space<semaphore_mem>>)
    %rem3A_4 = arith.constant 1 : i32
    %rem3A_5 = arith.constant 20 : i32
    %rem3A_6 = arith.remsi %rem3A_4, %rem3A_5 : i32
    %mul3A_7 = arith.constant 16000 : i32
    %mul3A_8 = arith.muli %rem3A_6, %mul3A_7 : i32
    %dma_start3A_9 = arith.constant 0 : i32
    %dma_start3A_10 = tpu.memref_slice %arg0[%mul3A_8, %dma_start3A_9] : memref<320000x16xf32, #tpu.memory_space<any>> -> memref<16000x16xf32, #tpu.memory_space<any>>
    tpu.enqueue_dma source(%dma_start3A_10 : memref<16000x16xf32, #tpu.memory_space<any>>) target(%arg5 : memref<16000x16xf32, #tpu.memory_space<vmem>>) target_semaphore(%arg7 : memref<!tpu.dma_semaphore, #tpu.memory_space<semaphore_mem>>)
    %scan3A = arith.constant 0 : i32
    %scan3A_11 = arith.constant 10 : i32
    %scan3A_12 = arith.addi %scan3A, %scan3A_11 : i32
    %scan3A_13 = arith.constant 1 : i32
    scf.for %scan3A_28 = %scan3A to %scan3A_12 step %scan3A_13  : i32 {
      %mul3A_29 = arith.constant 2 : i32
      %mul3A_30 = arith.muli %scan3A_28, %mul3A_29 : i32
      %add3A = arith.constant 0 : i32
      %add3A_31 = arith.addi %mul3A_30, %add3A : i32
      %rem3A_32 = arith.constant 20 : i32
      %rem3A_33 = arith.remsi %add3A_31, %rem3A_32 : i32
      %mul3A_34 = arith.constant 16000 : i32
      %mul3A_35 = arith.muli %rem3A_33, %mul3A_34 : i32
      %dma_wait3A_36 = arith.constant 0 : i32
      %dma_wait3A_37 = tpu.memref_slice %arg0[%mul3A_35, %dma_wait3A_36] : memref<320000x16xf32, #tpu.memory_space<any>> -> memref<16000x16xf32, #tpu.memory_space<any>>
      tpu.wait_dma2 semaphore(%arg7 : memref<!tpu.dma_semaphore, #tpu.memory_space<semaphore_mem>>) src(%dma_wait3A_37 : memref<16000x16xf32, #tpu.memory_space<any>>) dst(%arg4 : memref<16000x16xf32, #tpu.memory_space<vmem>>)
      %get3A = arith.constant 0 : index
      %get3A_38 = arith.constant 0 : index
      %get3A_39 = vector.load %arg1[%get3A, %get3A_38] : memref<16x12xf32, #tpu.memory_space<vmem>>, vector<16x12xf32>
      %get3A_40 = arith.constant 0 : index
      %get3A_41 = arith.constant 0 : index
      %get3A_42 = vector.load %arg4[%get3A_40, %get3A_41] : memref<16000x16xf32, #tpu.memory_space<vmem>>, vector<16000x16xf32>
      %dot_general3A = arith.constant dense<0.000000e+00> : vector<12x16000xf32>
      %dot_general3A_43 = tpu.matmul %get3A_39, %get3A_42, %dot_general3A {dimension_numbers = #tpu.dot_dimension_numbers<[0], [1], [1], [0], [0, 1, 1, 0], [], []>, transpose_lhs_hint = false} : vector<16x12xf32>, vector<16000x16xf32>, vector<12x16000xf32> -> vector<12x16000xf32>
      %get3A_44 = arith.constant 0 : index
      %get3A_45 = arith.constant 0 : index
      %get3A_46 = vector.load %arg2[%get3A_44, %get3A_45] : memref<12x1xf32, #tpu.memory_space<vmem>>, vector<12x1xf32>
      %add3A_47 = vector.broadcast %get3A_46 : vector<12x1xf32> to vector<12x16000xf32>
      %add3A_48 = arith.addf %dot_general3A_43, %add3A_47 : vector<12x16000xf32>
      %swap3A = arith.constant 0 : index
      %swap3A_49 = arith.constant 0 : index
      %swap3A_50 = vector.load %arg6[%swap3A, %swap3A_49] : memref<12x16000xf32, #tpu.memory_space<vmem>>, vector<12x16000xf32>
      tpu.vector_store %arg6[%swap3A, %swap3A_49], %add3A_48 {strides = array<i32>} : memref<12x16000xf32, #tpu.memory_space<vmem>>, vector<12x16000xf32>,
      %add3A_51 = arith.constant 2 : i32
      %add3A_52 = arith.addi %add3A_31, %add3A_51 : i32
      %rem3A_53 = arith.constant 20 : i32
      %rem3A_54 = arith.remsi %add3A_52, %rem3A_53 : i32
      %mul3A_55 = arith.constant 16000 : i32
      %mul3A_56 = arith.muli %rem3A_54, %mul3A_55 : i32
      %dma_start3A_57 = arith.constant 0 : i32
      %dma_start3A_58 = tpu.memref_slice %arg0[%mul3A_56, %dma_start3A_57] : memref<320000x16xf32, #tpu.memory_space<any>> -> memref<16000x16xf32, #tpu.memory_space<any>>
      tpu.enqueue_dma source(%dma_start3A_58 : memref<16000x16xf32, #tpu.memory_space<any>>) target(%arg4 : memref<16000x16xf32, #tpu.memory_space<vmem>>) target_semaphore(%arg7 : memref<!tpu.dma_semaphore, #tpu.memory_space<semaphore_mem>>)
      %mul3A_59 = arith.constant 16000 : i32
      %mul3A_60 = arith.muli %add3A_31, %mul3A_59 : i32
      %dma_start3A_61 = arith.constant 0 : i32
      %dma_start3A_62 = tpu.memref_slice %arg3[%dma_start3A_61, %mul3A_60] : memref<12x320000xf32, #tpu.memory_space<any>> -> memref<12x16000xf32, #tpu.memory_space<any>>
      tpu.enqueue_dma source(%arg6 : memref<12x16000xf32, #tpu.memory_space<vmem>>) target(%dma_start3A_62 : memref<12x16000xf32, #tpu.memory_space<any>>) target_semaphore(%arg8 : memref<!tpu.dma_semaphore, #tpu.memory_space<semaphore_mem>>)
      %dma_wait3A_63 = arith.constant 0 : i32
      %dma_wait3A_64 = tpu.memref_slice %arg3[%dma_wait3A_63, %mul3A_60] : memref<12x320000xf32, #tpu.memory_space<any>> -> memref<12x16000xf32, #tpu.memory_space<any>>
      tpu.wait_dma2 semaphore(%arg8 : memref<!tpu.dma_semaphore, #tpu.memory_space<semaphore_mem>>) src(%arg6 : memref<12x16000xf32, #tpu.memory_space<vmem>>) dst(%dma_wait3A_64 : memref<12x16000xf32, #tpu.memory_space<any>>)
      %mul3A_65 = arith.constant 2 : i32
      %mul3A_66 = arith.muli %scan3A_28, %mul3A_65 : i32
      %add3A_67 = arith.constant 1 : i32
      %add3A_68 = arith.addi %mul3A_66, %add3A_67 : i32
      %rem3A_69 = arith.constant 20 : i32
      %rem3A_70 = arith.remsi %add3A_68, %rem3A_69 : i32
      %mul3A_71 = arith.constant 16000 : i32
      %mul3A_72 = arith.muli %rem3A_70, %mul3A_71 : i32
      %dma_wait3A_73 = arith.constant 0 : i32
      %dma_wait3A_74 = tpu.memref_slice %arg0[%mul3A_72, %dma_wait3A_73] : memref<320000x16xf32, #tpu.memory_space<any>> -> memref<16000x16xf32, #tpu.memory_space<any>>
      tpu.wait_dma2 semaphore(%arg7 : memref<!tpu.dma_semaphore, #tpu.memory_space<semaphore_mem>>) src(%dma_wait3A_74 : memref<16000x16xf32, #tpu.memory_space<any>>) dst(%arg5 : memref<16000x16xf32, #tpu.memory_space<vmem>>)
      %get3A_75 = arith.constant 0 : index
      %get3A_76 = arith.constant 0 : index
      %get3A_77 = vector.load %arg1[%get3A_75, %get3A_76] : memref<16x12xf32, #tpu.memory_space<vmem>>, vector<16x12xf32>
      %get3A_78 = arith.constant 0 : index
      %get3A_79 = arith.constant 0 : index
      %get3A_80 = vector.load %arg5[%get3A_78, %get3A_79] : memref<16000x16xf32, #tpu.memory_space<vmem>>, vector<16000x16xf32>
      %dot_general3A_81 = arith.constant dense<0.000000e+00> : vector<12x16000xf32>
      %dot_general3A_82 = tpu.matmul %get3A_77, %get3A_80, %dot_general3A_81 {dimension_numbers = #tpu.dot_dimension_numbers<[0], [1], [1], [0], [0, 1, 1, 0], [], []>, transpose_lhs_hint = false} : vector<16x12xf32>, vector<16000x16xf32>, vector<12x16000xf32> -> vector<12x16000xf32>
      %get3A_83 = arith.constant 0 : index
      %get3A_84 = arith.constant 0 : index
      %get3A_85 = vector.load %arg2[%get3A_83, %get3A_84] : memref<12x1xf32, #tpu.memory_space<vmem>>, vector<12x1xf32>
      %add3A_86 = vector.broadcast %get3A_85 : vector<12x1xf32> to vector<12x16000xf32>
      %add3A_87 = arith.addf %dot_general3A_82, %add3A_86 : vector<12x16000xf32>
      %swap3A_88 = arith.constant 0 : index
      %swap3A_89 = arith.constant 0 : index
      %swap3A_90 = vector.load %arg6[%swap3A_88, %swap3A_89] : memref<12x16000xf32, #tpu.memory_space<vmem>>, vector<12x16000xf32>
      tpu.vector_store %arg6[%swap3A_88, %swap3A_89], %add3A_87 {strides = array<i32>} : memref<12x16000xf32, #tpu.memory_space<vmem>>, vector<12x16000xf32>,
      %add3A_91 = arith.constant 2 : i32
      %add3A_92 = arith.addi %add3A_68, %add3A_91 : i32
      %rem3A_93 = arith.constant 20 : i32
      %rem3A_94 = arith.remsi %add3A_92, %rem3A_93 : i32
      %mul3A_95 = arith.constant 16000 : i32
      %mul3A_96 = arith.muli %rem3A_94, %mul3A_95 : i32
      %dma_start3A_97 = arith.constant 0 : i32
      %dma_start3A_98 = tpu.memref_slice %arg0[%mul3A_96, %dma_start3A_97] : memref<320000x16xf32, #tpu.memory_space<any>> -> memref<16000x16xf32, #tpu.memory_space<any>>
      tpu.enqueue_dma source(%dma_start3A_98 : memref<16000x16xf32, #tpu.memory_space<any>>) target(%arg5 : memref<16000x16xf32, #tpu.memory_space<vmem>>) target_semaphore(%arg7 : memref<!tpu.dma_semaphore, #tpu.memory_space<semaphore_mem>>)
      %mul3A_99 = arith.constant 16000 : i32
      %mul3A_100 = arith.muli %add3A_68, %mul3A_99 : i32
      %dma_start3A_101 = arith.constant 0 : i32
      %dma_start3A_102 = tpu.memref_slice %arg3[%dma_start3A_101, %mul3A_100] : memref<12x320000xf32, #tpu.memory_space<any>> -> memref<12x16000xf32, #tpu.memory_space<any>>
      tpu.enqueue_dma source(%arg6 : memref<12x16000xf32, #tpu.memory_space<vmem>>) target(%dma_start3A_102 : memref<12x16000xf32, #tpu.memory_space<any>>) target_semaphore(%arg8 : memref<!tpu.dma_semaphore, #tpu.memory_space<semaphore_mem>>)
      %dma_wait3A_103 = arith.constant 0 : i32
      %dma_wait3A_104 = tpu.memref_slice %arg3[%dma_wait3A_103, %mul3A_100] : memref<12x320000xf32, #tpu.memory_space<any>> -> memref<12x16000xf32, #tpu.memory_space<any>>
      tpu.wait_dma2 semaphore(%arg8 : memref<!tpu.dma_semaphore, #tpu.memory_space<semaphore_mem>>) src(%arg6 : memref<12x16000xf32, #tpu.memory_space<vmem>>) dst(%dma_wait3A_104 : memref<12x16000xf32, #tpu.memory_space<any>>)
    }
    %scan3A_14 = arith.constant 10 : i32
    %rem3A_15 = arith.constant 0 : i32
    %rem3A_16 = arith.constant 20 : i32
    %rem3A_17 = arith.remsi %rem3A_15, %rem3A_16 : i32
    %mul3A_18 = arith.constant 16000 : i32
    %mul3A_19 = arith.muli %rem3A_17, %mul3A_18 : i32
    %dma_wait3A = arith.constant 0 : i32
    %dma_wait3A_20 = tpu.memref_slice %arg0[%mul3A_19, %dma_wait3A] : memref<320000x16xf32, #tpu.memory_space<any>> -> memref<16000x16xf32, #tpu.memory_space<any>>
    tpu.wait_dma2 semaphore(%arg7 : memref<!tpu.dma_semaphore, #tpu.memory_space<semaphore_mem>>) src(%dma_wait3A_20 : memref<16000x16xf32, #tpu.memory_space<any>>) dst(%arg4 : memref<16000x16xf32, #tpu.memory_space<vmem>>)
    %rem3A_21 = arith.constant 1 : i32
    %rem3A_22 = arith.constant 20 : i32
    %rem3A_23 = arith.remsi %rem3A_21, %rem3A_22 : i32
    %mul3A_24 = arith.constant 16000 : i32
    %mul3A_25 = arith.muli %rem3A_23, %mul3A_24 : i32
    %dma_wait3A_26 = arith.constant 0 : i32
    %dma_wait3A_27 = tpu.memref_slice %arg0[%mul3A_25, %dma_wait3A_26] : memref<320000x16xf32, #tpu.memory_space<any>> -> memref<16000x16xf32, #tpu.memory_space<any>>
    tpu.wait_dma2 semaphore(%arg7 : memref<!tpu.dma_semaphore, #tpu.memory_space<semaphore_mem>>) src(%dma_wait3A_27 : memref<16000x16xf32, #tpu.memory_space<any>>) dst(%arg5 : memref<16000x16xf32, #tpu.memory_space<vmem>>)
    return
  }
}

module attributes {stable_mosaic.version = 14 : i64} {
  func.func @_enc_body(%arg0: memref<10000x128xf32, #tpu.memory_space<vmem>>, %arg1: memref<128x64xf32, #tpu.memory_space<vmem>>, %arg2: memref<1x64xf32, #tpu.memory_space<vmem>>, %arg3: memref<64x64xf32, #tpu.memory_space<vmem>>, %arg4: memref<1x64xf32, #tpu.memory_space<vmem>>, %arg5: memref<64x64xf32, #tpu.memory_space<vmem>>, %arg6: memref<64x4xf32, #tpu.memory_space<vmem>>, %arg7: memref<64x4xf32, #tpu.memory_space<vmem>>, %arg8: memref<10000x64xf32, #tpu.memory_space<vmem>>, %arg9: memref<64x10000xf32, #tpu.memory_space<vmem>>, %arg10: memref<4x10000xf32, #tpu.memory_space<vmem>>, %arg11: memref<4x10000xf32, #tpu.memory_space<vmem>>) attributes {dimension_semantics = [], scalar_prefetch = 0 : i64, scratch_operands = 0 : i64, tpu.core_type = #tpu.core_type<tc>} {
    %get3A = arith.constant 0 : index
    %get3A_0 = arith.constant 0 : index
    %get3A_1 = vector.load %arg0[%get3A, %get3A_0] : memref<10000x128xf32, #tpu.memory_space<vmem>>, vector<10000x128xf32>
    %get3A_2 = arith.constant 0 : index
    %get3A_3 = arith.constant 0 : index
    %get3A_4 = vector.load %arg1[%get3A_2, %get3A_3] : memref<128x64xf32, #tpu.memory_space<vmem>>, vector<128x64xf32>
    %dot_general3A = arith.constant dense<0.000000e+00> : vector<10000x64xf32>
    %dot_general3A_5 = tpu.matmul %get3A_1, %get3A_4, %dot_general3A {dimension_numbers = #tpu.dot_dimension_numbers<[1], [0], [0], [1], [0, 0, 1, 1], [], []>, transpose_lhs_hint = false} : vector<10000x128xf32>, vector<128x64xf32>, vector<10000x64xf32> -> vector<10000x64xf32>
    %get3A_6 = arith.constant 0 : index
    %get3A_7 = arith.constant 0 : index
    %get3A_8 = vector.load %arg2[%get3A_6, %get3A_7] : memref<1x64xf32, #tpu.memory_space<vmem>>, vector<1x64xf32>
    %add3A = vector.broadcast %get3A_8 : vector<1x64xf32> to vector<10000x64xf32>
    %add3A_9 = arith.addf %dot_general3A_5, %add3A : vector<10000x64xf32>
    %max3A = arith.constant 0.000000e+00 : f32
    %max3A_10 = vector.broadcast %max3A : f32 to vector<10000x64xf32>
    %max3A_11 = arith.maximumf %add3A_9, %max3A_10 : vector<10000x64xf32>
    %get3A_12 = arith.constant 0 : index
    %get3A_13 = arith.constant 0 : index
    %get3A_14 = vector.load %arg3[%get3A_12, %get3A_13] : memref<64x64xf32, #tpu.memory_space<vmem>>, vector<64x64xf32>
    %dot_general3A_15 = arith.constant dense<0.000000e+00> : vector<10000x64xf32>
    %dot_general3A_16 = tpu.matmul %max3A_11, %get3A_14, %dot_general3A_15 {dimension_numbers = #tpu.dot_dimension_numbers<[1], [0], [0], [1], [0, 0, 1, 1], [], []>, transpose_lhs_hint = false} : vector<10000x64xf32>, vector<64x64xf32>, vector<10000x64xf32> -> vector<10000x64xf32>
    %get3A_17 = arith.constant 0 : index
    %get3A_18 = arith.constant 0 : index
    %get3A_19 = vector.load %arg4[%get3A_17, %get3A_18] : memref<1x64xf32, #tpu.memory_space<vmem>>, vector<1x64xf32>
    %add3A_20 = vector.broadcast %get3A_19 : vector<1x64xf32> to vector<10000x64xf32>
    %add3A_21 = arith.addf %dot_general3A_16, %add3A_20 : vector<10000x64xf32>
    %swap3A = arith.constant 0 : index
    %swap3A_22 = arith.constant 0 : index
    %swap3A_23 = vector.load %arg8[%swap3A, %swap3A_22] : memref<10000x64xf32, #tpu.memory_space<vmem>>, vector<10000x64xf32>
    tpu.vector_store %arg8[%swap3A, %swap3A_22], %add3A_21 {strides = array<i32>} : memref<10000x64xf32, #tpu.memory_space<vmem>>, vector<10000x64xf32>,
    %get3A_24 = arith.constant 0 : index
    %get3A_25 = arith.constant 0 : index
    %get3A_26 = vector.load %arg5[%get3A_24, %get3A_25] : memref<64x64xf32, #tpu.memory_space<vmem>>, vector<64x64xf32>
    %dot_general3A_27 = arith.constant dense<0.000000e+00> : vector<64x10000xf32>
    %dot_general3A_28 = tpu.matmul %get3A_26, %add3A_21, %dot_general3A_27 {dimension_numbers = #tpu.dot_dimension_numbers<[0], [1], [1], [0], [0, 1, 1, 0], [], []>, transpose_lhs_hint = false} : vector<64x64xf32>, vector<10000x64xf32>, vector<64x10000xf32> -> vector<64x10000xf32>
    %swap3A_29 = arith.constant 0 : index
    %swap3A_30 = arith.constant 0 : index
    %swap3A_31 = vector.load %arg9[%swap3A_29, %swap3A_30] : memref<64x10000xf32, #tpu.memory_space<vmem>>, vector<64x10000xf32>
    tpu.vector_store %arg9[%swap3A_29, %swap3A_30], %dot_general3A_28 {strides = array<i32>} : memref<64x10000xf32, #tpu.memory_space<vmem>>, vector<64x10000xf32>,
    %get3A_32 = arith.constant 0 : index
    %get3A_33 = arith.constant 0 : index
    %get3A_34 = vector.load %arg6[%get3A_32, %get3A_33] : memref<64x4xf32, #tpu.memory_space<vmem>>, vector<64x4xf32>
    %dot_general3A_35 = arith.constant dense<0.000000e+00> : vector<4x10000xf32>
    %dot_general3A_36 = tpu.matmul %get3A_34, %dot_general3A_28, %dot_general3A_35 {dimension_numbers = #tpu.dot_dimension_numbers<[0], [0], [1], [1], [0, 1, 1, 1], [], []>, transpose_lhs_hint = false} : vector<64x4xf32>, vector<64x10000xf32>, vector<4x10000xf32> -> vector<4x10000xf32>
    %swap3A_37 = arith.constant 0 : index
    %swap3A_38 = arith.constant 0 : index
    %swap3A_39 = vector.load %arg10[%swap3A_37, %swap3A_38] : memref<4x10000xf32, #tpu.memory_space<vmem>>, vector<4x10000xf32>
    tpu.vector_store %arg10[%swap3A_37, %swap3A_38], %dot_general3A_36 {strides = array<i32>} : memref<4x10000xf32, #tpu.memory_space<vmem>>, vector<4x10000xf32>,
    %get3A_40 = arith.constant 0 : index
    %get3A_41 = arith.constant 0 : index
    %get3A_42 = vector.load %arg7[%get3A_40, %get3A_41] : memref<64x4xf32, #tpu.memory_space<vmem>>, vector<64x4xf32>
    %dot_general3A_43 = arith.constant dense<0.000000e+00> : vector<4x10000xf32>
    %dot_general3A_44 = tpu.matmul %get3A_42, %dot_general3A_28, %dot_general3A_43 {dimension_numbers = #tpu.dot_dimension_numbers<[0], [0], [1], [1], [0, 1, 1, 1], [], []>, transpose_lhs_hint = false} : vector<64x4xf32>, vector<64x10000xf32>, vector<4x10000xf32> -> vector<4x10000xf32>
    %swap3A_45 = arith.constant 0 : index
    %swap3A_46 = arith.constant 0 : index
    %swap3A_47 = vector.load %arg11[%swap3A_45, %swap3A_46] : memref<4x10000xf32, #tpu.memory_space<vmem>>, vector<4x10000xf32>
    tpu.vector_store %arg11[%swap3A_45, %swap3A_46], %dot_general3A_44 {strides = array<i32>} : memref<4x10000xf32, #tpu.memory_space<vmem>>, vector<4x10000xf32>,
    return
  }
}

module attributes {stable_mosaic.version = 14 : i64} {
  func.func @_comb_body(%arg0: memref<10000x64xf32, #tpu.memory_space<vmem>>, %arg1: memref<128x10000xf32, #tpu.memory_space<vmem>>, %arg2: memref<8x10000xf32, #tpu.memory_space<vmem>>, %arg3: memref<64x64xf32, #tpu.memory_space<vmem>>, %arg4: memref<4x64xf32, #tpu.memory_space<vmem>>, %arg5: memref<1x64xf32, #tpu.memory_space<vmem>>, %arg6: memref<1x64xf32, #tpu.memory_space<vmem>>, %arg7: memref<64x64xf32, #tpu.memory_space<vmem>>, %arg8: memref<64x4xf32, #tpu.memory_space<vmem>>, %arg9: memref<64x4xf32, #tpu.memory_space<vmem>>, %arg10: memref<10000x64xf32, #tpu.memory_space<vmem>>, %arg11: memref<64x10000xf32, #tpu.memory_space<vmem>>, %arg12: memref<4x10000xf32, #tpu.memory_space<vmem>>, %arg13: memref<4x10000xf32, #tpu.memory_space<vmem>>) attributes {dimension_semantics = [], scalar_prefetch = 0 : i64, scratch_operands = 0 : i64, tpu.core_type = #tpu.core_type<tc>} {
    %get3A = arith.constant 0 : index
    %get3A_0 = arith.constant 0 : index
    %get3A_1 = vector.load %arg1[%get3A, %get3A_0] : memref<128x10000xf32, #tpu.memory_space<vmem>>, vector<64x10000xf32>
    %get3A_2 = arith.constant 64 : index
    %get3A_3 = arith.constant 0 : index
    %get3A_4 = vector.load %arg1[%get3A_2, %get3A_3] : memref<128x10000xf32, #tpu.memory_space<vmem>>, vector<64x10000xf32>
    %add3A = arith.addf %get3A_1, %get3A_4 : vector<64x10000xf32>
    %get3A_5 = arith.constant 0 : index
    %get3A_6 = arith.constant 0 : index
    %get3A_7 = vector.load %arg2[%get3A_5, %get3A_6] : memref<8x10000xf32, #tpu.memory_space<vmem>>, vector<4x10000xf32>
    %get3A_8 = arith.constant 4 : index
    %get3A_9 = arith.constant 0 : index
    %get3A_10 = vector.load %arg2[%get3A_8, %get3A_9] : memref<8x10000xf32, #tpu.memory_space<vmem>>, vector<4x10000xf32>
    %add3A_11 = arith.addf %get3A_7, %get3A_10 : vector<4x10000xf32>
    %get3A_12 = arith.constant 0 : index
    %get3A_13 = arith.constant 0 : index
    %get3A_14 = vector.load %arg3[%get3A_12, %get3A_13] : memref<64x64xf32, #tpu.memory_space<vmem>>, vector<64x64xf32>
    %dot_general3A = arith.constant dense<0.000000e+00> : vector<10000x64xf32>
    %dot_general3A_15 = tpu.matmul %add3A, %get3A_14, %dot_general3A {dimension_numbers = #tpu.dot_dimension_numbers<[0], [0], [1], [1], [0, 1, 1, 1], [], []>, transpose_lhs_hint = false} : vector<64x10000xf32>, vector<64x64xf32>, vector<10000x64xf32> -> vector<10000x64xf32>
    %add3A_16 = arith.constant 1.000000e-16 : f32
    %add3A_17 = vector.broadcast %add3A_16 : f32 to vector<4x10000xf32>
    %add3A_18 = arith.addf %add3A_11, %add3A_17 : vector<4x10000xf32>
    %get3A_19 = arith.constant 0 : index
    %get3A_20 = arith.constant 0 : index
    %get3A_21 = vector.load %arg4[%get3A_19, %get3A_20] : memref<4x64xf32, #tpu.memory_space<vmem>>, vector<4x64xf32>
    %dot_general3A_22 = arith.constant dense<0.000000e+00> : vector<10000x64xf32>
    %dot_general3A_23 = tpu.matmul %add3A_18, %get3A_21, %dot_general3A_22 {dimension_numbers = #tpu.dot_dimension_numbers<[0], [0], [1], [1], [0, 1, 1, 1], [], []>, transpose_lhs_hint = false} : vector<4x10000xf32>, vector<4x64xf32>, vector<10000x64xf32> -> vector<10000x64xf32>
    %div3A = arith.divf %dot_general3A_15, %dot_general3A_23 : vector<10000x64xf32>
    %get3A_24 = arith.constant 0 : index
    %get3A_25 = arith.constant 0 : index
    %get3A_26 = vector.load %arg0[%get3A_24, %get3A_25] : memref<10000x64xf32, #tpu.memory_space<vmem>>, vector<10000x64xf32>
    %gt3A = arith.constant 0.000000e+00 : f32
    %gt3A_27 = vector.broadcast %gt3A : f32 to vector<10000x64xf32>
    %gt3A_28 = arith.cmpf ogt, %div3A, %gt3A_27 : vector<10000x64xf32>
    %exp3A = math.exp %div3A : vector<10000x64xf32>
    %sub3A = arith.constant 1.000000e+00 : f32
    %sub3A_29 = vector.broadcast %sub3A : f32 to vector<10000x64xf32>
    %sub3A_30 = arith.subf %exp3A, %sub3A_29 : vector<10000x64xf32>
    %select_n3A = arith.select %gt3A_28, %div3A, %sub3A_30 : vector<10000x64xi1>, vector<10000x64xf32>
    %add3A_31 = arith.addf %get3A_26, %select_n3A : vector<10000x64xf32>
    %reduce_sum3A = arith.constant dense<0.000000e+00> : vector<10000xf32>
    %reduce_sum3A_32 = vector.multi_reduction <add>, %add3A_31, %reduce_sum3A [1] : vector<10000x64xf32> to vector<10000xf32>
    %broadcast_in_dim3A = vector.shape_cast %reduce_sum3A_32 : vector<10000xf32> to vector<10000x1xf32>
    %div3A_33 = arith.constant 6.400000e+01 : f32
    %div3A_34 = vector.broadcast %div3A_33 : f32 to vector<10000x1xf32>
    %div3A_35 = arith.divf %broadcast_in_dim3A, %div3A_34 : vector<10000x1xf32>
    %sub3A_36 = vector.broadcast %div3A_35 : vector<10000x1xf32> to vector<10000x64xf32>
    %sub3A_37 = arith.subf %add3A_31, %sub3A_36 : vector<10000x64xf32>
    %integer_pow3A = arith.mulf %sub3A_37, %sub3A_37 : vector<10000x64xf32>
    %reduce_sum3A_38 = arith.constant dense<0.000000e+00> : vector<10000xf32>
    %reduce_sum3A_39 = vector.multi_reduction <add>, %integer_pow3A, %reduce_sum3A_38 [1] : vector<10000x64xf32> to vector<10000xf32>
    %broadcast_in_dim3A_40 = vector.shape_cast %reduce_sum3A_39 : vector<10000xf32> to vector<10000x1xf32>
    %div3A_41 = arith.constant 6.400000e+01 : f32
    %div3A_42 = vector.broadcast %div3A_41 : f32 to vector<10000x1xf32>
    %div3A_43 = arith.divf %broadcast_in_dim3A_40, %div3A_42 : vector<10000x1xf32>
    %sub3A_44 = vector.broadcast %div3A_35 : vector<10000x1xf32> to vector<10000x64xf32>
    %sub3A_45 = arith.subf %add3A_31, %sub3A_44 : vector<10000x64xf32>
    %add3A_46 = arith.constant 9.99999974E-6 : f32
    %add3A_47 = vector.broadcast %add3A_46 : f32 to vector<10000x1xf32>
    %add3A_48 = arith.addf %div3A_43, %add3A_47 : vector<10000x1xf32>
    %sqrt3A = math.sqrt %add3A_48 : vector<10000x1xf32>
    %div3A_49 = vector.broadcast %sqrt3A : vector<10000x1xf32> to vector<10000x64xf32>
    %div3A_50 = arith.divf %sub3A_45, %div3A_49 : vector<10000x64xf32>
    %get3A_51 = arith.constant 0 : index
    %get3A_52 = arith.constant 0 : index
    %get3A_53 = vector.load %arg5[%get3A_51, %get3A_52] : memref<1x64xf32, #tpu.memory_space<vmem>>, vector<1x64xf32>
    %mul3A = vector.broadcast %get3A_53 : vector<1x64xf32> to vector<10000x64xf32>
    %mul3A_54 = arith.mulf %div3A_50, %mul3A : vector<10000x64xf32>
    %get3A_55 = arith.constant 0 : index
    %get3A_56 = arith.constant 0 : index
    %get3A_57 = vector.load %arg6[%get3A_55, %get3A_56] : memref<1x64xf32, #tpu.memory_space<vmem>>, vector<1x64xf32>
    %add3A_58 = vector.broadcast %get3A_57 : vector<1x64xf32> to vector<10000x64xf32>
    %add3A_59 = arith.addf %mul3A_54, %add3A_58 : vector<10000x64xf32>
    %swap3A = arith.constant 0 : index
    %swap3A_60 = arith.constant 0 : index
    %swap3A_61 = vector.load %arg10[%swap3A, %swap3A_60] : memref<10000x64xf32, #tpu.memory_space<vmem>>, vector<10000x64xf32>
    tpu.vector_store %arg10[%swap3A, %swap3A_60], %add3A_59 {strides = array<i32>} : memref<10000x64xf32, #tpu.memory_space<vmem>>, vector<10000x64xf32>,
    %get3A_62 = arith.constant 0 : index
    %get3A_63 = arith.constant 0 : index
    %get3A_64 = vector.load %arg7[%get3A_62, %get3A_63] : memref<64x64xf32, #tpu.memory_space<vmem>>, vector<64x64xf32>
    %dot_general3A_65 = arith.constant dense<0.000000e+00> : vector<64x10000xf32>
    %dot_general3A_66 = tpu.matmul %get3A_64, %add3A_59, %dot_general3A_65 {dimension_numbers = #tpu.dot_dimension_numbers<[0], [1], [1], [0], [0, 1, 1, 0], [], []>, transpose_lhs_hint = false} : vector<64x64xf32>, vector<10000x64xf32>, vector<64x10000xf32> -> vector<64x10000xf32>
    %swap3A_67 = arith.constant 0 : index
    %swap3A_68 = arith.constant 0 : index
    %swap3A_69 = vector.load %arg11[%swap3A_67, %swap3A_68] : memref<64x10000xf32, #tpu.memory_space<vmem>>, vector<64x10000xf32>
    tpu.vector_store %arg11[%swap3A_67, %swap3A_68], %dot_general3A_66 {strides = array<i32>} : memref<64x10000xf32, #tpu.memory_space<vmem>>, vector<64x10000xf32>,
    %get3A_70 = arith.constant 0 : index
    %get3A_71 = arith.constant 0 : index
    %get3A_72 = vector.load %arg8[%get3A_70, %get3A_71] : memref<64x4xf32, #tpu.memory_space<vmem>>, vector<64x4xf32>
    %dot_general3A_73 = arith.constant dense<0.000000e+00> : vector<4x10000xf32>
    %dot_general3A_74 = tpu.matmul %get3A_72, %dot_general3A_66, %dot_general3A_73 {dimension_numbers = #tpu.dot_dimension_numbers<[0], [0], [1], [1], [0, 1, 1, 1], [], []>, transpose_lhs_hint = false} : vector<64x4xf32>, vector<64x10000xf32>, vector<4x10000xf32> -> vector<4x10000xf32>
    %swap3A_75 = arith.constant 0 : index
    %swap3A_76 = arith.constant 0 : index
    %swap3A_77 = vector.load %arg12[%swap3A_75, %swap3A_76] : memref<4x10000xf32, #tpu.memory_space<vmem>>, vector<4x10000xf32>
    tpu.vector_store %arg12[%swap3A_75, %swap3A_76], %dot_general3A_74 {strides = array<i32>} : memref<4x10000xf32, #tpu.memory_space<vmem>>, vector<4x10000xf32>,
    %get3A_78 = arith.constant 0 : index
    %get3A_79 = arith.constant 0 : index
    %get3A_80 = vector.load %arg9[%get3A_78, %get3A_79] : memref<64x4xf32, #tpu.memory_space<vmem>>, vector<64x4xf32>
    %dot_general3A_81 = arith.constant dense<0.000000e+00> : vector<4x10000xf32>
    %dot_general3A_82 = tpu.matmul %get3A_80, %dot_general3A_66, %dot_general3A_81 {dimension_numbers = #tpu.dot_dimension_numbers<[0], [0], [1], [1], [0, 1, 1, 1], [], []>, transpose_lhs_hint = false} : vector<64x4xf32>, vector<64x10000xf32>, vector<4x10000xf32> -> vector<4x10000xf32>
    %swap3A_83 = arith.constant 0 : index
    %swap3A_84 = arith.constant 0 : index
    %swap3A_85 = vector.load %arg13[%swap3A_83, %swap3A_84] : memref<4x10000xf32, #tpu.memory_space<vmem>>, vector<4x10000xf32>
    tpu.vector_store %arg13[%swap3A_83, %swap3A_84], %dot_general3A_82 {strides = array<i32>} : memref<4x10000xf32, #tpu.memory_space<vmem>>, vector<4x10000xf32>,
    return
  }
}

module attributes {stable_mosaic.version = 14 : i64} {
  func.func @_final_body(%arg0: memref<10000x64xf32, #tpu.memory_space<vmem>>, %arg1: memref<128x10000xf32, #tpu.memory_space<vmem>>, %arg2: memref<8x10000xf32, #tpu.memory_space<vmem>>, %arg3: memref<64x64xf32, #tpu.memory_space<vmem>>, %arg4: memref<4x64xf32, #tpu.memory_space<vmem>>, %arg5: memref<1x64xf32, #tpu.memory_space<vmem>>, %arg6: memref<1x64xf32, #tpu.memory_space<vmem>>, %arg7: memref<64x64xf32, #tpu.memory_space<vmem>>, %arg8: memref<1x64xf32, #tpu.memory_space<vmem>>, %arg9: memref<10000x64xf32, #tpu.memory_space<vmem>>) attributes {dimension_semantics = [], scalar_prefetch = 0 : i64, scratch_operands = 0 : i64, tpu.core_type = #tpu.core_type<tc>} {
    %get3A = arith.constant 0 : index
    %get3A_0 = arith.constant 0 : index
    %get3A_1 = vector.load %arg1[%get3A, %get3A_0] : memref<128x10000xf32, #tpu.memory_space<vmem>>, vector<64x10000xf32>
    %get3A_2 = arith.constant 64 : index
    %get3A_3 = arith.constant 0 : index
    %get3A_4 = vector.load %arg1[%get3A_2, %get3A_3] : memref<128x10000xf32, #tpu.memory_space<vmem>>, vector<64x10000xf32>
    %add3A = arith.addf %get3A_1, %get3A_4 : vector<64x10000xf32>
    %get3A_5 = arith.constant 0 : index
    %get3A_6 = arith.constant 0 : index
    %get3A_7 = vector.load %arg2[%get3A_5, %get3A_6] : memref<8x10000xf32, #tpu.memory_space<vmem>>, vector<4x10000xf32>
    %get3A_8 = arith.constant 4 : index
    %get3A_9 = arith.constant 0 : index
    %get3A_10 = vector.load %arg2[%get3A_8, %get3A_9] : memref<8x10000xf32, #tpu.memory_space<vmem>>, vector<4x10000xf32>
    %add3A_11 = arith.addf %get3A_7, %get3A_10 : vector<4x10000xf32>
    %get3A_12 = arith.constant 0 : index
    %get3A_13 = arith.constant 0 : index
    %get3A_14 = vector.load %arg3[%get3A_12, %get3A_13] : memref<64x64xf32, #tpu.memory_space<vmem>>, vector<64x64xf32>
    %dot_general3A = arith.constant dense<0.000000e+00> : vector<10000x64xf32>
    %dot_general3A_15 = tpu.matmul %add3A, %get3A_14, %dot_general3A {dimension_numbers = #tpu.dot_dimension_numbers<[0], [0], [1], [1], [0, 1, 1, 1], [], []>, transpose_lhs_hint = false} : vector<64x10000xf32>, vector<64x64xf32>, vector<10000x64xf32> -> vector<10000x64xf32>
    %add3A_16 = arith.constant 1.000000e-16 : f32
    %add3A_17 = vector.broadcast %add3A_16 : f32 to vector<4x10000xf32>
    %add3A_18 = arith.addf %add3A_11, %add3A_17 : vector<4x10000xf32>
    %get3A_19 = arith.constant 0 : index
    %get3A_20 = arith.constant 0 : index
    %get3A_21 = vector.load %arg4[%get3A_19, %get3A_20] : memref<4x64xf32, #tpu.memory_space<vmem>>, vector<4x64xf32>
    %dot_general3A_22 = arith.constant dense<0.000000e+00> : vector<10000x64xf32>
    %dot_general3A_23 = tpu.matmul %add3A_18, %get3A_21, %dot_general3A_22 {dimension_numbers = #tpu.dot_dimension_numbers<[0], [0], [1], [1], [0, 1, 1, 1], [], []>, transpose_lhs_hint = false} : vector<4x10000xf32>, vector<4x64xf32>, vector<10000x64xf32> -> vector<10000x64xf32>
    %div3A = arith.divf %dot_general3A_15, %dot_general3A_23 : vector<10000x64xf32>
    %get3A_24 = arith.constant 0 : index
    %get3A_25 = arith.constant 0 : index
    %get3A_26 = vector.load %arg0[%get3A_24, %get3A_25] : memref<10000x64xf32, #tpu.memory_space<vmem>>, vector<10000x64xf32>
    %gt3A = arith.constant 0.000000e+00 : f32
    %gt3A_27 = vector.broadcast %gt3A : f32 to vector<10000x64xf32>
    %gt3A_28 = arith.cmpf ogt, %div3A, %gt3A_27 : vector<10000x64xf32>
    %exp3A = math.exp %div3A : vector<10000x64xf32>
    %sub3A = arith.constant 1.000000e+00 : f32
    %sub3A_29 = vector.broadcast %sub3A : f32 to vector<10000x64xf32>
    %sub3A_30 = arith.subf %exp3A, %sub3A_29 : vector<10000x64xf32>
    %select_n3A = arith.select %gt3A_28, %div3A, %sub3A_30 : vector<10000x64xi1>, vector<10000x64xf32>
    %add3A_31 = arith.addf %get3A_26, %select_n3A : vector<10000x64xf32>
    %reduce_sum3A = arith.constant dense<0.000000e+00> : vector<10000xf32>
    %reduce_sum3A_32 = vector.multi_reduction <add>, %add3A_31, %reduce_sum3A [1] : vector<10000x64xf32> to vector<10000xf32>
    %broadcast_in_dim3A = vector.shape_cast %reduce_sum3A_32 : vector<10000xf32> to vector<10000x1xf32>
    %div3A_33 = arith.constant 6.400000e+01 : f32
    %div3A_34 = vector.broadcast %div3A_33 : f32 to vector<10000x1xf32>
    %div3A_35 = arith.divf %broadcast_in_dim3A, %div3A_34 : vector<10000x1xf32>
    %sub3A_36 = vector.broadcast %div3A_35 : vector<10000x1xf32> to vector<10000x64xf32>
    %sub3A_37 = arith.subf %add3A_31, %sub3A_36 : vector<10000x64xf32>
    %integer_pow3A = arith.mulf %sub3A_37, %sub3A_37 : vector<10000x64xf32>
    %reduce_sum3A_38 = arith.constant dense<0.000000e+00> : vector<10000xf32>
    %reduce_sum3A_39 = vector.multi_reduction <add>, %integer_pow3A, %reduce_sum3A_38 [1] : vector<10000x64xf32> to vector<10000xf32>
    %broadcast_in_dim3A_40 = vector.shape_cast %reduce_sum3A_39 : vector<10000xf32> to vector<10000x1xf32>
    %div3A_41 = arith.constant 6.400000e+01 : f32
    %div3A_42 = vector.broadcast %div3A_41 : f32 to vector<10000x1xf32>
    %div3A_43 = arith.divf %broadcast_in_dim3A_40, %div3A_42 : vector<10000x1xf32>
    %sub3A_44 = vector.broadcast %div3A_35 : vector<10000x1xf32> to vector<10000x64xf32>
    %sub3A_45 = arith.subf %add3A_31, %sub3A_44 : vector<10000x64xf32>
    %add3A_46 = arith.constant 9.99999974E-6 : f32
    %add3A_47 = vector.broadcast %add3A_46 : f32 to vector<10000x1xf32>
    %add3A_48 = arith.addf %div3A_43, %add3A_47 : vector<10000x1xf32>
    %sqrt3A = math.sqrt %add3A_48 : vector<10000x1xf32>
    %div3A_49 = vector.broadcast %sqrt3A : vector<10000x1xf32> to vector<10000x64xf32>
    %div3A_50 = arith.divf %sub3A_45, %div3A_49 : vector<10000x64xf32>
    %get3A_51 = arith.constant 0 : index
    %get3A_52 = arith.constant 0 : index
    %get3A_53 = vector.load %arg5[%get3A_51, %get3A_52] : memref<1x64xf32, #tpu.memory_space<vmem>>, vector<1x64xf32>
    %mul3A = vector.broadcast %get3A_53 : vector<1x64xf32> to vector<10000x64xf32>
    %mul3A_54 = arith.mulf %div3A_50, %mul3A : vector<10000x64xf32>
    %get3A_55 = arith.constant 0 : index
    %get3A_56 = arith.constant 0 : index
    %get3A_57 = vector.load %arg6[%get3A_55, %get3A_56] : memref<1x64xf32, #tpu.memory_space<vmem>>, vector<1x64xf32>
    %add3A_58 = vector.broadcast %get3A_57 : vector<1x64xf32> to vector<10000x64xf32>
    %add3A_59 = arith.addf %mul3A_54, %add3A_58 : vector<10000x64xf32>
    %get3A_60 = arith.constant 0 : index
    %get3A_61 = arith.constant 0 : index
    %get3A_62 = vector.load %arg7[%get3A_60, %get3A_61] : memref<64x64xf32, #tpu.memory_space<vmem>>, vector<64x64xf32>
    %dot_general3A_63 = arith.constant dense<0.000000e+00> : vector<10000x64xf32>
    %dot_general3A_64 = tpu.matmul %add3A_59, %get3A_62, %dot_general3A_63 {dimension_numbers = #tpu.dot_dimension_numbers<[1], [0], [0], [1], [0, 0, 1, 1], [], []>, transpose_lhs_hint = false} : vector<10000x64xf32>, vector<64x64xf32>, vector<10000x64xf32> -> vector<10000x64xf32>
    %get3A_65 = arith.constant 0 : index
    %get3A_66 = arith.constant 0 : index
    %get3A_67 = vector.load %arg8[%get3A_65, %get3A_66] : memref<1x64xf32, #tpu.memory_space<vmem>>, vector<1x64xf32>
    %add3A_68 = vector.broadcast %get3A_67 : vector<1x64xf32> to vector<10000x64xf32>
    %add3A_69 = arith.addf %dot_general3A_64, %add3A_68 : vector<10000x64xf32>
    %swap3A = arith.constant 0 : index
    %swap3A_70 = arith.constant 0 : index
    %swap3A_71 = vector.load %arg9[%swap3A, %swap3A_70] : memref<10000x64xf32, #tpu.memory_space<vmem>>, vector<10000x64xf32>
    tpu.vector_store %arg9[%swap3A, %swap3A_70], %add3A_69 {strides = array<i32>} : memref<10000x64xf32, #tpu.memory_space<vmem>>, vector<10000x64xf32>,
    return
  }
}

</mosaic_0001>

<sc_bundles>
// kernel: kernel.10.cloned.1.call-start
scs
__scs_entry_jumppad:
0x0: {  	(pc) =	sbr.rel $0x88, $3  }
0x1: {  	(tag) =	ssettag $0x0;
	lr =	simm.s32 $0x1  }
0x2: {  	[smem:$0x3F90] =	sst lr;
	_ =	strace $0xD0000000  }
0x3: {  	_ = 	snop  }
0x4: {  	_ = 	snop  }
0x5: {  	_ = 	snop  }
0x6: {  	_ = 	snop  }
0x7: {  	_ = 	snop  }
__scs_overlays_trampoline_lowered:
0x8: {  	[smem:$0x3F9F] =	sst s0  }
0x9: {  	[smem:$0x3FA0] =	sst s1  }
0xa: {  	[smem:$0x3FA1] =	sst s2  }
0xb: {  	[smem:$0x3FA2] =	sst s3  }
0xc: {  	[smem:$0x3FA3] =	sst s4  }
0xd: {  	[smem:$0x3FA4] =	sst s5  }
0xe: {  	[smem:$0x3FA5] =	sst s6  }
0xf: {  	[smem:$0x3FA6] =	sst s7  }
0x10: {  	[smem:$0x3FA7] =	sst s8  }
0x11: {  	[smem:$0x3FA8] =	sst s9;
	s0 =	simm.s32 @!p0 $0x0  }
0x12: {  	s1 =	sld [smem:$0x3F8E];
	s0 =	simm.s32 @p0 $0x1  }
0x13: {  	[smem:$0x3FA9] =	sst s0;
	s0 =	simm.s32 @!p1 $0x0  }
0x14: {  	s2 =	sld [smem:$0x3F8D];
	s0 =	simm.s32 @p1 $0x1  }
0x15: {  	[smem:$0x3FAA] =	sst s0;
	s0 =	simm.s32 @!p2 $0x0  }
0x16: {  	s3 =	sld [smem:$0x3FDB];
	s0 =	simm.s32 @p2 $0x1  }
0x17: {  	s4 =	simm.s32 $0x1BF5;
	[smem:$0x3FAC] =	sst s0  }
0x18: {  	s0 =	sld [smem:$0x3F8F];
	_ =	swait.ge [sflag:s4], $0x0  }
0x19: {  	s7 =	sld [smem:$0x3F90]  }
0x1a: {  	s8 =	sadd.s32 $0xFFFFE003, lr  }
0x1b: {  	s9 =	sadd.s32 $0xFFFFFEF7, lr;
	s5 =	simm.s32 $0xFFFFFFFF;
	p2 =	slt.u32 s8, $0xFFFFF086  }
0x1c: {  	p1 =	slt.u32 s9, $0xF7A;
	s5 =	simm.s32 @!p2 $0x0  }
0x1d: {  	s5 =	simm.s32 @p1 $0x1;
	p0 =	seq.s32 s7, s2  }
0x1e: {  	s7 =	smul.u32 @!p0 $0xF7A, s2;
	p2 =	seq.s32 @!p0 s5, $0x0  }
0x1f: {  	s9 =	smul.u32 $0xF7A, s1;
	s8 =	simm.s32 @!p0 $0x1BF5;
	p2 =	por !p2, p0  }
0x20: {  	[sflag:s8] =	ssyncset.s32 @!p0 $0xFFFFF086;
	s6 =	sadd.s32 @!p0 s3, s7;
	s7 =	simm.s32 @!p0 $0x108  }
0x21: {  	s3 =	sadd.s32 s3, s9;
	s6 =	sadd.s32 @!p0 $0x88, s6;
	s7 =	simm.s32 @p2 $0x1082  }
0x22: {  	[simem:s7], [sflag:s8] =	dma.local @!p0 [hbm:s6], $0xF7A  }
0x23: {  	s9 =	sor.u32 $0xD0000000, s2;
	s6 =	simm.s32 $0x108;
	_ =	swait.ge @!p0 [sflag:s8], $0x0  }
0x24: {  	s3 =	sadd.s32 $0x88, s3;
	s6 =	simm.s32 @!p1 $0x1082;
	[sflag:s4] =	ssyncset.s32 $0xFFFFF086  }
0x25: {  	[simem:s6], [sflag:s4] =	dma.local [hbm:s3], $0xF7A  }
0x26: {  	[smem:$0x3F90] =	sst s1;
	(tag) =	ssettag s2;
	_ =	strace s9  }
0x27: {  	s1 =	sld [smem:$0x3FA0]  }
0x28: {  	s2 =	sld [smem:$0x3FA1]  }
0x29: {  	s4 =	sld [smem:$0x3FA3]  }
0x2a: {  	p0 =	seq.s32 s5, $0x0;
	s5 =	sld [smem:$0x3FA4]  }
0x2b: {  	s6 =	sld [smem:$0x3FA5]  }
0x2c: {  	s7 =	sld [smem:$0x3FA6]  }
0x2d: {  	s3 =	simm.s32 $0x108;
	s8 =	sld [smem:$0x3FA7]  }
0x2e: {  	s3 =	simm.s32 @!p0 $0x1082;
	s9 =	sld [smem:$0x3FA8]  }
0x2f: {  	lr =	sadd.s32 s0, s3;
	s0 =	sld [smem:$0x3F9F]  }
0x30: {  	s3 =	sld [smem:$0x3FA2]  }
0x31: {  	[smem:$0x3FAB] =	sst s10  }
0x32: {  	s10 =	sld [smem:$0x3FA9];
	_ =	sdelay $0x3  }
0x33: {  	p0 =	seq.s32 s10, $0x1;
	s10 =	sld [smem:$0x3FAB];
	_ =	sdelay $0x3  }
0x34: {  	[smem:$0x3FAB] =	sst s10  }
0x35: {  	s10 =	sld [smem:$0x3FAA];
	_ =	sdelay $0x3  }
0x36: {  	p1 =	seq.s32 s10, $0x1;
	s10 =	sld [smem:$0x3FAB];
	_ =	sdelay $0x3  }
0x37: {  	[smem:$0x3FAB] =	sst s10  }
0x38: {  	s10 =	sld [smem:$0x3FAC]  }
0x39: {  	_ = 	snop;
	(pc) =	sbr.ind lr, $3  }
0x3a: {  	_ = 	snop  }
0x3b: {  	_ = 	snop  }
0x3c: {  	p2 =	seq.s32 s10, $0x1;
	s10 =	sld [smem:$0x3FAB]  }
0x3d: {  	_ =	shalt  }
0x3e: {  	_ =	shalt  }
0x3f: {  	_ =	shalt  }
0x40: {  	_ =	shalt  }
0x41: {  	_ =	shalt  }
0x42: {  	_ =	shalt  }
0x43: {  	_ =	shalt  }
0x44: {  	_ =	shalt  }
0x45: {  	_ =	shalt  }
0x46: {  	_ =	shalt  }
0x47: {  	_ =	shalt  }
0x48: {  	_ =	shalt  }
0x49: {  	_ =	shalt  }
0x4a: {  	_ =	shalt  }
0x4b: {  	_ =	shalt  }
0x4c: {  	_ =	shalt  }
0x4d: {  	_ =	shalt  }
0x4e: {  	_ =	shalt  }
0x4f: {  	_ =	shalt  }
0x50: {  	_ =	shalt  }
0x51: {  	_ =	shalt  }
0x52: {  	_ =	shalt  }
0x53: {  	_ =	shalt  }
0x54: {  	_ =	shalt  }
0x55: {  	_ =	shalt  }
0x56: {  	_ =	shalt  }
0x57: {  	_ =	shalt  }
0x58: {  	_ =	shalt  }
0x59: {  	_ =	shalt  }
0x5a: {  	_ =	shalt  }
0x5b: {  	_ =	shalt  }
0x5c: {  	_ =	shalt  }
0x5d: {  	_ =	shalt  }
0x5e: {  	_ =	shalt  }
0x5f: {  	_ =	shalt  }
0x60: {  	_ =	shalt  }
0x61: {  	_ =	shalt  }
0x62: {  	_ =	shalt  }
0x63: {  	_ =	shalt  }
0x64: {  	_ =	shalt  }
0x65: {  	_ =	shalt  }
0x66: {  	_ =	shalt  }
0x67: {  	_ =	shalt  }
0x68: {  	_ =	shalt  }
0x69: {  	_ =	shalt  }
0x6a: {  	_ =	shalt  }
0x6b: {  	_ =	shalt  }
0x6c: {  	_ =	shalt  }
0x6d: {  	_ =	shalt  }
0x6e: {  	_ =	shalt  }
0x6f: {  	_ =	shalt  }
0x70: {  	_ =	shalt  }
0x71: {  	_ =	shalt  }
0x72: {  	_ =	shalt  }
0x73: {  	_ =	shalt  }
0x74: {  	_ =	shalt  }
0x75: {  	_ =	shalt  }
0x76: {  	_ =	shalt  }
0x77: {  	_ =	shalt  }
0x78: {  	_ =	shalt  }
0x79: {  	_ =	shalt  }
0x7a: {  	_ =	shalt  }
0x7b: {  	_ =	shalt  }
0x7c: {  	_ =	shalt  }
0x7d: {  	_ =	shalt  }
0x7e: {  	_ =	shalt  }
0x7f: {  	_ =	shalt  }
0x80: {  	_ =	shalt  }
0x81: {  	_ =	shalt  }
0x82: {  	_ =	shalt  }
0x83: {  	_ =	shalt  }
0x84: {  	_ =	shalt  }
0x85: {  	_ =	shalt  }
0x86: {  	_ =	shalt  }
0x87: {  	_ =	shalt  }
.Lfunc_end0:
.L_simem_size_0:
called_computation_lowered:
.L_overlay_start_0:
0x88: {  	s2 =	sld [smem:$0x3FD9]  }
0x89: {  	s3 =	sld [smem:$0x3FFE];
	_ =	sdelay $0x1  }
0x8a: {  	s1 =	srdreg.scid  }
0x8b: {  	s0 =	sand.u32 $0x1, s1  }
0x8c: {  	s17 =	sshll.u32 s0, $0xA;
	s2 =	sadd.s32 s3, s2  }
0x8d: {  	s2 =	sadd.s32 s2, s17  }
0x8e: {  	[smem:$0x3FB7] =	sst s2  }
0x8f: {  	_ = 	snop  }
0x90: {  	s2 =	sld [smem:$0x3FD0];
	(tm) =	ssettm $0x1  }
0x91: {  	s18 =	sld [smem:$0x3FFB];
	_ =	sdelay $0x3  }
0x92: {  	_ =	strace s18  }
0x93: {  	s3 =	sld [smem:$0x3FFC];
	_ =	sdelay $0x3  }
0x94: {  	_ =	strace s3  }
0x95: {  	s3 =	sld [smem:$0x3FFD];
	_ =	sdelay $0x3  }
0x96: {  	_ =	strace s3  }
0x97: {  	_ =	strace $0x8FFFFFFF  }
0x98: {  	s19 =	sld [smem:$0x3FDB];
	_ =	sdelay $0x1  }
0x99: {  	s4 =	simm.s32 $_scs_section_size  }
0x9a: {  	s5 =	simm.s32 $_size__tile_overlayer_lowered;
	s6 =	simm.s32 $_tile_overlayer_lowered  }
0x9b: {  	s22 =	simm.s32 $0x1BFF;
	s21 =	sshll.u32 s6, $0x1;
	s3 =	sadd.s32 s4, s19  }
0x9c: {  	s7 =	simm.s32 $0x0;
	s20 =	sshll.u32 s5, $0x1;
	s5 =	sadd.s32 s21, s3  }
0x9d: {  	[timem:s7], [sflag:s22] =	dma.local [hbm:s5], s20  }
0x9e: {  	_ =	swait.ge [sflag:s22], s20  }
0x9f: {  	s4 =	ssub.s32 $0x0, s20;
	[sflag:s22] =	ssyncset.done $0x0  }
0xa0: {  	[sflag:s22] =	ssyncadd.s32 s4;
	_ =	sdelay $0x1  }
0xa1: {  	s23 =	simm.s32 $0x1B8B  }
0xa2: {  	_ =	swait.ge [sflag:s23], $0x1  }
0xa3: {  	[sflag:s23] =	ssyncset.done $0x0  }
0xa4: {  	s25 =	simm.s32 $0x1B8E;
	s24 =	sld [smem:$0x3FFE];
	[sflag:s23] =	ssyncadd.s32 $0xFFFFFFFF  }
0xa5: {  	s26 =	simm.s32 $execute0_lowered;
	[smem:$0x3FD2] =	sst s25  }
0xa6: {  	s5 =	sshll.u32 s26, $0x1;
	_ =	strace $0x80000046;
	[dreg:$0x1] =	wrdreg $0xFFFFFFFF  }
0xa7: {  	s28 =	simm.s32 $_size_execute0_lowered;
	s3 =	sadd.s32 s3, s5;
	[dreg:$0x0] =	wrdreg $0x0  }
0xa8: {  	s5 =	sshll.u32 s28, $0x1;
	[dreg:$0x2] =	wrdreg s3  }
0xa9: {  	[dreg:$0x3] =	wrdreg s5  }
0xaa: {  	[dreg:$0x4] =	wrdreg $0xC0  }
0xab: {  	_ =	task [dreg:s7], $0x5FFFF  }
0xac: {  	[dreg:$0x1] =	wrdreg $0xFFFFFFFF  }
0xad: {  	[dreg:$0x0] =	wrdreg $0x60  }
0xae: {  	[dreg:$0x2] =	wrdreg s24  }
0xaf: {  	[dreg:$0x3] =	wrdreg s2  }
0xb0: {  	[dreg:$0x4] =	wrdreg $0x9  }
0xb1: {  	_ =	task.clear_ibuf [dreg:s7], $0x5FFFF;
	_ =	strace $0x90000046  }
0xb2: {  	s29 =	simm.s32 $0x9;
	_ =	strace $0x80000048  }
0xb3: {  	_ =	swait.ge [sflag:s29], $0x1  }
0xb4: {  	[sflag:s29] =	ssyncadd.s32 $0xFFFFFFFF  }
0xb5: {  	_ =	strace $0x90000048  }
0xb6: {  	_ =	sfence  }
0xb7: {  	s30 =	sld [smem:$0x0];
	_ =	sdelay $0x2  }
0xb8: {  	s31 =	sshll.u32 s1, $0xD;
	s1 =	sshrl.u32 s1, $0x2  }
0xb9: {  	s3 =	sand.u32 $0x4000, s31;
	s1 =	sadd.s32 s1, s30  }
0xba: {  	s0 =	sor.u32 s3, s0;
	s1 =	sshll.u32 s1, $0x11  }
0xbb: {  	s0 =	sor.u32 s1, s0  }
0xbc: {  	s0 =	sadd.s32 $0x8F2B, s0  }
0xbd: {  	[sflag:s0] =	ssyncadd.remote.s32 $0x1  }
0xbe: {  	_ =	sfence.sel $0xFFFF  }
0xbf: {  	[dreg:$0x0] =	wrdreg $0xFFFFFFFF;
	(pc) =	sbr.abs _section_cstart, $3  }
0xc0: {  	[dreg:$0x1] =	wrdreg $0xFFFFFFFF  }
0xc1: {  	_ =	task.clear_ibuf [dreg:s7], $0x2FFFF;
	_ =	strace $0x9FFFFFFF  }
0xc2: {  	(tm) =	ssettm $0x7FFFFFFF  }
0xc3: {  	_ =	shalt  }
tec
execute0_lowered:
.L_overlay_start_1:
0x0: {  	(tag) =	ssettag $0x1  }
0x1: {  	s0 =	srdreg.scid  }
0x2: {  	s2 =	stileid.u32;
	s0 =	sand.u32 $0x1, s0  }
0x3: {  	s1 =	sor.u32 s0, s2  }
0x4: {  	p1 =	seq.s32 s0, $0x1;
	p0 =	seq.s32 s1, $0x0  }
0x5: {  	p0 =	por !p0, !p1  }
0x6: {  	s1 =	simm.s32 $0x1;
	p0 =	por !p0, !p0  }
0x7: {  	s7 =	rddreg [dreg:$0x0];
	s1 =	simm.s32 @!p0 $0x0  }
0x8: {  	s8 =	rddreg [dreg:$0x1];
	s5 =	simm.s32 $0x1;
	s1 =	ssub.s32 s2, s1  }
0x9: {  	s29 =	simm.s32 $0x2780;
	s30 =	simm.s32 $0x4F00;
	s2 =	sand.u32 $0xC0, s1  }
0xa: {  	s31 =	simm.s32 $0x7680;
	s13 =	ssub.s32 $0x2, s0;
	s2 =	sshrl.u32 s2, $0x6  }
0xb: {  	s12 =	sadd.s32 $0x8FE00, s7;
	s14 =	sshrl.u32 s13, $0x1;
	s3 =	sadd.s32 s2, s1  }
0xc: {  	s6 =	sshll.u32 s0, $0x2;
	s13 =	ssub.s32 s13, s14;
	s2 =	sand.u32 $0xFFFFFFFC, s3  }
0xd: {  	p5 =	slt.s32 s1, $0x1;
	s3 =	sshra.s32 s3, $0x2;
	s4 =	ssub.s32 s1, s2  }
0xe: {  	s2 =	simm.s32 $0x0;
	s1 =	smul.u32 $0x9C40, s1;
	p6 =	sne.s32 s4, $0x0  }
0xf: {  	[smem:$0x7FF] =	sst s2;
	s17 =	sshll.u32 s4, $0x3;
	p0 =	por !p5, !p6  }
0x10: {  	s4 =	sand.u32 $0x18, s17;
	_ =	strace $0x80000047;
	p0 =	por !p0, !p0  }
0x11: {  	s20 =	sshrl.u32 s1, $0x3;
	s21 =	sadd.s32 $0x2710, s1;
	s5 =	simm.s32 @!p0 $0x0  }
0x12: {  	s22 =	sadd.s32 $0x4E20, s1;
	s26 =	sadd.s32 $0x7530, s1;
	s9 =	ssub.s32 s3, s5  }
0x13: {  	s6 =	sor.u32 s6, s4;
	s4 =	sadd.s32 $0x7C200, s7;
	s5 =	smul.u32 $0x2710, s9  }
0x14: {  	s24 =	sshrl.u32 s22, $0x3;
	s6 =	sadd.s32 s9, s6;
	s9 =	smul.u32 $0x4E200, s9  }
0x15: {  	s23 =	sshrl.u32 s21, $0x3;
	s25 =	sadd.s32 s8, s24;
	s11 =	smul.u32 $0x2710, s6  }
0x16: {  	s3 =	sadd.s32 $0x86000, s7;
	[dreg:$0x7] =	wrdreg s25;
	s6 =	smul.u32 $0x27100, s0  }
0x17: {  	s0 =	smul.u32 $0x9C400, s0;
	s10 =	sshrl.u32 s5, $0x3;
	s5 =	sadd.s32 $0x4600, s7  }
0x18: {  	s10 =	sadd.s32 s10, s7;
	s11 =	sshrl.u32 s11, $0x3;
	s28 =	sshrl.u32 s6, $0x3  }
0x19: {  	s0 =	sadd.s32 s0, s1;
	s1 =	simm.s32 $0x9E00;
	s18 =	sadd.s32 $0x79A00, s10  }
0x1a: {  	s11 =	sadd.s32 s11, s7;
	s19 =	sadd.s32 $0x7AE00, s10;
	[dreg:$0x3] =	wrdreg s18  }
0x1b: {  	s7 =	sadd.s32 s6, s9;
	s9 =	sadd.s32 s8, s20;
	[dreg:$0x4] =	wrdreg s19  }
0x1c: {  	s14 =	sadd.s32 s3, s28;
	s16 =	sadd.s32 s4, s28;
	[dreg:$0x5] =	wrdreg s9  }
0x1d: {  	s20 =	sadd.s32 $0x2710, s0;
	s21 =	sadd.s32 $0x4E20, s0;
	[dreg:$0x9] =	wrdreg s14  }
0x1e: {  	s9 =	sadd.s32 s8, s23;
	s15 =	sshrl.u32 s7, $0x3;
	[dreg:$0xa] =	wrdreg s16  }
0x1f: {  	s17 =	sadd.s32 $0x7D0, s7;
	s18 =	sadd.s32 $0xFA, s28;
	s19 =	sshrl.u32 s0, $0x3  }
0x20: {  	s10 =	sshrl.u32 s21, $0x3;
	s0 =	sadd.s32 $0x7530, s0;
	s28 =	smax.u32 s13, $0x1  }
0x21: {  	s13 =	simm.s32 $0x1DA80;
	s14 =	simm.s32 $0xED00;
	s16 =	simm.s32 $0x13C00  }
0x22: {  	[dreg:$0x6] =	wrdreg s9;
	s9 =	sshrl.u32 s26, $0x3;
	s22 =	sadd.s32 s12, s10  }
0x23: {  	s0 =	sshrl.u32 s0, $0x3;
	s23 =	sadd.s32 s3, s18;
	[dreg:$0x14] =	wrdreg s28  }
0x24: {  	s24 =	sshrl.u32 s17, $0x3;
	s25 =	sadd.s32 s4, s18;
	[dreg:$0xe] =	wrdreg s22  }
0x25: {  	s26 =	sadd.s32 $0xB7000, s11;
	s11 =	simm.s32 $0x1CA80;
	[dreg:$0x10] =	wrdreg s23  }
0x26: {  	s17 =	simm.s32 $0x16380;
	s18 =	simm.s32 $0x18B00;
	[dreg:$0x11] =	wrdreg s25  }
0x27: {  	s10 =	simm.s32 $0x0;
	s8 =	sadd.s32 s8, s9;
	[dreg:$0x13] =	wrdreg s26  }
0x28: {  	s9 =	sadd.s32 s12, s19;
	s0 =	sadd.s32 s12, s0;
	[dreg:$0x8] =	wrdreg s8  }
0x29: {  	s26 =	simm.s32 $0x1;
	s19 =	simm.s32 $0x2;
	[dreg:$0xc] =	wrdreg s9  }
0x2a: {  	s8 =	sadd.s32 s5, s15;
	s9 =	sshrl.u32 s20, $0x3;
	[dreg:$0xf] =	wrdreg s0  }
0x2b: {  	s0 =	sadd.s32 s5, s24;
	s15 =	simm.s32 $0x11480;
	[dreg:$0xb] =	wrdreg s8  }
0x2c: {  	s9 =	sadd.s32 s12, s9;
	[dreg:$0x12] =	wrdreg s0;
	s0 =	simm.s32 $0xC580  }
0x2d: {  	v0 =	vimm.f32 $0.0e+00;
	s12 =	simm.s32 $0x1D280;
	[dreg:$0xd] =	wrdreg s9;
	s9 =	simm.s32 $0x3  }
.LBB2_1:
0x2e: {  	[dreg:$0x15] =	wrdreg s10  }
0x2f: {  	s8 =	rddreg [dreg:$0x3]  }
0x30: {  	[tilespmem:s2], [sflag:$0x3] =	stream.linear.gather [hbm4b:s8+s2], $0x2710, $0x38;
	[tilespmem:$0x1E280] =	vst v63  }
0x31: {  	_ =	swait.ge [sflag:s9], $0x2710  }
0x32: {  	[sflag:s9] =	ssyncset.done $0x0  }
0x33: {  	s21 =	rddreg [dreg:$0x4];
	[sflag:s9] =	ssyncadd.s32 $0xFFFFD8F0  }
0x34: {  	[tilespmem:s29], [sflag:$0x3] =	stream.linear.gather [hbm4b:s21+s2], $0x2710, $0x38;
	[tilespmem:$0x1E280] =	vst v63  }
0x35: {  	_ =	swait.ge [sflag:s9], $0x2710  }
0x36: {  	[sflag:s9] =	ssyncset.done $0x0  }
0x37: {  	s22 =	rddreg [dreg:$0x5];
	[sflag:s9] =	ssyncadd.s32 $0xFFFFD8F0  }
0x38: {  	[tilespmem:s30], [sflag:$0x3] =	stream.linear.gather [hbm4b:s22+s2], $0x2710, $0x38;
	[tilespmem:$0x1E280] =	vst v63  }
0x39: {  	_ =	swait.ge [sflag:s9], $0x2710  }
0x3a: {  	[sflag:s9] =	ssyncset.done $0x0  }
0x3b: {  	s23 =	rddreg [dreg:$0x6];
	[sflag:s9] =	ssyncadd.s32 $0xFFFFD8F0  }
0x3c: {  	[tilespmem:s31], [sflag:$0x3] =	stream.linear.gather [hbm4b:s23+s2], $0x2710, $0x38;
	[tilespmem:$0x1E280] =	vst v63  }
0x3d: {  	_ =	swait.ge [sflag:s9], $0x2710  }
0x3e: {  	[sflag:s9] =	ssyncset.done $0x0  }
0x3f: {  	s24 =	rddreg [dreg:$0x7];
	[sflag:s9] =	ssyncadd.s32 $0xFFFFD8F0  }
0x40: {  	[tilespmem:s1], [sflag:$0x3] =	stream.linear.gather [hbm4b:s24+s2], $0x2710, $0x38;
	[tilespmem:$0x1E280] =	vst v63  }
0x41: {  	_ =	swait.ge [sflag:s9], $0x2710  }
0x42: {  	[sflag:s9] =	ssyncset.done $0x0  }
0x43: {  	s25 =	rddreg [dreg:$0x8];
	[sflag:s9] =	ssyncadd.s32 $0xFFFFD8F0  }
0x44: {  	[tilespmem:s0], [sflag:$0x3] =	stream.linear.gather [hbm4b:s25+s2], $0x2710, $0x38;
	[tilespmem:$0x1E280] =	vst v63  }
0x45: {  	_ =	swait.ge [sflag:s9], $0x2710  }
0x46: {  	[sflag:s9] =	ssyncset.done $0x0  }
0x47: {  	s22 =	simm.s32 $0xED20;
	[sflag:s9] =	ssyncadd.s32 $0xFFFFD8F0  }
0x48: {  	[tilespmem:s22+$0x10] =	vst v0  }
0x49: {  	[tilespmem:s22+$0xFFFFFFF0] =	vst v0  }
0x4a: {  	[tilespmem:s22+$0x0] =	vst v0  }
0x4b: {  	[tilespmem:s22+$0x20] =	vst v0  }
0x4c: {  	s24 =	simm.s32 $0x114A0;
	[tilespmem:s22+$0xFFFFFFE0] =	vst v0  }
0x4d: {  	[tilespmem:s24+$0xFFFFFFE0] =	vst v0  }
0x4e: {  	[tilespmem:s24+$0x20] =	vst v0  }
0x4f: {  	[tilespmem:s24+$0x10] =	vst v0  }
0x50: {  	s20 =	simm.s32 $0x13C20;
	[tilespmem:s24+$0xFFFFFFF0] =	vst v0  }
0x51: {  	[tilespmem:s20+$0xFFFFFFE0] =	vst v0  }
0x52: {  	s21 =	simm.s32 $0x163A0;
	[tilespmem:s20+$0x20] =	vst v0  }
0x53: {  	s28 =	simm.s32 $0x13C70;
	s10 =	simm.s32 $0x18B70;
	s8 =	simm.s32 $0x163F0;
	[tilespmem:s21+$0xFFFFFFE0] =	vst v0  }
0x54: {  	s23 =	simm.s32 $0x18B20;
	s25 =	simm.s32 $0x0;
	s9 =	simm.s32 $0x114A0;
	[tilespmem:s21+$0x20] =	vst v0  }
.LBB2_2:
0x55: {  	s25 =	sadd.s32 $0x5, s25;
	[tilespmem:s23+$0xFFFFFFE0] =	vst v0;
	s22 =	sadd.s32 $0x50, s22;
	s24 =	sadd.s32 $0x50, s24  }
0x56: {  	p0 =	slt.u32 s25, $0x26C;
	[tilespmem:s9+$0x0] =	vst v0;
	s9 =	smov.u32 s24  }
0x57: {  	[tilespmem:s20+$0x10] =	vst v0  }
0x58: {  	[tilespmem:s20+$0x0] =	vst v0  }
0x59: {  	[tilespmem:s21+$0x10] =	vst v0  }
0x5a: {  	[tilespmem:s23+$0x10] =	vst v0  }
0x5b: {  	[tilespmem:s23+$0x20] =	vst v0  }
0x5c: {  	[tilespmem:s20+$0xFFFFFFF0] =	vst v0;
	s20 =	smov.u32 s28  }
0x5d: {  	[tilespmem:s21+$0xFFFFFFF0] =	vst v0  }
0x5e: {  	[tilespmem:s21+$0x0] =	vst v0;
	s21 =	smov.u32 s8  }
0x5f: {  	[tilespmem:s23+$0x0] =	vst v0  }
0x60: {  	[tilespmem:s23+$0xFFFFFFF0] =	vst v0;
	s23 =	smov.u32 s10  }
0x61: {  	[tilespmem:s22+$0x10] =	vst v0  }
0x62: {  	[tilespmem:s22+$0xFFFFFFF0] =	vst v0  }
0x63: {  	[tilespmem:s22+$0x0] =	vst v0  }
0x64: {  	[tilespmem:s22+$0x20] =	vst v0  }
0x65: {  	[tilespmem:s22+$0xFFFFFFE0] =	vst v0  }
0x66: {  	[tilespmem:s24+$0xFFFFFFE0] =	vst v0  }
0x67: {  	[tilespmem:s28+$0xFFFFFFE0] =	vst v0  }
0x68: {  	[tilespmem:s8+$0xFFFFFFE0] =	vst v0  }
.Ltmp0:
0x69: {  	[tilespmem:s24+$0x20] =	vst v0;
	(pc) =	sbr.rel @p0 .LBB2_2-.Ltmp0, $4  }
0x6a: {  	[tilespmem:s24+$0x10] =	vst v0  }
0x6b: {  	[tilespmem:s28+$0x20] =	vst v0  }
0x6c: {  	[tilespmem:s8+$0x20] =	vst v0  }
0x6d: {  	s10 =	sadd.s32 $0x50, s10;
	s28 =	sadd.s32 $0x50, s28;
	s8 =	sadd.s32 $0x50, s8;
	[tilespmem:s24+$0xFFFFFFF0] =	vst v0  }
0x6e: {  	[tilespmem:s23+$0xFFFFFFE0] =	vst v0  }
0x6f: {  	[tilespmem:s9+$0x0] =	vst v0  }
0x70: {  	[tilespmem:s20+$0x10] =	vst v0  }
0x71: {  	[tilespmem:s23+$0x20] =	vst v0  }
0x72: {  	[tilespmem:s20+$0xFFFFFFF0] =	vst v0  }
0x73: {  	[tilespmem:s20+$0x0] =	vst v0  }
0x74: {  	[tilespmem:s21+$0x10] =	vst v0  }
0x75: {  	[tilespmem:s21+$0xFFFFFFF0] =	vst v0  }
0x76: {  	[tilespmem:s23+$0x10] =	vst v0  }
0x77: {  	[tilespmem:s21+$0x0] =	vst v0  }
0x78: {  	[tilespmem:s23+$0xFFFFFFF0] =	vst v0  }
0x79: {  	[tilespmem:s23+$0x0] =	vst v0  }
0x7a: {  	s28 =	simm.s32 $0x1B280;
	s21 =	simm.s32 $0x0;
	s8 =	rddreg [dreg:$0x9]  }
0x7b: {  	[tilespmem:s28], [sflag:$0x1] =	stream.linear.gather [hbm4b:s8+s21], $0x7D0, $0x38;
	[tilespmem:$0x1E280] =	vst v63  }
0x7c: {  	s10 =	simm.s32 $0x1BA80;
	s9 =	rddreg [dreg:$0xa]  }
0x7d: {  	[tilespmem:s10], [sflag:$0x1] =	stream.linear.gather [hbm4b:s9+s21], $0x7D0, $0x38;
	[tilespmem:$0x1E280] =	vst v63  }
0x7e: {  	s22 =	simm.s32 $0x1C280;
	s20 =	rddreg [dreg:$0xb]  }
0x7f: {  	[tilespmem:s22], [sflag:$0x1] =	stream.linear.gather [hbm4b:s20+s21], $0x7D0, $0x38;
	[tilespmem:$0x1E280] =	vst v63  }
0x80: {  	s23 =	rddreg [dreg:$0x10]  }
0x81: {  	[tilespmem:s11], [sflag:$0x2] =	stream.linear.gather [hbm4b:s23+s21], $0x7D0, $0x38;
	[tilespmem:$0x1E280] =	vst v63  }
0x82: {  	s24 =	rddreg [dreg:$0x11]  }
0x83: {  	[tilespmem:s12], [sflag:$0x2] =	stream.linear.gather [hbm4b:s24+s21], $0x7D0, $0x38;
	[tilespmem:$0x1E280] =	vst v63  }
0x84: {  	s25 =	rddreg [dreg:$0x12]  }
0x85: {  	[tilespmem:s13], [sflag:$0x2] =	stream.linear.gather [hbm4b:s25+s21], $0x7D0, $0x38;
	[tilespmem:$0x1E280] =	vst v63  }
.LBB2_4:
0x86: {  	_ =	swait.ge [sflag:s26], $0x7D0  }
0x87: {  	[sflag:s26] =	ssyncset.done $0x0  }
0x88: {  	[sflag:s26] =	ssyncadd.s32 $0xFFFFF830  }
0x89: {  	_ =	swait.ge [sflag:s26], $0x7D0  }
0x8a: {  	[sflag:s26] =	ssyncset.done $0x0  }
0x8b: {  	[sflag:s26] =	ssyncadd.s32 $0xFFFFF830  }
0x8c: {  	_ =	swait.ge [sflag:s26], $0x7D0  }
0x8d: {  	[sflag:s26] =	ssyncset.done $0x0  }
0x8e: {  	s8 =	simm.s32 $0x1B2A0;
	[sflag:s26] =	ssyncadd.s32 $0xFFFFF830  }
0x8f: {  	s9 =	simm.s32 $0x1BAA0;
	v3 =	vld [tilespmem:s8+$0x20]  }
0x90: {  	v4 =	vld [tilespmem:s9+$0x20];
	_ =	sdelay $0x1  }
0x91: {  	v12 =	vld [tilespmem:s9+$0xFFFFFFE0]  }
0x92: {  	v14 =	vld [tilespmem:s8+$0xFFFFFFF0]  }
0x93: {  	v11 =	vld [tilespmem:s9+$0xFFFFFFF0]  }
0x94: {  	v13 =	vld [tilespmem:s8+$0x0]  }
0x95: {  	v15 =	vld [tilespmem:s9+$0x0]  }
0x96: {  	v2 =	vld.idx.msk [tilespmem:v3+s2+$0x0], $0xffff  }
0x97: {  	v5 =	vld.idx.msk [tilespmem:v4+s29+$0x0], $0xffff  }
0x98: {  	s10 =	simm.s32 $0x1C2A0;
	v17 =	vld [tilespmem:s8+$0xFFFFFFE0]  }
0x99: {  	v6 =	vld [tilespmem:s10+$0x20]  }
0x9a: {  	v16 =	vld [tilespmem:s8+$0x10]  }
0x9b: {  	v1 =	vld [tilespmem:s9+$0x10]  }
0x9c: {  	v19 =	vld [tilespmem:s10+$0xFFFFFFE0];
	v2 =	vadd.f32 v5, v2  }
0x9d: {  	v7 =	vld.idx.msk [tilespmem:v12+s29+$0x0], $0xffff  }
0x9e: {  	v8 =	vld.idx.msk [tilespmem:v11+s29+$0x0], $0xffff;
	v2 =	vadd.f32 v6, v2  }
0x9f: {  	v9 =	vld.idx.msk [tilespmem:v15+s29+$0x0], $0xffff  }
0xa0: {  	v18 =	vld.idx.msk [tilespmem:v17+s2+$0x0], $0xffff;
	v10 =	vmul.f32 $2.000000030e-01, v2  }
0xa1: {  	v5 =	vld.idx.msk [tilespmem:v14+s2+$0x0], $0xffff;
	vm0 =	vgt.f32 v2, $0.0e+00  }
0xa2: {  	v6 =	vld.idx.msk [tilespmem:v13+s2+$0x0], $0xffff;
	v2 =	vsel vm0, v2, v10  }
0xa3: {  	v20 =	vld [tilespmem:s10+$0x0];
	v2 =	vmul.f32 $1.442695020e+00, v2  }
0xa4: {  	v10 =	vld [tilespmem:s10+$0xFFFFFFF0]  }
0xa5: {  	s25 =	simm.s32 $0x1B2F0;
	(erf) = vpow2.f32 v2  }
0xa6: {  	s22 =	simm.s32 $0x1BAF0;
	v25 =	vld [tilespmem:s25+$0x20];
	v2 =	vadd.f32 v7, v18  }
0xa7: {  	v26 =	vld [tilespmem:s22+$0x20];
	v5 =	vadd.f32 v8, v5;
	v6 =	vadd.f32 v9, v6  }
0xa8: {  	v8 =	vld.idx.msk [tilespmem:v1+s29+$0x0], $0xffff;
	v2 =	vadd.f32 v19, v2  }
0xa9: {  	v7 =	vld.idx.msk [tilespmem:v16+s2+$0x0], $0xffff;
	v6 =	vadd.f32 v20, v6;
	v5 =	vadd.f32 v10, v5  }
0xaa: {  	v9 =	vld.idx.msk [tilespmem:v3+s30+$0x0], $0xffff;
	v10 =	vmul.f32 $2.000000030e-01, v2  }
0xab: {  	s23 =	simm.s32 $0x1C2F0;
	v18 =	vld [tilespmem:s10+$0x10];
	v20 =	vmul.f32 $2.000000030e-01, v6;
	v19 =	vmul.f32 $2.000000030e-01, v5;
	vm9 =	vgt.f32 v2, $0.0e+00  }
0xac: {  	v29 =	vld [tilespmem:s23+$0x20];
	vm2 =	vgt.f32 v6, $0.0e+00;
	vm1 =	vgt.f32 v5, $0.0e+00;
	v2 =	vsel vm9, v2, v10  }
0xad: {  	v37 =	vld [tilespmem:s23+$0xFFFFFFE0];
	v6 =	vsel vm2, v6, v20;
	v5 =	vsel vm1, v5, v19;
	v2 =	vmul.f32 $1.442695020e+00, v2  }
0xae: {  	v52 =	vld [tilespmem:s23+$0xFFFFFFF0];
	v7 =	vadd.f32 v8, v7;
	v6 =	vmul.f32 $1.442695020e+00, v6;
	v5 =	vmul.f32 $1.442695020e+00, v5;
	v8 =	vpop (erf)  }
0xaf: {  	v38 =	vld [tilespmem:s23+$0x0];
	(erf) = vpow2.f32 v2;
	v9 =	vmul.f32 v8, v9  }
0xb0: {  	v53 =	vld [tilespmem:s23+$0x10];
	v2 =	vadd.f32 v18, v7;
	(erf) = vpow2.f32 v5  }
0xb1: {  	(erf) = vpow2.f32 v6;
	[tilespmem:v4+s14+$0x0] =	vst.idx.add.f32.msk $0xffff, v9  }
0xb2: {  	v5 =	vmul.f32 $2.000000030e-01, v2;
	v6 =	vld.idx.msk [tilespmem:v3+s31+$0x0], $0xffff  }
0xb3: {  	v27 =	vld.idx.msk [tilespmem:v25+s2+$0x0], $0xffff;
	vm10 =	vgt.f32 v2, $0.0e+00  }
0xb4: {  	v7 =	vld.idx.msk [tilespmem:v17+s30+$0x0], $0xffff;
	v2 =	vsel vm10, v2, v5  }
0xb5: {  	v5 =	vld.idx.msk [tilespmem:v14+s30+$0x0], $0xffff;
	v2 =	vmul.f32 $1.442695020e+00, v2  }
0xb6: {  	v9 =	vld.idx.msk [tilespmem:v13+s30+$0x0], $0xffff  }
0xb7: {  	v28 =	vld.idx.msk [tilespmem:v26+s29+$0x0], $0xffff;
	(erf) = vpow2.f32 v2;
	v2 =	vmul.f32 v8, v6  }
0xb8: {  	v6 =	vld.idx.msk [tilespmem:v16+s30+$0x0], $0xffff;
	v19 =	vpop (erf)  }
0xb9: {  	v7 =	vmul.f32 v19, v7;
	v20 =	vpop (erf);
	[tilespmem:v4+s15+$0x0] =	vst.idx.add.f32.msk $0xffff, v2  }
0xba: {  	v2 =	vmul.f32 v20, v5;
	v18 =	vpop (erf);
	v5 =	vld.idx.msk [tilespmem:v3+s1+$0x0], $0xffff  }
0xbb: {  	[tilespmem:v12+s14+$0x0] =	vst.idx.add.f32.msk $0xffff, v7;
	v7 =	vmul.f32 v18, v9  }
0xbc: {  	[tilespmem:v11+s14+$0x0] =	vst.idx.add.f32.msk $0xffff, v2  }
0xbd: {  	[tilespmem:v15+s14+$0x0] =	vst.idx.add.f32.msk $0xffff, v7  }
0xbe: {  	v7 =	vld.idx.msk [tilespmem:v17+s31+$0x0], $0xffff  }
0xbf: {  	v9 =	vld.idx.msk [tilespmem:v14+s31+$0x0], $0xffff  }
0xc0: {  	v57 =	vld.idx.msk [tilespmem:v25+s30+$0x0], $0xffff;
	v2 =	vpop (erf);
	v5 =	vmul.f32 v5, v8  }
0xc1: {  	v10 =	vld.idx.msk [tilespmem:v13+s31+$0x0], $0xffff;
	v6 =	vmul.f32 v2, v6  }
0xc2: {  	[tilespmem:v4+s16+$0x0] =	vst.idx.add.f32.msk $0xffff, v5  }
0xc3: {  	[tilespmem:v1+s14+$0x0] =	vst.idx.add.f32.msk $0xffff, v6  }
0xc4: {  	v5 =	vmul.f32 v19, v7;
	v7 =	vmul.f32 v20, v9;
	v9 =	vld [tilespmem:s25+$0x10]  }
0xc5: {  	v3 =	vld.idx.msk [tilespmem:v3+s0+$0x0], $0xffff  }
0xc6: {  	v6 =	vld.idx.msk [tilespmem:v16+s31+$0x0], $0xffff  }
0xc7: {  	[tilespmem:v12+s15+$0x0] =	vst.idx.add.f32.msk $0xffff, v5  }
0xc8: {  	[tilespmem:v11+s15+$0x0] =	vst.idx.add.f32.msk $0xffff, v7  }
0xc9: {  	v7 =	vld [tilespmem:s25+$0x0]  }
0xca: {  	v5 =	vmul.f32 v18, v10;
	v10 =	vld [tilespmem:s25+$0xFFFFFFE0]  }
0xcb: {  	v21 =	vld.idx.msk [tilespmem:v17+s1+$0x0], $0xffff  }
0xcc: {  	v27 =	vadd.f32 v28, v27;
	v22 =	vld.idx.msk [tilespmem:v14+s1+$0x0], $0xffff  }
0xcd: {  	[tilespmem:v15+s15+$0x0] =	vst.idx.add.f32.msk $0xffff, v5;
	v3 =	vmul.f32 v3, v8  }
0xce: {  	v27 =	vadd.f32 v29, v27;
	v5 =	vmul.f32 v2, v6;
	v6 =	vld [tilespmem:s22+$0xFFFFFFE0]  }
0xcf: {  	[tilespmem:v4+s17+$0x0] =	vst.idx.add.f32.msk $0xffff, v3  }
0xd0: {  	v35 =	vmul.f32 $2.000000030e-01, v27;
	[tilespmem:v1+s15+$0x0] =	vst.idx.add.f32.msk $0xffff, v5  }
0xd1: {  	vm11 =	vgt.f32 v27, $0.0e+00;
	v5 =	vld [tilespmem:s22+$0xFFFFFFF0]  }
0xd2: {  	v27 =	vsel vm11, v27, v35;
	[tilespmem:v4+s18+$0x0] =	vst.idx.add.f32.msk $0xffff, v8  }
0xd3: {  	v27 =	vmul.f32 $1.442695020e+00, v27;
	v8 =	vld [tilespmem:s25+$0xFFFFFFF0]  }
0xd4: {  	v23 =	vld.idx.msk [tilespmem:v13+s1+$0x0], $0xffff  }
0xd5: {  	(erf) = vpow2.f32 v27;
	v3 =	vld [tilespmem:s22+$0x0]  }
0xd6: {  	v4 =	vld [tilespmem:s22+$0x10]  }
0xd7: {  	v51 =	vld.idx.msk [tilespmem:v9+s2+$0x0], $0xffff  }
0xd8: {  	v34 =	vld.idx.msk [tilespmem:v10+s2+$0x0], $0xffff  }
0xd9: {  	v30 =	vld.idx.msk [tilespmem:v6+s29+$0x0], $0xffff  }
0xda: {  	v32 =	vld.idx.msk [tilespmem:v5+s29+$0x0], $0xffff  }
0xdb: {  	v31 =	vld.idx.msk [tilespmem:v8+s2+$0x0], $0xffff  }
0xdc: {  	v50 =	vld.idx.msk [tilespmem:v7+s2+$0x0], $0xffff  }
0xdd: {  	v33 =	vld.idx.msk [tilespmem:v3+s29+$0x0], $0xffff  }
0xde: {  	v62 =	vpop (erf);
	v36 =	vld.idx.msk [tilespmem:v4+s29+$0x0], $0xffff;
	v30 =	vadd.f32 v30, v34  }
0xdf: {  	v63 =	vmul.f32 v62, v57;
	v60 =	vld.idx.msk [tilespmem:v9+s30+$0x0], $0xffff  }
0xe0: {  	v21 =	vmul.f32 v21, v19;
	v24 =	vld.idx.msk [tilespmem:v16+s1+$0x0], $0xffff;
	v30 =	vadd.f32 v37, v30;
	v31 =	vadd.f32 v32, v31  }
0xe1: {  	v22 =	vmul.f32 v22, v20;
	[tilespmem:v26+s14+$0x0] =	vst.idx.add.f32.msk $0xffff, v63  }
0xe2: {  	[tilespmem:v12+s16+$0x0] =	vst.idx.add.f32.msk $0xffff, v21;
	v28 =	vadd.f32 v33, v50;
	v58 =	vmul.f32 $2.000000030e-01, v30;
	v31 =	vadd.f32 v52, v31  }
0xe3: {  	v17 =	vld.idx.msk [tilespmem:v17+s0+$0x0], $0xffff;
	v29 =	vadd.f32 v36, v51;
	vm12 =	vgt.f32 v30, $0.0e+00  }
0xe4: {  	[tilespmem:v11+s16+$0x0] =	vst.idx.add.f32.msk $0xffff, v22;
	v28 =	vadd.f32 v38, v28;
	v22 =	vsel vm12, v30, v58;
	v59 =	vmul.f32 $2.000000030e-01, v31  }
0xe5: {  	v54 =	vld.idx.msk [tilespmem:v10+s30+$0x0], $0xffff;
	v23 =	vmul.f32 v23, v18;
	vm13 =	vgt.f32 v31, $0.0e+00;
	v22 =	vmul.f32 $1.442695020e+00, v22  }
0xe6: {  	v56 =	vld.idx.msk [tilespmem:v7+s30+$0x0], $0xffff;
	v27 =	vadd.f32 v53, v29;
	v38 =	vmul.f32 $2.000000030e-01, v28;
	v61 =	vsel vm13, v31, v59  }
0xe7: {  	vm14 =	vgt.f32 v28, $0.0e+00;
	(erf) = vpow2.f32 v22;
	v22 =	vld.idx.msk [tilespmem:v25+s31+$0x0], $0xffff;
	v30 =	vmul.f32 $1.442695020e+00, v61  }
0xe8: {  	v14 =	vld.idx.msk [tilespmem:v14+s0+$0x0], $0xffff;
	v17 =	vmul.f32 v17, v19;
	v21 =	vmul.f32 $2.000000030e-01, v27;
	v28 =	vsel vm14, v28, v38  }
0xe9: {  	[tilespmem:v15+s16+$0x0] =	vst.idx.add.f32.msk $0xffff, v23;
	vm15 =	vgt.f32 v27, $0.0e+00;
	v23 =	vmul.f32 $1.442695020e+00, v28;
	(erf) = vpow2.f32 v30  }
0xea: {  	v55 =	vld.idx.msk [tilespmem:v8+s30+$0x0], $0xffff;
	v21 =	vsel vm15, v27, v21  }
0xeb: {  	[tilespmem:v12+s17+$0x0] =	vst.idx.add.f32.msk $0xffff, v17;
	v21 =	vmul.f32 $1.442695020e+00, v21;
	(erf) = vpow2.f32 v23  }
0xec: {  	[tilespmem:v12+s18+$0x0] =	vst.idx.add.f32.msk $0xffff, v19;
	v12 =	vmul.f32 v62, v22  }
0xed: {  	(erf) = vpow2.f32 v21;
	v21 =	vld.idx.msk [tilespmem:v13+s0+$0x0], $0xffff;
	v13 =	vmul.f32 v14, v20  }
0xee: {  	v24 =	vmul.f32 v24, v2;
	[tilespmem:v26+s15+$0x0] =	vst.idx.add.f32.msk $0xffff, v12  }
0xef: {  	v19 =	vld.idx.msk [tilespmem:v25+s1+$0x0], $0xffff  }
0xf0: {  	[tilespmem:v1+s16+$0x0] =	vst.idx.add.f32.msk $0xffff, v24  }
0xf1: {  	[tilespmem:v11+s17+$0x0] =	vst.idx.add.f32.msk $0xffff, v13;
	v13 =	vpop (erf)  }
0xf2: {  	v16 =	vld.idx.msk [tilespmem:v16+s0+$0x0], $0xffff;
	v14 =	vmul.f32 v13, v54;
	v12 =	vpop (erf)  }
0xf3: {  	[tilespmem:v11+s18+$0x0] =	vst.idx.add.f32.msk $0xffff, v20;
	v17 =	vmul.f32 v12, v55  }
0xf4: {  	[tilespmem:v6+s14+$0x0] =	vst.idx.add.f32.msk $0xffff, v14;
	v11 =	vpop (erf);
	v19 =	vmul.f32 v19, v62  }
0xf5: {  	v20 =	vmul.f32 v11, v56;
	[tilespmem:v5+s14+$0x0] =	vst.idx.add.f32.msk $0xffff, v17  }
0xf6: {  	v14 =	vpop (erf);
	[tilespmem:v26+s16+$0x0] =	vst.idx.add.f32.msk $0xffff, v19  }
0xf7: {  	v17 =	vmul.f32 v14, v60;
	[tilespmem:v3+s14+$0x0] =	vst.idx.add.f32.msk $0xffff, v20  }
0xf8: {  	v20 =	vld.idx.msk [tilespmem:v8+s31+$0x0], $0xffff  }
0xf9: {  	[tilespmem:v4+s14+$0x0] =	vst.idx.add.f32.msk $0xffff, v17  }
0xfa: {  	v17 =	vld.idx.msk [tilespmem:v10+s31+$0x0], $0xffff  }
0xfb: {  	v19 =	vmul.f32 v21, v18;
	v22 =	vld.idx.msk [tilespmem:v7+s31+$0x0], $0xffff  }
0xfc: {  	v21 =	vld.idx.msk [tilespmem:v25+s0+$0x0], $0xffff  }
0xfd: {  	[tilespmem:v15+s17+$0x0] =	vst.idx.add.f32.msk $0xffff, v19  }
0xfe: {  	v23 =	vld.idx.msk [tilespmem:v9+s31+$0x0], $0xffff;
	v19 =	vmul.f32 v12, v20  }
0xff: {  	[tilespmem:v15+s18+$0x0] =	vst.idx.add.f32.msk $0xffff, v18;
	v17 =	vmul.f32 v13, v17  }
0x100: {  	v15 =	vmul.f32 v11, v22;
	[tilespmem:v5+s15+$0x0] =	vst.idx.add.f32.msk $0xffff, v19  }
0x101: {  	[tilespmem:v6+s15+$0x0] =	vst.idx.add.f32.msk $0xffff, v17  }
0x102: {  	[tilespmem:v3+s15+$0x0] =	vst.idx.add.f32.msk $0xffff, v15  }
0x103: {  	v20 =	vld.idx.msk [tilespmem:v8+s1+$0x0], $0xffff  }
0x104: {  	v15 =	vmul.f32 v21, v62;
	v19 =	vld.idx.msk [tilespmem:v10+s1+$0x0], $0xffff  }
0x105: {  	v17 =	vmul.f32 v14, v23;
	v18 =	vld.idx.msk [tilespmem:v7+s1+$0x0], $0xffff  }
0x106: {  	[tilespmem:v26+s17+$0x0] =	vst.idx.add.f32.msk $0xffff, v15  }
0x107: {  	[tilespmem:v4+s15+$0x0] =	vst.idx.add.f32.msk $0xffff, v17  }
0x108: {  	v15 =	vmul.f32 v16, v2;
	[tilespmem:v26+s18+$0x0] =	vst.idx.add.f32.msk $0xffff, v62  }
0x109: {  	v17 =	vld.idx.msk [tilespmem:v9+s1+$0x0], $0xffff  }
0x10a: {  	s24 =	simm.s32 $0x5;
	s25 =	simm.s32 $0x1B340;
	[tilespmem:v1+s17+$0x0] =	vst.idx.add.f32.msk $0xffff, v15;
	v19 =	vmul.f32 v19, v13  }
.LBB2_5:
0x10b: {  	v16 =	vld [tilespmem:s25+$0x20];
	s22 =	sadd.s32 $0x50, s22  }
0x10c: {  	v15 =	vld [tilespmem:s22+$0x20]  }
0x10d: {  	s24 =	sadd.s32 $0x5, s24;
	v20 =	vmul.f32 v20, v12;
	v21 =	vld [tilespmem:s22+$0xFFFFFFE0]  }
0x10e: {  	p0 =	slt.u32 s24, $0x78;
	v23 =	vmul.f32 v18, v11;
	v22 =	vld [tilespmem:s25+$0xFFFFFFF0]  }
0x10f: {  	v24 =	vmul.f32 v17, v14;
	v18 =	vld [tilespmem:s22+$0xFFFFFFF0]  }
0x110: {  	v25 =	vld [tilespmem:s25+$0x0]  }
0x111: {  	v17 =	vld [tilespmem:s22+$0x0]  }
0x112: {  	v26 =	vld [tilespmem:s25+$0x10]  }
0x113: {  	v27 =	vld.idx.msk [tilespmem:v16+s2+$0x0], $0xffff  }
0x114: {  	v28 =	vld.idx.msk [tilespmem:v15+s29+$0x0], $0xffff  }
0x115: {  	v29 =	vld [tilespmem:s22+$0x10]  }
0x116: {  	s23 =	sadd.s32 $0x50, s23;
	v30 =	vld [tilespmem:s25+$0xFFFFFFE0]  }
0x117: {  	v31 =	vld [tilespmem:s23+$0x20]  }
0x118: {  	v32 =	vld.idx.msk [tilespmem:v21+s29+$0x0], $0xffff  }
0x119: {  	v33 =	vld.idx.msk [tilespmem:v22+s2+$0x0], $0xffff  }
0x11a: {  	v27 =	vadd.f32 v28, v27;
	v34 =	vld.idx.msk [tilespmem:v18+s29+$0x0], $0xffff  }
0x11b: {  	v28 =	vld.idx.msk [tilespmem:v25+s2+$0x0], $0xffff  }
0x11c: {  	v35 =	vld.idx.msk [tilespmem:v17+s29+$0x0], $0xffff;
	v27 =	vadd.f32 v31, v27  }
0x11d: {  	v31 =	vld.idx.msk [tilespmem:v26+s2+$0x0], $0xffff  }
0x11e: {  	v36 =	vld.idx.msk [tilespmem:v30+s2+$0x0], $0xffff;
	v37 =	vmul.f32 $2.000000030e-01, v27  }
0x11f: {  	vm0 =	vgt.f32 v27, $0.0e+00;
	v38 =	vld.idx.msk [tilespmem:v29+s29+$0x0], $0xffff  }
0x120: {  	v33 =	vadd.f32 v34, v33;
	v39 =	vld [tilespmem:s23+$0xFFFFFFE0];
	v27 =	vsel vm0, v27, v37  }
0x121: {  	v34 =	vld [tilespmem:s23+$0xFFFFFFF0];
	v27 =	vmul.f32 $1.442695020e+00, v27  }
0x122: {  	v28 =	vadd.f32 v35, v28;
	v35 =	vld [tilespmem:s23+$0x0]  }
0x123: {  	v37 =	vld [tilespmem:s23+$0x10];
	(erf) = vpow2.f32 v27  }
0x124: {  	v27 =	vadd.f32 v32, v36;
	v32 =	vld.idx.msk [tilespmem:v30+s30+$0x0], $0xffff  }
0x125: {  	v31 =	vadd.f32 v38, v31;
	v36 =	vld.idx.msk [tilespmem:v22+s30+$0x0], $0xffff  }
0x126: {  	v27 =	vadd.f32 v39, v27;
	v33 =	vadd.f32 v34, v33;
	v34 =	vld.idx.msk [tilespmem:v25+s30+$0x0], $0xffff  }
0x127: {  	v28 =	vadd.f32 v35, v28;
	v35 =	vld.idx.msk [tilespmem:v16+s30+$0x0], $0xffff  }
0x128: {  	v38 =	vmul.f32 $2.000000030e-01, v27;
	v39 =	vmul.f32 $2.000000030e-01, v33;
	v31 =	vadd.f32 v37, v31;
	v37 =	vld.idx.msk [tilespmem:v26+s30+$0x0], $0xffff  }
0x129: {  	vm0 =	vgt.f32 v27, $0.0e+00;
	vm1 =	vgt.f32 v33, $0.0e+00;
	v40 =	vmul.f32 $2.000000030e-01, v28;
	[tilespmem:v6+s16+$0x0] =	vst.idx.add.f32.msk $0xffff, v19  }
0x12a: {  	vm2 =	vgt.f32 v28, $0.0e+00;
	vm3 =	vgt.f32 v31, $0.0e+00;
	v19 =	vmul.f32 $2.000000030e-01, v31;
	[tilespmem:v5+s16+$0x0] =	vst.idx.add.f32.msk $0xffff, v20  }
0x12b: {  	v20 =	vsel vm0, v27, v38;
	v27 =	vsel vm1, v33, v39;
	v28 =	vsel vm2, v28, v40;
	v33 =	vld.idx.msk [tilespmem:v10+s0+$0x0], $0xffff  }
0x12c: {  	v20 =	vmul.f32 $1.442695020e+00, v20;
	v27 =	vmul.f32 $1.442695020e+00, v27;
	v19 =	vsel vm3, v31, v19;
	v31 =	vpop (erf);
	[tilespmem:v3+s16+$0x0] =	vst.idx.add.f32.msk $0xffff, v23  }
0x12d: {  	v10 =	vmov v30;
	v23 =	vmul.f32 $1.442695020e+00, v28;
	v28 =	vmul.f32 v31, v35;
	[tilespmem:v4+s16+$0x0] =	vst.idx.add.f32.msk $0xffff, v24  }
0x12e: {  	v19 =	vmul.f32 $1.442695020e+00, v19;
	(erf) = vpow2.f32 v20;
	v20 =	vld.idx.msk [tilespmem:v8+s0+$0x0], $0xffff;
	v8 =	vmov v22  }
0x12f: {  	[tilespmem:v15+s14+$0x0] =	vst.idx.add.f32.msk $0xffff, v28;
	(erf) = vpow2.f32 v27  }
0x130: {  	v22 =	vld.idx.msk [tilespmem:v16+s31+$0x0], $0xffff;
	(erf) = vpow2.f32 v23  }
0x131: {  	(erf) = vpow2.f32 v19;
	v19 =	vmul.f32 v33, v13;
	v23 =	vld.idx.msk [tilespmem:v7+s0+$0x0], $0xffff;
	v7 =	vmov v25  }
0x132: {  	v24 =	vld.idx.msk [tilespmem:v9+s0+$0x0], $0xffff;
	v9 =	vmov v26  }
0x133: {  	[tilespmem:v6+s17+$0x0] =	vst.idx.add.f32.msk $0xffff, v19  }
0x134: {  	v19 =	vmul.f32 v20, v12;
	[tilespmem:v6+s18+$0x0] =	vst.idx.add.f32.msk $0xffff, v13;
	v6 =	vmov v21  }
0x135: {  	[tilespmem:v1+s18+$0x0] =	vst.idx.add.f32.msk $0xffff, v2;
	v1 =	vmov v4;
	v4 =	vmov v29;
	v2 =	vmov v14  }
0x136: {  	v14 =	vmul.f32 v31, v22;
	[tilespmem:v5+s17+$0x0] =	vst.idx.add.f32.msk $0xffff, v19  }
0x137: {  	v19 =	vmul.f32 v23, v11;
	v13 =	vpop (erf);
	[tilespmem:v5+s18+$0x0] =	vst.idx.add.f32.msk $0xffff, v12;
	v5 =	vmov v18  }
0x138: {  	v21 =	vmul.f32 v24, v2;
	v20 =	vmul.f32 v13, v32;
	[tilespmem:v15+s15+$0x0] =	vst.idx.add.f32.msk $0xffff, v14;
	v12 =	vpop (erf)  }
0x139: {  	v22 =	vmul.f32 v12, v36;
	v23 =	vld.idx.msk [tilespmem:v16+s1+$0x0], $0xffff;
	v24 =	vpop (erf)  }
0x13a: {  	[tilespmem:v6+s14+$0x0] =	vst.idx.add.f32.msk $0xffff, v20;
	v20 =	vmul.f32 v24, v34;
	v14 =	vpop (erf)  }
0x13b: {  	[tilespmem:v18+s14+$0x0] =	vst.idx.add.f32.msk $0xffff, v22;
	v18 =	vmul.f32 v14, v37  }
0x13c: {  	[tilespmem:v17+s14+$0x0] =	vst.idx.add.f32.msk $0xffff, v20  }
0x13d: {  	[tilespmem:v29+s14+$0x0] =	vst.idx.add.f32.msk $0xffff, v18  }
0x13e: {  	v18 =	vld.idx.msk [tilespmem:v10+s31+$0x0], $0xffff  }
0x13f: {  	v22 =	vmul.f32 v23, v31;
	v20 =	vld.idx.msk [tilespmem:v8+s31+$0x0], $0xffff  }
0x140: {  	v23 =	vld.idx.msk [tilespmem:v25+s31+$0x0], $0xffff  }
0x141: {  	[tilespmem:v15+s16+$0x0] =	vst.idx.add.f32.msk $0xffff, v22  }
0x142: {  	v16 =	vld.idx.msk [tilespmem:v16+s0+$0x0], $0xffff  }
0x143: {  	v22 =	vld.idx.msk [tilespmem:v9+s31+$0x0], $0xffff  }
0x144: {  	v18 =	vmul.f32 v13, v18;
	[tilespmem:v3+s17+$0x0] =	vst.idx.add.f32.msk $0xffff, v19  }
0x145: {  	v19 =	vmul.f32 v12, v20;
	[tilespmem:v3+s18+$0x0] =	vst.idx.add.f32.msk $0xffff, v11;
	v3 =	vmov v17;
	v11 =	vmov v24  }
0x146: {  	[tilespmem:v6+s15+$0x0] =	vst.idx.add.f32.msk $0xffff, v18;
	v18 =	vmul.f32 v11, v23  }
0x147: {  	[tilespmem:v5+s15+$0x0] =	vst.idx.add.f32.msk $0xffff, v19  }
0x148: {  	v16 =	vmul.f32 v16, v31;
	[tilespmem:v17+s15+$0x0] =	vst.idx.add.f32.msk $0xffff, v18  }
0x149: {  	v18 =	vmul.f32 v14, v22;
	v17 =	vld.idx.msk [tilespmem:v10+s1+$0x0], $0xffff  }
0x14a: {  	[tilespmem:v15+s17+$0x0] =	vst.idx.add.f32.msk $0xffff, v16  }
0x14b: {  	[tilespmem:v15+s18+$0x0] =	vst.idx.add.f32.msk $0xffff, v31  }
.Ltmp1:
0x14c: {  	[tilespmem:v4+s15+$0x0] =	vst.idx.add.f32.msk $0xffff, v18;
	(pc) =	sbr.rel @p0 .LBB2_5-.Ltmp1, $4  }
0x14d: {  	v20 =	vld.idx.msk [tilespmem:v8+s1+$0x0], $0xffff  }
0x14e: {  	v18 =	vld.idx.msk [tilespmem:v7+s1+$0x0], $0xffff  }
0x14f: {  	v19 =	vmul.f32 v17, v13;
	v17 =	vld.idx.msk [tilespmem:v9+s1+$0x0], $0xffff  }
0x150: {  	s25 =	sadd.s32 $0x50, s25;
	[tilespmem:v1+s17+$0x0] =	vst.idx.add.f32.msk $0xffff, v21  }
0x151: {  	_ =	sdelay $0x3  }
0x152: {  	[tilespmem:v6+s16+$0x0] =	vst.idx.add.f32.msk $0xffff, v19;
	v15 =	vmul.f32 v20, v12  }
0x153: {  	v10 =	vld.idx.msk [tilespmem:v10+s0+$0x0], $0xffff;
	v16 =	vmul.f32 v18, v11  }
0x154: {  	[tilespmem:v5+s16+$0x0] =	vst.idx.add.f32.msk $0xffff, v15  }
0x155: {  	v15 =	vmul.f32 v17, v14;
	[tilespmem:v3+s16+$0x0] =	vst.idx.add.f32.msk $0xffff, v16  }
0x156: {  	v8 =	vld.idx.msk [tilespmem:v8+s0+$0x0], $0xffff  }
0x157: {  	[tilespmem:v4+s16+$0x0] =	vst.idx.add.f32.msk $0xffff, v15  }
0x158: {  	v7 =	vld.idx.msk [tilespmem:v7+s0+$0x0], $0xffff;
	v10 =	vmul.f32 v10, v13  }
0x159: {  	v9 =	vld.idx.msk [tilespmem:v9+s0+$0x0], $0xffff  }
0x15a: {  	[tilespmem:v6+s17+$0x0] =	vst.idx.add.f32.msk $0xffff, v10  }
0x15b: {  	s22 =	sshll.u32 s21, $0x1;
	[tilespmem:v6+s18+$0x0] =	vst.idx.add.f32.msk $0xffff, v13;
	v6 =	vmul.f32 v8, v12  }
0x15c: {  	[tilespmem:v1+s18+$0x0] =	vst.idx.add.f32.msk $0xffff, v2;
	s8 =	sadd.s32 $0x2, s22  }
0x15d: {  	s9 =	smul.u32 $0x7D0, s8;
	v1 =	vmul.f32 v7, v11;
	[tilespmem:v5+s17+$0x0] =	vst.idx.add.f32.msk $0xffff, v6  }
0x15e: {  	p0 =	seq.s32 s8, $0x50;
	[tilespmem:v5+s18+$0x0] =	vst.idx.add.f32.msk $0xffff, v12  }
0x15f: {  	s9 =	simm.s32 @p0 $0x0;
	v2 =	vmul.f32 v9, v14;
	[tilespmem:v3+s17+$0x0] =	vst.idx.add.f32.msk $0xffff, v1  }
0x160: {  	s24 =	sadd.s32 s6, s9;
	[tilespmem:v3+s18+$0x0] =	vst.idx.add.f32.msk $0xffff, v11  }
0x161: {  	s8 =	sshrl.u32 s24, $0x3;
	[tilespmem:v4+s17+$0x0] =	vst.idx.add.f32.msk $0xffff, v2  }
0x162: {  	s9 =	sadd.s32 s7, s9;
	s10 =	sadd.s32 s3, s8;
	[tilespmem:v4+s18+$0x0] =	vst.idx.add.f32.msk $0xffff, v14  }
0x163: {  	[tilespmem:s28], [sflag:$0x1] =	stream.linear.gather [hbm4b:s10+s2], $0x7D0, $0x38;
	[tilespmem:$0x1E280] =	vst v63  }
0x164: {  	s25 =	simm.s32 $0x1BA80;
	s9 =	sshrl.u32 s9, $0x3;
	s8 =	sadd.s32 s4, s8  }
0x165: {  	[tilespmem:s25], [sflag:$0x1] =	stream.linear.gather [hbm4b:s8+s2], $0x7D0, $0x38;
	[tilespmem:$0x1E280] =	vst v63  }
0x166: {  	s10 =	simm.s32 $0x1C280;
	s8 =	sadd.s32 s5, s9  }
0x167: {  	[tilespmem:s10], [sflag:$0x1] =	stream.linear.gather [hbm4b:s8+s2], $0x7D0, $0x38;
	[tilespmem:$0x1E280] =	vst v63  }
0x168: {  	_ =	swait.ge [sflag:s19], $0x7D0  }
0x169: {  	[sflag:s19] =	ssyncset.done $0x0  }
0x16a: {  	[sflag:s19] =	ssyncadd.s32 $0xFFFFF830  }
0x16b: {  	_ =	swait.ge [sflag:s19], $0x7D0  }
0x16c: {  	[sflag:s19] =	ssyncset.done $0x0  }
0x16d: {  	[sflag:s19] =	ssyncadd.s32 $0xFFFFF830  }
0x16e: {  	_ =	swait.ge [sflag:s19], $0x7D0  }
0x16f: {  	[sflag:s19] =	ssyncset.done $0x0  }
0x170: {  	s20 =	simm.s32 $0x1CAA0;
	[sflag:s19] =	ssyncadd.s32 $0xFFFFF830  }
0x171: {  	s23 =	simm.s32 $0x1D2A0;
	v3 =	vld [tilespmem:s20+$0x20]  }
0x172: {  	v4 =	vld [tilespmem:s23+$0x20];
	_ =	sdelay $0x1  }
0x173: {  	v12 =	vld [tilespmem:s23+$0xFFFFFFE0]  }
0x174: {  	v14 =	vld [tilespmem:s20+$0xFFFFFFF0]  }
0x175: {  	v11 =	vld [tilespmem:s23+$0xFFFFFFF0]  }
0x176: {  	v13 =	vld [tilespmem:s20+$0x0]  }
0x177: {  	v15 =	vld [tilespmem:s23+$0x0]  }
0x178: {  	v2 =	vld.idx.msk [tilespmem:v3+s2+$0x0], $0xffff  }
0x179: {  	v5 =	vld.idx.msk [tilespmem:v4+s29+$0x0], $0xffff  }
0x17a: {  	s24 =	simm.s32 $0x1DAA0;
	v17 =	vld [tilespmem:s20+$0xFFFFFFE0]  }
0x17b: {  	v6 =	vld [tilespmem:s24+$0x20]  }
0x17c: {  	v16 =	vld [tilespmem:s20+$0x10]  }
0x17d: {  	v1 =	vld [tilespmem:s23+$0x10]  }
0x17e: {  	v19 =	vld [tilespmem:s24+$0xFFFFFFE0];
	v2 =	vadd.f32 v5, v2  }
0x17f: {  	v7 =	vld.idx.msk [tilespmem:v12+s29+$0x0], $0xffff  }
0x180: {  	v8 =	vld.idx.msk [tilespmem:v11+s29+$0x0], $0xffff;
	v2 =	vadd.f32 v6, v2  }
0x181: {  	v9 =	vld.idx.msk [tilespmem:v15+s29+$0x0], $0xffff  }
0x182: {  	v18 =	vld.idx.msk [tilespmem:v17+s2+$0x0], $0xffff;
	v10 =	vmul.f32 $2.000000030e-01, v2  }
0x183: {  	v5 =	vld.idx.msk [tilespmem:v14+s2+$0x0], $0xffff;
	vm0 =	vgt.f32 v2, $0.0e+00  }
0x184: {  	v6 =	vld.idx.msk [tilespmem:v13+s2+$0x0], $0xffff;
	v2 =	vsel vm0, v2, v10  }
0x185: {  	v20 =	vld [tilespmem:s24+$0x0];
	v2 =	vmul.f32 $1.442695020e+00, v2  }
0x186: {  	s25 =	simm.s32 $0x1CAF0;
	v10 =	vld [tilespmem:s24+$0xFFFFFFF0]  }
0x187: {  	v25 =	vld [tilespmem:s25+$0x20];
	(erf) = vpow2.f32 v2  }
0x188: {  	s23 =	simm.s32 $0x1D2F0;
	v2 =	vadd.f32 v7, v18  }
0x189: {  	v26 =	vld [tilespmem:s23+$0x20];
	v5 =	vadd.f32 v8, v5;
	v6 =	vadd.f32 v9, v6  }
0x18a: {  	v8 =	vld.idx.msk [tilespmem:v1+s29+$0x0], $0xffff;
	v2 =	vadd.f32 v19, v2  }
0x18b: {  	v7 =	vld.idx.msk [tilespmem:v16+s2+$0x0], $0xffff;
	v6 =	vadd.f32 v20, v6;
	v5 =	vadd.f32 v10, v5  }
0x18c: {  	v9 =	vld.idx.msk [tilespmem:v3+s30+$0x0], $0xffff;
	v10 =	vmul.f32 $2.000000030e-01, v2  }
0x18d: {  	v18 =	vld [tilespmem:s24+$0x10];
	v20 =	vmul.f32 $2.000000030e-01, v6;
	v19 =	vmul.f32 $2.000000030e-01, v5;
	vm9 =	vgt.f32 v2, $0.0e+00  }
0x18e: {  	vm2 =	vgt.f32 v6, $0.0e+00;
	vm1 =	vgt.f32 v5, $0.0e+00;
	v2 =	vsel vm9, v2, v10  }
0x18f: {  	v27 =	vld.idx.msk [tilespmem:v25+s2+$0x0], $0xffff;
	v6 =	vsel vm2, v6, v20;
	v5 =	vsel vm1, v5, v19;
	v2 =	vmul.f32 $1.442695020e+00, v2  }
0x190: {  	v57 =	vld.idx.msk [tilespmem:v25+s30+$0x0], $0xffff;
	v7 =	vadd.f32 v8, v7;
	v6 =	vmul.f32 $1.442695020e+00, v6;
	v5 =	vmul.f32 $1.442695020e+00, v5;
	v8 =	vpop (erf)  }
0x191: {  	v28 =	vld.idx.msk [tilespmem:v26+s29+$0x0], $0xffff;
	s24 =	simm.s32 $0x1DAF0;
	(erf) = vpow2.f32 v2;
	v9 =	vmul.f32 v8, v9  }
0x192: {  	v29 =	vld [tilespmem:s24+$0x20];
	v2 =	vadd.f32 v18, v7;
	(erf) = vpow2.f32 v5  }
0x193: {  	(erf) = vpow2.f32 v6;
	[tilespmem:v4+s14+$0x0] =	vst.idx.add.f32.msk $0xffff, v9  }
0x194: {  	v5 =	vmul.f32 $2.000000030e-01, v2;
	v6 =	vld.idx.msk [tilespmem:v3+s31+$0x0], $0xffff  }
0x195: {  	v37 =	vld [tilespmem:s24+$0xFFFFFFE0];
	vm10 =	vgt.f32 v2, $0.0e+00  }
0x196: {  	v7 =	vld.idx.msk [tilespmem:v17+s30+$0x0], $0xffff;
	v2 =	vsel vm10, v2, v5  }
0x197: {  	v5 =	vld.idx.msk [tilespmem:v14+s30+$0x0], $0xffff;
	v2 =	vmul.f32 $1.442695020e+00, v2  }
0x198: {  	v9 =	vld.idx.msk [tilespmem:v13+s30+$0x0], $0xffff  }
0x199: {  	v52 =	vld [tilespmem:s24+$0xFFFFFFF0];
	(erf) = vpow2.f32 v2;
	v2 =	vmul.f32 v8, v6  }
0x19a: {  	v6 =	vld.idx.msk [tilespmem:v16+s30+$0x0], $0xffff;
	v19 =	vpop (erf)  }
0x19b: {  	v7 =	vmul.f32 v19, v7;
	v20 =	vpop (erf);
	[tilespmem:v4+s15+$0x0] =	vst.idx.add.f32.msk $0xffff, v2  }
0x19c: {  	v2 =	vmul.f32 v20, v5;
	v18 =	vpop (erf);
	v5 =	vld.idx.msk [tilespmem:v3+s1+$0x0], $0xffff  }
0x19d: {  	[tilespmem:v12+s14+$0x0] =	vst.idx.add.f32.msk $0xffff, v7;
	v7 =	vmul.f32 v18, v9  }
0x19e: {  	[tilespmem:v11+s14+$0x0] =	vst.idx.add.f32.msk $0xffff, v2  }
0x19f: {  	[tilespmem:v15+s14+$0x0] =	vst.idx.add.f32.msk $0xffff, v7  }
0x1a0: {  	v7 =	vld.idx.msk [tilespmem:v17+s31+$0x0], $0xffff  }
0x1a1: {  	v9 =	vld.idx.msk [tilespmem:v14+s31+$0x0], $0xffff  }
0x1a2: {  	v38 =	vld [tilespmem:s24+$0x0];
	v2 =	vpop (erf);
	v5 =	vmul.f32 v5, v8  }
0x1a3: {  	v10 =	vld.idx.msk [tilespmem:v13+s31+$0x0], $0xffff;
	v6 =	vmul.f32 v2, v6  }
0x1a4: {  	[tilespmem:v4+s16+$0x0] =	vst.idx.add.f32.msk $0xffff, v5  }
0x1a5: {  	[tilespmem:v1+s14+$0x0] =	vst.idx.add.f32.msk $0xffff, v6  }
0x1a6: {  	v5 =	vmul.f32 v19, v7;
	v7 =	vmul.f32 v20, v9;
	v9 =	vld [tilespmem:s25+$0xFFFFFFF0]  }
0x1a7: {  	v3 =	vld.idx.msk [tilespmem:v3+s0+$0x0], $0xffff  }
0x1a8: {  	v6 =	vld.idx.msk [tilespmem:v16+s31+$0x0], $0xffff  }
0x1a9: {  	[tilespmem:v12+s15+$0x0] =	vst.idx.add.f32.msk $0xffff, v5  }
0x1aa: {  	[tilespmem:v11+s15+$0x0] =	vst.idx.add.f32.msk $0xffff, v7  }
0x1ab: {  	v7 =	vld [tilespmem:s25+$0x0]  }
0x1ac: {  	v5 =	vmul.f32 v18, v10;
	v10 =	vld [tilespmem:s25+$0xFFFFFFE0]  }
0x1ad: {  	v21 =	vld.idx.msk [tilespmem:v17+s1+$0x0], $0xffff  }
0x1ae: {  	v22 =	vld.idx.msk [tilespmem:v14+s1+$0x0], $0xffff  }
0x1af: {  	v27 =	vadd.f32 v28, v27;
	[tilespmem:v15+s15+$0x0] =	vst.idx.add.f32.msk $0xffff, v5  }
0x1b0: {  	v23 =	vld.idx.msk [tilespmem:v13+s1+$0x0], $0xffff;
	v3 =	vmul.f32 v3, v8  }
0x1b1: {  	v27 =	vadd.f32 v29, v27;
	v5 =	vmul.f32 v2, v6;
	v6 =	vld [tilespmem:s23+$0xFFFFFFE0]  }
0x1b2: {  	[tilespmem:v4+s17+$0x0] =	vst.idx.add.f32.msk $0xffff, v3  }
0x1b3: {  	v35 =	vmul.f32 $2.000000030e-01, v27;
	[tilespmem:v1+s15+$0x0] =	vst.idx.add.f32.msk $0xffff, v5  }
0x1b4: {  	vm11 =	vgt.f32 v27, $0.0e+00;
	v5 =	vld [tilespmem:s23+$0xFFFFFFF0]  }
0x1b5: {  	v27 =	vsel vm11, v27, v35;
	v3 =	vld [tilespmem:s23+$0x0]  }
0x1b6: {  	v27 =	vmul.f32 $1.442695020e+00, v27;
	[tilespmem:v4+s18+$0x0] =	vst.idx.add.f32.msk $0xffff, v8  }
0x1b7: {  	v8 =	vld [tilespmem:s25+$0x10]  }
0x1b8: {  	(erf) = vpow2.f32 v27;
	v4 =	vld [tilespmem:s23+$0x10]  }
0x1b9: {  	v31 =	vld.idx.msk [tilespmem:v9+s2+$0x0], $0xffff  }
0x1ba: {  	v50 =	vld.idx.msk [tilespmem:v7+s2+$0x0], $0xffff  }
0x1bb: {  	v34 =	vld.idx.msk [tilespmem:v10+s2+$0x0], $0xffff  }
0x1bc: {  	v30 =	vld.idx.msk [tilespmem:v6+s29+$0x0], $0xffff  }
0x1bd: {  	v32 =	vld.idx.msk [tilespmem:v5+s29+$0x0], $0xffff  }
0x1be: {  	v33 =	vld.idx.msk [tilespmem:v3+s29+$0x0], $0xffff  }
0x1bf: {  	v51 =	vld.idx.msk [tilespmem:v8+s2+$0x0], $0xffff  }
0x1c0: {  	v36 =	vld.idx.msk [tilespmem:v4+s29+$0x0], $0xffff  }
0x1c1: {  	v62 =	vpop (erf);
	v24 =	vld.idx.msk [tilespmem:v16+s1+$0x0], $0xffff  }
0x1c2: {  	v53 =	vld [tilespmem:s24+$0x10];
	v63 =	vmul.f32 v62, v57;
	v30 =	vadd.f32 v30, v34  }
0x1c3: {  	v21 =	vmul.f32 v21, v19;
	v55 =	vld.idx.msk [tilespmem:v9+s30+$0x0], $0xffff;
	v22 =	vmul.f32 v22, v20;
	v31 =	vadd.f32 v32, v31  }
0x1c4: {  	[tilespmem:v26+s14+$0x0] =	vst.idx.add.f32.msk $0xffff, v63;
	v28 =	vadd.f32 v33, v50;
	v30 =	vadd.f32 v37, v30  }
0x1c5: {  	v54 =	vld.idx.msk [tilespmem:v10+s30+$0x0], $0xffff;
	v23 =	vmul.f32 v23, v18;
	v29 =	vadd.f32 v36, v51;
	v31 =	vadd.f32 v52, v31  }
0x1c6: {  	[tilespmem:v12+s16+$0x0] =	vst.idx.add.f32.msk $0xffff, v21;
	v24 =	vmul.f32 v24, v2;
	v28 =	vadd.f32 v38, v28;
	v58 =	vmul.f32 $2.000000030e-01, v30  }
0x1c7: {  	[tilespmem:v11+s16+$0x0] =	vst.idx.add.f32.msk $0xffff, v22;
	vm12 =	vgt.f32 v30, $0.0e+00;
	v27 =	vadd.f32 v53, v29;
	v59 =	vmul.f32 $2.000000030e-01, v31  }
0x1c8: {  	v17 =	vld.idx.msk [tilespmem:v17+s0+$0x0], $0xffff;
	vm13 =	vgt.f32 v31, $0.0e+00;
	v38 =	vmul.f32 $2.000000030e-01, v28;
	v22 =	vsel vm12, v30, v58  }
0x1c9: {  	v56 =	vld.idx.msk [tilespmem:v7+s30+$0x0], $0xffff;
	vm14 =	vgt.f32 v28, $0.0e+00;
	v22 =	vmul.f32 $1.442695020e+00, v22;
	v61 =	vsel vm13, v31, v59  }
0x1ca: {  	v14 =	vld.idx.msk [tilespmem:v14+s0+$0x0], $0xffff;
	v21 =	vmul.f32 $2.000000030e-01, v27;
	v28 =	vsel vm14, v28, v38;
	v30 =	vmul.f32 $1.442695020e+00, v61  }
0x1cb: {  	[tilespmem:v15+s16+$0x0] =	vst.idx.add.f32.msk $0xffff, v23;
	v23 =	vmul.f32 $1.442695020e+00, v28;
	(erf) = vpow2.f32 v22  }
0x1cc: {  	vm15 =	vgt.f32 v27, $0.0e+00;
	v22 =	vld.idx.msk [tilespmem:v25+s31+$0x0], $0xffff;
	(erf) = vpow2.f32 v30  }
0x1cd: {  	[tilespmem:v1+s16+$0x0] =	vst.idx.add.f32.msk $0xffff, v24;
	v17 =	vmul.f32 v17, v19;
	v21 =	vsel vm15, v27, v21;
	(erf) = vpow2.f32 v23  }
0x1ce: {  	v60 =	vld.idx.msk [tilespmem:v8+s30+$0x0], $0xffff;
	v21 =	vmul.f32 $1.442695020e+00, v21  }
0x1cf: {  	[tilespmem:v12+s17+$0x0] =	vst.idx.add.f32.msk $0xffff, v17  }
0x1d0: {  	(erf) = vpow2.f32 v21;
	v21 =	vld.idx.msk [tilespmem:v13+s0+$0x0], $0xffff;
	v13 =	vmul.f32 v14, v20  }
0x1d1: {  	[tilespmem:v12+s18+$0x0] =	vst.idx.add.f32.msk $0xffff, v19;
	v12 =	vmul.f32 v62, v22  }
0x1d2: {  	[tilespmem:v11+s17+$0x0] =	vst.idx.add.f32.msk $0xffff, v13  }
0x1d3: {  	[tilespmem:v26+s15+$0x0] =	vst.idx.add.f32.msk $0xffff, v12  }
0x1d4: {  	v19 =	vld.idx.msk [tilespmem:v25+s1+$0x0], $0xffff;
	v13 =	vpop (erf)  }
0x1d5: {  	v16 =	vld.idx.msk [tilespmem:v16+s0+$0x0], $0xffff;
	v14 =	vmul.f32 v13, v54;
	v12 =	vpop (erf)  }
0x1d6: {  	[tilespmem:v11+s18+$0x0] =	vst.idx.add.f32.msk $0xffff, v20;
	v17 =	vmul.f32 v12, v55;
	v11 =	vpop (erf)  }
0x1d7: {  	[tilespmem:v6+s14+$0x0] =	vst.idx.add.f32.msk $0xffff, v14;
	v20 =	vmul.f32 v11, v56  }
0x1d8: {  	[tilespmem:v5+s14+$0x0] =	vst.idx.add.f32.msk $0xffff, v17  }
0x1d9: {  	v19 =	vmul.f32 v19, v62;
	[tilespmem:v3+s14+$0x0] =	vst.idx.add.f32.msk $0xffff, v20  }
0x1da: {  	v20 =	vld.idx.msk [tilespmem:v9+s31+$0x0], $0xffff  }
0x1db: {  	v14 =	vpop (erf);
	[tilespmem:v26+s16+$0x0] =	vst.idx.add.f32.msk $0xffff, v19  }
0x1dc: {  	v17 =	vmul.f32 v14, v60;
	v22 =	vld.idx.msk [tilespmem:v7+s31+$0x0], $0xffff  }
0x1dd: {  	v19 =	vmul.f32 v21, v18;
	v21 =	vld.idx.msk [tilespmem:v25+s0+$0x0], $0xffff  }
0x1de: {  	[tilespmem:v4+s14+$0x0] =	vst.idx.add.f32.msk $0xffff, v17  }
0x1df: {  	v17 =	vld.idx.msk [tilespmem:v10+s31+$0x0], $0xffff  }
0x1e0: {  	[tilespmem:v15+s17+$0x0] =	vst.idx.add.f32.msk $0xffff, v19  }
0x1e1: {  	v23 =	vld.idx.msk [tilespmem:v8+s31+$0x0], $0xffff;
	v19 =	vmul.f32 v12, v20  }
0x1e2: {  	[tilespmem:v15+s18+$0x0] =	vst.idx.add.f32.msk $0xffff, v18;
	v15 =	vmul.f32 v11, v22  }
0x1e3: {  	[tilespmem:v5+s15+$0x0] =	vst.idx.add.f32.msk $0xffff, v19  }
0x1e4: {  	v17 =	vmul.f32 v13, v17;
	[tilespmem:v3+s15+$0x0] =	vst.idx.add.f32.msk $0xffff, v15  }
0x1e5: {  	v20 =	vld.idx.msk [tilespmem:v9+s1+$0x0], $0xffff  }
0x1e6: {  	[tilespmem:v6+s15+$0x0] =	vst.idx.add.f32.msk $0xffff, v17  }
0x1e7: {  	v15 =	vmul.f32 v21, v62;
	v18 =	vld.idx.msk [tilespmem:v7+s1+$0x0], $0xffff  }
0x1e8: {  	v19 =	vld.idx.msk [tilespmem:v10+s1+$0x0], $0xffff  }
0x1e9: {  	v17 =	vmul.f32 v14, v23;
	[tilespmem:v26+s17+$0x0] =	vst.idx.add.f32.msk $0xffff, v15  }
0x1ea: {  	[tilespmem:v26+s18+$0x0] =	vst.idx.add.f32.msk $0xffff, v62  }
0x1eb: {  	v15 =	vmul.f32 v16, v2;
	[tilespmem:v4+s15+$0x0] =	vst.idx.add.f32.msk $0xffff, v17  }
0x1ec: {  	v17 =	vld.idx.msk [tilespmem:v8+s1+$0x0], $0xffff  }
0x1ed: {  	s20 =	simm.s32 $0x1CB40;
	s25 =	simm.s32 $0x5;
	[tilespmem:v1+s17+$0x0] =	vst.idx.add.f32.msk $0xffff, v15;
	v19 =	vmul.f32 v19, v13  }
.LBB2_7:
0x1ee: {  	v16 =	vld [tilespmem:s20+$0x20];
	s23 =	sadd.s32 $0x50, s23  }
0x1ef: {  	v15 =	vld [tilespmem:s23+$0x20]  }
0x1f0: {  	s25 =	sadd.s32 $0x5, s25;
	v20 =	vmul.f32 v20, v12;
	v21 =	vld [tilespmem:s23+$0xFFFFFFE0]  }
0x1f1: {  	p0 =	slt.u32 s25, $0x78;
	v23 =	vmul.f32 v18, v11;
	v22 =	vld [tilespmem:s20+$0xFFFFFFF0]  }
0x1f2: {  	v24 =	vmul.f32 v17, v14;
	v18 =	vld [tilespmem:s23+$0xFFFFFFF0]  }
0x1f3: {  	v25 =	vld [tilespmem:s20+$0x0]  }
0x1f4: {  	v17 =	vld [tilespmem:s23+$0x0]  }
0x1f5: {  	v26 =	vld [tilespmem:s20+$0x10]  }
0x1f6: {  	v27 =	vld.idx.msk [tilespmem:v16+s2+$0x0], $0xffff  }
0x1f7: {  	v28 =	vld.idx.msk [tilespmem:v15+s29+$0x0], $0xffff  }
0x1f8: {  	v29 =	vld [tilespmem:s23+$0x10]  }
0x1f9: {  	s24 =	sadd.s32 $0x50, s24;
	v30 =	vld [tilespmem:s20+$0xFFFFFFE0]  }
0x1fa: {  	v31 =	vld [tilespmem:s24+$0x20]  }
0x1fb: {  	v32 =	vld.idx.msk [tilespmem:v21+s29+$0x0], $0xffff  }
0x1fc: {  	v33 =	vld.idx.msk [tilespmem:v22+s2+$0x0], $0xffff  }
0x1fd: {  	v27 =	vadd.f32 v28, v27;
	v34 =	vld.idx.msk [tilespmem:v18+s29+$0x0], $0xffff  }
0x1fe: {  	v28 =	vld.idx.msk [tilespmem:v25+s2+$0x0], $0xffff  }
0x1ff: {  	v35 =	vld.idx.msk [tilespmem:v17+s29+$0x0], $0xffff;
	v27 =	vadd.f32 v31, v27  }
0x200: {  	v31 =	vld.idx.msk [tilespmem:v26+s2+$0x0], $0xffff  }
0x201: {  	v36 =	vld.idx.msk [tilespmem:v30+s2+$0x0], $0xffff;
	v37 =	vmul.f32 $2.000000030e-01, v27  }
0x202: {  	vm0 =	vgt.f32 v27, $0.0e+00;
	v38 =	vld.idx.msk [tilespmem:v29+s29+$0x0], $0xffff  }
0x203: {  	v33 =	vadd.f32 v34, v33;
	v39 =	vld [tilespmem:s24+$0xFFFFFFE0];
	v27 =	vsel vm0, v27, v37  }
0x204: {  	v34 =	vld [tilespmem:s24+$0xFFFFFFF0];
	v27 =	vmul.f32 $1.442695020e+00, v27  }
0x205: {  	v28 =	vadd.f32 v35, v28;
	v35 =	vld [tilespmem:s24+$0x0]  }
0x206: {  	v37 =	vld [tilespmem:s24+$0x10];
	(erf) = vpow2.f32 v27  }
0x207: {  	v27 =	vadd.f32 v32, v36;
	v32 =	vld.idx.msk [tilespmem:v30+s30+$0x0], $0xffff  }
0x208: {  	v31 =	vadd.f32 v38, v31;
	v36 =	vld.idx.msk [tilespmem:v22+s30+$0x0], $0xffff  }
0x209: {  	v27 =	vadd.f32 v39, v27;
	v33 =	vadd.f32 v34, v33;
	v34 =	vld.idx.msk [tilespmem:v25+s30+$0x0], $0xffff  }
0x20a: {  	v28 =	vadd.f32 v35, v28;
	v35 =	vld.idx.msk [tilespmem:v16+s30+$0x0], $0xffff  }
0x20b: {  	v38 =	vmul.f32 $2.000000030e-01, v27;
	v39 =	vmul.f32 $2.000000030e-01, v33;
	v31 =	vadd.f32 v37, v31;
	v37 =	vld.idx.msk [tilespmem:v26+s30+$0x0], $0xffff  }
0x20c: {  	vm0 =	vgt.f32 v27, $0.0e+00;
	vm1 =	vgt.f32 v33, $0.0e+00;
	v40 =	vmul.f32 $2.000000030e-01, v28;
	[tilespmem:v6+s16+$0x0] =	vst.idx.add.f32.msk $0xffff, v19  }
0x20d: {  	vm2 =	vgt.f32 v28, $0.0e+00;
	vm3 =	vgt.f32 v31, $0.0e+00;
	v19 =	vmul.f32 $2.000000030e-01, v31;
	[tilespmem:v5+s16+$0x0] =	vst.idx.add.f32.msk $0xffff, v20  }
0x20e: {  	v20 =	vsel vm0, v27, v38;
	v27 =	vsel vm1, v33, v39;
	v28 =	vsel vm2, v28, v40;
	v33 =	vld.idx.msk [tilespmem:v10+s0+$0x0], $0xffff  }
0x20f: {  	v20 =	vmul.f32 $1.442695020e+00, v20;
	v27 =	vmul.f32 $1.442695020e+00, v27;
	v19 =	vsel vm3, v31, v19;
	v31 =	vpop (erf);
	[tilespmem:v3+s16+$0x0] =	vst.idx.add.f32.msk $0xffff, v23  }
0x210: {  	v10 =	vmov v30;
	v23 =	vmul.f32 $1.442695020e+00, v28;
	v28 =	vmul.f32 v31, v35;
	[tilespmem:v4+s16+$0x0] =	vst.idx.add.f32.msk $0xffff, v24  }
0x211: {  	v19 =	vmul.f32 $1.442695020e+00, v19;
	(erf) = vpow2.f32 v20;
	v20 =	vld.idx.msk [tilespmem:v9+s0+$0x0], $0xffff;
	v9 =	vmov v22  }
0x212: {  	[tilespmem:v15+s14+$0x0] =	vst.idx.add.f32.msk $0xffff, v28;
	(erf) = vpow2.f32 v27  }
0x213: {  	v22 =	vld.idx.msk [tilespmem:v16+s31+$0x0], $0xffff;
	(erf) = vpow2.f32 v23  }
0x214: {  	(erf) = vpow2.f32 v19;
	v19 =	vmul.f32 v33, v13;
	v23 =	vld.idx.msk [tilespmem:v7+s0+$0x0], $0xffff;
	v7 =	vmov v25  }
0x215: {  	v24 =	vld.idx.msk [tilespmem:v8+s0+$0x0], $0xffff;
	v8 =	vmov v26  }
0x216: {  	[tilespmem:v6+s17+$0x0] =	vst.idx.add.f32.msk $0xffff, v19  }
0x217: {  	v19 =	vmul.f32 v20, v12;
	[tilespmem:v6+s18+$0x0] =	vst.idx.add.f32.msk $0xffff, v13;
	v6 =	vmov v21  }
0x218: {  	[tilespmem:v1+s18+$0x0] =	vst.idx.add.f32.msk $0xffff, v2;
	v1 =	vmov v4;
	v4 =	vmov v29;
	v2 =	vmov v14  }
0x219: {  	v14 =	vmul.f32 v31, v22;
	[tilespmem:v5+s17+$0x0] =	vst.idx.add.f32.msk $0xffff, v19  }
0x21a: {  	v19 =	vmul.f32 v23, v11;
	v13 =	vpop (erf);
	[tilespmem:v5+s18+$0x0] =	vst.idx.add.f32.msk $0xffff, v12;
	v5 =	vmov v18  }
0x21b: {  	v21 =	vmul.f32 v24, v2;
	v20 =	vmul.f32 v13, v32;
	[tilespmem:v15+s15+$0x0] =	vst.idx.add.f32.msk $0xffff, v14;
	v12 =	vpop (erf)  }
0x21c: {  	v22 =	vmul.f32 v12, v36;
	v23 =	vld.idx.msk [tilespmem:v16+s1+$0x0], $0xffff;
	v24 =	vpop (erf)  }
0x21d: {  	[tilespmem:v6+s14+$0x0] =	vst.idx.add.f32.msk $0xffff, v20;
	v20 =	vmul.f32 v24, v34;
	v14 =	vpop (erf)  }
0x21e: {  	[tilespmem:v18+s14+$0x0] =	vst.idx.add.f32.msk $0xffff, v22;
	v18 =	vmul.f32 v14, v37  }
0x21f: {  	[tilespmem:v17+s14+$0x0] =	vst.idx.add.f32.msk $0xffff, v20  }
0x220: {  	[tilespmem:v29+s14+$0x0] =	vst.idx.add.f32.msk $0xffff, v18  }
0x221: {  	v18 =	vld.idx.msk [tilespmem:v10+s31+$0x0], $0xffff  }
0x222: {  	v22 =	vmul.f32 v23, v31;
	v20 =	vld.idx.msk [tilespmem:v9+s31+$0x0], $0xffff  }
0x223: {  	v23 =	vld.idx.msk [tilespmem:v25+s31+$0x0], $0xffff  }
0x224: {  	[tilespmem:v15+s16+$0x0] =	vst.idx.add.f32.msk $0xffff, v22  }
0x225: {  	v16 =	vld.idx.msk [tilespmem:v16+s0+$0x0], $0xffff  }
0x226: {  	v22 =	vld.idx.msk [tilespmem:v8+s31+$0x0], $0xffff  }
0x227: {  	v18 =	vmul.f32 v13, v18;
	[tilespmem:v3+s17+$0x0] =	vst.idx.add.f32.msk $0xffff, v19  }
0x228: {  	v19 =	vmul.f32 v12, v20;
	[tilespmem:v3+s18+$0x0] =	vst.idx.add.f32.msk $0xffff, v11;
	v3 =	vmov v17;
	v11 =	vmov v24  }
0x229: {  	[tilespmem:v6+s15+$0x0] =	vst.idx.add.f32.msk $0xffff, v18;
	v18 =	vmul.f32 v11, v23  }
0x22a: {  	[tilespmem:v5+s15+$0x0] =	vst.idx.add.f32.msk $0xffff, v19  }
0x22b: {  	v16 =	vmul.f32 v16, v31;
	[tilespmem:v17+s15+$0x0] =	vst.idx.add.f32.msk $0xffff, v18  }
0x22c: {  	v18 =	vmul.f32 v14, v22;
	v17 =	vld.idx.msk [tilespmem:v10+s1+$0x0], $0xffff  }
0x22d: {  	[tilespmem:v15+s17+$0x0] =	vst.idx.add.f32.msk $0xffff, v16  }
0x22e: {  	[tilespmem:v15+s18+$0x0] =	vst.idx.add.f32.msk $0xffff, v31  }
.Ltmp2:
0x22f: {  	[tilespmem:v4+s15+$0x0] =	vst.idx.add.f32.msk $0xffff, v18;
	(pc) =	sbr.rel @p0 .LBB2_7-.Ltmp2, $4  }
0x230: {  	v20 =	vld.idx.msk [tilespmem:v9+s1+$0x0], $0xffff  }
0x231: {  	v18 =	vld.idx.msk [tilespmem:v7+s1+$0x0], $0xffff  }
0x232: {  	v19 =	vmul.f32 v17, v13;
	v17 =	vld.idx.msk [tilespmem:v8+s1+$0x0], $0xffff  }
0x233: {  	s20 =	sadd.s32 $0x50, s20;
	[tilespmem:v1+s17+$0x0] =	vst.idx.add.f32.msk $0xffff, v21  }
0x234: {  	_ =	sdelay $0x3  }
0x235: {  	[tilespmem:v6+s16+$0x0] =	vst.idx.add.f32.msk $0xffff, v19  }
0x236: {  	[tilespmem:v1+s18+$0x0] =	vst.idx.add.f32.msk $0xffff, v2;
	v15 =	vmul.f32 v20, v12  }
0x237: {  	v10 =	vld.idx.msk [tilespmem:v10+s0+$0x0], $0xffff  }
0x238: {  	v16 =	vmul.f32 v18, v11;
	[tilespmem:v5+s16+$0x0] =	vst.idx.add.f32.msk $0xffff, v15  }
0x239: {  	v9 =	vld.idx.msk [tilespmem:v9+s0+$0x0], $0xffff  }
0x23a: {  	s8 =	sadd.s32 $0x3, s22;
	v62 =	vmul.f32 v17, v14;
	[tilespmem:v3+s16+$0x0] =	vst.idx.add.f32.msk $0xffff, v16  }
0x23b: {  	s9 =	smulhi.u32 $0x66666667, s8;
	v7 =	vld.idx.msk [tilespmem:v7+s0+$0x0], $0xffff  }
0x23c: {  	[tilespmem:v4+s16+$0x0] =	vst.idx.add.f32.msk $0xffff, v62;
	v10 =	vmul.f32 v10, v13  }
0x23d: {  	s9 =	sshrl.u32 s9, $0x5;
	v8 =	vld.idx.msk [tilespmem:v8+s0+$0x0], $0xffff  }
0x23e: {  	s9 =	smul.u32 $0x50, s9;
	[tilespmem:v6+s17+$0x0] =	vst.idx.add.f32.msk $0xffff, v10;
	v63 =	vmul.f32 v9, v12  }
0x23f: {  	[tilespmem:v6+s18+$0x0] =	vst.idx.add.f32.msk $0xffff, v13  }
0x240: {  	s8 =	ssub.s32 s8, s9;
	v1 =	vmul.f32 v7, v11;
	[tilespmem:v5+s17+$0x0] =	vst.idx.add.f32.msk $0xffff, v63  }
0x241: {  	s8 =	smul.u32 $0x7D0, s8;
	[tilespmem:v5+s18+$0x0] =	vst.idx.add.f32.msk $0xffff, v12  }
0x242: {  	v2 =	vmul.f32 v8, v14;
	[tilespmem:v3+s17+$0x0] =	vst.idx.add.f32.msk $0xffff, v1  }
0x243: {  	s25 =	sadd.s32 s6, s8;
	[tilespmem:v3+s18+$0x0] =	vst.idx.add.f32.msk $0xffff, v11  }
0x244: {  	s21 =	sadd.s32 $0x1, s21;
	s9 =	sshrl.u32 s25, $0x3;
	[tilespmem:v4+s17+$0x0] =	vst.idx.add.f32.msk $0xffff, v2  }
0x245: {  	p0 =	sne.s32 s21, $0x28;
	s10 =	sadd.s32 s3, s9;
	[tilespmem:v4+s18+$0x0] =	vst.idx.add.f32.msk $0xffff, v14  }
0x246: {  	[tilespmem:s11], [sflag:$0x2] =	stream.linear.gather [hbm4b:s10+s2], $0x7D0, $0x38;
	[tilespmem:$0x1E280] =	vst v63  }
.Ltmp3:
0x247: {  	s8 =	sadd.s32 s7, s8;
	(pc) =	sbr.rel @p0 .LBB2_4-.Ltmp3, $4  }
0x248: {  	s8 =	sshrl.u32 s8, $0x3;
	s9 =	sadd.s32 s4, s9  }
0x249: {  	[tilespmem:s12], [sflag:$0x2] =	stream.linear.gather [hbm4b:s9+s2], $0x7D0, $0x38;
	[tilespmem:$0x1E280] =	vst v63  }
0x24a: {  	s8 =	sadd.s32 s5, s8  }
0x24b: {  	[tilespmem:s13], [sflag:$0x2] =	stream.linear.gather [hbm4b:s8+s2], $0x7D0, $0x38;
	[tilespmem:$0x1E280] =	vst v63  }
0x24c: {  	_ =	swait.ge [sflag:s26], $0x7D0  }
0x24d: {  	[sflag:s26] =	ssyncset.done $0x0  }
0x24e: {  	[sflag:s26] =	ssyncadd.s32 $0xFFFFF830  }
0x24f: {  	_ =	swait.ge [sflag:s26], $0x7D0  }
0x250: {  	[sflag:s26] =	ssyncset.done $0x0  }
0x251: {  	[sflag:s26] =	ssyncadd.s32 $0xFFFFF830  }
0x252: {  	_ =	swait.ge [sflag:s26], $0x7D0  }
0x253: {  	[sflag:s26] =	ssyncset.done $0x0  }
0x254: {  	[sflag:s26] =	ssyncadd.s32 $0xFFFFF830  }
0x255: {  	_ =	swait.ge [sflag:s19], $0x7D0  }
0x256: {  	[sflag:s19] =	ssyncset.done $0x0  }
0x257: {  	[sflag:s19] =	ssyncadd.s32 $0xFFFFF830  }
0x258: {  	_ =	swait.ge [sflag:s19], $0x7D0  }
0x259: {  	[sflag:s19] =	ssyncset.done $0x0  }
0x25a: {  	[sflag:s19] =	ssyncadd.s32 $0xFFFFF830  }
0x25b: {  	_ =	swait.ge [sflag:s19], $0x7D0  }
0x25c: {  	[sflag:s19] =	ssyncset.done $0x0  }
0x25d: {  	s9 =	simm.s32 $0x3;
	s8 =	rddreg [dreg:$0xc];
	[sflag:s19] =	ssyncadd.s32 $0xFFFFF830  }
0x25e: {  	[hbm4b:s8+s2] =	stream.linear.scatter [tilespmem:s14], [sflag:$0x3], $0x2710, $0x38;
	[tilespmem:$0x1E280] =	vst v63  }
0x25f: {  	_ =	swait.ge [sflag:s9], $0x2710  }
0x260: {  	[sflag:s9] =	ssyncset.done $0x0  }
0x261: {  	s22 =	rddreg [dreg:$0xd];
	[sflag:s9] =	ssyncadd.s32 $0xFFFFD8F0  }
0x262: {  	[hbm4b:s22+s2] =	stream.linear.scatter [tilespmem:s15], [sflag:$0x3], $0x2710, $0x38;
	[tilespmem:$0x1E280] =	vst v63  }
0x263: {  	_ =	swait.ge [sflag:s9], $0x2710  }
0x264: {  	[sflag:s9] =	ssyncset.done $0x0  }
0x265: {  	s23 =	rddreg [dreg:$0xe];
	[sflag:s9] =	ssyncadd.s32 $0xFFFFD8F0  }
0x266: {  	[hbm4b:s23+s2] =	stream.linear.scatter [tilespmem:s16], [sflag:$0x3], $0x2710, $0x38;
	[tilespmem:$0x1E280] =	vst v63  }
0x267: {  	_ =	swait.ge [sflag:s9], $0x2710  }
0x268: {  	[sflag:s9] =	ssyncset.done $0x0  }
0x269: {  	s24 =	rddreg [dreg:$0xf];
	[sflag:s9] =	ssyncadd.s32 $0xFFFFD8F0  }
0x26a: {  	[hbm4b:s24+s2] =	stream.linear.scatter [tilespmem:s17], [sflag:$0x3], $0x2710, $0x38;
	[tilespmem:$0x1E280] =	vst v63  }
0x26b: {  	_ =	swait.ge [sflag:s9], $0x2710  }
0x26c: {  	[sflag:s9] =	ssyncset.done $0x0  }
0x26d: {  	s25 =	rddreg [dreg:$0x13];
	[sflag:s9] =	ssyncadd.s32 $0xFFFFD8F0  }
0x26e: {  	[hbm4b:s25+s2] =	stream.linear.scatter [tilespmem:s18], [sflag:$0x3], $0x2710, $0x38;
	[tilespmem:$0x1E280] =	vst v63  }
0x26f: {  	_ =	swait.ge [sflag:s9], $0x2710  }
0x270: {  	s10 =	rddreg [dreg:$0x15]  }
0x271: {  	s28 =	rddreg [dreg:$0x14];
	s10 =	sadd.s32 $0x1, s10  }
0x272: {  	p0 =	sne.s32 s10, s28  }
.Ltmp4:
0x273: {  	_ = 	snop;
	(pc) =	sbr.rel @p0 .LBB2_1-.Ltmp4, $3  }
0x274: {  	_ =	sdelay $0x1  }
0x275: {  	[sflag:s9] =	ssyncset.done $0x0  }
0x276: {  	[sflag:s9] =	ssyncadd.s32 $0xFFFFD8F0  }
0x277: {  	_ =	sfence.sel $0x180000  }
0x278: {  	[bflag:$0x0] =	sbarrier.arrive $0xFFFF  }
0x279: {  	_ =	strace $0x90000047  }
0x27a: {  	s0 =	stileid.u32;
	[bflag:$0x2] =	sbarrier.arrive $0xFFFF  }
0x27b: {  	p0 =	sne.s32 s0, $0x0;
	s0 =	rddreg [dreg:$0x2]  }
0x27c: {  	s0 =	sadd.s32 @!p0 $0x100000, s0  }
0x27d: {  	[sflag:s0] =	ssyncadd.tile.s32 @!p0 $0x1;
	_ =	shalt  }
.Lfunc_end2:
_tile_overlayer_lowered:
.L_overlay_start_2:
0x27e: {  	(tag) =	ssettag $0x2  }
0x27f: {  	s0 =	rddreg [dreg:$0x0];
	s2 =	stileid.u32  }
0x280: {  	s1 =	rddreg [dreg:$0x1];
	p0 =	sne.s32 s2, $0x0  }
0x281: {  	s3 =	rddreg [dreg:$0x2];
	[bflag:$0x3] =	sbarrier.arrive $0xFFFF;
	s2 =	simm.s32 @!p0 $0x1C03  }
0x282: {  	[timem:s3], [sflag:s2] =	dma.local @!p0 [hbm:s0], s1  }
0x283: {  	s0 =	simm.s32 @!p0 $0x3  }
0x284: {  	_ =	swait.ge @!p0 [sflag:s0], s1  }
0x285: {  	s1 =	ssub.s32 @!p0 $0x0, s1;
	[sflag:s0] =	ssyncset.done @!p0 $0x0  }
0x286: {  	[sflag:s0] =	ssyncadd.s32 @!p0 s1  }
0x287: {  	[bflag:$0x3] =	sbarrier.arrive $0xFFFF  }
0x288: {  	_ =	shalt  }

// kernel: kernel.13.cloned.1.call-start
scs
__scs_entry_jumppad:
0x0: {  	(pc) =	sbr.rel $0x88, $3  }
0x1: {  	(tag) =	ssettag $0x0;
	lr =	simm.s32 $0x1  }
0x2: {  	[smem:$0x3F90] =	sst lr;
	_ =	strace $0xD0000000  }
0x3: {  	_ = 	snop  }
0x4: {  	_ = 	snop  }
0x5: {  	_ = 	snop  }
0x6: {  	_ = 	snop  }
0x7: {  	_ = 	snop  }
__scs_overlays_trampoline_lowered:
0x8: {  	[smem:$0x3F9F] =	sst s0  }
0x9: {  	[smem:$0x3FA0] =	sst s1  }
0xa: {  	[smem:$0x3FA1] =	sst s2  }
0xb: {  	[smem:$0x3FA2] =	sst s3  }
0xc: {  	[smem:$0x3FA3] =	sst s4  }
0xd: {  	[smem:$0x3FA4] =	sst s5  }
0xe: {  	[smem:$0x3FA5] =	sst s6  }
0xf: {  	[smem:$0x3FA6] =	sst s7  }
0x10: {  	[smem:$0x3FA7] =	sst s8  }
0x11: {  	[smem:$0x3FA8] =	sst s9;
	s0 =	simm.s32 @!p0 $0x0  }
0x12: {  	s1 =	sld [smem:$0x3F8E];
	s0 =	simm.s32 @p0 $0x1  }
0x13: {  	[smem:$0x3FA9] =	sst s0;
	s0 =	simm.s32 @!p1 $0x0  }
0x14: {  	s2 =	sld [smem:$0x3F8D];
	s0 =	simm.s32 @p1 $0x1  }
0x15: {  	[smem:$0x3FAA] =	sst s0;
	s0 =	simm.s32 @!p2 $0x0  }
0x16: {  	s3 =	sld [smem:$0x3FDB];
	s0 =	simm.s32 @p2 $0x1  }
0x17: {  	s4 =	simm.s32 $0x1BF5;
	[smem:$0x3FAC] =	sst s0  }
0x18: {  	s0 =	sld [smem:$0x3F8F];
	_ =	swait.ge [sflag:s4], $0x0  }
0x19: {  	s7 =	sld [smem:$0x3F90]  }
0x1a: {  	s8 =	sadd.s32 $0xFFFFE003, lr  }
0x1b: {  	s9 =	sadd.s32 $0xFFFFFEF7, lr;
	s5 =	simm.s32 $0xFFFFFFFF;
	p2 =	slt.u32 s8, $0xFFFFF086  }
0x1c: {  	p1 =	slt.u32 s9, $0xF7A;
	s5 =	simm.s32 @!p2 $0x0  }
0x1d: {  	s5 =	simm.s32 @p1 $0x1;
	p0 =	seq.s32 s7, s2  }
0x1e: {  	s7 =	smul.u32 @!p0 $0xF7A, s2;
	p2 =	seq.s32 @!p0 s5, $0x0  }
0x1f: {  	s9 =	smul.u32 $0xF7A, s1;
	s8 =	simm.s32 @!p0 $0x1BF5;
	p2 =	por !p2, p0  }
0x20: {  	[sflag:s8] =	ssyncset.s32 @!p0 $0xFFFFF086;
	s6 =	sadd.s32 @!p0 s3, s7;
	s7 =	simm.s32 @!p0 $0x108  }
0x21: {  	s3 =	sadd.s32 s3, s9;
	s6 =	sadd.s32 @!p0 $0x88, s6;
	s7 =	simm.s32 @p2 $0x1082  }
0x22: {  	[simem:s7], [sflag:s8] =	dma.local @!p0 [hbm:s6], $0xF7A  }
0x23: {  	s9 =	sor.u32 $0xD0000000, s2;
	s6 =	simm.s32 $0x108;
	_ =	swait.ge @!p0 [sflag:s8], $0x0  }
0x24: {  	s3 =	sadd.s32 $0x88, s3;
	s6 =	simm.s32 @!p1 $0x1082;
	[sflag:s4] =	ssyncset.s32 $0xFFFFF086  }
0x25: {  	[simem:s6], [sflag:s4] =	dma.local [hbm:s3], $0xF7A  }
0x26: {  	[smem:$0x3F90] =	sst s1;
	(tag) =	ssettag s2;
	_ =	strace s9  }
0x27: {  	s1 =	sld [smem:$0x3FA0]  }
0x28: {  	s2 =	sld [smem:$0x3FA1]  }
0x29: {  	s4 =	sld [smem:$0x3FA3]  }
0x2a: {  	p0 =	seq.s32 s5, $0x0;
	s5 =	sld [smem:$0x3FA4]  }
0x2b: {  	s6 =	sld [smem:$0x3FA5]  }
0x2c: {  	s7 =	sld [smem:$0x3FA6]  }
0x2d: {  	s3 =	simm.s32 $0x108;
	s8 =	sld [smem:$0x3FA7]  }
0x2e: {  	s3 =	simm.s32 @!p0 $0x1082;
	s9 =	sld [smem:$0x3FA8]  }
0x2f: {  	lr =	sadd.s32 s0, s3;
	s0 =	sld [smem:$0x3F9F]  }
0x30: {  	s3 =	sld [smem:$0x3FA2]  }
0x31: {  	[smem:$0x3FAB] =	sst s10  }
0x32: {  	s10 =	sld [smem:$0x3FA9];
	_ =	sdelay $0x3  }
0x33: {  	p0 =	seq.s32 s10, $0x1;
	s10 =	sld [smem:$0x3FAB];
	_ =	sdelay $0x3  }
0x34: {  	[smem:$0x3FAB] =	sst s10  }
0x35: {  	s10 =	sld [smem:$0x3FAA];
	_ =	sdelay $0x3  }
0x36: {  	p1 =	seq.s32 s10, $0x1;
	s10 =	sld [smem:$0x3FAB];
	_ =	sdelay $0x3  }
0x37: {  	[smem:$0x3FAB] =	sst s10  }
0x38: {  	s10 =	sld [smem:$0x3FAC]  }
0x39: {  	_ = 	snop;
	(pc) =	sbr.ind lr, $3  }
0x3a: {  	_ = 	snop  }
0x3b: {  	_ = 	snop  }
0x3c: {  	p2 =	seq.s32 s10, $0x1;
	s10 =	sld [smem:$0x3FAB]  }
0x3d: {  	_ =	shalt  }
0x3e: {  	_ =	shalt  }
0x3f: {  	_ =	shalt  }
0x40: {  	_ =	shalt  }
0x41: {  	_ =	shalt  }
0x42: {  	_ =	shalt  }
0x43: {  	_ =	shalt  }
0x44: {  	_ =	shalt  }
0x45: {  	_ =	shalt  }
0x46: {  	_ =	shalt  }
0x47: {  	_ =	shalt  }
0x48: {  	_ =	shalt  }
0x49: {  	_ =	shalt  }
0x4a: {  	_ =	shalt  }
0x4b: {  	_ =	shalt  }
0x4c: {  	_ =	shalt  }
0x4d: {  	_ =	shalt  }
0x4e: {  	_ =	shalt  }
0x4f: {  	_ =	shalt  }
0x50: {  	_ =	shalt  }
0x51: {  	_ =	shalt  }
0x52: {  	_ =	shalt  }
0x53: {  	_ =	shalt  }
0x54: {  	_ =	shalt  }
0x55: {  	_ =	shalt  }
0x56: {  	_ =	shalt  }
0x57: {  	_ =	shalt  }
0x58: {  	_ =	shalt  }
0x59: {  	_ =	shalt  }
0x5a: {  	_ =	shalt  }
0x5b: {  	_ =	shalt  }
0x5c: {  	_ =	shalt  }
0x5d: {  	_ =	shalt  }
0x5e: {  	_ =	shalt  }
0x5f: {  	_ =	shalt  }
0x60: {  	_ =	shalt  }
0x61: {  	_ =	shalt  }
0x62: {  	_ =	shalt  }
0x63: {  	_ =	shalt  }
0x64: {  	_ =	shalt  }
0x65: {  	_ =	shalt  }
0x66: {  	_ =	shalt  }
0x67: {  	_ =	shalt  }
0x68: {  	_ =	shalt  }
0x69: {  	_ =	shalt  }
0x6a: {  	_ =	shalt  }
0x6b: {  	_ =	shalt  }
0x6c: {  	_ =	shalt  }
0x6d: {  	_ =	shalt  }
0x6e: {  	_ =	shalt  }
0x6f: {  	_ =	shalt  }
0x70: {  	_ =	shalt  }
0x71: {  	_ =	shalt  }
0x72: {  	_ =	shalt  }
0x73: {  	_ =	shalt  }
0x74: {  	_ =	shalt  }
0x75: {  	_ =	shalt  }
0x76: {  	_ =	shalt  }
0x77: {  	_ =	shalt  }
0x78: {  	_ =	shalt  }
0x79: {  	_ =	shalt  }
0x7a: {  	_ =	shalt  }
0x7b: {  	_ =	shalt  }
0x7c: {  	_ =	shalt  }
0x7d: {  	_ =	shalt  }
0x7e: {  	_ =	shalt  }
0x7f: {  	_ =	shalt  }
0x80: {  	_ =	shalt  }
0x81: {  	_ =	shalt  }
0x82: {  	_ =	shalt  }
0x83: {  	_ =	shalt  }
0x84: {  	_ =	shalt  }
0x85: {  	_ =	shalt  }
0x86: {  	_ =	shalt  }
0x87: {  	_ =	shalt  }
.Lfunc_end0:
.L_simem_size_0:
called_computation.1_lowered:
.L_overlay_start_0:
0x88: {  	s2 =	sld [smem:$0x3FD9]  }
0x89: {  	s3 =	sld [smem:$0x3FFE];
	_ =	sdelay $0x1  }
0x8a: {  	s1 =	srdreg.scid  }
0x8b: {  	s0 =	sand.u32 $0x1, s1  }
0x8c: {  	s17 =	sshll.u32 s0, $0xA;
	s2 =	sadd.s32 s3, s2  }
0x8d: {  	s2 =	sadd.s32 s2, s17  }
0x8e: {  	[smem:$0x3FB7] =	sst s2  }
0x8f: {  	_ = 	snop  }
0x90: {  	s2 =	sld [smem:$0x3FD0];
	(tm) =	ssettm $0x1  }
0x91: {  	s18 =	sld [smem:$0x3FFB];
	_ =	sdelay $0x3  }
0x92: {  	_ =	strace s18  }
0x93: {  	s3 =	sld [smem:$0x3FFC];
	_ =	sdelay $0x3  }
0x94: {  	_ =	strace s3  }
0x95: {  	s3 =	sld [smem:$0x3FFD];
	_ =	sdelay $0x3  }
0x96: {  	_ =	strace s3  }
0x97: {  	_ =	strace $0x8FFFFFFF  }
0x98: {  	s19 =	sld [smem:$0x3FDB];
	_ =	sdelay $0x1  }
0x99: {  	s4 =	simm.s32 $_scs_section_size  }
0x9a: {  	s5 =	simm.s32 $_size__tile_overlayer_lowered;
	s6 =	simm.s32 $_tile_overlayer_lowered  }
0x9b: {  	s22 =	simm.s32 $0x1BFF;
	s21 =	sshll.u32 s6, $0x1;
	s3 =	sadd.s32 s4, s19  }
0x9c: {  	s7 =	simm.s32 $0x0;
	s20 =	sshll.u32 s5, $0x1;
	s5 =	sadd.s32 s21, s3  }
0x9d: {  	[timem:s7], [sflag:s22] =	dma.local [hbm:s5], s20  }
0x9e: {  	_ =	swait.ge [sflag:s22], s20  }
0x9f: {  	s4 =	ssub.s32 $0x0, s20;
	[sflag:s22] =	ssyncset.done $0x0  }
0xa0: {  	[sflag:s22] =	ssyncadd.s32 s4;
	_ =	sdelay $0x1  }
0xa1: {  	s23 =	simm.s32 $0x1B8B  }
0xa2: {  	_ =	swait.ge [sflag:s23], $0x1  }
0xa3: {  	[sflag:s23] =	ssyncset.done $0x0  }
0xa4: {  	s25 =	simm.s32 $0x1B8E;
	s24 =	sld [smem:$0x3FFE];
	[sflag:s23] =	ssyncadd.s32 $0xFFFFFFFF  }
0xa5: {  	s26 =	simm.s32 $execute0_lowered;
	[smem:$0x3FD2] =	sst s25  }
0xa6: {  	s5 =	sshll.u32 s26, $0x1;
	_ =	strace $0x80000049;
	[dreg:$0x1] =	wrdreg $0xFFFFFFFF  }
0xa7: {  	s28 =	simm.s32 $_size_execute0_lowered;
	s3 =	sadd.s32 s3, s5;
	[dreg:$0x0] =	wrdreg $0x0  }
0xa8: {  	s5 =	sshll.u32 s28, $0x1;
	[dreg:$0x2] =	wrdreg s3  }
0xa9: {  	[dreg:$0x3] =	wrdreg s5  }
0xaa: {  	[dreg:$0x4] =	wrdreg $0xC0  }
0xab: {  	_ =	task [dreg:s7], $0x5FFFF  }
0xac: {  	[dreg:$0x1] =	wrdreg $0xFFFFFFFF  }
0xad: {  	[dreg:$0x0] =	wrdreg $0x60  }
0xae: {  	[dreg:$0x2] =	wrdreg s24  }
0xaf: {  	[dreg:$0x3] =	wrdreg s2  }
0xb0: {  	[dreg:$0x4] =	wrdreg $0x9  }
0xb1: {  	_ =	task.clear_ibuf [dreg:s7], $0x5FFFF;
	_ =	strace $0x90000049  }
0xb2: {  	s29 =	simm.s32 $0x9;
	_ =	strace $0x8000004B  }
0xb3: {  	_ =	swait.ge [sflag:s29], $0x1  }
0xb4: {  	[sflag:s29] =	ssyncadd.s32 $0xFFFFFFFF  }
0xb5: {  	_ =	strace $0x9000004B  }
0xb6: {  	_ =	sfence  }
0xb7: {  	s30 =	sld [smem:$0x0];
	_ =	sdelay $0x2  }
0xb8: {  	s31 =	sshll.u32 s1, $0xD;
	s1 =	sshrl.u32 s1, $0x2  }
0xb9: {  	s3 =	sand.u32 $0x4000, s31;
	s1 =	sadd.s32 s1, s30  }
0xba: {  	s0 =	sor.u32 s3, s0;
	s1 =	sshll.u32 s1, $0x11  }
0xbb: {  	s0 =	sor.u32 s1, s0  }
0xbc: {  	s0 =	sadd.s32 $0x8F2B, s0  }
0xbd: {  	[sflag:s0] =	ssyncadd.remote.s32 $0x1  }
0xbe: {  	_ =	sfence.sel $0xFFFF  }
0xbf: {  	[dreg:$0x0] =	wrdreg $0xFFFFFFFF;
	(pc) =	sbr.abs _section_cstart, $3  }
0xc0: {  	[dreg:$0x1] =	wrdreg $0xFFFFFFFF  }
0xc1: {  	_ =	task.clear_ibuf [dreg:s7], $0x2FFFF;
	_ =	strace $0x9FFFFFFF  }
0xc2: {  	(tm) =	ssettm $0x7FFFFFFF  }
0xc3: {  	_ =	shalt  }
tec
execute0_lowered:
.L_overlay_start_1:
0x0: {  	(tag) =	ssettag $0x1  }
0x1: {  	s0 =	srdreg.scid  }
0x2: {  	s2 =	stileid.u32;
	s0 =	sand.u32 $0x1, s0  }
0x3: {  	s1 =	sor.u32 s0, s2  }
0x4: {  	p1 =	seq.s32 s0, $0x1;
	p0 =	seq.s32 s1, $0x0  }
0x5: {  	p0 =	por !p0, !p1  }
0x6: {  	s1 =	simm.s32 $0x1;
	p0 =	por !p0, !p0  }
0x7: {  	s8 =	rddreg [dreg:$0x0];
	s1 =	simm.s32 @!p0 $0x0  }
0x8: {  	s9 =	rddreg [dreg:$0x1];
	s1 =	ssub.s32 s2, s1  }
0x9: {  	s5 =	simm.s32 $0x1;
	s29 =	simm.s32 $0x2780;
	s2 =	sand.u32 $0xC0, s1  }
0xa: {  	s30 =	simm.s32 $0x4F00;
	s31 =	simm.s32 $0x7680;
	s2 =	sshrl.u32 s2, $0x6  }
0xb: {  	s13 =	sadd.s32 $0x8FE00, s8;
	s14 =	ssub.s32 $0x2, s0;
	s3 =	sadd.s32 s2, s1  }
0xc: {  	s18 =	sshll.u32 s0, $0x2;
	s15 =	sshrl.u32 s14, $0x1;
	s2 =	sand.u32 $0xFFFFFFFC, s3  }
0xd: {  	s14 =	ssub.s32 s14, s15;
	p5 =	slt.s32 s1, $0x1;
	s4 =	ssub.s32 s1, s2  }
0xe: {  	s3 =	sshra.s32 s3, $0x2;
	s2 =	simm.s32 $0x0;
	p6 =	sne.s32 s4, $0x0  }
0xf: {  	s1 =	smul.u32 $0x9C40, s1;
	s4 =	sshll.u32 s4, $0x3;
	p0 =	por !p5, !p6  }
0x10: {  	[smem:$0x7FF] =	sst s2;
	s17 =	sand.u32 $0x18, s4;
	p0 =	por !p0, !p0  }
0x11: {  	_ =	strace $0x8000004A;
	s4 =	sadd.s32 $0x7C200, s8;
	s5 =	simm.s32 @!p0 $0x0  }
0x12: {  	s22 =	sadd.s32 $0x2710, s1;
	s23 =	sshrl.u32 s1, $0x3;
	s10 =	ssub.s32 s3, s5  }
0x13: {  	s24 =	sadd.s32 $0x4E20, s1;
	s19 =	sor.u32 s18, s17;
	s6 =	smul.u32 $0x2710, s10  }
0x14: {  	s25 =	sadd.s32 $0x7530, s1;
	s7 =	sadd.s32 s10, s19;
	s10 =	smul.u32 $0x4E200, s10  }
0x15: {  	s26 =	sshrl.u32 s25, $0x3;
	s3 =	sadd.s32 $0x86000, s8;
	s12 =	smul.u32 $0x2710, s7  }
0x16: {  	s5 =	sadd.s32 $0x4600, s8;
	s7 =	smul.u32 $0x27100, s0;
	s11 =	sshrl.u32 s6, $0x3  }
0x17: {  	s0 =	smul.u32 $0x9C400, s0;
	s6 =	simm.s32 $0x1;
	s11 =	sadd.s32 s11, s8  }
0x18: {  	s12 =	sshrl.u32 s12, $0x3;
	s20 =	sadd.s32 s10, s7;
	s10 =	sshrl.u32 s22, $0x3  }
0x19: {  	s28 =	sshrl.u32 s7, $0x3;
	s0 =	sadd.s32 s0, s1;
	s1 =	simm.s32 $0x9E00  }
0x1a: {  	s12 =	sadd.s32 s12, s8;
	s8 =	sadd.s32 $0x138800, s20;
	s21 =	sadd.s32 $0x79A00, s11  }
0x1b: {  	s11 =	sadd.s32 $0x7AE00, s11;
	s10 =	sadd.s32 s9, s10;
	[dreg:$0x3] =	wrdreg s21  }
0x1c: {  	s15 =	sadd.s32 s4, s28;
	s17 =	sshrl.u32 s0, $0x3;
	[dreg:$0x4] =	wrdreg s11  }
0x1d: {  	s19 =	sadd.s32 $0xFA, s28;
	s20 =	sadd.s32 $0x2710, s0;
	[dreg:$0x6] =	wrdreg s10  }
0x1e: {  	s11 =	sadd.s32 s9, s23;
	s10 =	sshrl.u32 s24, $0x3;
	[dreg:$0xa] =	wrdreg s15  }
0x1f: {  	s16 =	sshrl.u32 s8, $0x3;
	s23 =	sadd.s32 s3, s19;
	[dreg:$0x5] =	wrdreg s11  }
0x20: {  	s21 =	sadd.s32 $0x4E20, s0;
	s24 =	sadd.s32 s4, s19;
	[dreg:$0x10] =	wrdreg s23  }
0x21: {  	s0 =	sadd.s32 $0x7530, s0;
	s25 =	sadd.s32 $0xB7000, s12;
	[dreg:$0x11] =	wrdreg s24  }
0x22: {  	s12 =	simm.s32 $0x1CA80;
	s10 =	sadd.s32 s9, s10;
	[dreg:$0x12] =	wrdreg s25  }
0x23: {  	s15 =	simm.s32 $0xED00;
	s9 =	sadd.s32 s9, s26;
	[dreg:$0x7] =	wrdreg s10  }
0x24: {  	s19 =	simm.s32 $0x16380;
	s26 =	smax.u32 s14, $0x1;
	[dreg:$0x8] =	wrdreg s9  }
0x25: {  	s18 =	sadd.s32 s5, s16;
	s0 =	sshrl.u32 s0, $0x3;
	[dreg:$0x13] =	wrdreg s26  }
0x26: {  	s14 =	simm.s32 $0x1DA80;
	s10 =	sadd.s32 s3, s28;
	[dreg:$0xb] =	wrdreg s18  }
0x27: {  	s16 =	simm.s32 $0x11480;
	s9 =	sadd.s32 s13, s17;
	[dreg:$0x9] =	wrdreg s10  }
0x28: {  	s11 =	simm.s32 $0x0;
	s0 =	sadd.s32 s13, s0;
	[dreg:$0xc] =	wrdreg s9  }
0x29: {  	s28 =	sadd.s32 $0xFA, s18;
	s18 =	simm.s32 $0x13C00;
	[dreg:$0xf] =	wrdreg s0  }
0x2a: {  	s9 =	sshrl.u32 s20, $0x3;
	s10 =	sshrl.u32 s21, $0x3;
	[dreg:$0x14] =	wrdreg s28  }
0x2b: {  	s0 =	simm.s32 $0xC580;
	s20 =	simm.s32 $0x18B00;
	s9 =	sadd.s32 s13, s9  }
0x2c: {  	s21 =	simm.s32 $0x2;
	s22 =	sadd.s32 s13, s10;
	[dreg:$0xd] =	wrdreg s9  }
0x2d: {  	v0 =	vimm.f32 $0.0e+00;
	s10 =	simm.s32 $0x3;
	s13 =	simm.s32 $0x1D280;
	[dreg:$0xe] =	wrdreg s22  }
.LBB2_1:
0x2e: {  	[dreg:$0x15] =	wrdreg s11  }
0x2f: {  	s9 =	rddreg [dreg:$0x3]  }
0x30: {  	[tilespmem:s2], [sflag:$0x3] =	stream.linear.gather [hbm4b:s9+s2], $0x2710, $0x38;
	[tilespmem:$0x1E280] =	vst v63  }
0x31: {  	_ =	swait.ge [sflag:s10], $0x2710  }
0x32: {  	[sflag:s10] =	ssyncset.done $0x0  }
0x33: {  	s22 =	rddreg [dreg:$0x4];
	[sflag:s10] =	ssyncadd.s32 $0xFFFFD8F0  }
0x34: {  	[tilespmem:s29], [sflag:$0x3] =	stream.linear.gather [hbm4b:s22+s2], $0x2710, $0x38;
	[tilespmem:$0x1E280] =	vst v63  }
0x35: {  	_ =	swait.ge [sflag:s10], $0x2710  }
0x36: {  	[sflag:s10] =	ssyncset.done $0x0  }
0x37: {  	s23 =	rddreg [dreg:$0x5];
	[sflag:s10] =	ssyncadd.s32 $0xFFFFD8F0  }
0x38: {  	[tilespmem:s30], [sflag:$0x3] =	stream.linear.gather [hbm4b:s23+s2], $0x2710, $0x38;
	[tilespmem:$0x1E280] =	vst v63  }
0x39: {  	_ =	swait.ge [sflag:s10], $0x2710  }
0x3a: {  	[sflag:s10] =	ssyncset.done $0x0  }
0x3b: {  	s24 =	rddreg [dreg:$0x6];
	[sflag:s10] =	ssyncadd.s32 $0xFFFFD8F0  }
0x3c: {  	[tilespmem:s31], [sflag:$0x3] =	stream.linear.gather [hbm4b:s24+s2], $0x2710, $0x38;
	[tilespmem:$0x1E280] =	vst v63  }
0x3d: {  	_ =	swait.ge [sflag:s10], $0x2710  }
0x3e: {  	[sflag:s10] =	ssyncset.done $0x0  }
0x3f: {  	s25 =	rddreg [dreg:$0x7];
	[sflag:s10] =	ssyncadd.s32 $0xFFFFD8F0  }
0x40: {  	[tilespmem:s1], [sflag:$0x3] =	stream.linear.gather [hbm4b:s25+s2], $0x2710, $0x38;
	[tilespmem:$0x1E280] =	vst v63  }
0x41: {  	_ =	swait.ge [sflag:s10], $0x2710  }
0x42: {  	[sflag:s10] =	ssyncset.done $0x0  }
0x43: {  	s26 =	rddreg [dreg:$0x8];
	[sflag:s10] =	ssyncadd.s32 $0xFFFFD8F0  }
0x44: {  	[tilespmem:s0], [sflag:$0x3] =	stream.linear.gather [hbm4b:s26+s2], $0x2710, $0x38;
	[tilespmem:$0x1E280] =	vst v63  }
0x45: {  	_ =	swait.ge [sflag:s10], $0x2710  }
0x46: {  	[sflag:s10] =	ssyncset.done $0x0  }
0x47: {  	s23 =	simm.s32 $0xED20;
	[sflag:s10] =	ssyncadd.s32 $0xFFFFD8F0  }
0x48: {  	[tilespmem:s23+$0x10] =	vst v0  }
0x49: {  	[tilespmem:s23+$0xFFFFFFF0] =	vst v0  }
0x4a: {  	[tilespmem:s23+$0x0] =	vst v0  }
0x4b: {  	[tilespmem:s23+$0x20] =	vst v0  }
0x4c: {  	s25 =	simm.s32 $0x114A0;
	[tilespmem:s23+$0xFFFFFFE0] =	vst v0  }
0x4d: {  	[tilespmem:s25+$0xFFFFFFE0] =	vst v0  }
0x4e: {  	[tilespmem:s25+$0x20] =	vst v0  }
0x4f: {  	[tilespmem:s25+$0x10] =	vst v0  }
0x50: {  	s17 =	simm.s32 $0x13C20;
	[tilespmem:s25+$0xFFFFFFF0] =	vst v0  }
0x51: {  	[tilespmem:s17+$0xFFFFFFE0] =	vst v0  }
0x52: {  	s22 =	simm.s32 $0x163A0;
	[tilespmem:s17+$0x20] =	vst v0  }
0x53: {  	s28 =	simm.s32 $0x13C70;
	s11 =	simm.s32 $0x18B70;
	s9 =	simm.s32 $0x163F0;
	[tilespmem:s22+$0xFFFFFFE0] =	vst v0  }
0x54: {  	s24 =	simm.s32 $0x18B20;
	s26 =	simm.s32 $0x0;
	s10 =	simm.s32 $0x114A0;
	[tilespmem:s22+$0x20] =	vst v0  }
.LBB2_2:
0x55: {  	s26 =	sadd.s32 $0x5, s26;
	[tilespmem:s24+$0xFFFFFFE0] =	vst v0;
	s23 =	sadd.s32 $0x50, s23;
	s25 =	sadd.s32 $0x50, s25  }
0x56: {  	p0 =	slt.u32 s26, $0x26C;
	[tilespmem:s10+$0x0] =	vst v0;
	s10 =	smov.u32 s25  }
0x57: {  	[tilespmem:s17+$0x10] =	vst v0  }
0x58: {  	[tilespmem:s17+$0x0] =	vst v0  }
0x59: {  	[tilespmem:s22+$0x10] =	vst v0  }
0x5a: {  	[tilespmem:s24+$0x10] =	vst v0  }
0x5b: {  	[tilespmem:s24+$0x20] =	vst v0  }
0x5c: {  	[tilespmem:s17+$0xFFFFFFF0] =	vst v0;
	s17 =	smov.u32 s28  }
0x5d: {  	[tilespmem:s22+$0xFFFFFFF0] =	vst v0  }
0x5e: {  	[tilespmem:s22+$0x0] =	vst v0;
	s22 =	smov.u32 s9  }
0x5f: {  	[tilespmem:s24+$0x0] =	vst v0  }
0x60: {  	[tilespmem:s24+$0xFFFFFFF0] =	vst v0;
	s24 =	smov.u32 s11  }
0x61: {  	[tilespmem:s23+$0x10] =	vst v0  }
0x62: {  	[tilespmem:s23+$0xFFFFFFF0] =	vst v0  }
0x63: {  	[tilespmem:s23+$0x0] =	vst v0  }
0x64: {  	[tilespmem:s23+$0x20] =	vst v0  }
0x65: {  	[tilespmem:s23+$0xFFFFFFE0] =	vst v0  }
0x66: {  	[tilespmem:s25+$0xFFFFFFE0] =	vst v0  }
0x67: {  	[tilespmem:s28+$0xFFFFFFE0] =	vst v0  }
0x68: {  	[tilespmem:s9+$0xFFFFFFE0] =	vst v0  }
.Ltmp0:
0x69: {  	[tilespmem:s25+$0x20] =	vst v0;
	(pc) =	sbr.rel @p0 .LBB2_2-.Ltmp0, $4  }
0x6a: {  	[tilespmem:s25+$0x10] =	vst v0  }
0x6b: {  	[tilespmem:s28+$0x20] =	vst v0  }
0x6c: {  	[tilespmem:s9+$0x20] =	vst v0  }
0x6d: {  	s11 =	sadd.s32 $0x50, s11;
	s28 =	sadd.s32 $0x50, s28;
	s9 =	sadd.s32 $0x50, s9;
	[tilespmem:s25+$0xFFFFFFF0] =	vst v0  }
0x6e: {  	[tilespmem:s24+$0xFFFFFFE0] =	vst v0  }
0x6f: {  	[tilespmem:s10+$0x0] =	vst v0  }
0x70: {  	[tilespmem:s17+$0x10] =	vst v0  }
0x71: {  	[tilespmem:s24+$0x20] =	vst v0  }
0x72: {  	[tilespmem:s17+$0xFFFFFFF0] =	vst v0  }
0x73: {  	[tilespmem:s17+$0x0] =	vst v0  }
0x74: {  	[tilespmem:s22+$0x10] =	vst v0  }
0x75: {  	[tilespmem:s22+$0xFFFFFFF0] =	vst v0  }
0x76: {  	[tilespmem:s24+$0x10] =	vst v0  }
0x77: {  	[tilespmem:s22+$0x0] =	vst v0  }
0x78: {  	[tilespmem:s24+$0xFFFFFFF0] =	vst v0  }
0x79: {  	[tilespmem:s24+$0x0] =	vst v0  }
0x7a: {  	s23 =	simm.s32 $0x0;
	s28 =	simm.s32 $0x1B280;
	s9 =	rddreg [dreg:$0x9]  }
0x7b: {  	[tilespmem:s28], [sflag:$0x1] =	stream.linear.gather [hbm4b:s9+s23], $0x7D0, $0x38;
	[tilespmem:$0x1E280] =	vst v63  }
0x7c: {  	s11 =	simm.s32 $0x1BA80;
	s10 =	rddreg [dreg:$0xa]  }
0x7d: {  	[tilespmem:s11], [sflag:$0x1] =	stream.linear.gather [hbm4b:s10+s23], $0x7D0, $0x38;
	[tilespmem:$0x1E280] =	vst v63  }
0x7e: {  	s22 =	simm.s32 $0x1C280;
	s17 =	rddreg [dreg:$0xb]  }
0x7f: {  	[tilespmem:s22], [sflag:$0x1] =	stream.linear.gather [hbm4b:s17+s23], $0x7D0, $0x38;
	[tilespmem:$0x1E280] =	vst v63  }
0x80: {  	s24 =	rddreg [dreg:$0x10]  }
0x81: {  	[tilespmem:s12], [sflag:$0x2] =	stream.linear.gather [hbm4b:s24+s23], $0x7D0, $0x38;
	[tilespmem:$0x1E280] =	vst v63  }
0x82: {  	s25 =	rddreg [dreg:$0x11]  }
0x83: {  	[tilespmem:s13], [sflag:$0x2] =	stream.linear.gather [hbm4b:s25+s23], $0x7D0, $0x38;
	[tilespmem:$0x1E280] =	vst v63  }
0x84: {  	s26 =	rddreg [dreg:$0x14]  }
0x85: {  	[tilespmem:s14], [sflag:$0x2] =	stream.linear.gather [hbm4b:s26+s23], $0x7D0, $0x38;
	[tilespmem:$0x1E280] =	vst v63  }
.LBB2_4:
0x86: {  	_ =	swait.ge [sflag:s6], $0x7D0  }
0x87: {  	[sflag:s6] =	ssyncset.done $0x0  }
0x88: {  	[sflag:s6] =	ssyncadd.s32 $0xFFFFF830  }
0x89: {  	_ =	swait.ge [sflag:s6], $0x7D0  }
0x8a: {  	[sflag:s6] =	ssyncset.done $0x0  }
0x8b: {  	[sflag:s6] =	ssyncadd.s32 $0xFFFFF830  }
0x8c: {  	_ =	swait.ge [sflag:s6], $0x7D0  }
0x8d: {  	[sflag:s6] =	ssyncset.done $0x0  }
0x8e: {  	s9 =	simm.s32 $0x1B2A0;
	[sflag:s6] =	ssyncadd.s32 $0xFFFFF830  }
0x8f: {  	s10 =	simm.s32 $0x1BAA0;
	v3 =	vld [tilespmem:s9+$0x20]  }
0x90: {  	v4 =	vld [tilespmem:s10+$0x20];
	_ =	sdelay $0x1  }
0x91: {  	v12 =	vld [tilespmem:s10+$0xFFFFFFE0]  }
0x92: {  	v14 =	vld [tilespmem:s9+$0xFFFFFFF0]  }
0x93: {  	v11 =	vld [tilespmem:s10+$0xFFFFFFF0]  }
0x94: {  	v13 =	vld [tilespmem:s9+$0x0]  }
0x95: {  	v15 =	vld [tilespmem:s10+$0x0]  }
0x96: {  	v2 =	vld.idx.msk [tilespmem:v3+s2+$0x0], $0xffff  }
0x97: {  	v5 =	vld.idx.msk [tilespmem:v4+s29+$0x0], $0xffff  }
0x98: {  	s11 =	simm.s32 $0x1C2A0;
	v17 =	vld [tilespmem:s9+$0xFFFFFFE0]  }
0x99: {  	v6 =	vld [tilespmem:s11+$0x20]  }
0x9a: {  	v16 =	vld [tilespmem:s9+$0x10]  }
0x9b: {  	v1 =	vld [tilespmem:s10+$0x10]  }
0x9c: {  	v19 =	vld [tilespmem:s11+$0xFFFFFFE0];
	v2 =	vadd.f32 v5, v2  }
0x9d: {  	v7 =	vld.idx.msk [tilespmem:v12+s29+$0x0], $0xffff  }
0x9e: {  	v8 =	vld.idx.msk [tilespmem:v11+s29+$0x0], $0xffff;
	v2 =	vadd.f32 v6, v2  }
0x9f: {  	v9 =	vld.idx.msk [tilespmem:v15+s29+$0x0], $0xffff  }
0xa0: {  	v18 =	vld.idx.msk [tilespmem:v17+s2+$0x0], $0xffff;
	v10 =	vmul.f32 $2.000000030e-01, v2  }
0xa1: {  	v5 =	vld.idx.msk [tilespmem:v14+s2+$0x0], $0xffff;
	vm0 =	vgt.f32 v2, $0.0e+00  }
0xa2: {  	v6 =	vld.idx.msk [tilespmem:v13+s2+$0x0], $0xffff;
	v2 =	vsel vm0, v2, v10  }
0xa3: {  	v20 =	vld [tilespmem:s11+$0x0];
	v2 =	vmul.f32 $1.442695020e+00, v2  }
0xa4: {  	v10 =	vld [tilespmem:s11+$0xFFFFFFF0]  }
0xa5: {  	s26 =	simm.s32 $0x1B2F0;
	(erf) = vpow2.f32 v2  }
0xa6: {  	s24 =	simm.s32 $0x1BAF0;
	v25 =	vld [tilespmem:s26+$0x20];
	v2 =	vadd.f32 v7, v18  }
0xa7: {  	v26 =	vld [tilespmem:s24+$0x20];
	v5 =	vadd.f32 v8, v5;
	v6 =	vadd.f32 v9, v6  }
0xa8: {  	v8 =	vld.idx.msk [tilespmem:v1+s29+$0x0], $0xffff;
	v2 =	vadd.f32 v19, v2  }
0xa9: {  	v7 =	vld.idx.msk [tilespmem:v16+s2+$0x0], $0xffff;
	v6 =	vadd.f32 v20, v6;
	v5 =	vadd.f32 v10, v5  }
0xaa: {  	v9 =	vld.idx.msk [tilespmem:v3+s30+$0x0], $0xffff;
	v10 =	vmul.f32 $2.000000030e-01, v2  }
0xab: {  	s25 =	simm.s32 $0x1C2F0;
	v18 =	vld [tilespmem:s11+$0x10];
	v20 =	vmul.f32 $2.000000030e-01, v6;
	v19 =	vmul.f32 $2.000000030e-01, v5;
	vm9 =	vgt.f32 v2, $0.0e+00  }
0xac: {  	v29 =	vld [tilespmem:s25+$0x20];
	vm2 =	vgt.f32 v6, $0.0e+00;
	vm1 =	vgt.f32 v5, $0.0e+00;
	v2 =	vsel vm9, v2, v10  }
0xad: {  	v37 =	vld [tilespmem:s25+$0xFFFFFFE0];
	v6 =	vsel vm2, v6, v20;
	v5 =	vsel vm1, v5, v19;
	v2 =	vmul.f32 $1.442695020e+00, v2  }
0xae: {  	v52 =	vld [tilespmem:s25+$0xFFFFFFF0];
	v7 =	vadd.f32 v8, v7;
	v6 =	vmul.f32 $1.442695020e+00, v6;
	v5 =	vmul.f32 $1.442695020e+00, v5;
	v8 =	vpop (erf)  }
0xaf: {  	v38 =	vld [tilespmem:s25+$0x0];
	(erf) = vpow2.f32 v2;
	v9 =	vmul.f32 v8, v9  }
0xb0: {  	v53 =	vld [tilespmem:s25+$0x10];
	v2 =	vadd.f32 v18, v7;
	(erf) = vpow2.f32 v5  }
0xb1: {  	(erf) = vpow2.f32 v6;
	[tilespmem:v4+s15+$0x0] =	vst.idx.add.f32.msk $0xffff, v9  }
0xb2: {  	v5 =	vmul.f32 $2.000000030e-01, v2;
	v6 =	vld.idx.msk [tilespmem:v3+s31+$0x0], $0xffff  }
0xb3: {  	v27 =	vld.idx.msk [tilespmem:v25+s2+$0x0], $0xffff;
	vm10 =	vgt.f32 v2, $0.0e+00  }
0xb4: {  	v7 =	vld.idx.msk [tilespmem:v17+s30+$0x0], $0xffff;
	v2 =	vsel vm10, v2, v5  }
0xb5: {  	v5 =	vld.idx.msk [tilespmem:v14+s30+$0x0], $0xffff;
	v2 =	vmul.f32 $1.442695020e+00, v2  }
0xb6: {  	v9 =	vld.idx.msk [tilespmem:v13+s30+$0x0], $0xffff  }
0xb7: {  	v28 =	vld.idx.msk [tilespmem:v26+s29+$0x0], $0xffff;
	(erf) = vpow2.f32 v2;
	v2 =	vmul.f32 v8, v6  }
0xb8: {  	v6 =	vld.idx.msk [tilespmem:v16+s30+$0x0], $0xffff;
	v19 =	vpop (erf)  }
0xb9: {  	v7 =	vmul.f32 v19, v7;
	v20 =	vpop (erf);
	[tilespmem:v4+s16+$0x0] =	vst.idx.add.f32.msk $0xffff, v2  }
0xba: {  	v2 =	vmul.f32 v20, v5;
	v18 =	vpop (erf);
	v5 =	vld.idx.msk [tilespmem:v3+s1+$0x0], $0xffff  }
0xbb: {  	[tilespmem:v12+s15+$0x0] =	vst.idx.add.f32.msk $0xffff, v7;
	v7 =	vmul.f32 v18, v9  }
0xbc: {  	[tilespmem:v11+s15+$0x0] =	vst.idx.add.f32.msk $0xffff, v2  }
0xbd: {  	[tilespmem:v15+s15+$0x0] =	vst.idx.add.f32.msk $0xffff, v7  }
0xbe: {  	v7 =	vld.idx.msk [tilespmem:v17+s31+$0x0], $0xffff  }
0xbf: {  	v9 =	vld.idx.msk [tilespmem:v14+s31+$0x0], $0xffff  }
0xc0: {  	v57 =	vld.idx.msk [tilespmem:v25+s30+$0x0], $0xffff;
	v2 =	vpop (erf);
	v5 =	vmul.f32 v5, v8  }
0xc1: {  	v10 =	vld.idx.msk [tilespmem:v13+s31+$0x0], $0xffff;
	v6 =	vmul.f32 v2, v6  }
0xc2: {  	[tilespmem:v4+s18+$0x0] =	vst.idx.add.f32.msk $0xffff, v5  }
0xc3: {  	[tilespmem:v1+s15+$0x0] =	vst.idx.add.f32.msk $0xffff, v6  }
0xc4: {  	v5 =	vmul.f32 v19, v7;
	v7 =	vmul.f32 v20, v9;
	v9 =	vld [tilespmem:s26+$0x10]  }
0xc5: {  	v3 =	vld.idx.msk [tilespmem:v3+s0+$0x0], $0xffff  }
0xc6: {  	v6 =	vld.idx.msk [tilespmem:v16+s31+$0x0], $0xffff  }
0xc7: {  	[tilespmem:v12+s16+$0x0] =	vst.idx.add.f32.msk $0xffff, v5  }
0xc8: {  	[tilespmem:v11+s16+$0x0] =	vst.idx.add.f32.msk $0xffff, v7  }
0xc9: {  	v7 =	vld [tilespmem:s26+$0x0]  }
0xca: {  	v5 =	vmul.f32 v18, v10;
	v10 =	vld [tilespmem:s26+$0xFFFFFFE0]  }
0xcb: {  	v21 =	vld.idx.msk [tilespmem:v17+s1+$0x0], $0xffff  }
0xcc: {  	v27 =	vadd.f32 v28, v27;
	v22 =	vld.idx.msk [tilespmem:v14+s1+$0x0], $0xffff  }
0xcd: {  	[tilespmem:v15+s16+$0x0] =	vst.idx.add.f32.msk $0xffff, v5;
	v3 =	vmul.f32 v3, v8  }
0xce: {  	v27 =	vadd.f32 v29, v27;
	v5 =	vmul.f32 v2, v6;
	v6 =	vld [tilespmem:s24+$0xFFFFFFE0]  }
0xcf: {  	[tilespmem:v4+s19+$0x0] =	vst.idx.add.f32.msk $0xffff, v3  }
0xd0: {  	v35 =	vmul.f32 $2.000000030e-01, v27;
	[tilespmem:v1+s16+$0x0] =	vst.idx.add.f32.msk $0xffff, v5  }
0xd1: {  	vm11 =	vgt.f32 v27, $0.0e+00;
	v5 =	vld [tilespmem:s24+$0xFFFFFFF0]  }
0xd2: {  	v27 =	vsel vm11, v27, v35;
	[tilespmem:v4+s20+$0x0] =	vst.idx.add.f32.msk $0xffff, v8  }
0xd3: {  	v27 =	vmul.f32 $1.442695020e+00, v27;
	v8 =	vld [tilespmem:s26+$0xFFFFFFF0]  }
0xd4: {  	v23 =	vld.idx.msk [tilespmem:v13+s1+$0x0], $0xffff  }
0xd5: {  	(erf) = vpow2.f32 v27;
	v3 =	vld [tilespmem:s24+$0x0]  }
0xd6: {  	v4 =	vld [tilespmem:s24+$0x10]  }
0xd7: {  	v51 =	vld.idx.msk [tilespmem:v9+s2+$0x0], $0xffff  }
0xd8: {  	v34 =	vld.idx.msk [tilespmem:v10+s2+$0x0], $0xffff  }
0xd9: {  	v30 =	vld.idx.msk [tilespmem:v6+s29+$0x0], $0xffff  }
0xda: {  	v32 =	vld.idx.msk [tilespmem:v5+s29+$0x0], $0xffff  }
0xdb: {  	v31 =	vld.idx.msk [tilespmem:v8+s2+$0x0], $0xffff  }
0xdc: {  	v50 =	vld.idx.msk [tilespmem:v7+s2+$0x0], $0xffff  }
0xdd: {  	v33 =	vld.idx.msk [tilespmem:v3+s29+$0x0], $0xffff  }
0xde: {  	v62 =	vpop (erf);
	v36 =	vld.idx.msk [tilespmem:v4+s29+$0x0], $0xffff;
	v30 =	vadd.f32 v30, v34  }
0xdf: {  	v63 =	vmul.f32 v62, v57;
	v60 =	vld.idx.msk [tilespmem:v9+s30+$0x0], $0xffff  }
0xe0: {  	v21 =	vmul.f32 v21, v19;
	v24 =	vld.idx.msk [tilespmem:v16+s1+$0x0], $0xffff;
	v30 =	vadd.f32 v37, v30;
	v31 =	vadd.f32 v32, v31  }
0xe1: {  	v22 =	vmul.f32 v22, v20;
	[tilespmem:v26+s15+$0x0] =	vst.idx.add.f32.msk $0xffff, v63  }
0xe2: {  	[tilespmem:v12+s18+$0x0] =	vst.idx.add.f32.msk $0xffff, v21;
	v28 =	vadd.f32 v33, v50;
	v58 =	vmul.f32 $2.000000030e-01, v30;
	v31 =	vadd.f32 v52, v31  }
0xe3: {  	v17 =	vld.idx.msk [tilespmem:v17+s0+$0x0], $0xffff;
	v29 =	vadd.f32 v36, v51;
	vm12 =	vgt.f32 v30, $0.0e+00  }
0xe4: {  	[tilespmem:v11+s18+$0x0] =	vst.idx.add.f32.msk $0xffff, v22;
	v28 =	vadd.f32 v38, v28;
	v22 =	vsel vm12, v30, v58;
	v59 =	vmul.f32 $2.000000030e-01, v31  }
0xe5: {  	v54 =	vld.idx.msk [tilespmem:v10+s30+$0x0], $0xffff;
	v23 =	vmul.f32 v23, v18;
	vm13 =	vgt.f32 v31, $0.0e+00;
	v22 =	vmul.f32 $1.442695020e+00, v22  }
0xe6: {  	v56 =	vld.idx.msk [tilespmem:v7+s30+$0x0], $0xffff;
	v27 =	vadd.f32 v53, v29;
	v38 =	vmul.f32 $2.000000030e-01, v28;
	v61 =	vsel vm13, v31, v59  }
0xe7: {  	vm14 =	vgt.f32 v28, $0.0e+00;
	(erf) = vpow2.f32 v22;
	v22 =	vld.idx.msk [tilespmem:v25+s31+$0x0], $0xffff;
	v30 =	vmul.f32 $1.442695020e+00, v61  }
0xe8: {  	v14 =	vld.idx.msk [tilespmem:v14+s0+$0x0], $0xffff;
	v17 =	vmul.f32 v17, v19;
	v21 =	vmul.f32 $2.000000030e-01, v27;
	v28 =	vsel vm14, v28, v38  }
0xe9: {  	[tilespmem:v15+s18+$0x0] =	vst.idx.add.f32.msk $0xffff, v23;
	vm15 =	vgt.f32 v27, $0.0e+00;
	v23 =	vmul.f32 $1.442695020e+00, v28;
	(erf) = vpow2.f32 v30  }
0xea: {  	v55 =	vld.idx.msk [tilespmem:v8+s30+$0x0], $0xffff;
	v21 =	vsel vm15, v27, v21  }
0xeb: {  	[tilespmem:v12+s19+$0x0] =	vst.idx.add.f32.msk $0xffff, v17;
	v21 =	vmul.f32 $1.442695020e+00, v21;
	(erf) = vpow2.f32 v23  }
0xec: {  	[tilespmem:v12+s20+$0x0] =	vst.idx.add.f32.msk $0xffff, v19;
	v12 =	vmul.f32 v62, v22  }
0xed: {  	(erf) = vpow2.f32 v21;
	v21 =	vld.idx.msk [tilespmem:v13+s0+$0x0], $0xffff;
	v13 =	vmul.f32 v14, v20  }
0xee: {  	v24 =	vmul.f32 v24, v2;
	[tilespmem:v26+s16+$0x0] =	vst.idx.add.f32.msk $0xffff, v12  }
0xef: {  	v19 =	vld.idx.msk [tilespmem:v25+s1+$0x0], $0xffff  }
0xf0: {  	[tilespmem:v1+s18+$0x0] =	vst.idx.add.f32.msk $0xffff, v24  }
0xf1: {  	[tilespmem:v11+s19+$0x0] =	vst.idx.add.f32.msk $0xffff, v13;
	v13 =	vpop (erf)  }
0xf2: {  	v16 =	vld.idx.msk [tilespmem:v16+s0+$0x0], $0xffff;
	v14 =	vmul.f32 v13, v54;
	v12 =	vpop (erf)  }
0xf3: {  	[tilespmem:v11+s20+$0x0] =	vst.idx.add.f32.msk $0xffff, v20;
	v17 =	vmul.f32 v12, v55  }
0xf4: {  	[tilespmem:v6+s15+$0x0] =	vst.idx.add.f32.msk $0xffff, v14;
	v11 =	vpop (erf);
	v19 =	vmul.f32 v19, v62  }
0xf5: {  	v20 =	vmul.f32 v11, v56;
	[tilespmem:v5+s15+$0x0] =	vst.idx.add.f32.msk $0xffff, v17  }
0xf6: {  	v14 =	vpop (erf);
	[tilespmem:v26+s18+$0x0] =	vst.idx.add.f32.msk $0xffff, v19  }
0xf7: {  	v17 =	vmul.f32 v14, v60;
	[tilespmem:v3+s15+$0x0] =	vst.idx.add.f32.msk $0xffff, v20  }
0xf8: {  	v20 =	vld.idx.msk [tilespmem:v8+s31+$0x0], $0xffff  }
0xf9: {  	[tilespmem:v4+s15+$0x0] =	vst.idx.add.f32.msk $0xffff, v17  }
0xfa: {  	v17 =	vld.idx.msk [tilespmem:v10+s31+$0x0], $0xffff  }
0xfb: {  	v19 =	vmul.f32 v21, v18;
	v22 =	vld.idx.msk [tilespmem:v7+s31+$0x0], $0xffff  }
0xfc: {  	v21 =	vld.idx.msk [tilespmem:v25+s0+$0x0], $0xffff  }
0xfd: {  	[tilespmem:v15+s19+$0x0] =	vst.idx.add.f32.msk $0xffff, v19  }
0xfe: {  	v23 =	vld.idx.msk [tilespmem:v9+s31+$0x0], $0xffff;
	v19 =	vmul.f32 v12, v20  }
0xff: {  	[tilespmem:v15+s20+$0x0] =	vst.idx.add.f32.msk $0xffff, v18;
	v17 =	vmul.f32 v13, v17  }
0x100: {  	v15 =	vmul.f32 v11, v22;
	[tilespmem:v5+s16+$0x0] =	vst.idx.add.f32.msk $0xffff, v19  }
0x101: {  	[tilespmem:v6+s16+$0x0] =	vst.idx.add.f32.msk $0xffff, v17  }
0x102: {  	[tilespmem:v3+s16+$0x0] =	vst.idx.add.f32.msk $0xffff, v15  }
0x103: {  	v20 =	vld.idx.msk [tilespmem:v8+s1+$0x0], $0xffff  }
0x104: {  	v15 =	vmul.f32 v21, v62;
	v19 =	vld.idx.msk [tilespmem:v10+s1+$0x0], $0xffff  }
0x105: {  	v17 =	vmul.f32 v14, v23;
	v18 =	vld.idx.msk [tilespmem:v7+s1+$0x0], $0xffff  }
0x106: {  	[tilespmem:v26+s19+$0x0] =	vst.idx.add.f32.msk $0xffff, v15  }
0x107: {  	[tilespmem:v4+s16+$0x0] =	vst.idx.add.f32.msk $0xffff, v17  }
0x108: {  	v15 =	vmul.f32 v16, v2;
	[tilespmem:v26+s20+$0x0] =	vst.idx.add.f32.msk $0xffff, v62  }
0x109: {  	v17 =	vld.idx.msk [tilespmem:v9+s1+$0x0], $0xffff  }
0x10a: {  	s17 =	simm.s32 $0x1B340;
	s26 =	simm.s32 $0x5;
	[tilespmem:v1+s19+$0x0] =	vst.idx.add.f32.msk $0xffff, v15;
	v19 =	vmul.f32 v19, v13  }
.LBB2_5:
0x10b: {  	v16 =	vld [tilespmem:s17+$0x20];
	s24 =	sadd.s32 $0x50, s24  }
0x10c: {  	v15 =	vld [tilespmem:s24+$0x20]  }
0x10d: {  	s26 =	sadd.s32 $0x5, s26;
	v20 =	vmul.f32 v20, v12;
	v21 =	vld [tilespmem:s24+$0xFFFFFFE0]  }
0x10e: {  	p0 =	slt.u32 s26, $0x78;
	v23 =	vmul.f32 v18, v11;
	v22 =	vld [tilespmem:s17+$0xFFFFFFF0]  }
0x10f: {  	v24 =	vmul.f32 v17, v14;
	v18 =	vld [tilespmem:s24+$0xFFFFFFF0]  }
0x110: {  	v25 =	vld [tilespmem:s17+$0x0]  }
0x111: {  	v17 =	vld [tilespmem:s24+$0x0]  }
0x112: {  	v26 =	vld [tilespmem:s17+$0x10]  }
0x113: {  	v27 =	vld.idx.msk [tilespmem:v16+s2+$0x0], $0xffff  }
0x114: {  	v28 =	vld.idx.msk [tilespmem:v15+s29+$0x0], $0xffff  }
0x115: {  	v29 =	vld [tilespmem:s24+$0x10]  }
0x116: {  	s25 =	sadd.s32 $0x50, s25;
	v30 =	vld [tilespmem:s17+$0xFFFFFFE0]  }
0x117: {  	v31 =	vld [tilespmem:s25+$0x20]  }
0x118: {  	v32 =	vld.idx.msk [tilespmem:v21+s29+$0x0], $0xffff  }
0x119: {  	v33 =	vld.idx.msk [tilespmem:v22+s2+$0x0], $0xffff  }
0x11a: {  	v27 =	vadd.f32 v28, v27;
	v34 =	vld.idx.msk [tilespmem:v18+s29+$0x0], $0xffff  }
0x11b: {  	v28 =	vld.idx.msk [tilespmem:v25+s2+$0x0], $0xffff  }
0x11c: {  	v35 =	vld.idx.msk [tilespmem:v17+s29+$0x0], $0xffff;
	v27 =	vadd.f32 v31, v27  }
0x11d: {  	v31 =	vld.idx.msk [tilespmem:v26+s2+$0x0], $0xffff  }
0x11e: {  	v36 =	vld.idx.msk [tilespmem:v30+s2+$0x0], $0xffff;
	v37 =	vmul.f32 $2.000000030e-01, v27  }
0x11f: {  	vm0 =	vgt.f32 v27, $0.0e+00;
	v38 =	vld.idx.msk [tilespmem:v29+s29+$0x0], $0xffff  }
0x120: {  	v33 =	vadd.f32 v34, v33;
	v39 =	vld [tilespmem:s25+$0xFFFFFFE0];
	v27 =	vsel vm0, v27, v37  }
0x121: {  	v34 =	vld [tilespmem:s25+$0xFFFFFFF0];
	v27 =	vmul.f32 $1.442695020e+00, v27  }
0x122: {  	v28 =	vadd.f32 v35, v28;
	v35 =	vld [tilespmem:s25+$0x0]  }
0x123: {  	v37 =	vld [tilespmem:s25+$0x10];
	(erf) = vpow2.f32 v27  }
0x124: {  	v27 =	vadd.f32 v32, v36;
	v32 =	vld.idx.msk [tilespmem:v30+s30+$0x0], $0xffff  }
0x125: {  	v31 =	vadd.f32 v38, v31;
	v36 =	vld.idx.msk [tilespmem:v22+s30+$0x0], $0xffff  }
0x126: {  	v27 =	vadd.f32 v39, v27;
	v33 =	vadd.f32 v34, v33;
	v34 =	vld.idx.msk [tilespmem:v25+s30+$0x0], $0xffff  }
0x127: {  	v28 =	vadd.f32 v35, v28;
	v35 =	vld.idx.msk [tilespmem:v16+s30+$0x0], $0xffff  }
0x128: {  	v38 =	vmul.f32 $2.000000030e-01, v27;
	v39 =	vmul.f32 $2.000000030e-01, v33;
	v31 =	vadd.f32 v37, v31;
	v37 =	vld.idx.msk [tilespmem:v26+s30+$0x0], $0xffff  }
0x129: {  	vm0 =	vgt.f32 v27, $0.0e+00;
	vm1 =	vgt.f32 v33, $0.0e+00;
	v40 =	vmul.f32 $2.000000030e-01, v28;
	[tilespmem:v6+s18+$0x0] =	vst.idx.add.f32.msk $0xffff, v19  }
0x12a: {  	vm2 =	vgt.f32 v28, $0.0e+00;
	vm3 =	vgt.f32 v31, $0.0e+00;
	v19 =	vmul.f32 $2.000000030e-01, v31;
	[tilespmem:v5+s18+$0x0] =	vst.idx.add.f32.msk $0xffff, v20  }
0x12b: {  	v20 =	vsel vm0, v27, v38;
	v27 =	vsel vm1, v33, v39;
	v28 =	vsel vm2, v28, v40;
	v33 =	vld.idx.msk [tilespmem:v10+s0+$0x0], $0xffff  }
0x12c: {  	v20 =	vmul.f32 $1.442695020e+00, v20;
	v27 =	vmul.f32 $1.442695020e+00, v27;
	v19 =	vsel vm3, v31, v19;
	v31 =	vpop (erf);
	[tilespmem:v3+s18+$0x0] =	vst.idx.add.f32.msk $0xffff, v23  }
0x12d: {  	v10 =	vmov v30;
	v23 =	vmul.f32 $1.442695020e+00, v28;
	v28 =	vmul.f32 v31, v35;
	[tilespmem:v4+s18+$0x0] =	vst.idx.add.f32.msk $0xffff, v24  }
0x12e: {  	v19 =	vmul.f32 $1.442695020e+00, v19;
	(erf) = vpow2.f32 v20;
	v20 =	vld.idx.msk [tilespmem:v8+s0+$0x0], $0xffff;
	v8 =	vmov v22  }
0x12f: {  	[tilespmem:v15+s15+$0x0] =	vst.idx.add.f32.msk $0xffff, v28;
	(erf) = vpow2.f32 v27  }
0x130: {  	v22 =	vld.idx.msk [tilespmem:v16+s31+$0x0], $0xffff;
	(erf) = vpow2.f32 v23  }
0x131: {  	(erf) = vpow2.f32 v19;
	v19 =	vmul.f32 v33, v13;
	v23 =	vld.idx.msk [tilespmem:v7+s0+$0x0], $0xffff;
	v7 =	vmov v25  }
0x132: {  	v24 =	vld.idx.msk [tilespmem:v9+s0+$0x0], $0xffff;
	v9 =	vmov v26  }
0x133: {  	[tilespmem:v6+s19+$0x0] =	vst.idx.add.f32.msk $0xffff, v19  }
0x134: {  	v19 =	vmul.f32 v20, v12;
	[tilespmem:v6+s20+$0x0] =	vst.idx.add.f32.msk $0xffff, v13;
	v6 =	vmov v21  }
0x135: {  	[tilespmem:v1+s20+$0x0] =	vst.idx.add.f32.msk $0xffff, v2;
	v1 =	vmov v4;
	v4 =	vmov v29;
	v2 =	vmov v14  }
0x136: {  	v14 =	vmul.f32 v31, v22;
	[tilespmem:v5+s19+$0x0] =	vst.idx.add.f32.msk $0xffff, v19  }
0x137: {  	v19 =	vmul.f32 v23, v11;
	v13 =	vpop (erf);
	[tilespmem:v5+s20+$0x0] =	vst.idx.add.f32.msk $0xffff, v12;
	v5 =	vmov v18  }
0x138: {  	v21 =	vmul.f32 v24, v2;
	v20 =	vmul.f32 v13, v32;
	[tilespmem:v15+s16+$0x0] =	vst.idx.add.f32.msk $0xffff, v14;
	v12 =	vpop (erf)  }
0x139: {  	v22 =	vmul.f32 v12, v36;
	v23 =	vld.idx.msk [tilespmem:v16+s1+$0x0], $0xffff;
	v24 =	vpop (erf)  }
0x13a: {  	[tilespmem:v6+s15+$0x0] =	vst.idx.add.f32.msk $0xffff, v20;
	v20 =	vmul.f32 v24, v34;
	v14 =	vpop (erf)  }
0x13b: {  	[tilespmem:v18+s15+$0x0] =	vst.idx.add.f32.msk $0xffff, v22;
	v18 =	vmul.f32 v14, v37  }
0x13c: {  	[tilespmem:v17+s15+$0x0] =	vst.idx.add.f32.msk $0xffff, v20  }
0x13d: {  	[tilespmem:v29+s15+$0x0] =	vst.idx.add.f32.msk $0xffff, v18  }
0x13e: {  	v18 =	vld.idx.msk [tilespmem:v10+s31+$0x0], $0xffff  }
0x13f: {  	v22 =	vmul.f32 v23, v31;
	v20 =	vld.idx.msk [tilespmem:v8+s31+$0x0], $0xffff  }
0x140: {  	v23 =	vld.idx.msk [tilespmem:v25+s31+$0x0], $0xffff  }
0x141: {  	[tilespmem:v15+s18+$0x0] =	vst.idx.add.f32.msk $0xffff, v22  }
0x142: {  	v16 =	vld.idx.msk [tilespmem:v16+s0+$0x0], $0xffff  }
0x143: {  	v22 =	vld.idx.msk [tilespmem:v9+s31+$0x0], $0xffff  }
0x144: {  	v18 =	vmul.f32 v13, v18;
	[tilespmem:v3+s19+$0x0] =	vst.idx.add.f32.msk $0xffff, v19  }
0x145: {  	v19 =	vmul.f32 v12, v20;
	[tilespmem:v3+s20+$0x0] =	vst.idx.add.f32.msk $0xffff, v11;
	v3 =	vmov v17;
	v11 =	vmov v24  }
0x146: {  	[tilespmem:v6+s16+$0x0] =	vst.idx.add.f32.msk $0xffff, v18;
	v18 =	vmul.f32 v11, v23  }
0x147: {  	[tilespmem:v5+s16+$0x0] =	vst.idx.add.f32.msk $0xffff, v19  }
0x148: {  	v16 =	vmul.f32 v16, v31;
	[tilespmem:v17+s16+$0x0] =	vst.idx.add.f32.msk $0xffff, v18  }
0x149: {  	v18 =	vmul.f32 v14, v22;
	v17 =	vld.idx.msk [tilespmem:v10+s1+$0x0], $0xffff  }
0x14a: {  	[tilespmem:v15+s19+$0x0] =	vst.idx.add.f32.msk $0xffff, v16  }
0x14b: {  	[tilespmem:v15+s20+$0x0] =	vst.idx.add.f32.msk $0xffff, v31  }
.Ltmp1:
0x14c: {  	[tilespmem:v4+s16+$0x0] =	vst.idx.add.f32.msk $0xffff, v18;
	(pc) =	sbr.rel @p0 .LBB2_5-.Ltmp1, $4  }
0x14d: {  	v20 =	vld.idx.msk [tilespmem:v8+s1+$0x0], $0xffff  }
0x14e: {  	v18 =	vld.idx.msk [tilespmem:v7+s1+$0x0], $0xffff  }
0x14f: {  	v19 =	vmul.f32 v17, v13;
	v17 =	vld.idx.msk [tilespmem:v9+s1+$0x0], $0xffff  }
0x150: {  	s17 =	sadd.s32 $0x50, s17;
	[tilespmem:v1+s19+$0x0] =	vst.idx.add.f32.msk $0xffff, v21  }
0x151: {  	_ =	sdelay $0x3  }
0x152: {  	[tilespmem:v6+s18+$0x0] =	vst.idx.add.f32.msk $0xffff, v19;
	v15 =	vmul.f32 v20, v12  }
0x153: {  	v10 =	vld.idx.msk [tilespmem:v10+s0+$0x0], $0xffff;
	v16 =	vmul.f32 v18, v11  }
0x154: {  	[tilespmem:v5+s18+$0x0] =	vst.idx.add.f32.msk $0xffff, v15  }
0x155: {  	v15 =	vmul.f32 v17, v14;
	[tilespmem:v3+s18+$0x0] =	vst.idx.add.f32.msk $0xffff, v16  }
0x156: {  	v8 =	vld.idx.msk [tilespmem:v8+s0+$0x0], $0xffff  }
0x157: {  	[tilespmem:v4+s18+$0x0] =	vst.idx.add.f32.msk $0xffff, v15  }
0x158: {  	v7 =	vld.idx.msk [tilespmem:v7+s0+$0x0], $0xffff;
	v10 =	vmul.f32 v10, v13  }
0x159: {  	v9 =	vld.idx.msk [tilespmem:v9+s0+$0x0], $0xffff  }
0x15a: {  	[tilespmem:v6+s19+$0x0] =	vst.idx.add.f32.msk $0xffff, v10  }
0x15b: {  	s24 =	sshll.u32 s23, $0x1;
	[tilespmem:v6+s20+$0x0] =	vst.idx.add.f32.msk $0xffff, v13;
	v6 =	vmul.f32 v8, v12  }
0x15c: {  	[tilespmem:v1+s20+$0x0] =	vst.idx.add.f32.msk $0xffff, v2;
	s9 =	sadd.s32 $0x2, s24  }
0x15d: {  	s10 =	smul.u32 $0x7D0, s9;
	v1 =	vmul.f32 v7, v11;
	[tilespmem:v5+s19+$0x0] =	vst.idx.add.f32.msk $0xffff, v6  }
0x15e: {  	p0 =	seq.s32 s9, $0x50;
	[tilespmem:v5+s20+$0x0] =	vst.idx.add.f32.msk $0xffff, v12  }
0x15f: {  	s10 =	simm.s32 @p0 $0x0;
	v2 =	vmul.f32 v9, v14;
	[tilespmem:v3+s19+$0x0] =	vst.idx.add.f32.msk $0xffff, v1  }
0x160: {  	s25 =	sadd.s32 s7, s10;
	[tilespmem:v3+s20+$0x0] =	vst.idx.add.f32.msk $0xffff, v11  }
0x161: {  	s9 =	sshrl.u32 s25, $0x3;
	[tilespmem:v4+s19+$0x0] =	vst.idx.add.f32.msk $0xffff, v2  }
0x162: {  	s10 =	sadd.s32 s8, s10;
	s11 =	sadd.s32 s3, s9;
	[tilespmem:v4+s20+$0x0] =	vst.idx.add.f32.msk $0xffff, v14  }
0x163: {  	[tilespmem:s28], [sflag:$0x1] =	stream.linear.gather [hbm4b:s11+s2], $0x7D0, $0x38;
	[tilespmem:$0x1E280] =	vst v63  }
0x164: {  	s26 =	simm.s32 $0x1BA80;
	s10 =	sshrl.u32 s10, $0x3;
	s9 =	sadd.s32 s4, s9  }
0x165: {  	[tilespmem:s26], [sflag:$0x1] =	stream.linear.gather [hbm4b:s9+s2], $0x7D0, $0x38;
	[tilespmem:$0x1E280] =	vst v63  }
0x166: {  	s11 =	simm.s32 $0x1C280;
	s9 =	sadd.s32 s5, s10  }
0x167: {  	[tilespmem:s11], [sflag:$0x1] =	stream.linear.gather [hbm4b:s9+s2], $0x7D0, $0x38;
	[tilespmem:$0x1E280] =	vst v63  }
0x168: {  	_ =	swait.ge [sflag:s21], $0x7D0  }
0x169: {  	[sflag:s21] =	ssyncset.done $0x0  }
0x16a: {  	[sflag:s21] =	ssyncadd.s32 $0xFFFFF830  }
0x16b: {  	_ =	swait.ge [sflag:s21], $0x7D0  }
0x16c: {  	[sflag:s21] =	ssyncset.done $0x0  }
0x16d: {  	[sflag:s21] =	ssyncadd.s32 $0xFFFFF830  }
0x16e: {  	_ =	swait.ge [sflag:s21], $0x7D0  }
0x16f: {  	[sflag:s21] =	ssyncset.done $0x0  }
0x170: {  	s17 =	simm.s32 $0x1CAA0;
	[sflag:s21] =	ssyncadd.s32 $0xFFFFF830  }
0x171: {  	s22 =	simm.s32 $0x1D2A0;
	v3 =	vld [tilespmem:s17+$0x20]  }
0x172: {  	v4 =	vld [tilespmem:s22+$0x20];
	_ =	sdelay $0x1  }
0x173: {  	v12 =	vld [tilespmem:s22+$0xFFFFFFE0]  }
0x174: {  	v14 =	vld [tilespmem:s17+$0xFFFFFFF0]  }
0x175: {  	v11 =	vld [tilespmem:s22+$0xFFFFFFF0]  }
0x176: {  	v13 =	vld [tilespmem:s17+$0x0]  }
0x177: {  	v15 =	vld [tilespmem:s22+$0x0]  }
0x178: {  	v2 =	vld.idx.msk [tilespmem:v3+s2+$0x0], $0xffff  }
0x179: {  	v5 =	vld.idx.msk [tilespmem:v4+s29+$0x0], $0xffff  }
0x17a: {  	s25 =	simm.s32 $0x1DAA0;
	v17 =	vld [tilespmem:s17+$0xFFFFFFE0]  }
0x17b: {  	v6 =	vld [tilespmem:s25+$0x20]  }
0x17c: {  	v16 =	vld [tilespmem:s17+$0x10]  }
0x17d: {  	v1 =	vld [tilespmem:s22+$0x10]  }
0x17e: {  	v19 =	vld [tilespmem:s25+$0xFFFFFFE0];
	v2 =	vadd.f32 v5, v2  }
0x17f: {  	v7 =	vld.idx.msk [tilespmem:v12+s29+$0x0], $0xffff  }
0x180: {  	v8 =	vld.idx.msk [tilespmem:v11+s29+$0x0], $0xffff;
	v2 =	vadd.f32 v6, v2  }
0x181: {  	v9 =	vld.idx.msk [tilespmem:v15+s29+$0x0], $0xffff  }
0x182: {  	v18 =	vld.idx.msk [tilespmem:v17+s2+$0x0], $0xffff;
	v10 =	vmul.f32 $2.000000030e-01, v2  }
0x183: {  	v5 =	vld.idx.msk [tilespmem:v14+s2+$0x0], $0xffff;
	vm0 =	vgt.f32 v2, $0.0e+00  }
0x184: {  	v6 =	vld.idx.msk [tilespmem:v13+s2+$0x0], $0xffff;
	v2 =	vsel vm0, v2, v10  }
0x185: {  	v20 =	vld [tilespmem:s25+$0x0];
	v2 =	vmul.f32 $1.442695020e+00, v2  }
0x186: {  	v10 =	vld [tilespmem:s25+$0xFFFFFFF0]  }
0x187: {  	(erf) = vpow2.f32 v2  }
0x188: {  	s26 =	simm.s32 $0x1CAF0;
	v2 =	vadd.f32 v7, v18  }
0x189: {  	v25 =	vld [tilespmem:s26+$0x20];
	v5 =	vadd.f32 v8, v5;
	v6 =	vadd.f32 v9, v6  }
0x18a: {  	v8 =	vld.idx.msk [tilespmem:v1+s29+$0x0], $0xffff;
	v2 =	vadd.f32 v19, v2  }
0x18b: {  	v7 =	vld.idx.msk [tilespmem:v16+s2+$0x0], $0xffff;
	v6 =	vadd.f32 v20, v6;
	v5 =	vadd.f32 v10, v5  }
0x18c: {  	v9 =	vld.idx.msk [tilespmem:v3+s30+$0x0], $0xffff;
	v10 =	vmul.f32 $2.000000030e-01, v2  }
0x18d: {  	v18 =	vld [tilespmem:s25+$0x10];
	v20 =	vmul.f32 $2.000000030e-01, v6;
	v19 =	vmul.f32 $2.000000030e-01, v5;
	vm9 =	vgt.f32 v2, $0.0e+00  }
0x18e: {  	vm2 =	vgt.f32 v6, $0.0e+00;
	vm1 =	vgt.f32 v5, $0.0e+00;
	v2 =	vsel vm9, v2, v10  }
0x18f: {  	v6 =	vsel vm2, v6, v20;
	v5 =	vsel vm1, v5, v19;
	v2 =	vmul.f32 $1.442695020e+00, v2  }
0x190: {  	v7 =	vadd.f32 v8, v7;
	v6 =	vmul.f32 $1.442695020e+00, v6;
	v5 =	vmul.f32 $1.442695020e+00, v5;
	v8 =	vpop (erf)  }
0x191: {  	(erf) = vpow2.f32 v2;
	v9 =	vmul.f32 v8, v9  }
0x192: {  	v27 =	vld.idx.msk [tilespmem:v25+s2+$0x0], $0xffff;
	v2 =	vadd.f32 v18, v7;
	(erf) = vpow2.f32 v5  }
0x193: {  	(erf) = vpow2.f32 v6;
	[tilespmem:v4+s15+$0x0] =	vst.idx.add.f32.msk $0xffff, v9  }
0x194: {  	v5 =	vmul.f32 $2.000000030e-01, v2;
	v6 =	vld.idx.msk [tilespmem:v3+s31+$0x0], $0xffff  }
0x195: {  	v57 =	vld.idx.msk [tilespmem:v25+s30+$0x0], $0xffff;
	vm10 =	vgt.f32 v2, $0.0e+00  }
0x196: {  	v7 =	vld.idx.msk [tilespmem:v17+s30+$0x0], $0xffff;
	v2 =	vsel vm10, v2, v5  }
0x197: {  	v5 =	vld.idx.msk [tilespmem:v14+s30+$0x0], $0xffff;
	v2 =	vmul.f32 $1.442695020e+00, v2  }
0x198: {  	s25 =	simm.s32 $0x1D2F0;
	v9 =	vld.idx.msk [tilespmem:v13+s30+$0x0], $0xffff  }
0x199: {  	v26 =	vld [tilespmem:s25+$0x20];
	(erf) = vpow2.f32 v2;
	v2 =	vmul.f32 v8, v6  }
0x19a: {  	v6 =	vld.idx.msk [tilespmem:v16+s30+$0x0], $0xffff;
	v19 =	vpop (erf)  }
0x19b: {  	v7 =	vmul.f32 v19, v7;
	v20 =	vpop (erf);
	[tilespmem:v4+s16+$0x0] =	vst.idx.add.f32.msk $0xffff, v2  }
0x19c: {  	v2 =	vmul.f32 v20, v5;
	v18 =	vpop (erf);
	v5 =	vld.idx.msk [tilespmem:v3+s1+$0x0], $0xffff  }
0x19d: {  	[tilespmem:v12+s15+$0x0] =	vst.idx.add.f32.msk $0xffff, v7;
	v7 =	vmul.f32 v18, v9  }
0x19e: {  	[tilespmem:v11+s15+$0x0] =	vst.idx.add.f32.msk $0xffff, v2  }
0x19f: {  	[tilespmem:v15+s15+$0x0] =	vst.idx.add.f32.msk $0xffff, v7  }
0x1a0: {  	v7 =	vld.idx.msk [tilespmem:v17+s31+$0x0], $0xffff  }
0x1a1: {  	v9 =	vld.idx.msk [tilespmem:v14+s31+$0x0], $0xffff  }
0x1a2: {  	v28 =	vld.idx.msk [tilespmem:v26+s29+$0x0], $0xffff;
	v2 =	vpop (erf);
	v5 =	vmul.f32 v5, v8  }
0x1a3: {  	v10 =	vld.idx.msk [tilespmem:v13+s31+$0x0], $0xffff;
	v6 =	vmul.f32 v2, v6  }
0x1a4: {  	[tilespmem:v4+s18+$0x0] =	vst.idx.add.f32.msk $0xffff, v5  }
0x1a5: {  	[tilespmem:v1+s15+$0x0] =	vst.idx.add.f32.msk $0xffff, v6  }
0x1a6: {  	v5 =	vmul.f32 v19, v7;
	v7 =	vmul.f32 v20, v9;
	v9 =	vld [tilespmem:s26+$0xFFFFFFF0]  }
0x1a7: {  	v3 =	vld.idx.msk [tilespmem:v3+s0+$0x0], $0xffff  }
0x1a8: {  	v6 =	vld.idx.msk [tilespmem:v16+s31+$0x0], $0xffff  }
0x1a9: {  	[tilespmem:v12+s16+$0x0] =	vst.idx.add.f32.msk $0xffff, v5  }
0x1aa: {  	[tilespmem:v11+s16+$0x0] =	vst.idx.add.f32.msk $0xffff, v7  }
0x1ab: {  	v7 =	vld [tilespmem:s26+$0x0]  }
0x1ac: {  	v5 =	vmul.f32 v18, v10;
	v10 =	vld [tilespmem:s26+$0xFFFFFFE0]  }
0x1ad: {  	v21 =	vld.idx.msk [tilespmem:v17+s1+$0x0], $0xffff  }
0x1ae: {  	v22 =	vld.idx.msk [tilespmem:v14+s1+$0x0], $0xffff  }
0x1af: {  	[tilespmem:v15+s16+$0x0] =	vst.idx.add.f32.msk $0xffff, v5  }
0x1b0: {  	v23 =	vld.idx.msk [tilespmem:v13+s1+$0x0], $0xffff;
	v3 =	vmul.f32 v3, v8  }
0x1b1: {  	v5 =	vmul.f32 v2, v6;
	v6 =	vld [tilespmem:s25+$0xFFFFFFE0]  }
0x1b2: {  	[tilespmem:v4+s19+$0x0] =	vst.idx.add.f32.msk $0xffff, v3  }
0x1b3: {  	[tilespmem:v1+s16+$0x0] =	vst.idx.add.f32.msk $0xffff, v5  }
0x1b4: {  	v5 =	vld [tilespmem:s25+$0xFFFFFFF0]  }
0x1b5: {  	[tilespmem:v4+s20+$0x0] =	vst.idx.add.f32.msk $0xffff, v8  }
0x1b6: {  	v8 =	vld [tilespmem:s26+$0x10];
	s26 =	simm.s32 $0x1DAF0  }
0x1b7: {  	v29 =	vld [tilespmem:s26+$0x20]  }
0x1b8: {  	v3 =	vld [tilespmem:s25+$0x0]  }
0x1b9: {  	v31 =	vld.idx.msk [tilespmem:v9+s2+$0x0], $0xffff  }
0x1ba: {  	v27 =	vadd.f32 v28, v27;
	v4 =	vld [tilespmem:s25+$0x10]  }
0x1bb: {  	v50 =	vld.idx.msk [tilespmem:v7+s2+$0x0], $0xffff  }
0x1bc: {  	v34 =	vld.idx.msk [tilespmem:v10+s2+$0x0], $0xffff;
	v27 =	vadd.f32 v29, v27  }
0x1bd: {  	v37 =	vld [tilespmem:s26+$0xFFFFFFE0]  }
0x1be: {  	v52 =	vld [tilespmem:s26+$0xFFFFFFF0];
	v35 =	vmul.f32 $2.000000030e-01, v27  }
0x1bf: {  	v30 =	vld.idx.msk [tilespmem:v6+s29+$0x0], $0xffff;
	vm11 =	vgt.f32 v27, $0.0e+00  }
0x1c0: {  	v32 =	vld.idx.msk [tilespmem:v5+s29+$0x0], $0xffff;
	v27 =	vsel vm11, v27, v35  }
0x1c1: {  	v33 =	vld.idx.msk [tilespmem:v3+s29+$0x0], $0xffff;
	v27 =	vmul.f32 $1.442695020e+00, v27  }
0x1c2: {  	v51 =	vld.idx.msk [tilespmem:v8+s2+$0x0], $0xffff  }
0x1c3: {  	v36 =	vld.idx.msk [tilespmem:v4+s29+$0x0], $0xffff;
	(erf) = vpow2.f32 v27  }
0x1c4: {  	v38 =	vld [tilespmem:s26+$0x0]  }
0x1c5: {  	v53 =	vld [tilespmem:s26+$0x10];
	v30 =	vadd.f32 v30, v34  }
0x1c6: {  	v55 =	vld.idx.msk [tilespmem:v9+s30+$0x0], $0xffff  }
0x1c7: {  	v21 =	vmul.f32 v21, v19;
	v24 =	vld.idx.msk [tilespmem:v16+s1+$0x0], $0xffff;
	v31 =	vadd.f32 v32, v31;
	v30 =	vadd.f32 v37, v30  }
0x1c8: {  	v22 =	vmul.f32 v22, v20;
	v54 =	vld.idx.msk [tilespmem:v10+s30+$0x0], $0xffff;
	v28 =	vadd.f32 v33, v50;
	v29 =	vadd.f32 v36, v51  }
0x1c9: {  	v56 =	vld.idx.msk [tilespmem:v7+s30+$0x0], $0xffff;
	v23 =	vmul.f32 v23, v18;
	v31 =	vadd.f32 v52, v31;
	v58 =	vmul.f32 $2.000000030e-01, v30  }
0x1ca: {  	[tilespmem:v12+s18+$0x0] =	vst.idx.add.f32.msk $0xffff, v21;
	v28 =	vadd.f32 v38, v28;
	vm12 =	vgt.f32 v30, $0.0e+00;
	v27 =	vadd.f32 v53, v29  }
0x1cb: {  	[tilespmem:v11+s18+$0x0] =	vst.idx.add.f32.msk $0xffff, v22;
	v59 =	vmul.f32 $2.000000030e-01, v31;
	vm13 =	vgt.f32 v31, $0.0e+00;
	v22 =	vsel vm12, v30, v58  }
0x1cc: {  	v17 =	vld.idx.msk [tilespmem:v17+s0+$0x0], $0xffff;
	v38 =	vmul.f32 $2.000000030e-01, v28;
	vm14 =	vgt.f32 v28, $0.0e+00;
	v22 =	vmul.f32 $1.442695020e+00, v22;
	v62 =	vpop (erf)  }
0x1cd: {  	v14 =	vld.idx.msk [tilespmem:v14+s0+$0x0], $0xffff;
	v21 =	vmul.f32 $2.000000030e-01, v27;
	v61 =	vsel vm13, v31, v59;
	v63 =	vmul.f32 v62, v57  }
0x1ce: {  	[tilespmem:v15+s18+$0x0] =	vst.idx.add.f32.msk $0xffff, v23;
	v28 =	vsel vm14, v28, v38;
	v30 =	vmul.f32 $1.442695020e+00, v61;
	(erf) = vpow2.f32 v22  }
0x1cf: {  	v24 =	vmul.f32 v24, v2;
	vm15 =	vgt.f32 v27, $0.0e+00;
	v23 =	vmul.f32 $1.442695020e+00, v28;
	[tilespmem:v26+s15+$0x0] =	vst.idx.add.f32.msk $0xffff, v63  }
0x1d0: {  	v21 =	vsel vm15, v27, v21;
	(erf) = vpow2.f32 v30;
	v22 =	vld.idx.msk [tilespmem:v25+s31+$0x0], $0xffff  }
0x1d1: {  	[tilespmem:v1+s18+$0x0] =	vst.idx.add.f32.msk $0xffff, v24;
	v21 =	vmul.f32 $1.442695020e+00, v21;
	(erf) = vpow2.f32 v23  }
0x1d2: {  	v17 =	vmul.f32 v17, v19;
	v60 =	vld.idx.msk [tilespmem:v8+s30+$0x0], $0xffff  }
0x1d3: {  	(erf) = vpow2.f32 v21;
	v21 =	vld.idx.msk [tilespmem:v13+s0+$0x0], $0xffff;
	v13 =	vmul.f32 v14, v20  }
0x1d4: {  	[tilespmem:v12+s19+$0x0] =	vst.idx.add.f32.msk $0xffff, v17  }
0x1d5: {  	[tilespmem:v12+s20+$0x0] =	vst.idx.add.f32.msk $0xffff, v19;
	v12 =	vmul.f32 v62, v22  }
0x1d6: {  	v16 =	vld.idx.msk [tilespmem:v16+s0+$0x0], $0xffff  }
0x1d7: {  	[tilespmem:v11+s19+$0x0] =	vst.idx.add.f32.msk $0xffff, v13;
	v13 =	vpop (erf)  }
0x1d8: {  	[tilespmem:v11+s20+$0x0] =	vst.idx.add.f32.msk $0xffff, v20;
	v14 =	vmul.f32 v13, v54  }
0x1d9: {  	[tilespmem:v26+s16+$0x0] =	vst.idx.add.f32.msk $0xffff, v12;
	v12 =	vpop (erf)  }
0x1da: {  	[tilespmem:v6+s15+$0x0] =	vst.idx.add.f32.msk $0xffff, v14;
	v17 =	vmul.f32 v12, v55;
	v11 =	vpop (erf)  }
0x1db: {  	v19 =	vld.idx.msk [tilespmem:v25+s1+$0x0], $0xffff;
	v20 =	vmul.f32 v11, v56  }
0x1dc: {  	v14 =	vpop (erf);
	[tilespmem:v5+s15+$0x0] =	vst.idx.add.f32.msk $0xffff, v17  }
0x1dd: {  	v17 =	vmul.f32 v14, v60;
	[tilespmem:v3+s15+$0x0] =	vst.idx.add.f32.msk $0xffff, v20  }
0x1de: {  	v20 =	vld.idx.msk [tilespmem:v9+s31+$0x0], $0xffff  }
0x1df: {  	[tilespmem:v4+s15+$0x0] =	vst.idx.add.f32.msk $0xffff, v17  }
0x1e0: {  	v19 =	vmul.f32 v19, v62;
	v17 =	vld.idx.msk [tilespmem:v10+s31+$0x0], $0xffff  }
0x1e1: {  	v22 =	vld.idx.msk [tilespmem:v7+s31+$0x0], $0xffff  }
0x1e2: {  	[tilespmem:v26+s18+$0x0] =	vst.idx.add.f32.msk $0xffff, v19  }
0x1e3: {  	v19 =	vmul.f32 v21, v18;
	v23 =	vld.idx.msk [tilespmem:v8+s31+$0x0], $0xffff  }
0x1e4: {  	v21 =	vld.idx.msk [tilespmem:v25+s0+$0x0], $0xffff  }
0x1e5: {  	[tilespmem:v15+s19+$0x0] =	vst.idx.add.f32.msk $0xffff, v19;
	v19 =	vmul.f32 v12, v20  }
0x1e6: {  	[tilespmem:v15+s20+$0x0] =	vst.idx.add.f32.msk $0xffff, v18;
	v17 =	vmul.f32 v13, v17  }
0x1e7: {  	v15 =	vmul.f32 v11, v22;
	[tilespmem:v5+s16+$0x0] =	vst.idx.add.f32.msk $0xffff, v19  }
0x1e8: {  	[tilespmem:v6+s16+$0x0] =	vst.idx.add.f32.msk $0xffff, v17  }
0x1e9: {  	[tilespmem:v3+s16+$0x0] =	vst.idx.add.f32.msk $0xffff, v15  }
0x1ea: {  	v20 =	vld.idx.msk [tilespmem:v9+s1+$0x0], $0xffff  }
0x1eb: {  	v15 =	vmul.f32 v21, v62;
	v19 =	vld.idx.msk [tilespmem:v10+s1+$0x0], $0xffff  }
0x1ec: {  	v17 =	vmul.f32 v14, v23;
	v18 =	vld.idx.msk [tilespmem:v7+s1+$0x0], $0xffff  }
0x1ed: {  	[tilespmem:v26+s19+$0x0] =	vst.idx.add.f32.msk $0xffff, v15  }
0x1ee: {  	[tilespmem:v4+s16+$0x0] =	vst.idx.add.f32.msk $0xffff, v17  }
0x1ef: {  	v15 =	vmul.f32 v16, v2;
	[tilespmem:v26+s20+$0x0] =	vst.idx.add.f32.msk $0xffff, v62  }
0x1f0: {  	v17 =	vld.idx.msk [tilespmem:v8+s1+$0x0], $0xffff  }
0x1f1: {  	s17 =	simm.s32 $0x5;
	s22 =	simm.s32 $0x1CB40;
	[tilespmem:v1+s19+$0x0] =	vst.idx.add.f32.msk $0xffff, v15;
	v19 =	vmul.f32 v19, v13  }
.LBB2_7:
0x1f2: {  	v16 =	vld [tilespmem:s22+$0x20];
	s25 =	sadd.s32 $0x50, s25  }
0x1f3: {  	v15 =	vld [tilespmem:s25+$0x20]  }
0x1f4: {  	s17 =	sadd.s32 $0x5, s17;
	v20 =	vmul.f32 v20, v12;
	v21 =	vld [tilespmem:s25+$0xFFFFFFE0]  }
0x1f5: {  	p0 =	slt.u32 s17, $0x78;
	v23 =	vmul.f32 v18, v11;
	v22 =	vld [tilespmem:s22+$0xFFFFFFF0]  }
0x1f6: {  	v24 =	vmul.f32 v17, v14;
	v18 =	vld [tilespmem:s25+$0xFFFFFFF0]  }
0x1f7: {  	v25 =	vld [tilespmem:s22+$0x0]  }
0x1f8: {  	v17 =	vld [tilespmem:s25+$0x0]  }
0x1f9: {  	v26 =	vld [tilespmem:s22+$0x10]  }
0x1fa: {  	v27 =	vld.idx.msk [tilespmem:v16+s2+$0x0], $0xffff  }
0x1fb: {  	v28 =	vld.idx.msk [tilespmem:v15+s29+$0x0], $0xffff  }
0x1fc: {  	v29 =	vld [tilespmem:s25+$0x10]  }
0x1fd: {  	s26 =	sadd.s32 $0x50, s26;
	v30 =	vld [tilespmem:s22+$0xFFFFFFE0]  }
0x1fe: {  	v31 =	vld [tilespmem:s26+$0x20]  }
0x1ff: {  	v32 =	vld.idx.msk [tilespmem:v21+s29+$0x0], $0xffff  }
0x200: {  	v33 =	vld.idx.msk [tilespmem:v22+s2+$0x0], $0xffff  }
0x201: {  	v27 =	vadd.f32 v28, v27;
	v34 =	vld.idx.msk [tilespmem:v18+s29+$0x0], $0xffff  }
0x202: {  	v28 =	vld.idx.msk [tilespmem:v25+s2+$0x0], $0xffff  }
0x203: {  	v35 =	vld.idx.msk [tilespmem:v17+s29+$0x0], $0xffff;
	v27 =	vadd.f32 v31, v27  }
0x204: {  	v31 =	vld.idx.msk [tilespmem:v26+s2+$0x0], $0xffff  }
0x205: {  	v36 =	vld.idx.msk [tilespmem:v30+s2+$0x0], $0xffff;
	v37 =	vmul.f32 $2.000000030e-01, v27  }
0x206: {  	vm0 =	vgt.f32 v27, $0.0e+00;
	v38 =	vld.idx.msk [tilespmem:v29+s29+$0x0], $0xffff  }
0x207: {  	v33 =	vadd.f32 v34, v33;
	v39 =	vld [tilespmem:s26+$0xFFFFFFE0];
	v27 =	vsel vm0, v27, v37  }
0x208: {  	v34 =	vld [tilespmem:s26+$0xFFFFFFF0];
	v27 =	vmul.f32 $1.442695020e+00, v27  }
0x209: {  	v28 =	vadd.f32 v35, v28;
	v35 =	vld [tilespmem:s26+$0x0]  }
0x20a: {  	v37 =	vld [tilespmem:s26+$0x10];
	(erf) = vpow2.f32 v27  }
0x20b: {  	v27 =	vadd.f32 v32, v36;
	v32 =	vld.idx.msk [tilespmem:v30+s30+$0x0], $0xffff  }
0x20c: {  	v31 =	vadd.f32 v38, v31;
	v36 =	vld.idx.msk [tilespmem:v22+s30+$0x0], $0xffff  }
0x20d: {  	v27 =	vadd.f32 v39, v27;
	v33 =	vadd.f32 v34, v33;
	v34 =	vld.idx.msk [tilespmem:v25+s30+$0x0], $0xffff  }
0x20e: {  	v28 =	vadd.f32 v35, v28;
	v35 =	vld.idx.msk [tilespmem:v16+s30+$0x0], $0xffff  }
0x20f: {  	v38 =	vmul.f32 $2.000000030e-01, v27;
	v39 =	vmul.f32 $2.000000030e-01, v33;
	v31 =	vadd.f32 v37, v31;
	v37 =	vld.idx.msk [tilespmem:v26+s30+$0x0], $0xffff  }
0x210: {  	vm0 =	vgt.f32 v27, $0.0e+00;
	vm1 =	vgt.f32 v33, $0.0e+00;
	v40 =	vmul.f32 $2.000000030e-01, v28;
	[tilespmem:v6+s18+$0x0] =	vst.idx.add.f32.msk $0xffff, v19  }
0x211: {  	vm2 =	vgt.f32 v28, $0.0e+00;
	vm3 =	vgt.f32 v31, $0.0e+00;
	v19 =	vmul.f32 $2.000000030e-01, v31;
	[tilespmem:v5+s18+$0x0] =	vst.idx.add.f32.msk $0xffff, v20  }
0x212: {  	v20 =	vsel vm0, v27, v38;
	v27 =	vsel vm1, v33, v39;
	v28 =	vsel vm2, v28, v40;
	v33 =	vld.idx.msk [tilespmem:v10+s0+$0x0], $0xffff  }
0x213: {  	v20 =	vmul.f32 $1.442695020e+00, v20;
	v27 =	vmul.f32 $1.442695020e+00, v27;
	v19 =	vsel vm3, v31, v19;
	v31 =	vpop (erf);
	[tilespmem:v3+s18+$0x0] =	vst.idx.add.f32.msk $0xffff, v23  }
0x214: {  	v10 =	vmov v30;
	v23 =	vmul.f32 $1.442695020e+00, v28;
	v28 =	vmul.f32 v31, v35;
	[tilespmem:v4+s18+$0x0] =	vst.idx.add.f32.msk $0xffff, v24  }
0x215: {  	v19 =	vmul.f32 $1.442695020e+00, v19;
	(erf) = vpow2.f32 v20;
	v20 =	vld.idx.msk [tilespmem:v9+s0+$0x0], $0xffff;
	v9 =	vmov v22  }
0x216: {  	[tilespmem:v15+s15+$0x0] =	vst.idx.add.f32.msk $0xffff, v28;
	(erf) = vpow2.f32 v27  }
0x217: {  	v22 =	vld.idx.msk [tilespmem:v16+s31+$0x0], $0xffff;
	(erf) = vpow2.f32 v23  }
0x218: {  	(erf) = vpow2.f32 v19;
	v19 =	vmul.f32 v33, v13;
	v23 =	vld.idx.msk [tilespmem:v7+s0+$0x0], $0xffff;
	v7 =	vmov v25  }
0x219: {  	v24 =	vld.idx.msk [tilespmem:v8+s0+$0x0], $0xffff;
	v8 =	vmov v26  }
0x21a: {  	[tilespmem:v6+s19+$0x0] =	vst.idx.add.f32.msk $0xffff, v19  }
0x21b: {  	v19 =	vmul.f32 v20, v12;
	[tilespmem:v6+s20+$0x0] =	vst.idx.add.f32.msk $0xffff, v13;
	v6 =	vmov v21  }
0x21c: {  	[tilespmem:v1+s20+$0x0] =	vst.idx.add.f32.msk $0xffff, v2;
	v1 =	vmov v4;
	v4 =	vmov v29;
	v2 =	vmov v14  }
0x21d: {  	v14 =	vmul.f32 v31, v22;
	[tilespmem:v5+s19+$0x0] =	vst.idx.add.f32.msk $0xffff, v19  }
0x21e: {  	v19 =	vmul.f32 v23, v11;
	v13 =	vpop (erf);
	[tilespmem:v5+s20+$0x0] =	vst.idx.add.f32.msk $0xffff, v12;
	v5 =	vmov v18  }
0x21f: {  	v21 =	vmul.f32 v24, v2;
	v20 =	vmul.f32 v13, v32;
	[tilespmem:v15+s16+$0x0] =	vst.idx.add.f32.msk $0xffff, v14;
	v12 =	vpop (erf)  }
0x220: {  	v22 =	vmul.f32 v12, v36;
	v23 =	vld.idx.msk [tilespmem:v16+s1+$0x0], $0xffff;
	v24 =	vpop (erf)  }
0x221: {  	[tilespmem:v6+s15+$0x0] =	vst.idx.add.f32.msk $0xffff, v20;
	v20 =	vmul.f32 v24, v34;
	v14 =	vpop (erf)  }
0x222: {  	[tilespmem:v18+s15+$0x0] =	vst.idx.add.f32.msk $0xffff, v22;
	v18 =	vmul.f32 v14, v37  }
0x223: {  	[tilespmem:v17+s15+$0x0] =	vst.idx.add.f32.msk $0xffff, v20  }
0x224: {  	[tilespmem:v29+s15+$0x0] =	vst.idx.add.f32.msk $0xffff, v18  }
0x225: {  	v18 =	vld.idx.msk [tilespmem:v10+s31+$0x0], $0xffff  }
0x226: {  	v22 =	vmul.f32 v23, v31;
	v20 =	vld.idx.msk [tilespmem:v9+s31+$0x0], $0xffff  }
0x227: {  	v23 =	vld.idx.msk [tilespmem:v25+s31+$0x0], $0xffff  }
0x228: {  	[tilespmem:v15+s18+$0x0] =	vst.idx.add.f32.msk $0xffff, v22  }
0x229: {  	v16 =	vld.idx.msk [tilespmem:v16+s0+$0x0], $0xffff  }
0x22a: {  	v22 =	vld.idx.msk [tilespmem:v8+s31+$0x0], $0xffff  }
0x22b: {  	v18 =	vmul.f32 v13, v18;
	[tilespmem:v3+s19+$0x0] =	vst.idx.add.f32.msk $0xffff, v19  }
0x22c: {  	v19 =	vmul.f32 v12, v20;
	[tilespmem:v3+s20+$0x0] =	vst.idx.add.f32.msk $0xffff, v11;
	v3 =	vmov v17;
	v11 =	vmov v24  }
0x22d: {  	[tilespmem:v6+s16+$0x0] =	vst.idx.add.f32.msk $0xffff, v18;
	v18 =	vmul.f32 v11, v23  }
0x22e: {  	[tilespmem:v5+s16+$0x0] =	vst.idx.add.f32.msk $0xffff, v19  }
0x22f: {  	v16 =	vmul.f32 v16, v31;
	[tilespmem:v17+s16+$0x0] =	vst.idx.add.f32.msk $0xffff, v18  }
0x230: {  	v18 =	vmul.f32 v14, v22;
	v17 =	vld.idx.msk [tilespmem:v10+s1+$0x0], $0xffff  }
0x231: {  	[tilespmem:v15+s19+$0x0] =	vst.idx.add.f32.msk $0xffff, v16  }
0x232: {  	[tilespmem:v15+s20+$0x0] =	vst.idx.add.f32.msk $0xffff, v31  }
.Ltmp2:
0x233: {  	[tilespmem:v4+s16+$0x0] =	vst.idx.add.f32.msk $0xffff, v18;
	(pc) =	sbr.rel @p0 .LBB2_7-.Ltmp2, $4  }
0x234: {  	v20 =	vld.idx.msk [tilespmem:v9+s1+$0x0], $0xffff  }
0x235: {  	v18 =	vld.idx.msk [tilespmem:v7+s1+$0x0], $0xffff  }
0x236: {  	v19 =	vmul.f32 v17, v13;
	v17 =	vld.idx.msk [tilespmem:v8+s1+$0x0], $0xffff  }
0x237: {  	s22 =	sadd.s32 $0x50, s22;
	[tilespmem:v1+s19+$0x0] =	vst.idx.add.f32.msk $0xffff, v21  }
0x238: {  	_ =	sdelay $0x3  }
0x239: {  	[tilespmem:v6+s18+$0x0] =	vst.idx.add.f32.msk $0xffff, v19  }
0x23a: {  	[tilespmem:v1+s20+$0x0] =	vst.idx.add.f32.msk $0xffff, v2;
	v15 =	vmul.f32 v20, v12  }
0x23b: {  	v10 =	vld.idx.msk [tilespmem:v10+s0+$0x0], $0xffff  }
0x23c: {  	v16 =	vmul.f32 v18, v11;
	[tilespmem:v5+s18+$0x0] =	vst.idx.add.f32.msk $0xffff, v15  }
0x23d: {  	v9 =	vld.idx.msk [tilespmem:v9+s0+$0x0], $0xffff  }
0x23e: {  	s9 =	sadd.s32 $0x3, s24;
	v62 =	vmul.f32 v17, v14;
	[tilespmem:v3+s18+$0x0] =	vst.idx.add.f32.msk $0xffff, v16  }
0x23f: {  	s10 =	smulhi.u32 $0x66666667, s9;
	v7 =	vld.idx.msk [tilespmem:v7+s0+$0x0], $0xffff  }
0x240: {  	[tilespmem:v4+s18+$0x0] =	vst.idx.add.f32.msk $0xffff, v62;
	v10 =	vmul.f32 v10, v13  }
0x241: {  	s10 =	sshrl.u32 s10, $0x5;
	v8 =	vld.idx.msk [tilespmem:v8+s0+$0x0], $0xffff  }
0x242: {  	s10 =	smul.u32 $0x50, s10;
	[tilespmem:v6+s19+$0x0] =	vst.idx.add.f32.msk $0xffff, v10;
	v63 =	vmul.f32 v9, v12  }
0x243: {  	[tilespmem:v6+s20+$0x0] =	vst.idx.add.f32.msk $0xffff, v13  }
0x244: {  	s9 =	ssub.s32 s9, s10;
	v1 =	vmul.f32 v7, v11;
	[tilespmem:v5+s19+$0x0] =	vst.idx.add.f32.msk $0xffff, v63  }
0x245: {  	s9 =	smul.u32 $0x7D0, s9;
	[tilespmem:v5+s20+$0x0] =	vst.idx.add.f32.msk $0xffff, v12  }
0x246: {  	v2 =	vmul.f32 v8, v14;
	[tilespmem:v3+s19+$0x0] =	vst.idx.add.f32.msk $0xffff, v1  }
0x247: {  	s26 =	sadd.s32 s7, s9;
	[tilespmem:v3+s20+$0x0] =	vst.idx.add.f32.msk $0xffff, v11  }
0x248: {  	s23 =	sadd.s32 $0x1, s23;
	s10 =	sshrl.u32 s26, $0x3;
	[tilespmem:v4+s19+$0x0] =	vst.idx.add.f32.msk $0xffff, v2  }
0x249: {  	p0 =	sne.s32 s23, $0x28;
	s11 =	sadd.s32 s3, s10;
	[tilespmem:v4+s20+$0x0] =	vst.idx.add.f32.msk $0xffff, v14  }
0x24a: {  	[tilespmem:s12], [sflag:$0x2] =	stream.linear.gather [hbm4b:s11+s2], $0x7D0, $0x38;
	[tilespmem:$0x1E280] =	vst v63  }
.Ltmp3:
0x24b: {  	s9 =	sadd.s32 s8, s9;
	(pc) =	sbr.rel @p0 .LBB2_4-.Ltmp3, $4  }
0x24c: {  	s9 =	sshrl.u32 s9, $0x3;
	s10 =	sadd.s32 s4, s10  }
0x24d: {  	[tilespmem:s13], [sflag:$0x2] =	stream.linear.gather [hbm4b:s10+s2], $0x7D0, $0x38;
	[tilespmem:$0x1E280] =	vst v63  }
0x24e: {  	s9 =	sadd.s32 s5, s9  }
0x24f: {  	[tilespmem:s14], [sflag:$0x2] =	stream.linear.gather [hbm4b:s9+s2], $0x7D0, $0x38;
	[tilespmem:$0x1E280] =	vst v63  }
0x250: {  	_ =	swait.ge [sflag:s6], $0x7D0  }
0x251: {  	[sflag:s6] =	ssyncset.done $0x0  }
0x252: {  	[sflag:s6] =	ssyncadd.s32 $0xFFFFF830  }
0x253: {  	_ =	swait.ge [sflag:s6], $0x7D0  }
0x254: {  	[sflag:s6] =	ssyncset.done $0x0  }
0x255: {  	[sflag:s6] =	ssyncadd.s32 $0xFFFFF830  }
0x256: {  	_ =	swait.ge [sflag:s6], $0x7D0  }
0x257: {  	[sflag:s6] =	ssyncset.done $0x0  }
0x258: {  	[sflag:s6] =	ssyncadd.s32 $0xFFFFF830  }
0x259: {  	_ =	swait.ge [sflag:s21], $0x7D0  }
0x25a: {  	[sflag:s21] =	ssyncset.done $0x0  }
0x25b: {  	[sflag:s21] =	ssyncadd.s32 $0xFFFFF830  }
0x25c: {  	_ =	swait.ge [sflag:s21], $0x7D0  }
0x25d: {  	[sflag:s21] =	ssyncset.done $0x0  }
0x25e: {  	[sflag:s21] =	ssyncadd.s32 $0xFFFFF830  }
0x25f: {  	_ =	swait.ge [sflag:s21], $0x7D0  }
0x260: {  	[sflag:s21] =	ssyncset.done $0x0  }
0x261: {  	s10 =	simm.s32 $0x3;
	s9 =	rddreg [dreg:$0xc];
	[sflag:s21] =	ssyncadd.s32 $0xFFFFF830  }
0x262: {  	[hbm4b:s9+s2] =	stream.linear.scatter [tilespmem:s15], [sflag:$0x3], $0x2710, $0x38;
	[tilespmem:$0x1E280] =	vst v63  }
0x263: {  	_ =	swait.ge [sflag:s10], $0x2710  }
0x264: {  	[sflag:s10] =	ssyncset.done $0x0  }
0x265: {  	s23 =	rddreg [dreg:$0xd];
	[sflag:s10] =	ssyncadd.s32 $0xFFFFD8F0  }
0x266: {  	[hbm4b:s23+s2] =	stream.linear.scatter [tilespmem:s16], [sflag:$0x3], $0x2710, $0x38;
	[tilespmem:$0x1E280] =	vst v63  }
0x267: {  	_ =	swait.ge [sflag:s10], $0x2710  }
0x268: {  	[sflag:s10] =	ssyncset.done $0x0  }
0x269: {  	s24 =	rddreg [dreg:$0xe];
	[sflag:s10] =	ssyncadd.s32 $0xFFFFD8F0  }
0x26a: {  	[hbm4b:s24+s2] =	stream.linear.scatter [tilespmem:s18], [sflag:$0x3], $0x2710, $0x38;
	[tilespmem:$0x1E280] =	vst v63  }
0x26b: {  	_ =	swait.ge [sflag:s10], $0x2710  }
0x26c: {  	[sflag:s10] =	ssyncset.done $0x0  }
0x26d: {  	s25 =	rddreg [dreg:$0xf];
	[sflag:s10] =	ssyncadd.s32 $0xFFFFD8F0  }
0x26e: {  	[hbm4b:s25+s2] =	stream.linear.scatter [tilespmem:s19], [sflag:$0x3], $0x2710, $0x38;
	[tilespmem:$0x1E280] =	vst v63  }
0x26f: {  	_ =	swait.ge [sflag:s10], $0x2710  }
0x270: {  	[sflag:s10] =	ssyncset.done $0x0  }
0x271: {  	s26 =	rddreg [dreg:$0x12];
	[sflag:s10] =	ssyncadd.s32 $0xFFFFD8F0  }
0x272: {  	[hbm4b:s26+s2] =	stream.linear.scatter [tilespmem:s20], [sflag:$0x3], $0x2710, $0x38;
	[tilespmem:$0x1E280] =	vst v63  }
0x273: {  	_ =	swait.ge [sflag:s10], $0x2710  }
0x274: {  	s11 =	rddreg [dreg:$0x15]  }
0x275: {  	s28 =	rddreg [dreg:$0x13];
	s11 =	sadd.s32 $0x1, s11  }
0x276: {  	p0 =	sne.s32 s11, s28  }
.Ltmp4:
0x277: {  	_ = 	snop;
	(pc) =	sbr.rel @p0 .LBB2_1-.Ltmp4, $3  }
0x278: {  	_ =	sdelay $0x1  }
0x279: {  	[sflag:s10] =	ssyncset.done $0x0  }
0x27a: {  	[sflag:s10] =	ssyncadd.s32 $0xFFFFD8F0  }
0x27b: {  	_ =	sfence.sel $0x180000  }
0x27c: {  	[bflag:$0x0] =	sbarrier.arrive $0xFFFF  }
0x27d: {  	_ =	strace $0x9000004A  }
0x27e: {  	s0 =	stileid.u32;
	[bflag:$0x2] =	sbarrier.arrive $0xFFFF  }
0x27f: {  	p0 =	sne.s32 s0, $0x0;
	s0 =	rddreg [dreg:$0x2]  }
0x280: {  	s0 =	sadd.s32 @!p0 $0x100000, s0  }
0x281: {  	[sflag:s0] =	ssyncadd.tile.s32 @!p0 $0x1;
	_ =	shalt  }
.Lfunc_end2:
_tile_overlayer_lowered:
.L_overlay_start_2:
0x282: {  	(tag) =	ssettag $0x2  }
0x283: {  	s0 =	rddreg [dreg:$0x0];
	s2 =	stileid.u32  }
0x284: {  	s1 =	rddreg [dreg:$0x1];
	p0 =	sne.s32 s2, $0x0  }
0x285: {  	s3 =	rddreg [dreg:$0x2];
	[bflag:$0x3] =	sbarrier.arrive $0xFFFF;
	s2 =	simm.s32 @!p0 $0x1C03  }
0x286: {  	[timem:s3], [sflag:s2] =	dma.local @!p0 [hbm:s0], s1  }
0x287: {  	s0 =	simm.s32 @!p0 $0x3  }
0x288: {  	_ =	swait.ge @!p0 [sflag:s0], s1  }
0x289: {  	s1 =	ssub.s32 @!p0 $0x0, s1;
	[sflag:s0] =	ssyncset.done @!p0 $0x0  }
0x28a: {  	[sflag:s0] =	ssyncadd.s32 @!p0 s1  }
0x28b: {  	[bflag:$0x3] =	sbarrier.arrive $0xFFFF  }
0x28c: {  	_ =	shalt  }

// kernel: kernel.16.cloned.1.call-start
scs
__scs_entry_jumppad:
0x0: {  	(pc) =	sbr.rel $0x88, $3  }
0x1: {  	(tag) =	ssettag $0x0;
	lr =	simm.s32 $0x1  }
0x2: {  	[smem:$0x3F90] =	sst lr;
	_ =	strace $0xD0000000  }
0x3: {  	_ = 	snop  }
0x4: {  	_ = 	snop  }
0x5: {  	_ = 	snop  }
0x6: {  	_ = 	snop  }
0x7: {  	_ = 	snop  }
__scs_overlays_trampoline_lowered:
0x8: {  	[smem:$0x3F9F] =	sst s0  }
0x9: {  	[smem:$0x3FA0] =	sst s1  }
0xa: {  	[smem:$0x3FA1] =	sst s2  }
0xb: {  	[smem:$0x3FA2] =	sst s3  }
0xc: {  	[smem:$0x3FA3] =	sst s4  }
0xd: {  	[smem:$0x3FA4] =	sst s5  }
0xe: {  	[smem:$0x3FA5] =	sst s6  }
0xf: {  	[smem:$0x3FA6] =	sst s7  }
0x10: {  	[smem:$0x3FA7] =	sst s8  }
0x11: {  	[smem:$0x3FA8] =	sst s9;
	s0 =	simm.s32 @!p0 $0x0  }
0x12: {  	s1 =	sld [smem:$0x3F8E];
	s0 =	simm.s32 @p0 $0x1  }
0x13: {  	[smem:$0x3FA9] =	sst s0;
	s0 =	simm.s32 @!p1 $0x0  }
0x14: {  	s2 =	sld [smem:$0x3F8D];
	s0 =	simm.s32 @p1 $0x1  }
0x15: {  	[smem:$0x3FAA] =	sst s0;
	s0 =	simm.s32 @!p2 $0x0  }
0x16: {  	s3 =	sld [smem:$0x3FDB];
	s0 =	simm.s32 @p2 $0x1  }
0x17: {  	s4 =	simm.s32 $0x1BF5;
	[smem:$0x3FAC] =	sst s0  }
0x18: {  	s0 =	sld [smem:$0x3F8F];
	_ =	swait.ge [sflag:s4], $0x0  }
0x19: {  	s7 =	sld [smem:$0x3F90]  }
0x1a: {  	s8 =	sadd.s32 $0xFFFFE003, lr  }
0x1b: {  	s9 =	sadd.s32 $0xFFFFFEF7, lr;
	s5 =	simm.s32 $0xFFFFFFFF;
	p2 =	slt.u32 s8, $0xFFFFF086  }
0x1c: {  	p1 =	slt.u32 s9, $0xF7A;
	s5 =	simm.s32 @!p2 $0x0  }
0x1d: {  	s5 =	simm.s32 @p1 $0x1;
	p0 =	seq.s32 s7, s2  }
0x1e: {  	s7 =	smul.u32 @!p0 $0xF7A, s2;
	p2 =	seq.s32 @!p0 s5, $0x0  }
0x1f: {  	s9 =	smul.u32 $0xF7A, s1;
	s8 =	simm.s32 @!p0 $0x1BF5;
	p2 =	por !p2, p0  }
0x20: {  	[sflag:s8] =	ssyncset.s32 @!p0 $0xFFFFF086;
	s6 =	sadd.s32 @!p0 s3, s7;
	s7 =	simm.s32 @!p0 $0x108  }
0x21: {  	s3 =	sadd.s32 s3, s9;
	s6 =	sadd.s32 @!p0 $0x88, s6;
	s7 =	simm.s32 @p2 $0x1082  }
0x22: {  	[simem:s7], [sflag:s8] =	dma.local @!p0 [hbm:s6], $0xF7A  }
0x23: {  	s9 =	sor.u32 $0xD0000000, s2;
	s6 =	simm.s32 $0x108;
	_ =	swait.ge @!p0 [sflag:s8], $0x0  }
0x24: {  	s3 =	sadd.s32 $0x88, s3;
	s6 =	simm.s32 @!p1 $0x1082;
	[sflag:s4] =	ssyncset.s32 $0xFFFFF086  }
0x25: {  	[simem:s6], [sflag:s4] =	dma.local [hbm:s3], $0xF7A  }
0x26: {  	[smem:$0x3F90] =	sst s1;
	(tag) =	ssettag s2;
	_ =	strace s9  }
0x27: {  	s1 =	sld [smem:$0x3FA0]  }
0x28: {  	s2 =	sld [smem:$0x3FA1]  }
0x29: {  	s4 =	sld [smem:$0x3FA3]  }
0x2a: {  	p0 =	seq.s32 s5, $0x0;
	s5 =	sld [smem:$0x3FA4]  }
0x2b: {  	s6 =	sld [smem:$0x3FA5]  }
0x2c: {  	s7 =	sld [smem:$0x3FA6]  }
0x2d: {  	s3 =	simm.s32 $0x108;
	s8 =	sld [smem:$0x3FA7]  }
0x2e: {  	s3 =	simm.s32 @!p0 $0x1082;
	s9 =	sld [smem:$0x3FA8]  }
0x2f: {  	lr =	sadd.s32 s0, s3;
	s0 =	sld [smem:$0x3F9F]  }
0x30: {  	s3 =	sld [smem:$0x3FA2]  }
0x31: {  	[smem:$0x3FAB] =	sst s10  }
0x32: {  	s10 =	sld [smem:$0x3FA9];
	_ =	sdelay $0x3  }
0x33: {  	p0 =	seq.s32 s10, $0x1;
	s10 =	sld [smem:$0x3FAB];
	_ =	sdelay $0x3  }
0x34: {  	[smem:$0x3FAB] =	sst s10  }
0x35: {  	s10 =	sld [smem:$0x3FAA];
	_ =	sdelay $0x3  }
0x36: {  	p1 =	seq.s32 s10, $0x1;
	s10 =	sld [smem:$0x3FAB];
	_ =	sdelay $0x3  }
0x37: {  	[smem:$0x3FAB] =	sst s10  }
0x38: {  	s10 =	sld [smem:$0x3FAC]  }
0x39: {  	_ = 	snop;
	(pc) =	sbr.ind lr, $3  }
0x3a: {  	_ = 	snop  }
0x3b: {  	_ = 	snop  }
0x3c: {  	p2 =	seq.s32 s10, $0x1;
	s10 =	sld [smem:$0x3FAB]  }
0x3d: {  	_ =	shalt  }
0x3e: {  	_ =	shalt  }
0x3f: {  	_ =	shalt  }
0x40: {  	_ =	shalt  }
0x41: {  	_ =	shalt  }
0x42: {  	_ =	shalt  }
0x43: {  	_ =	shalt  }
0x44: {  	_ =	shalt  }
0x45: {  	_ =	shalt  }
0x46: {  	_ =	shalt  }
0x47: {  	_ =	shalt  }
0x48: {  	_ =	shalt  }
0x49: {  	_ =	shalt  }
0x4a: {  	_ =	shalt  }
0x4b: {  	_ =	shalt  }
0x4c: {  	_ =	shalt  }
0x4d: {  	_ =	shalt  }
0x4e: {  	_ =	shalt  }
0x4f: {  	_ =	shalt  }
0x50: {  	_ =	shalt  }
0x51: {  	_ =	shalt  }
0x52: {  	_ =	shalt  }
0x53: {  	_ =	shalt  }
0x54: {  	_ =	shalt  }
0x55: {  	_ =	shalt  }
0x56: {  	_ =	shalt  }
0x57: {  	_ =	shalt  }
0x58: {  	_ =	shalt  }
0x59: {  	_ =	shalt  }
0x5a: {  	_ =	shalt  }
0x5b: {  	_ =	shalt  }
0x5c: {  	_ =	shalt  }
0x5d: {  	_ =	shalt  }
0x5e: {  	_ =	shalt  }
0x5f: {  	_ =	shalt  }
0x60: {  	_ =	shalt  }
0x61: {  	_ =	shalt  }
0x62: {  	_ =	shalt  }
0x63: {  	_ =	shalt  }
0x64: {  	_ =	shalt  }
0x65: {  	_ =	shalt  }
0x66: {  	_ =	shalt  }
0x67: {  	_ =	shalt  }
0x68: {  	_ =	shalt  }
0x69: {  	_ =	shalt  }
0x6a: {  	_ =	shalt  }
0x6b: {  	_ =	shalt  }
0x6c: {  	_ =	shalt  }
0x6d: {  	_ =	shalt  }
0x6e: {  	_ =	shalt  }
0x6f: {  	_ =	shalt  }
0x70: {  	_ =	shalt  }
0x71: {  	_ =	shalt  }
0x72: {  	_ =	shalt  }
0x73: {  	_ =	shalt  }
0x74: {  	_ =	shalt  }
0x75: {  	_ =	shalt  }
0x76: {  	_ =	shalt  }
0x77: {  	_ =	shalt  }
0x78: {  	_ =	shalt  }
0x79: {  	_ =	shalt  }
0x7a: {  	_ =	shalt  }
0x7b: {  	_ =	shalt  }
0x7c: {  	_ =	shalt  }
0x7d: {  	_ =	shalt  }
0x7e: {  	_ =	shalt  }
0x7f: {  	_ =	shalt  }
0x80: {  	_ =	shalt  }
0x81: {  	_ =	shalt  }
0x82: {  	_ =	shalt  }
0x83: {  	_ =	shalt  }
0x84: {  	_ =	shalt  }
0x85: {  	_ =	shalt  }
0x86: {  	_ =	shalt  }
0x87: {  	_ =	shalt  }
.Lfunc_end0:
.L_simem_size_0:
called_computation.2_lowered:
.L_overlay_start_0:
0x88: {  	s2 =	sld [smem:$0x3FD9]  }
0x89: {  	s3 =	sld [smem:$0x3FFE];
	_ =	sdelay $0x1  }
0x8a: {  	s1 =	srdreg.scid  }
0x8b: {  	s0 =	sand.u32 $0x1, s1  }
0x8c: {  	s17 =	sshll.u32 s0, $0xA;
	s2 =	sadd.s32 s3, s2  }
0x8d: {  	s2 =	sadd.s32 s2, s17  }
0x8e: {  	[smem:$0x3FB7] =	sst s2  }
0x8f: {  	_ = 	snop  }
0x90: {  	s2 =	sld [smem:$0x3FD0];
	(tm) =	ssettm $0x1  }
0x91: {  	s18 =	sld [smem:$0x3FFB];
	_ =	sdelay $0x3  }
0x92: {  	_ =	strace s18  }
0x93: {  	s3 =	sld [smem:$0x3FFC];
	_ =	sdelay $0x3  }
0x94: {  	_ =	strace s3  }
0x95: {  	s3 =	sld [smem:$0x3FFD];
	_ =	sdelay $0x3  }
0x96: {  	_ =	strace s3  }
0x97: {  	_ =	strace $0x8FFFFFFF  }
0x98: {  	s19 =	sld [smem:$0x3FDB];
	_ =	sdelay $0x1  }
0x99: {  	s4 =	simm.s32 $_scs_section_size  }
0x9a: {  	s5 =	simm.s32 $_size__tile_overlayer_lowered;
	s6 =	simm.s32 $_tile_overlayer_lowered  }
0x9b: {  	s22 =	simm.s32 $0x1BFF;
	s21 =	sshll.u32 s6, $0x1;
	s3 =	sadd.s32 s4, s19  }
0x9c: {  	s7 =	simm.s32 $0x0;
	s20 =	sshll.u32 s5, $0x1;
	s5 =	sadd.s32 s21, s3  }
0x9d: {  	[timem:s7], [sflag:s22] =	dma.local [hbm:s5], s20  }
0x9e: {  	_ =	swait.ge [sflag:s22], s20  }
0x9f: {  	s4 =	ssub.s32 $0x0, s20;
	[sflag:s22] =	ssyncset.done $0x0  }
0xa0: {  	[sflag:s22] =	ssyncadd.s32 s4;
	_ =	sdelay $0x1  }
0xa1: {  	s23 =	simm.s32 $0x1B8B  }
0xa2: {  	_ =	swait.ge [sflag:s23], $0x1  }
0xa3: {  	[sflag:s23] =	ssyncset.done $0x0  }
0xa4: {  	s25 =	simm.s32 $0x1B8E;
	s24 =	sld [smem:$0x3FFE];
	[sflag:s23] =	ssyncadd.s32 $0xFFFFFFFF  }
0xa5: {  	s26 =	simm.s32 $execute0_lowered;
	[smem:$0x3FD2] =	sst s25  }
0xa6: {  	s5 =	sshll.u32 s26, $0x1;
	_ =	strace $0x8000004C;
	[dreg:$0x1] =	wrdreg $0xFFFFFFFF  }
0xa7: {  	s28 =	simm.s32 $_size_execute0_lowered;
	s3 =	sadd.s32 s3, s5;
	[dreg:$0x0] =	wrdreg $0x0  }
0xa8: {  	s5 =	sshll.u32 s28, $0x1;
	[dreg:$0x2] =	wrdreg s3  }
0xa9: {  	[dreg:$0x3] =	wrdreg s5  }
0xaa: {  	[dreg:$0x4] =	wrdreg $0xC0  }
0xab: {  	_ =	task [dreg:s7], $0x5FFFF  }
0xac: {  	[dreg:$0x1] =	wrdreg $0xFFFFFFFF  }
0xad: {  	[dreg:$0x0] =	wrdreg $0x60  }
0xae: {  	[dreg:$0x2] =	wrdreg s24  }
0xaf: {  	[dreg:$0x3] =	wrdreg s2  }
0xb0: {  	[dreg:$0x4] =	wrdreg $0x9  }
0xb1: {  	_ =	task.clear_ibuf [dreg:s7], $0x5FFFF;
	_ =	strace $0x9000004C  }
0xb2: {  	s29 =	simm.s32 $0x9;
	_ =	strace $0x8000004E  }
0xb3: {  	_ =	swait.ge [sflag:s29], $0x1  }
0xb4: {  	[sflag:s29] =	ssyncadd.s32 $0xFFFFFFFF  }
0xb5: {  	_ =	strace $0x9000004E  }
0xb6: {  	_ =	sfence  }
0xb7: {  	s30 =	sld [smem:$0x0];
	_ =	sdelay $0x2  }
0xb8: {  	s31 =	sshll.u32 s1, $0xD;
	s1 =	sshrl.u32 s1, $0x2  }
0xb9: {  	s3 =	sand.u32 $0x4000, s31;
	s1 =	sadd.s32 s1, s30  }
0xba: {  	s0 =	sor.u32 s3, s0;
	s1 =	sshll.u32 s1, $0x11  }
0xbb: {  	s0 =	sor.u32 s1, s0  }
0xbc: {  	s0 =	sadd.s32 $0x8F2B, s0  }
0xbd: {  	[sflag:s0] =	ssyncadd.remote.s32 $0x1  }
0xbe: {  	_ =	sfence.sel $0xFFFF  }
0xbf: {  	[dreg:$0x0] =	wrdreg $0xFFFFFFFF;
	(pc) =	sbr.abs _section_cstart, $3  }
0xc0: {  	[dreg:$0x1] =	wrdreg $0xFFFFFFFF  }
0xc1: {  	_ =	task.clear_ibuf [dreg:s7], $0x2FFFF;
	_ =	strace $0x9FFFFFFF  }
0xc2: {  	(tm) =	ssettm $0x7FFFFFFF  }
0xc3: {  	_ =	shalt  }
tec
execute0_lowered:
.L_overlay_start_1:
0x0: {  	(tag) =	ssettag $0x1  }
0x1: {  	s0 =	srdreg.scid  }
0x2: {  	s2 =	stileid.u32;
	s0 =	sand.u32 $0x1, s0  }
0x3: {  	s1 =	sor.u32 s0, s2  }
0x4: {  	p1 =	seq.s32 s0, $0x1;
	p0 =	seq.s32 s1, $0x0  }
0x5: {  	p0 =	por !p0, !p1  }
0x6: {  	s1 =	simm.s32 $0x1;
	p0 =	por !p0, !p0  }
0x7: {  	s8 =	rddreg [dreg:$0x0];
	s1 =	simm.s32 @!p0 $0x0  }
0x8: {  	s9 =	rddreg [dreg:$0x1];
	s1 =	ssub.s32 s2, s1  }
0x9: {  	s5 =	simm.s32 $0x1;
	s29 =	simm.s32 $0x2780;
	s2 =	sand.u32 $0xC0, s1  }
0xa: {  	s30 =	simm.s32 $0x4F00;
	s31 =	simm.s32 $0x7680;
	s2 =	sshrl.u32 s2, $0x6  }
0xb: {  	s13 =	sadd.s32 $0x8FE00, s8;
	s14 =	ssub.s32 $0x2, s0;
	s3 =	sadd.s32 s2, s1  }
0xc: {  	s18 =	sshll.u32 s0, $0x2;
	s15 =	sshrl.u32 s14, $0x1;
	s2 =	sand.u32 $0xFFFFFFFC, s3  }
0xd: {  	s14 =	ssub.s32 s14, s15;
	p5 =	slt.s32 s1, $0x1;
	s4 =	ssub.s32 s1, s2  }
0xe: {  	s3 =	sshra.s32 s3, $0x2;
	s2 =	simm.s32 $0x0;
	p6 =	sne.s32 s4, $0x0  }
0xf: {  	s1 =	smul.u32 $0x9C40, s1;
	s4 =	sshll.u32 s4, $0x3;
	p0 =	por !p5, !p6  }
0x10: {  	[smem:$0x7FF] =	sst s2;
	s17 =	sand.u32 $0x18, s4;
	p0 =	por !p0, !p0  }
0x11: {  	_ =	strace $0x8000004D;
	s4 =	sadd.s32 $0x7C200, s8;
	s5 =	simm.s32 @!p0 $0x0  }
0x12: {  	s22 =	sadd.s32 $0x2710, s1;
	s23 =	sshrl.u32 s1, $0x3;
	s10 =	ssub.s32 s3, s5  }
0x13: {  	s24 =	sadd.s32 $0x4E20, s1;
	s19 =	sor.u32 s18, s17;
	s6 =	smul.u32 $0x2710, s10  }
0x14: {  	s25 =	sadd.s32 $0x7530, s1;
	s7 =	sadd.s32 s10, s19;
	s10 =	smul.u32 $0x4E200, s10  }
0x15: {  	s26 =	sshrl.u32 s25, $0x3;
	s3 =	sadd.s32 $0x86000, s8;
	s12 =	smul.u32 $0x2710, s7  }
0x16: {  	s5 =	sadd.s32 $0x4600, s8;
	s7 =	smul.u32 $0x27100, s0;
	s11 =	sshrl.u32 s6, $0x3  }
0x17: {  	s0 =	smul.u32 $0x9C400, s0;
	s6 =	simm.s32 $0x1;
	s11 =	sadd.s32 s11, s8  }
0x18: {  	s12 =	sshrl.u32 s12, $0x3;
	s20 =	sadd.s32 s10, s7;
	s10 =	sshrl.u32 s22, $0x3  }
0x19: {  	s28 =	sshrl.u32 s7, $0x3;
	s0 =	sadd.s32 s0, s1;
	s1 =	simm.s32 $0x9E00  }
0x1a: {  	s12 =	sadd.s32 s12, s8;
	s8 =	sadd.s32 $0x271000, s20;
	s21 =	sadd.s32 $0x79A00, s11  }
0x1b: {  	s11 =	sadd.s32 $0x7AE00, s11;
	s10 =	sadd.s32 s9, s10;
	[dreg:$0x3] =	wrdreg s21  }
0x1c: {  	s15 =	sadd.s32 s4, s28;
	s17 =	sshrl.u32 s0, $0x3;
	[dreg:$0x4] =	wrdreg s11  }
0x1d: {  	s19 =	sadd.s32 $0xFA, s28;
	s20 =	sadd.s32 $0x2710, s0;
	[dreg:$0x6] =	wrdreg s10  }
0x1e: {  	s11 =	sadd.s32 s9, s23;
	s10 =	sshrl.u32 s24, $0x3;
	[dreg:$0xa] =	wrdreg s15  }
0x1f: {  	s16 =	sshrl.u32 s8, $0x3;
	s23 =	sadd.s32 s3, s19;
	[dreg:$0x5] =	wrdreg s11  }
0x20: {  	s21 =	sadd.s32 $0x4E20, s0;
	s24 =	sadd.s32 s4, s19;
	[dreg:$0x10] =	wrdreg s23  }
0x21: {  	s0 =	sadd.s32 $0x7530, s0;
	s25 =	sadd.s32 $0xB7000, s12;
	[dreg:$0x11] =	wrdreg s24  }
0x22: {  	s12 =	simm.s32 $0x1CA80;
	s10 =	sadd.s32 s9, s10;
	[dreg:$0x12] =	wrdreg s25  }
0x23: {  	s15 =	simm.s32 $0xED00;
	s9 =	sadd.s32 s9, s26;
	[dreg:$0x7] =	wrdreg s10  }
0x24: {  	s19 =	simm.s32 $0x16380;
	s26 =	smax.u32 s14, $0x1;
	[dreg:$0x8] =	wrdreg s9  }
0x25: {  	s18 =	sadd.s32 s5, s16;
	s0 =	sshrl.u32 s0, $0x3;
	[dreg:$0x13] =	wrdreg s26  }
0x26: {  	s14 =	simm.s32 $0x1DA80;
	s10 =	sadd.s32 s3, s28;
	[dreg:$0xb] =	wrdreg s18  }
0x27: {  	s16 =	simm.s32 $0x11480;
	s9 =	sadd.s32 s13, s17;
	[dreg:$0x9] =	wrdreg s10  }
0x28: {  	s11 =	simm.s32 $0x0;
	s0 =	sadd.s32 s13, s0;
	[dreg:$0xc] =	wrdreg s9  }
0x29: {  	s28 =	sadd.s32 $0xFA, s18;
	s18 =	simm.s32 $0x13C00;
	[dreg:$0xf] =	wrdreg s0  }
0x2a: {  	s9 =	sshrl.u32 s20, $0x3;
	s10 =	sshrl.u32 s21, $0x3;
	[dreg:$0x14] =	wrdreg s28  }
0x2b: {  	s0 =	simm.s32 $0xC580;
	s20 =	simm.s32 $0x18B00;
	s9 =	sadd.s32 s13, s9  }
0x2c: {  	s21 =	simm.s32 $0x2;
	s22 =	sadd.s32 s13, s10;
	[dreg:$0xd] =	wrdreg s9  }
0x2d: {  	v0 =	vimm.f32 $0.0e+00;
	s10 =	simm.s32 $0x3;
	s13 =	simm.s32 $0x1D280;
	[dreg:$0xe] =	wrdreg s22  }
.LBB2_1:
0x2e: {  	[dreg:$0x15] =	wrdreg s11  }
0x2f: {  	s9 =	rddreg [dreg:$0x3]  }
0x30: {  	[tilespmem:s2], [sflag:$0x3] =	stream.linear.gather [hbm4b:s9+s2], $0x2710, $0x38;
	[tilespmem:$0x1E280] =	vst v63  }
0x31: {  	_ =	swait.ge [sflag:s10], $0x2710  }
0x32: {  	[sflag:s10] =	ssyncset.done $0x0  }
0x33: {  	s22 =	rddreg [dreg:$0x4];
	[sflag:s10] =	ssyncadd.s32 $0xFFFFD8F0  }
0x34: {  	[tilespmem:s29], [sflag:$0x3] =	stream.linear.gather [hbm4b:s22+s2], $0x2710, $0x38;
	[tilespmem:$0x1E280] =	vst v63  }
0x35: {  	_ =	swait.ge [sflag:s10], $0x2710  }
0x36: {  	[sflag:s10] =	ssyncset.done $0x0  }
0x37: {  	s23 =	rddreg [dreg:$0x5];
	[sflag:s10] =	ssyncadd.s32 $0xFFFFD8F0  }
0x38: {  	[tilespmem:s30], [sflag:$0x3] =	stream.linear.gather [hbm4b:s23+s2], $0x2710, $0x38;
	[tilespmem:$0x1E280] =	vst v63  }
0x39: {  	_ =	swait.ge [sflag:s10], $0x2710  }
0x3a: {  	[sflag:s10] =	ssyncset.done $0x0  }
0x3b: {  	s24 =	rddreg [dreg:$0x6];
	[sflag:s10] =	ssyncadd.s32 $0xFFFFD8F0  }
0x3c: {  	[tilespmem:s31], [sflag:$0x3] =	stream.linear.gather [hbm4b:s24+s2], $0x2710, $0x38;
	[tilespmem:$0x1E280] =	vst v63  }
0x3d: {  	_ =	swait.ge [sflag:s10], $0x2710  }
0x3e: {  	[sflag:s10] =	ssyncset.done $0x0  }
0x3f: {  	s25 =	rddreg [dreg:$0x7];
	[sflag:s10] =	ssyncadd.s32 $0xFFFFD8F0  }
0x40: {  	[tilespmem:s1], [sflag:$0x3] =	stream.linear.gather [hbm4b:s25+s2], $0x2710, $0x38;
	[tilespmem:$0x1E280] =	vst v63  }
0x41: {  	_ =	swait.ge [sflag:s10], $0x2710  }
0x42: {  	[sflag:s10] =	ssyncset.done $0x0  }
0x43: {  	s26 =	rddreg [dreg:$0x8];
	[sflag:s10] =	ssyncadd.s32 $0xFFFFD8F0  }
0x44: {  	[tilespmem:s0], [sflag:$0x3] =	stream.linear.gather [hbm4b:s26+s2], $0x2710, $0x38;
	[tilespmem:$0x1E280] =	vst v63  }
0x45: {  	_ =	swait.ge [sflag:s10], $0x2710  }
0x46: {  	[sflag:s10] =	ssyncset.done $0x0  }
0x47: {  	s23 =	simm.s32 $0xED20;
	[sflag:s10] =	ssyncadd.s32 $0xFFFFD8F0  }
0x48: {  	[tilespmem:s23+$0x10] =	vst v0  }
0x49: {  	[tilespmem:s23+$0xFFFFFFF0] =	vst v0  }
0x4a: {  	[tilespmem:s23+$0x0] =	vst v0  }
0x4b: {  	[tilespmem:s23+$0x20] =	vst v0  }
0x4c: {  	s25 =	simm.s32 $0x114A0;
	[tilespmem:s23+$0xFFFFFFE0] =	vst v0  }
0x4d: {  	[tilespmem:s25+$0xFFFFFFE0] =	vst v0  }
0x4e: {  	[tilespmem:s25+$0x20] =	vst v0  }
0x4f: {  	[tilespmem:s25+$0x10] =	vst v0  }
0x50: {  	s17 =	simm.s32 $0x13C20;
	[tilespmem:s25+$0xFFFFFFF0] =	vst v0  }
0x51: {  	[tilespmem:s17+$0xFFFFFFE0] =	vst v0  }
0x52: {  	s22 =	simm.s32 $0x163A0;
	[tilespmem:s17+$0x20] =	vst v0  }
0x53: {  	s28 =	simm.s32 $0x13C70;
	s11 =	simm.s32 $0x18B70;
	s9 =	simm.s32 $0x163F0;
	[tilespmem:s22+$0xFFFFFFE0] =	vst v0  }
0x54: {  	s24 =	simm.s32 $0x18B20;
	s26 =	simm.s32 $0x0;
	s10 =	simm.s32 $0x114A0;
	[tilespmem:s22+$0x20] =	vst v0  }
.LBB2_2:
0x55: {  	s26 =	sadd.s32 $0x5, s26;
	[tilespmem:s24+$0xFFFFFFE0] =	vst v0;
	s23 =	sadd.s32 $0x50, s23;
	s25 =	sadd.s32 $0x50, s25  }
0x56: {  	p0 =	slt.u32 s26, $0x26C;
	[tilespmem:s10+$0x0] =	vst v0;
	s10 =	smov.u32 s25  }
0x57: {  	[tilespmem:s17+$0x10] =	vst v0  }
0x58: {  	[tilespmem:s17+$0x0] =	vst v0  }
0x59: {  	[tilespmem:s22+$0x10] =	vst v0  }
0x5a: {  	[tilespmem:s24+$0x10] =	vst v0  }
0x5b: {  	[tilespmem:s24+$0x20] =	vst v0  }
0x5c: {  	[tilespmem:s17+$0xFFFFFFF0] =	vst v0;
	s17 =	smov.u32 s28  }
0x5d: {  	[tilespmem:s22+$0xFFFFFFF0] =	vst v0  }
0x5e: {  	[tilespmem:s22+$0x0] =	vst v0;
	s22 =	smov.u32 s9  }
0x5f: {  	[tilespmem:s24+$0x0] =	vst v0  }
0x60: {  	[tilespmem:s24+$0xFFFFFFF0] =	vst v0;
	s24 =	smov.u32 s11  }
0x61: {  	[tilespmem:s23+$0x10] =	vst v0  }
0x62: {  	[tilespmem:s23+$0xFFFFFFF0] =	vst v0  }
0x63: {  	[tilespmem:s23+$0x0] =	vst v0  }
0x64: {  	[tilespmem:s23+$0x20] =	vst v0  }
0x65: {  	[tilespmem:s23+$0xFFFFFFE0] =	vst v0  }
0x66: {  	[tilespmem:s25+$0xFFFFFFE0] =	vst v0  }
0x67: {  	[tilespmem:s28+$0xFFFFFFE0] =	vst v0  }
0x68: {  	[tilespmem:s9+$0xFFFFFFE0] =	vst v0  }
.Ltmp0:
0x69: {  	[tilespmem:s25+$0x20] =	vst v0;
	(pc) =	sbr.rel @p0 .LBB2_2-.Ltmp0, $4  }
0x6a: {  	[tilespmem:s25+$0x10] =	vst v0  }
0x6b: {  	[tilespmem:s28+$0x20] =	vst v0  }
0x6c: {  	[tilespmem:s9+$0x20] =	vst v0  }
0x6d: {  	s11 =	sadd.s32 $0x50, s11;
	s28 =	sadd.s32 $0x50, s28;
	s9 =	sadd.s32 $0x50, s9;
	[tilespmem:s25+$0xFFFFFFF0] =	vst v0  }
0x6e: {  	[tilespmem:s24+$0xFFFFFFE0] =	vst v0  }
0x6f: {  	[tilespmem:s10+$0x0] =	vst v0  }
0x70: {  	[tilespmem:s17+$0x10] =	vst v0  }
0x71: {  	[tilespmem:s24+$0x20] =	vst v0  }
0x72: {  	[tilespmem:s17+$0xFFFFFFF0] =	vst v0  }
0x73: {  	[tilespmem:s17+$0x0] =	vst v0  }
0x74: {  	[tilespmem:s22+$0x10] =	vst v0  }
0x75: {  	[tilespmem:s22+$0xFFFFFFF0] =	vst v0  }
0x76: {  	[tilespmem:s24+$0x10] =	vst v0  }
0x77: {  	[tilespmem:s22+$0x0] =	vst v0  }
0x78: {  	[tilespmem:s24+$0xFFFFFFF0] =	vst v0  }
0x79: {  	[tilespmem:s24+$0x0] =	vst v0  }
0x7a: {  	s23 =	simm.s32 $0x0;
	s28 =	simm.s32 $0x1B280;
	s9 =	rddreg [dreg:$0x9]  }
0x7b: {  	[tilespmem:s28], [sflag:$0x1] =	stream.linear.gather [hbm4b:s9+s23], $0x7D0, $0x38;
	[tilespmem:$0x1E280] =	vst v63  }
0x7c: {  	s11 =	simm.s32 $0x1BA80;
	s10 =	rddreg [dreg:$0xa]  }
0x7d: {  	[tilespmem:s11], [sflag:$0x1] =	stream.linear.gather [hbm4b:s10+s23], $0x7D0, $0x38;
	[tilespmem:$0x1E280] =	vst v63  }
0x7e: {  	s22 =	simm.s32 $0x1C280;
	s17 =	rddreg [dreg:$0xb]  }
0x7f: {  	[tilespmem:s22], [sflag:$0x1] =	stream.linear.gather [hbm4b:s17+s23], $0x7D0, $0x38;
	[tilespmem:$0x1E280] =	vst v63  }
0x80: {  	s24 =	rddreg [dreg:$0x10]  }
0x81: {  	[tilespmem:s12], [sflag:$0x2] =	stream.linear.gather [hbm4b:s24+s23], $0x7D0, $0x38;
	[tilespmem:$0x1E280] =	vst v63  }
0x82: {  	s25 =	rddreg [dreg:$0x11]  }
0x83: {  	[tilespmem:s13], [sflag:$0x2] =	stream.linear.gather [hbm4b:s25+s23], $0x7D0, $0x38;
	[tilespmem:$0x1E280] =	vst v63  }
0x84: {  	s26 =	rddreg [dreg:$0x14]  }
0x85: {  	[tilespmem:s14], [sflag:$0x2] =	stream.linear.gather [hbm4b:s26+s23], $0x7D0, $0x38;
	[tilespmem:$0x1E280] =	vst v63  }
.LBB2_4:
0x86: {  	_ =	swait.ge [sflag:s6], $0x7D0  }
0x87: {  	[sflag:s6] =	ssyncset.done $0x0  }
0x88: {  	[sflag:s6] =	ssyncadd.s32 $0xFFFFF830  }
0x89: {  	_ =	swait.ge [sflag:s6], $0x7D0  }
0x8a: {  	[sflag:s6] =	ssyncset.done $0x0  }
0x8b: {  	[sflag:s6] =	ssyncadd.s32 $0xFFFFF830  }
0x8c: {  	_ =	swait.ge [sflag:s6], $0x7D0  }
0x8d: {  	[sflag:s6] =	ssyncset.done $0x0  }
0x8e: {  	s9 =	simm.s32 $0x1B2A0;
	[sflag:s6] =	ssyncadd.s32 $0xFFFFF830  }
0x8f: {  	s10 =	simm.s32 $0x1BAA0;
	v3 =	vld [tilespmem:s9+$0x20]  }
0x90: {  	v4 =	vld [tilespmem:s10+$0x20];
	_ =	sdelay $0x1  }
0x91: {  	v12 =	vld [tilespmem:s10+$0xFFFFFFE0]  }
0x92: {  	v14 =	vld [tilespmem:s9+$0xFFFFFFF0]  }
0x93: {  	v11 =	vld [tilespmem:s10+$0xFFFFFFF0]  }
0x94: {  	v13 =	vld [tilespmem:s9+$0x0]  }
0x95: {  	v15 =	vld [tilespmem:s10+$0x0]  }
0x96: {  	v2 =	vld.idx.msk [tilespmem:v3+s2+$0x0], $0xffff  }
0x97: {  	v5 =	vld.idx.msk [tilespmem:v4+s29+$0x0], $0xffff  }
0x98: {  	s11 =	simm.s32 $0x1C2A0;
	v17 =	vld [tilespmem:s9+$0xFFFFFFE0]  }
0x99: {  	v6 =	vld [tilespmem:s11+$0x20]  }
0x9a: {  	v16 =	vld [tilespmem:s9+$0x10]  }
0x9b: {  	v1 =	vld [tilespmem:s10+$0x10]  }
0x9c: {  	v19 =	vld [tilespmem:s11+$0xFFFFFFE0];
	v2 =	vadd.f32 v5, v2  }
0x9d: {  	v7 =	vld.idx.msk [tilespmem:v12+s29+$0x0], $0xffff  }
0x9e: {  	v8 =	vld.idx.msk [tilespmem:v11+s29+$0x0], $0xffff;
	v2 =	vadd.f32 v6, v2  }
0x9f: {  	v9 =	vld.idx.msk [tilespmem:v15+s29+$0x0], $0xffff  }
0xa0: {  	v18 =	vld.idx.msk [tilespmem:v17+s2+$0x0], $0xffff;
	v10 =	vmul.f32 $2.000000030e-01, v2  }
0xa1: {  	v5 =	vld.idx.msk [tilespmem:v14+s2+$0x0], $0xffff;
	vm0 =	vgt.f32 v2, $0.0e+00  }
0xa2: {  	v6 =	vld.idx.msk [tilespmem:v13+s2+$0x0], $0xffff;
	v2 =	vsel vm0, v2, v10  }
0xa3: {  	v20 =	vld [tilespmem:s11+$0x0];
	v2 =	vmul.f32 $1.442695020e+00, v2  }
0xa4: {  	v10 =	vld [tilespmem:s11+$0xFFFFFFF0]  }
0xa5: {  	s26 =	simm.s32 $0x1B2F0;
	(erf) = vpow2.f32 v2  }
0xa6: {  	s24 =	simm.s32 $0x1BAF0;
	v25 =	vld [tilespmem:s26+$0x20];
	v2 =	vadd.f32 v7, v18  }
0xa7: {  	v26 =	vld [tilespmem:s24+$0x20];
	v5 =	vadd.f32 v8, v5;
	v6 =	vadd.f32 v9, v6  }
0xa8: {  	v8 =	vld.idx.msk [tilespmem:v1+s29+$0x0], $0xffff;
	v2 =	vadd.f32 v19, v2  }
0xa9: {  	v7 =	vld.idx.msk [tilespmem:v16+s2+$0x0], $0xffff;
	v6 =	vadd.f32 v20, v6;
	v5 =	vadd.f32 v10, v5  }
0xaa: {  	v9 =	vld.idx.msk [tilespmem:v3+s30+$0x0], $0xffff;
	v10 =	vmul.f32 $2.000000030e-01, v2  }
0xab: {  	s25 =	simm.s32 $0x1C2F0;
	v18 =	vld [tilespmem:s11+$0x10];
	v20 =	vmul.f32 $2.000000030e-01, v6;
	v19 =	vmul.f32 $2.000000030e-01, v5;
	vm9 =	vgt.f32 v2, $0.0e+00  }
0xac: {  	v29 =	vld [tilespmem:s25+$0x20];
	vm2 =	vgt.f32 v6, $0.0e+00;
	vm1 =	vgt.f32 v5, $0.0e+00;
	v2 =	vsel vm9, v2, v10  }
0xad: {  	v37 =	vld [tilespmem:s25+$0xFFFFFFE0];
	v6 =	vsel vm2, v6, v20;
	v5 =	vsel vm1, v5, v19;
	v2 =	vmul.f32 $1.442695020e+00, v2  }
0xae: {  	v52 =	vld [tilespmem:s25+$0xFFFFFFF0];
	v7 =	vadd.f32 v8, v7;
	v6 =	vmul.f32 $1.442695020e+00, v6;
	v5 =	vmul.f32 $1.442695020e+00, v5;
	v8 =	vpop (erf)  }
0xaf: {  	v38 =	vld [tilespmem:s25+$0x0];
	(erf) = vpow2.f32 v2;
	v9 =	vmul.f32 v8, v9  }
0xb0: {  	v53 =	vld [tilespmem:s25+$0x10];
	v2 =	vadd.f32 v18, v7;
	(erf) = vpow2.f32 v5  }
0xb1: {  	(erf) = vpow2.f32 v6;
	[tilespmem:v4+s15+$0x0] =	vst.idx.add.f32.msk $0xffff, v9  }
0xb2: {  	v5 =	vmul.f32 $2.000000030e-01, v2;
	v6 =	vld.idx.msk [tilespmem:v3+s31+$0x0], $0xffff  }
0xb3: {  	v27 =	vld.idx.msk [tilespmem:v25+s2+$0x0], $0xffff;
	vm10 =	vgt.f32 v2, $0.0e+00  }
0xb4: {  	v7 =	vld.idx.msk [tilespmem:v17+s30+$0x0], $0xffff;
	v2 =	vsel vm10, v2, v5  }
0xb5: {  	v5 =	vld.idx.msk [tilespmem:v14+s30+$0x0], $0xffff;
	v2 =	vmul.f32 $1.442695020e+00, v2  }
0xb6: {  	v9 =	vld.idx.msk [tilespmem:v13+s30+$0x0], $0xffff  }
0xb7: {  	v28 =	vld.idx.msk [tilespmem:v26+s29+$0x0], $0xffff;
	(erf) = vpow2.f32 v2;
	v2 =	vmul.f32 v8, v6  }
0xb8: {  	v6 =	vld.idx.msk [tilespmem:v16+s30+$0x0], $0xffff;
	v19 =	vpop (erf)  }
0xb9: {  	v7 =	vmul.f32 v19, v7;
	v20 =	vpop (erf);
	[tilespmem:v4+s16+$0x0] =	vst.idx.add.f32.msk $0xffff, v2  }
0xba: {  	v2 =	vmul.f32 v20, v5;
	v18 =	vpop (erf);
	v5 =	vld.idx.msk [tilespmem:v3+s1+$0x0], $0xffff  }
0xbb: {  	[tilespmem:v12+s15+$0x0] =	vst.idx.add.f32.msk $0xffff, v7;
	v7 =	vmul.f32 v18, v9  }
0xbc: {  	[tilespmem:v11+s15+$0x0] =	vst.idx.add.f32.msk $0xffff, v2  }
0xbd: {  	[tilespmem:v15+s15+$0x0] =	vst.idx.add.f32.msk $0xffff, v7  }
0xbe: {  	v7 =	vld.idx.msk [tilespmem:v17+s31+$0x0], $0xffff  }
0xbf: {  	v9 =	vld.idx.msk [tilespmem:v14+s31+$0x0], $0xffff  }
0xc0: {  	v57 =	vld.idx.msk [tilespmem:v25+s30+$0x0], $0xffff;
	v2 =	vpop (erf);
	v5 =	vmul.f32 v5, v8  }
0xc1: {  	v10 =	vld.idx.msk [tilespmem:v13+s31+$0x0], $0xffff;
	v6 =	vmul.f32 v2, v6  }
0xc2: {  	[tilespmem:v4+s18+$0x0] =	vst.idx.add.f32.msk $0xffff, v5  }
0xc3: {  	[tilespmem:v1+s15+$0x0] =	vst.idx.add.f32.msk $0xffff, v6  }
0xc4: {  	v5 =	vmul.f32 v19, v7;
	v7 =	vmul.f32 v20, v9;
	v9 =	vld [tilespmem:s26+$0x10]  }
0xc5: {  	v3 =	vld.idx.msk [tilespmem:v3+s0+$0x0], $0xffff  }
0xc6: {  	v6 =	vld.idx.msk [tilespmem:v16+s31+$0x0], $0xffff  }
0xc7: {  	[tilespmem:v12+s16+$0x0] =	vst.idx.add.f32.msk $0xffff, v5  }
0xc8: {  	[tilespmem:v11+s16+$0x0] =	vst.idx.add.f32.msk $0xffff, v7  }
0xc9: {  	v7 =	vld [tilespmem:s26+$0x0]  }
0xca: {  	v5 =	vmul.f32 v18, v10;
	v10 =	vld [tilespmem:s26+$0xFFFFFFE0]  }
0xcb: {  	v21 =	vld.idx.msk [tilespmem:v17+s1+$0x0], $0xffff  }
0xcc: {  	v27 =	vadd.f32 v28, v27;
	v22 =	vld.idx.msk [tilespmem:v14+s1+$0x0], $0xffff  }
0xcd: {  	[tilespmem:v15+s16+$0x0] =	vst.idx.add.f32.msk $0xffff, v5;
	v3 =	vmul.f32 v3, v8  }
0xce: {  	v27 =	vadd.f32 v29, v27;
	v5 =	vmul.f32 v2, v6;
	v6 =	vld [tilespmem:s24+$0xFFFFFFE0]  }
0xcf: {  	[tilespmem:v4+s19+$0x0] =	vst.idx.add.f32.msk $0xffff, v3  }
0xd0: {  	v35 =	vmul.f32 $2.000000030e-01, v27;
	[tilespmem:v1+s16+$0x0] =	vst.idx.add.f32.msk $0xffff, v5  }
0xd1: {  	vm11 =	vgt.f32 v27, $0.0e+00;
	v5 =	vld [tilespmem:s24+$0xFFFFFFF0]  }
0xd2: {  	v27 =	vsel vm11, v27, v35;
	[tilespmem:v4+s20+$0x0] =	vst.idx.add.f32.msk $0xffff, v8  }
0xd3: {  	v27 =	vmul.f32 $1.442695020e+00, v27;
	v8 =	vld [tilespmem:s26+$0xFFFFFFF0]  }
0xd4: {  	v23 =	vld.idx.msk [tilespmem:v13+s1+$0x0], $0xffff  }
0xd5: {  	(erf) = vpow2.f32 v27;
	v3 =	vld [tilespmem:s24+$0x0]  }
0xd6: {  	v4 =	vld [tilespmem:s24+$0x10]  }
0xd7: {  	v51 =	vld.idx.msk [tilespmem:v9+s2+$0x0], $0xffff  }
0xd8: {  	v34 =	vld.idx.msk [tilespmem:v10+s2+$0x0], $0xffff  }
0xd9: {  	v30 =	vld.idx.msk [tilespmem:v6+s29+$0x0], $0xffff  }
0xda: {  	v32 =	vld.idx.msk [tilespmem:v5+s29+$0x0], $0xffff  }
0xdb: {  	v31 =	vld.idx.msk [tilespmem:v8+s2+$0x0], $0xffff  }
0xdc: {  	v50 =	vld.idx.msk [tilespmem:v7+s2+$0x0], $0xffff  }
0xdd: {  	v33 =	vld.idx.msk [tilespmem:v3+s29+$0x0], $0xffff  }
0xde: {  	v62 =	vpop (erf);
	v36 =	vld.idx.msk [tilespmem:v4+s29+$0x0], $0xffff;
	v30 =	vadd.f32 v30, v34  }
0xdf: {  	v63 =	vmul.f32 v62, v57;
	v60 =	vld.idx.msk [tilespmem:v9+s30+$0x0], $0xffff  }
0xe0: {  	v21 =	vmul.f32 v21, v19;
	v24 =	vld.idx.msk [tilespmem:v16+s1+$0x0], $0xffff;
	v30 =	vadd.f32 v37, v30;
	v31 =	vadd.f32 v32, v31  }
0xe1: {  	v22 =	vmul.f32 v22, v20;
	[tilespmem:v26+s15+$0x0] =	vst.idx.add.f32.msk $0xffff, v63  }
0xe2: {  	[tilespmem:v12+s18+$0x0] =	vst.idx.add.f32.msk $0xffff, v21;
	v28 =	vadd.f32 v33, v50;
	v58 =	vmul.f32 $2.000000030e-01, v30;
	v31 =	vadd.f32 v52, v31  }
0xe3: {  	v17 =	vld.idx.msk [tilespmem:v17+s0+$0x0], $0xffff;
	v29 =	vadd.f32 v36, v51;
	vm12 =	vgt.f32 v30, $0.0e+00  }
0xe4: {  	[tilespmem:v11+s18+$0x0] =	vst.idx.add.f32.msk $0xffff, v22;
	v28 =	vadd.f32 v38, v28;
	v22 =	vsel vm12, v30, v58;
	v59 =	vmul.f32 $2.000000030e-01, v31  }
0xe5: {  	v54 =	vld.idx.msk [tilespmem:v10+s30+$0x0], $0xffff;
	v23 =	vmul.f32 v23, v18;
	vm13 =	vgt.f32 v31, $0.0e+00;
	v22 =	vmul.f32 $1.442695020e+00, v22  }
0xe6: {  	v56 =	vld.idx.msk [tilespmem:v7+s30+$0x0], $0xffff;
	v27 =	vadd.f32 v53, v29;
	v38 =	vmul.f32 $2.000000030e-01, v28;
	v61 =	vsel vm13, v31, v59  }
0xe7: {  	vm14 =	vgt.f32 v28, $0.0e+00;
	(erf) = vpow2.f32 v22;
	v22 =	vld.idx.msk [tilespmem:v25+s31+$0x0], $0xffff;
	v30 =	vmul.f32 $1.442695020e+00, v61  }
0xe8: {  	v14 =	vld.idx.msk [tilespmem:v14+s0+$0x0], $0xffff;
	v17 =	vmul.f32 v17, v19;
	v21 =	vmul.f32 $2.000000030e-01, v27;
	v28 =	vsel vm14, v28, v38  }
0xe9: {  	[tilespmem:v15+s18+$0x0] =	vst.idx.add.f32.msk $0xffff, v23;
	vm15 =	vgt.f32 v27, $0.0e+00;
	v23 =	vmul.f32 $1.442695020e+00, v28;
	(erf) = vpow2.f32 v30  }
0xea: {  	v55 =	vld.idx.msk [tilespmem:v8+s30+$0x0], $0xffff;
	v21 =	vsel vm15, v27, v21  }
0xeb: {  	[tilespmem:v12+s19+$0x0] =	vst.idx.add.f32.msk $0xffff, v17;
	v21 =	vmul.f32 $1.442695020e+00, v21;
	(erf) = vpow2.f32 v23  }
0xec: {  	[tilespmem:v12+s20+$0x0] =	vst.idx.add.f32.msk $0xffff, v19;
	v12 =	vmul.f32 v62, v22  }
0xed: {  	(erf) = vpow2.f32 v21;
	v21 =	vld.idx.msk [tilespmem:v13+s0+$0x0], $0xffff;
	v13 =	vmul.f32 v14, v20  }
0xee: {  	v24 =	vmul.f32 v24, v2;
	[tilespmem:v26+s16+$0x0] =	vst.idx.add.f32.msk $0xffff, v12  }
0xef: {  	v19 =	vld.idx.msk [tilespmem:v25+s1+$0x0], $0xffff  }
0xf0: {  	[tilespmem:v1+s18+$0x0] =	vst.idx.add.f32.msk $0xffff, v24  }
0xf1: {  	[tilespmem:v11+s19+$0x0] =	vst.idx.add.f32.msk $0xffff, v13;
	v13 =	vpop (erf)  }
0xf2: {  	v16 =	vld.idx.msk [tilespmem:v16+s0+$0x0], $0xffff;
	v14 =	vmul.f32 v13, v54;
	v12 =	vpop (erf)  }
0xf3: {  	[tilespmem:v11+s20+$0x0] =	vst.idx.add.f32.msk $0xffff, v20;
	v17 =	vmul.f32 v12, v55  }
0xf4: {  	[tilespmem:v6+s15+$0x0] =	vst.idx.add.f32.msk $0xffff, v14;
	v11 =	vpop (erf);
	v19 =	vmul.f32 v19, v62  }
0xf5: {  	v20 =	vmul.f32 v11, v56;
	[tilespmem:v5+s15+$0x0] =	vst.idx.add.f32.msk $0xffff, v17  }
0xf6: {  	v14 =	vpop (erf);
	[tilespmem:v26+s18+$0x0] =	vst.idx.add.f32.msk $0xffff, v19  }
0xf7: {  	v17 =	vmul.f32 v14, v60;
	[tilespmem:v3+s15+$0x0] =	vst.idx.add.f32.msk $0xffff, v20  }
0xf8: {  	v20 =	vld.idx.msk [tilespmem:v8+s31+$0x0], $0xffff  }
0xf9: {  	[tilespmem:v4+s15+$0x0] =	vst.idx.add.f32.msk $0xffff, v17  }
0xfa: {  	v17 =	vld.idx.msk [tilespmem:v10+s31+$0x0], $0xffff  }
0xfb: {  	v19 =	vmul.f32 v21, v18;
	v22 =	vld.idx.msk [tilespmem:v7+s31+$0x0], $0xffff  }
0xfc: {  	v21 =	vld.idx.msk [tilespmem:v25+s0+$0x0], $0xffff  }
0xfd: {  	[tilespmem:v15+s19+$0x0] =	vst.idx.add.f32.msk $0xffff, v19  }
0xfe: {  	v23 =	vld.idx.msk [tilespmem:v9+s31+$0x0], $0xffff;
	v19 =	vmul.f32 v12, v20  }
0xff: {  	[tilespmem:v15+s20+$0x0] =	vst.idx.add.f32.msk $0xffff, v18;
	v17 =	vmul.f32 v13, v17  }
0x100: {  	v15 =	vmul.f32 v11, v22;
	[tilespmem:v5+s16+$0x0] =	vst.idx.add.f32.msk $0xffff, v19  }
0x101: {  	[tilespmem:v6+s16+$0x0] =	vst.idx.add.f32.msk $0xffff, v17  }
0x102: {  	[tilespmem:v3+s16+$0x0] =	vst.idx.add.f32.msk $0xffff, v15  }
0x103: {  	v20 =	vld.idx.msk [tilespmem:v8+s1+$0x0], $0xffff  }
0x104: {  	v15 =	vmul.f32 v21, v62;
	v19 =	vld.idx.msk [tilespmem:v10+s1+$0x0], $0xffff  }
0x105: {  	v17 =	vmul.f32 v14, v23;
	v18 =	vld.idx.msk [tilespmem:v7+s1+$0x0], $0xffff  }
0x106: {  	[tilespmem:v26+s19+$0x0] =	vst.idx.add.f32.msk $0xffff, v15  }
0x107: {  	[tilespmem:v4+s16+$0x0] =	vst.idx.add.f32.msk $0xffff, v17  }
0x108: {  	v15 =	vmul.f32 v16, v2;
	[tilespmem:v26+s20+$0x0] =	vst.idx.add.f32.msk $0xffff, v62  }
0x109: {  	v17 =	vld.idx.msk [tilespmem:v9+s1+$0x0], $0xffff  }
0x10a: {  	s17 =	simm.s32 $0x1B340;
	s26 =	simm.s32 $0x5;
	[tilespmem:v1+s19+$0x0] =	vst.idx.add.f32.msk $0xffff, v15;
	v19 =	vmul.f32 v19, v13  }
.LBB2_5:
0x10b: {  	v16 =	vld [tilespmem:s17+$0x20];
	s24 =	sadd.s32 $0x50, s24  }
0x10c: {  	v15 =	vld [tilespmem:s24+$0x20]  }
0x10d: {  	s26 =	sadd.s32 $0x5, s26;
	v20 =	vmul.f32 v20, v12;
	v21 =	vld [tilespmem:s24+$0xFFFFFFE0]  }
0x10e: {  	p0 =	slt.u32 s26, $0x78;
	v23 =	vmul.f32 v18, v11;
	v22 =	vld [tilespmem:s17+$0xFFFFFFF0]  }
0x10f: {  	v24 =	vmul.f32 v17, v14;
	v18 =	vld [tilespmem:s24+$0xFFFFFFF0]  }
0x110: {  	v25 =	vld [tilespmem:s17+$0x0]  }
0x111: {  	v17 =	vld [tilespmem:s24+$0x0]  }
0x112: {  	v26 =	vld [tilespmem:s17+$0x10]  }
0x113: {  	v27 =	vld.idx.msk [tilespmem:v16+s2+$0x0], $0xffff  }
0x114: {  	v28 =	vld.idx.msk [tilespmem:v15+s29+$0x0], $0xffff  }
0x115: {  	v29 =	vld [tilespmem:s24+$0x10]  }
0x116: {  	s25 =	sadd.s32 $0x50, s25;
	v30 =	vld [tilespmem:s17+$0xFFFFFFE0]  }
0x117: {  	v31 =	vld [tilespmem:s25+$0x20]  }
0x118: {  	v32 =	vld.idx.msk [tilespmem:v21+s29+$0x0], $0xffff  }
0x119: {  	v33 =	vld.idx.msk [tilespmem:v22+s2+$0x0], $0xffff  }
0x11a: {  	v27 =	vadd.f32 v28, v27;
	v34 =	vld.idx.msk [tilespmem:v18+s29+$0x0], $0xffff  }
0x11b: {  	v28 =	vld.idx.msk [tilespmem:v25+s2+$0x0], $0xffff  }
0x11c: {  	v35 =	vld.idx.msk [tilespmem:v17+s29+$0x0], $0xffff;
	v27 =	vadd.f32 v31, v27  }
0x11d: {  	v31 =	vld.idx.msk [tilespmem:v26+s2+$0x0], $0xffff  }
0x11e: {  	v36 =	vld.idx.msk [tilespmem:v30+s2+$0x0], $0xffff;
	v37 =	vmul.f32 $2.000000030e-01, v27  }
0x11f: {  	vm0 =	vgt.f32 v27, $0.0e+00;
	v38 =	vld.idx.msk [tilespmem:v29+s29+$0x0], $0xffff  }
0x120: {  	v33 =	vadd.f32 v34, v33;
	v39 =	vld [tilespmem:s25+$0xFFFFFFE0];
	v27 =	vsel vm0, v27, v37  }
0x121: {  	v34 =	vld [tilespmem:s25+$0xFFFFFFF0];
	v27 =	vmul.f32 $1.442695020e+00, v27  }
0x122: {  	v28 =	vadd.f32 v35, v28;
	v35 =	vld [tilespmem:s25+$0x0]  }
0x123: {  	v37 =	vld [tilespmem:s25+$0x10];
	(erf) = vpow2.f32 v27  }
0x124: {  	v27 =	vadd.f32 v32, v36;
	v32 =	vld.idx.msk [tilespmem:v30+s30+$0x0], $0xffff  }
0x125: {  	v31 =	vadd.f32 v38, v31;
	v36 =	vld.idx.msk [tilespmem:v22+s30+$0x0], $0xffff  }
0x126: {  	v27 =	vadd.f32 v39, v27;
	v33 =	vadd.f32 v34, v33;
	v34 =	vld.idx.msk [tilespmem:v25+s30+$0x0], $0xffff  }
0x127: {  	v28 =	vadd.f32 v35, v28;
	v35 =	vld.idx.msk [tilespmem:v16+s30+$0x0], $0xffff  }
0x128: {  	v38 =	vmul.f32 $2.000000030e-01, v27;
	v39 =	vmul.f32 $2.000000030e-01, v33;
	v31 =	vadd.f32 v37, v31;
	v37 =	vld.idx.msk [tilespmem:v26+s30+$0x0], $0xffff  }
0x129: {  	vm0 =	vgt.f32 v27, $0.0e+00;
	vm1 =	vgt.f32 v33, $0.0e+00;
	v40 =	vmul.f32 $2.000000030e-01, v28;
	[tilespmem:v6+s18+$0x0] =	vst.idx.add.f32.msk $0xffff, v19  }
0x12a: {  	vm2 =	vgt.f32 v28, $0.0e+00;
	vm3 =	vgt.f32 v31, $0.0e+00;
	v19 =	vmul.f32 $2.000000030e-01, v31;
	[tilespmem:v5+s18+$0x0] =	vst.idx.add.f32.msk $0xffff, v20  }
0x12b: {  	v20 =	vsel vm0, v27, v38;
	v27 =	vsel vm1, v33, v39;
	v28 =	vsel vm2, v28, v40;
	v33 =	vld.idx.msk [tilespmem:v10+s0+$0x0], $0xffff  }
0x12c: {  	v20 =	vmul.f32 $1.442695020e+00, v20;
	v27 =	vmul.f32 $1.442695020e+00, v27;
	v19 =	vsel vm3, v31, v19;
	v31 =	vpop (erf);
	[tilespmem:v3+s18+$0x0] =	vst.idx.add.f32.msk $0xffff, v23  }
0x12d: {  	v10 =	vmov v30;
	v23 =	vmul.f32 $1.442695020e+00, v28;
	v28 =	vmul.f32 v31, v35;
	[tilespmem:v4+s18+$0x0] =	vst.idx.add.f32.msk $0xffff, v24  }
0x12e: {  	v19 =	vmul.f32 $1.442695020e+00, v19;
	(erf) = vpow2.f32 v20;
	v20 =	vld.idx.msk [tilespmem:v8+s0+$0x0], $0xffff;
	v8 =	vmov v22  }
0x12f: {  	[tilespmem:v15+s15+$0x0] =	vst.idx.add.f32.msk $0xffff, v28;
	(erf) = vpow2.f32 v27  }
0x130: {  	v22 =	vld.idx.msk [tilespmem:v16+s31+$0x0], $0xffff;
	(erf) = vpow2.f32 v23  }
0x131: {  	(erf) = vpow2.f32 v19;
	v19 =	vmul.f32 v33, v13;
	v23 =	vld.idx.msk [tilespmem:v7+s0+$0x0], $0xffff;
	v7 =	vmov v25  }
0x132: {  	v24 =	vld.idx.msk [tilespmem:v9+s0+$0x0], $0xffff;
	v9 =	vmov v26  }
0x133: {  	[tilespmem:v6+s19+$0x0] =	vst.idx.add.f32.msk $0xffff, v19  }
0x134: {  	v19 =	vmul.f32 v20, v12;
	[tilespmem:v6+s20+$0x0] =	vst.idx.add.f32.msk $0xffff, v13;
	v6 =	vmov v21  }
0x135: {  	[tilespmem:v1+s20+$0x0] =	vst.idx.add.f32.msk $0xffff, v2;
	v1 =	vmov v4;
	v4 =	vmov v29;
	v2 =	vmov v14  }
0x136: {  	v14 =	vmul.f32 v31, v22;
	[tilespmem:v5+s19+$0x0] =	vst.idx.add.f32.msk $0xffff, v19  }
0x137: {  	v19 =	vmul.f32 v23, v11;
	v13 =	vpop (erf);
	[tilespmem:v5+s20+$0x0] =	vst.idx.add.f32.msk $0xffff, v12;
	v5 =	vmov v18  }
0x138: {  	v21 =	vmul.f32 v24, v2;
	v20 =	vmul.f32 v13, v32;
	[tilespmem:v15+s16+$0x0] =	vst.idx.add.f32.msk $0xffff, v14;
	v12 =	vpop (erf)  }
0x139: {  	v22 =	vmul.f32 v12, v36;
	v23 =	vld.idx.msk [tilespmem:v16+s1+$0x0], $0xffff;
	v24 =	vpop (erf)  }
0x13a: {  	[tilespmem:v6+s15+$0x0] =	vst.idx.add.f32.msk $0xffff, v20;
	v20 =	vmul.f32 v24, v34;
	v14 =	vpop (erf)  }
0x13b: {  	[tilespmem:v18+s15+$0x0] =	vst.idx.add.f32.msk $0xffff, v22;
	v18 =	vmul.f32 v14, v37  }
0x13c: {  	[tilespmem:v17+s15+$0x0] =	vst.idx.add.f32.msk $0xffff, v20  }
0x13d: {  	[tilespmem:v29+s15+$0x0] =	vst.idx.add.f32.msk $0xffff, v18  }
0x13e: {  	v18 =	vld.idx.msk [tilespmem:v10+s31+$0x0], $0xffff  }
0x13f: {  	v22 =	vmul.f32 v23, v31;
	v20 =	vld.idx.msk [tilespmem:v8+s31+$0x0], $0xffff  }
0x140: {  	v23 =	vld.idx.msk [tilespmem:v25+s31+$0x0], $0xffff  }
0x141: {  	[tilespmem:v15+s18+$0x0] =	vst.idx.add.f32.msk $0xffff, v22  }
0x142: {  	v16 =	vld.idx.msk [tilespmem:v16+s0+$0x0], $0xffff  }
0x143: {  	v22 =	vld.idx.msk [tilespmem:v9+s31+$0x0], $0xffff  }
0x144: {  	v18 =	vmul.f32 v13, v18;
	[tilespmem:v3+s19+$0x0] =	vst.idx.add.f32.msk $0xffff, v19  }
0x145: {  	v19 =	vmul.f32 v12, v20;
	[tilespmem:v3+s20+$0x0] =	vst.idx.add.f32.msk $0xffff, v11;
	v3 =	vmov v17;
	v11 =	vmov v24  }
0x146: {  	[tilespmem:v6+s16+$0x0] =	vst.idx.add.f32.msk $0xffff, v18;
	v18 =	vmul.f32 v11, v23  }
0x147: {  	[tilespmem:v5+s16+$0x0] =	vst.idx.add.f32.msk $0xffff, v19  }
0x148: {  	v16 =	vmul.f32 v16, v31;
	[tilespmem:v17+s16+$0x0] =	vst.idx.add.f32.msk $0xffff, v18  }
0x149: {  	v18 =	vmul.f32 v14, v22;
	v17 =	vld.idx.msk [tilespmem:v10+s1+$0x0], $0xffff  }
0x14a: {  	[tilespmem:v15+s19+$0x0] =	vst.idx.add.f32.msk $0xffff, v16  }
0x14b: {  	[tilespmem:v15+s20+$0x0] =	vst.idx.add.f32.msk $0xffff, v31  }
.Ltmp1:
0x14c: {  	[tilespmem:v4+s16+$0x0] =	vst.idx.add.f32.msk $0xffff, v18;
	(pc) =	sbr.rel @p0 .LBB2_5-.Ltmp1, $4  }
0x14d: {  	v20 =	vld.idx.msk [tilespmem:v8+s1+$0x0], $0xffff  }
0x14e: {  	v18 =	vld.idx.msk [tilespmem:v7+s1+$0x0], $0xffff  }
0x14f: {  	v19 =	vmul.f32 v17, v13;
	v17 =	vld.idx.msk [tilespmem:v9+s1+$0x0], $0xffff  }
0x150: {  	s17 =	sadd.s32 $0x50, s17;
	[tilespmem:v1+s19+$0x0] =	vst.idx.add.f32.msk $0xffff, v21  }
0x151: {  	_ =	sdelay $0x3  }
0x152: {  	[tilespmem:v6+s18+$0x0] =	vst.idx.add.f32.msk $0xffff, v19;
	v15 =	vmul.f32 v20, v12  }
0x153: {  	v10 =	vld.idx.msk [tilespmem:v10+s0+$0x0], $0xffff;
	v16 =	vmul.f32 v18, v11  }
0x154: {  	[tilespmem:v5+s18+$0x0] =	vst.idx.add.f32.msk $0xffff, v15  }
0x155: {  	v15 =	vmul.f32 v17, v14;
	[tilespmem:v3+s18+$0x0] =	vst.idx.add.f32.msk $0xffff, v16  }
0x156: {  	v8 =	vld.idx.msk [tilespmem:v8+s0+$0x0], $0xffff  }
0x157: {  	[tilespmem:v4+s18+$0x0] =	vst.idx.add.f32.msk $0xffff, v15  }
0x158: {  	v7 =	vld.idx.msk [tilespmem:v7+s0+$0x0], $0xffff;
	v10 =	vmul.f32 v10, v13  }
0x159: {  	v9 =	vld.idx.msk [tilespmem:v9+s0+$0x0], $0xffff  }
0x15a: {  	[tilespmem:v6+s19+$0x0] =	vst.idx.add.f32.msk $0xffff, v10  }
0x15b: {  	s24 =	sshll.u32 s23, $0x1;
	[tilespmem:v6+s20+$0x0] =	vst.idx.add.f32.msk $0xffff, v13;
	v6 =	vmul.f32 v8, v12  }
0x15c: {  	[tilespmem:v1+s20+$0x0] =	vst.idx.add.f32.msk $0xffff, v2;
	s9 =	sadd.s32 $0x2, s24  }
0x15d: {  	s10 =	smul.u32 $0x7D0, s9;
	v1 =	vmul.f32 v7, v11;
	[tilespmem:v5+s19+$0x0] =	vst.idx.add.f32.msk $0xffff, v6  }
0x15e: {  	p0 =	seq.s32 s9, $0x50;
	[tilespmem:v5+s20+$0x0] =	vst.idx.add.f32.msk $0xffff, v12  }
0x15f: {  	s10 =	simm.s32 @p0 $0x0;
	v2 =	vmul.f32 v9, v14;
	[tilespmem:v3+s19+$0x0] =	vst.idx.add.f32.msk $0xffff, v1  }
0x160: {  	s25 =	sadd.s32 s7, s10;
	[tilespmem:v3+s20+$0x0] =	vst.idx.add.f32.msk $0xffff, v11  }
0x161: {  	s9 =	sshrl.u32 s25, $0x3;
	[tilespmem:v4+s19+$0x0] =	vst.idx.add.f32.msk $0xffff, v2  }
0x162: {  	s10 =	sadd.s32 s8, s10;
	s11 =	sadd.s32 s3, s9;
	[tilespmem:v4+s20+$0x0] =	vst.idx.add.f32.msk $0xffff, v14  }
0x163: {  	[tilespmem:s28], [sflag:$0x1] =	stream.linear.gather [hbm4b:s11+s2], $0x7D0, $0x38;
	[tilespmem:$0x1E280] =	vst v63  }
0x164: {  	s26 =	simm.s32 $0x1BA80;
	s10 =	sshrl.u32 s10, $0x3;
	s9 =	sadd.s32 s4, s9  }
0x165: {  	[tilespmem:s26], [sflag:$0x1] =	stream.linear.gather [hbm4b:s9+s2], $0x7D0, $0x38;
	[tilespmem:$0x1E280] =	vst v63  }
0x166: {  	s11 =	simm.s32 $0x1C280;
	s9 =	sadd.s32 s5, s10  }
0x167: {  	[tilespmem:s11], [sflag:$0x1] =	stream.linear.gather [hbm4b:s9+s2], $0x7D0, $0x38;
	[tilespmem:$0x1E280] =	vst v63  }
0x168: {  	_ =	swait.ge [sflag:s21], $0x7D0  }
0x169: {  	[sflag:s21] =	ssyncset.done $0x0  }
0x16a: {  	[sflag:s21] =	ssyncadd.s32 $0xFFFFF830  }
0x16b: {  	_ =	swait.ge [sflag:s21], $0x7D0  }
0x16c: {  	[sflag:s21] =	ssyncset.done $0x0  }
0x16d: {  	[sflag:s21] =	ssyncadd.s32 $0xFFFFF830  }
0x16e: {  	_ =	swait.ge [sflag:s21], $0x7D0  }
0x16f: {  	[sflag:s21] =	ssyncset.done $0x0  }
0x170: {  	s17 =	simm.s32 $0x1CAA0;
	[sflag:s21] =	ssyncadd.s32 $0xFFFFF830  }
0x171: {  	s22 =	simm.s32 $0x1D2A0;
	v3 =	vld [tilespmem:s17+$0x20]  }
0x172: {  	v4 =	vld [tilespmem:s22+$0x20];
	_ =	sdelay $0x1  }
0x173: {  	v12 =	vld [tilespmem:s22+$0xFFFFFFE0]  }
0x174: {  	v14 =	vld [tilespmem:s17+$0xFFFFFFF0]  }
0x175: {  	v11 =	vld [tilespmem:s22+$0xFFFFFFF0]  }
0x176: {  	v13 =	vld [tilespmem:s17+$0x0]  }
0x177: {  	v15 =	vld [tilespmem:s22+$0x0]  }
0x178: {  	v2 =	vld.idx.msk [tilespmem:v3+s2+$0x0], $0xffff  }
0x179: {  	v5 =	vld.idx.msk [tilespmem:v4+s29+$0x0], $0xffff  }
0x17a: {  	s25 =	simm.s32 $0x1DAA0;
	v17 =	vld [tilespmem:s17+$0xFFFFFFE0]  }
0x17b: {  	v6 =	vld [tilespmem:s25+$0x20]  }
0x17c: {  	v16 =	vld [tilespmem:s17+$0x10]  }
0x17d: {  	v1 =	vld [tilespmem:s22+$0x10]  }
0x17e: {  	v19 =	vld [tilespmem:s25+$0xFFFFFFE0];
	v2 =	vadd.f32 v5, v2  }
0x17f: {  	v7 =	vld.idx.msk [tilespmem:v12+s29+$0x0], $0xffff  }
0x180: {  	v8 =	vld.idx.msk [tilespmem:v11+s29+$0x0], $0xffff;
	v2 =	vadd.f32 v6, v2  }
0x181: {  	v9 =	vld.idx.msk [tilespmem:v15+s29+$0x0], $0xffff  }
0x182: {  	v18 =	vld.idx.msk [tilespmem:v17+s2+$0x0], $0xffff;
	v10 =	vmul.f32 $2.000000030e-01, v2  }
0x183: {  	v5 =	vld.idx.msk [tilespmem:v14+s2+$0x0], $0xffff;
	vm0 =	vgt.f32 v2, $0.0e+00  }
0x184: {  	v6 =	vld.idx.msk [tilespmem:v13+s2+$0x0], $0xffff;
	v2 =	vsel vm0, v2, v10  }
0x185: {  	v20 =	vld [tilespmem:s25+$0x0];
	v2 =	vmul.f32 $1.442695020e+00, v2  }
0x186: {  	v10 =	vld [tilespmem:s25+$0xFFFFFFF0]  }
0x187: {  	(erf) = vpow2.f32 v2  }
0x188: {  	s26 =	simm.s32 $0x1CAF0;
	v2 =	vadd.f32 v7, v18  }
0x189: {  	v25 =	vld [tilespmem:s26+$0x20];
	v5 =	vadd.f32 v8, v5;
	v6 =	vadd.f32 v9, v6  }
0x18a: {  	v8 =	vld.idx.msk [tilespmem:v1+s29+$0x0], $0xffff;
	v2 =	vadd.f32 v19, v2  }
0x18b: {  	v7 =	vld.idx.msk [tilespmem:v16+s2+$0x0], $0xffff;
	v6 =	vadd.f32 v20, v6;
	v5 =	vadd.f32 v10, v5  }
0x18c: {  	v9 =	vld.idx.msk [tilespmem:v3+s30+$0x0], $0xffff;
	v10 =	vmul.f32 $2.000000030e-01, v2  }
0x18d: {  	v18 =	vld [tilespmem:s25+$0x10];
	v20 =	vmul.f32 $2.000000030e-01, v6;
	v19 =	vmul.f32 $2.000000030e-01, v5;
	vm9 =	vgt.f32 v2, $0.0e+00  }
0x18e: {  	vm2 =	vgt.f32 v6, $0.0e+00;
	vm1 =	vgt.f32 v5, $0.0e+00;
	v2 =	vsel vm9, v2, v10  }
0x18f: {  	v6 =	vsel vm2, v6, v20;
	v5 =	vsel vm1, v5, v19;
	v2 =	vmul.f32 $1.442695020e+00, v2  }
0x190: {  	v7 =	vadd.f32 v8, v7;
	v6 =	vmul.f32 $1.442695020e+00, v6;
	v5 =	vmul.f32 $1.442695020e+00, v5;
	v8 =	vpop (erf)  }
0x191: {  	(erf) = vpow2.f32 v2;
	v9 =	vmul.f32 v8, v9  }
0x192: {  	v27 =	vld.idx.msk [tilespmem:v25+s2+$0x0], $0xffff;
	v2 =	vadd.f32 v18, v7;
	(erf) = vpow2.f32 v5  }
0x193: {  	(erf) = vpow2.f32 v6;
	[tilespmem:v4+s15+$0x0] =	vst.idx.add.f32.msk $0xffff, v9  }
0x194: {  	v5 =	vmul.f32 $2.000000030e-01, v2;
	v6 =	vld.idx.msk [tilespmem:v3+s31+$0x0], $0xffff  }
0x195: {  	v57 =	vld.idx.msk [tilespmem:v25+s30+$0x0], $0xffff;
	vm10 =	vgt.f32 v2, $0.0e+00  }
0x196: {  	v7 =	vld.idx.msk [tilespmem:v17+s30+$0x0], $0xffff;
	v2 =	vsel vm10, v2, v5  }
0x197: {  	v5 =	vld.idx.msk [tilespmem:v14+s30+$0x0], $0xffff;
	v2 =	vmul.f32 $1.442695020e+00, v2  }
0x198: {  	s25 =	simm.s32 $0x1D2F0;
	v9 =	vld.idx.msk [tilespmem:v13+s30+$0x0], $0xffff  }
0x199: {  	v26 =	vld [tilespmem:s25+$0x20];
	(erf) = vpow2.f32 v2;
	v2 =	vmul.f32 v8, v6  }
0x19a: {  	v6 =	vld.idx.msk [tilespmem:v16+s30+$0x0], $0xffff;
	v19 =	vpop (erf)  }
0x19b: {  	v7 =	vmul.f32 v19, v7;
	v20 =	vpop (erf);
	[tilespmem:v4+s16+$0x0] =	vst.idx.add.f32.msk $0xffff, v2  }
0x19c: {  	v2 =	vmul.f32 v20, v5;
	v18 =	vpop (erf);
	v5 =	vld.idx.msk [tilespmem:v3+s1+$0x0], $0xffff  }
0x19d: {  	[tilespmem:v12+s15+$0x0] =	vst.idx.add.f32.msk $0xffff, v7;
	v7 =	vmul.f32 v18, v9  }
0x19e: {  	[tilespmem:v11+s15+$0x0] =	vst.idx.add.f32.msk $0xffff, v2  }
0x19f: {  	[tilespmem:v15+s15+$0x0] =	vst.idx.add.f32.msk $0xffff, v7  }
0x1a0: {  	v7 =	vld.idx.msk [tilespmem:v17+s31+$0x0], $0xffff  }
0x1a1: {  	v9 =	vld.idx.msk [tilespmem:v14+s31+$0x0], $0xffff  }
0x1a2: {  	v28 =	vld.idx.msk [tilespmem:v26+s29+$0x0], $0xffff;
	v2 =	vpop (erf);
	v5 =	vmul.f32 v5, v8  }
0x1a3: {  	v10 =	vld.idx.msk [tilespmem:v13+s31+$0x0], $0xffff;
	v6 =	vmul.f32 v2, v6  }
0x1a4: {  	[tilespmem:v4+s18+$0x0] =	vst.idx.add.f32.msk $0xffff, v5  }
0x1a5: {  	[tilespmem:v1+s15+$0x0] =	vst.idx.add.f32.msk $0xffff, v6  }
0x1a6: {  	v5 =	vmul.f32 v19, v7;
	v7 =	vmul.f32 v20, v9;
	v9 =	vld [tilespmem:s26+$0xFFFFFFF0]  }
0x1a7: {  	v3 =	vld.idx.msk [tilespmem:v3+s0+$0x0], $0xffff  }
0x1a8: {  	v6 =	vld.idx.msk [tilespmem:v16+s31+$0x0], $0xffff  }
0x1a9: {  	[tilespmem:v12+s16+$0x0] =	vst.idx.add.f32.msk $0xffff, v5  }
0x1aa: {  	[tilespmem:v11+s16+$0x0] =	vst.idx.add.f32.msk $0xffff, v7  }
0x1ab: {  	v7 =	vld [tilespmem:s26+$0x0]  }
0x1ac: {  	v5 =	vmul.f32 v18, v10;
	v10 =	vld [tilespmem:s26+$0xFFFFFFE0]  }
0x1ad: {  	v21 =	vld.idx.msk [tilespmem:v17+s1+$0x0], $0xffff  }
0x1ae: {  	v22 =	vld.idx.msk [tilespmem:v14+s1+$0x0], $0xffff  }
0x1af: {  	[tilespmem:v15+s16+$0x0] =	vst.idx.add.f32.msk $0xffff, v5  }
0x1b0: {  	v23 =	vld.idx.msk [tilespmem:v13+s1+$0x0], $0xffff;
	v3 =	vmul.f32 v3, v8  }
0x1b1: {  	v5 =	vmul.f32 v2, v6;
	v6 =	vld [tilespmem:s25+$0xFFFFFFE0]  }
0x1b2: {  	[tilespmem:v4+s19+$0x0] =	vst.idx.add.f32.msk $0xffff, v3  }
0x1b3: {  	[tilespmem:v1+s16+$0x0] =	vst.idx.add.f32.msk $0xffff, v5  }
0x1b4: {  	v5 =	vld [tilespmem:s25+$0xFFFFFFF0]  }
0x1b5: {  	[tilespmem:v4+s20+$0x0] =	vst.idx.add.f32.msk $0xffff, v8  }
0x1b6: {  	v8 =	vld [tilespmem:s26+$0x10];
	s26 =	simm.s32 $0x1DAF0  }
0x1b7: {  	v29 =	vld [tilespmem:s26+$0x20]  }
0x1b8: {  	v3 =	vld [tilespmem:s25+$0x0]  }
0x1b9: {  	v31 =	vld.idx.msk [tilespmem:v9+s2+$0x0], $0xffff  }
0x1ba: {  	v27 =	vadd.f32 v28, v27;
	v4 =	vld [tilespmem:s25+$0x10]  }
0x1bb: {  	v50 =	vld.idx.msk [tilespmem:v7+s2+$0x0], $0xffff  }
0x1bc: {  	v34 =	vld.idx.msk [tilespmem:v10+s2+$0x0], $0xffff;
	v27 =	vadd.f32 v29, v27  }
0x1bd: {  	v37 =	vld [tilespmem:s26+$0xFFFFFFE0]  }
0x1be: {  	v52 =	vld [tilespmem:s26+$0xFFFFFFF0];
	v35 =	vmul.f32 $2.000000030e-01, v27  }
0x1bf: {  	v30 =	vld.idx.msk [tilespmem:v6+s29+$0x0], $0xffff;
	vm11 =	vgt.f32 v27, $0.0e+00  }
0x1c0: {  	v32 =	vld.idx.msk [tilespmem:v5+s29+$0x0], $0xffff;
	v27 =	vsel vm11, v27, v35  }
0x1c1: {  	v33 =	vld.idx.msk [tilespmem:v3+s29+$0x0], $0xffff;
	v27 =	vmul.f32 $1.442695020e+00, v27  }
0x1c2: {  	v51 =	vld.idx.msk [tilespmem:v8+s2+$0x0], $0xffff  }
0x1c3: {  	v36 =	vld.idx.msk [tilespmem:v4+s29+$0x0], $0xffff;
	(erf) = vpow2.f32 v27  }
0x1c4: {  	v38 =	vld [tilespmem:s26+$0x0]  }
0x1c5: {  	v53 =	vld [tilespmem:s26+$0x10];
	v30 =	vadd.f32 v30, v34  }
0x1c6: {  	v55 =	vld.idx.msk [tilespmem:v9+s30+$0x0], $0xffff  }
0x1c7: {  	v21 =	vmul.f32 v21, v19;
	v24 =	vld.idx.msk [tilespmem:v16+s1+$0x0], $0xffff;
	v31 =	vadd.f32 v32, v31;
	v30 =	vadd.f32 v37, v30  }
0x1c8: {  	v22 =	vmul.f32 v22, v20;
	v54 =	vld.idx.msk [tilespmem:v10+s30+$0x0], $0xffff;
	v28 =	vadd.f32 v33, v50;
	v29 =	vadd.f32 v36, v51  }
0x1c9: {  	v56 =	vld.idx.msk [tilespmem:v7+s30+$0x0], $0xffff;
	v23 =	vmul.f32 v23, v18;
	v31 =	vadd.f32 v52, v31;
	v58 =	vmul.f32 $2.000000030e-01, v30  }
0x1ca: {  	[tilespmem:v12+s18+$0x0] =	vst.idx.add.f32.msk $0xffff, v21;
	v28 =	vadd.f32 v38, v28;
	vm12 =	vgt.f32 v30, $0.0e+00;
	v27 =	vadd.f32 v53, v29  }
0x1cb: {  	[tilespmem:v11+s18+$0x0] =	vst.idx.add.f32.msk $0xffff, v22;
	v59 =	vmul.f32 $2.000000030e-01, v31;
	vm13 =	vgt.f32 v31, $0.0e+00;
	v22 =	vsel vm12, v30, v58  }
0x1cc: {  	v17 =	vld.idx.msk [tilespmem:v17+s0+$0x0], $0xffff;
	v38 =	vmul.f32 $2.000000030e-01, v28;
	vm14 =	vgt.f32 v28, $0.0e+00;
	v22 =	vmul.f32 $1.442695020e+00, v22;
	v62 =	vpop (erf)  }
0x1cd: {  	v14 =	vld.idx.msk [tilespmem:v14+s0+$0x0], $0xffff;
	v21 =	vmul.f32 $2.000000030e-01, v27;
	v61 =	vsel vm13, v31, v59;
	v63 =	vmul.f32 v62, v57  }
0x1ce: {  	[tilespmem:v15+s18+$0x0] =	vst.idx.add.f32.msk $0xffff, v23;
	v28 =	vsel vm14, v28, v38;
	v30 =	vmul.f32 $1.442695020e+00, v61;
	(erf) = vpow2.f32 v22  }
0x1cf: {  	v24 =	vmul.f32 v24, v2;
	vm15 =	vgt.f32 v27, $0.0e+00;
	v23 =	vmul.f32 $1.442695020e+00, v28;
	[tilespmem:v26+s15+$0x0] =	vst.idx.add.f32.msk $0xffff, v63  }
0x1d0: {  	v21 =	vsel vm15, v27, v21;
	(erf) = vpow2.f32 v30;
	v22 =	vld.idx.msk [tilespmem:v25+s31+$0x0], $0xffff  }
0x1d1: {  	[tilespmem:v1+s18+$0x0] =	vst.idx.add.f32.msk $0xffff, v24;
	v21 =	vmul.f32 $1.442695020e+00, v21;
	(erf) = vpow2.f32 v23  }
0x1d2: {  	v17 =	vmul.f32 v17, v19;
	v60 =	vld.idx.msk [tilespmem:v8+s30+$0x0], $0xffff  }
0x1d3: {  	(erf) = vpow2.f32 v21;
	v21 =	vld.idx.msk [tilespmem:v13+s0+$0x0], $0xffff;
	v13 =	vmul.f32 v14, v20  }
0x1d4: {  	[tilespmem:v12+s19+$0x0] =	vst.idx.add.f32.msk $0xffff, v17  }
0x1d5: {  	[tilespmem:v12+s20+$0x0] =	vst.idx.add.f32.msk $0xffff, v19;
	v12 =	vmul.f32 v62, v22  }
0x1d6: {  	v16 =	vld.idx.msk [tilespmem:v16+s0+$0x0], $0xffff  }
0x1d7: {  	[tilespmem:v11+s19+$0x0] =	vst.idx.add.f32.msk $0xffff, v13;
	v13 =	vpop (erf)  }
0x1d8: {  	[tilespmem:v11+s20+$0x0] =	vst.idx.add.f32.msk $0xffff, v20;
	v14 =	vmul.f32 v13, v54  }
0x1d9: {  	[tilespmem:v26+s16+$0x0] =	vst.idx.add.f32.msk $0xffff, v12;
	v12 =	vpop (erf)  }
0x1da: {  	[tilespmem:v6+s15+$0x0] =	vst.idx.add.f32.msk $0xffff, v14;
	v17 =	vmul.f32 v12, v55;
	v11 =	vpop (erf)  }
0x1db: {  	v19 =	vld.idx.msk [tilespmem:v25+s1+$0x0], $0xffff;
	v20 =	vmul.f32 v11, v56  }
0x1dc: {  	v14 =	vpop (erf);
	[tilespmem:v5+s15+$0x0] =	vst.idx.add.f32.msk $0xffff, v17  }
0x1dd: {  	v17 =	vmul.f32 v14, v60;
	[tilespmem:v3+s15+$0x0] =	vst.idx.add.f32.msk $0xffff, v20  }
0x1de: {  	v20 =	vld.idx.msk [tilespmem:v9+s31+$0x0], $0xffff  }
0x1df: {  	[tilespmem:v4+s15+$0x0] =	vst.idx.add.f32.msk $0xffff, v17  }
0x1e0: {  	v19 =	vmul.f32 v19, v62;
	v17 =	vld.idx.msk [tilespmem:v10+s31+$0x0], $0xffff  }
0x1e1: {  	v22 =	vld.idx.msk [tilespmem:v7+s31+$0x0], $0xffff  }
0x1e2: {  	[tilespmem:v26+s18+$0x0] =	vst.idx.add.f32.msk $0xffff, v19  }
0x1e3: {  	v19 =	vmul.f32 v21, v18;
	v23 =	vld.idx.msk [tilespmem:v8+s31+$0x0], $0xffff  }
0x1e4: {  	v21 =	vld.idx.msk [tilespmem:v25+s0+$0x0], $0xffff  }
0x1e5: {  	[tilespmem:v15+s19+$0x0] =	vst.idx.add.f32.msk $0xffff, v19;
	v19 =	vmul.f32 v12, v20  }
0x1e6: {  	[tilespmem:v15+s20+$0x0] =	vst.idx.add.f32.msk $0xffff, v18;
	v17 =	vmul.f32 v13, v17  }
0x1e7: {  	v15 =	vmul.f32 v11, v22;
	[tilespmem:v5+s16+$0x0] =	vst.idx.add.f32.msk $0xffff, v19  }
0x1e8: {  	[tilespmem:v6+s16+$0x0] =	vst.idx.add.f32.msk $0xffff, v17  }
0x1e9: {  	[tilespmem:v3+s16+$0x0] =	vst.idx.add.f32.msk $0xffff, v15  }
0x1ea: {  	v20 =	vld.idx.msk [tilespmem:v9+s1+$0x0], $0xffff  }
0x1eb: {  	v15 =	vmul.f32 v21, v62;
	v19 =	vld.idx.msk [tilespmem:v10+s1+$0x0], $0xffff  }
0x1ec: {  	v17 =	vmul.f32 v14, v23;
	v18 =	vld.idx.msk [tilespmem:v7+s1+$0x0], $0xffff  }
0x1ed: {  	[tilespmem:v26+s19+$0x0] =	vst.idx.add.f32.msk $0xffff, v15  }
0x1ee: {  	[tilespmem:v4+s16+$0x0] =	vst.idx.add.f32.msk $0xffff, v17  }
0x1ef: {  	v15 =	vmul.f32 v16, v2;
	[tilespmem:v26+s20+$0x0] =	vst.idx.add.f32.msk $0xffff, v62  }
0x1f0: {  	v17 =	vld.idx.msk [tilespmem:v8+s1+$0x0], $0xffff  }
0x1f1: {  	s17 =	simm.s32 $0x5;
	s22 =	simm.s32 $0x1CB40;
	[tilespmem:v1+s19+$0x0] =	vst.idx.add.f32.msk $0xffff, v15;
	v19 =	vmul.f32 v19, v13  }
.LBB2_7:
0x1f2: {  	v16 =	vld [tilespmem:s22+$0x20];
	s25 =	sadd.s32 $0x50, s25  }
0x1f3: {  	v15 =	vld [tilespmem:s25+$0x20]  }
0x1f4: {  	s17 =	sadd.s32 $0x5, s17;
	v20 =	vmul.f32 v20, v12;
	v21 =	vld [tilespmem:s25+$0xFFFFFFE0]  }
0x1f5: {  	p0 =	slt.u32 s17, $0x78;
	v23 =	vmul.f32 v18, v11;
	v22 =	vld [tilespmem:s22+$0xFFFFFFF0]  }
0x1f6: {  	v24 =	vmul.f32 v17, v14;
	v18 =	vld [tilespmem:s25+$0xFFFFFFF0]  }
0x1f7: {  	v25 =	vld [tilespmem:s22+$0x0]  }
0x1f8: {  	v17 =	vld [tilespmem:s25+$0x0]  }
0x1f9: {  	v26 =	vld [tilespmem:s22+$0x10]  }
0x1fa: {  	v27 =	vld.idx.msk [tilespmem:v16+s2+$0x0], $0xffff  }
0x1fb: {  	v28 =	vld.idx.msk [tilespmem:v15+s29+$0x0], $0xffff  }
0x1fc: {  	v29 =	vld [tilespmem:s25+$0x10]  }
0x1fd: {  	s26 =	sadd.s32 $0x50, s26;
	v30 =	vld [tilespmem:s22+$0xFFFFFFE0]  }
0x1fe: {  	v31 =	vld [tilespmem:s26+$0x20]  }
0x1ff: {  	v32 =	vld.idx.msk [tilespmem:v21+s29+$0x0], $0xffff  }
0x200: {  	v33 =	vld.idx.msk [tilespmem:v22+s2+$0x0], $0xffff  }
0x201: {  	v27 =	vadd.f32 v28, v27;
	v34 =	vld.idx.msk [tilespmem:v18+s29+$0x0], $0xffff  }
0x202: {  	v28 =	vld.idx.msk [tilespmem:v25+s2+$0x0], $0xffff  }
0x203: {  	v35 =	vld.idx.msk [tilespmem:v17+s29+$0x0], $0xffff;
	v27 =	vadd.f32 v31, v27  }
0x204: {  	v31 =	vld.idx.msk [tilespmem:v26+s2+$0x0], $0xffff  }
0x205: {  	v36 =	vld.idx.msk [tilespmem:v30+s2+$0x0], $0xffff;
	v37 =	vmul.f32 $2.000000030e-01, v27  }
0x206: {  	vm0 =	vgt.f32 v27, $0.0e+00;
	v38 =	vld.idx.msk [tilespmem:v29+s29+$0x0], $0xffff  }
0x207: {  	v33 =	vadd.f32 v34, v33;
	v39 =	vld [tilespmem:s26+$0xFFFFFFE0];
	v27 =	vsel vm0, v27, v37  }
0x208: {  	v34 =	vld [tilespmem:s26+$0xFFFFFFF0];
	v27 =	vmul.f32 $1.442695020e+00, v27  }
0x209: {  	v28 =	vadd.f32 v35, v28;
	v35 =	vld [tilespmem:s26+$0x0]  }
0x20a: {  	v37 =	vld [tilespmem:s26+$0x10];
	(erf) = vpow2.f32 v27  }
0x20b: {  	v27 =	vadd.f32 v32, v36;
	v32 =	vld.idx.msk [tilespmem:v30+s30+$0x0], $0xffff  }
0x20c: {  	v31 =	vadd.f32 v38, v31;
	v36 =	vld.idx.msk [tilespmem:v22+s30+$0x0], $0xffff  }
0x20d: {  	v27 =	vadd.f32 v39, v27;
	v33 =	vadd.f32 v34, v33;
	v34 =	vld.idx.msk [tilespmem:v25+s30+$0x0], $0xffff  }
0x20e: {  	v28 =	vadd.f32 v35, v28;
	v35 =	vld.idx.msk [tilespmem:v16+s30+$0x0], $0xffff  }
0x20f: {  	v38 =	vmul.f32 $2.000000030e-01, v27;
	v39 =	vmul.f32 $2.000000030e-01, v33;
	v31 =	vadd.f32 v37, v31;
	v37 =	vld.idx.msk [tilespmem:v26+s30+$0x0], $0xffff  }
0x210: {  	vm0 =	vgt.f32 v27, $0.0e+00;
	vm1 =	vgt.f32 v33, $0.0e+00;
	v40 =	vmul.f32 $2.000000030e-01, v28;
	[tilespmem:v6+s18+$0x0] =	vst.idx.add.f32.msk $0xffff, v19  }
0x211: {  	vm2 =	vgt.f32 v28, $0.0e+00;
	vm3 =	vgt.f32 v31, $0.0e+00;
	v19 =	vmul.f32 $2.000000030e-01, v31;
	[tilespmem:v5+s18+$0x0] =	vst.idx.add.f32.msk $0xffff, v20  }
0x212: {  	v20 =	vsel vm0, v27, v38;
	v27 =	vsel vm1, v33, v39;
	v28 =	vsel vm2, v28, v40;
	v33 =	vld.idx.msk [tilespmem:v10+s0+$0x0], $0xffff  }
0x213: {  	v20 =	vmul.f32 $1.442695020e+00, v20;
	v27 =	vmul.f32 $1.442695020e+00, v27;
	v19 =	vsel vm3, v31, v19;
	v31 =	vpop (erf);
	[tilespmem:v3+s18+$0x0] =	vst.idx.add.f32.msk $0xffff, v23  }
0x214: {  	v10 =	vmov v30;
	v23 =	vmul.f32 $1.442695020e+00, v28;
	v28 =	vmul.f32 v31, v35;
	[tilespmem:v4+s18+$0x0] =	vst.idx.add.f32.msk $0xffff, v24  }
0x215: {  	v19 =	vmul.f32 $1.442695020e+00, v19;
	(erf) = vpow2.f32 v20;
	v20 =	vld.idx.msk [tilespmem:v9+s0+$0x0], $0xffff;
	v9 =	vmov v22  }
0x216: {  	[tilespmem:v15+s15+$0x0] =	vst.idx.add.f32.msk $0xffff, v28;
	(erf) = vpow2.f32 v27  }
0x217: {  	v22 =	vld.idx.msk [tilespmem:v16+s31+$0x0], $0xffff;
	(erf) = vpow2.f32 v23  }
0x218: {  	(erf) = vpow2.f32 v19;
	v19 =	vmul.f32 v33, v13;
	v23 =	vld.idx.msk [tilespmem:v7+s0+$0x0], $0xffff;
	v7 =	vmov v25  }
0x219: {  	v24 =	vld.idx.msk [tilespmem:v8+s0+$0x0], $0xffff;
	v8 =	vmov v26  }
0x21a: {  	[tilespmem:v6+s19+$0x0] =	vst.idx.add.f32.msk $0xffff, v19  }
0x21b: {  	v19 =	vmul.f32 v20, v12;
	[tilespmem:v6+s20+$0x0] =	vst.idx.add.f32.msk $0xffff, v13;
	v6 =	vmov v21  }
0x21c: {  	[tilespmem:v1+s20+$0x0] =	vst.idx.add.f32.msk $0xffff, v2;
	v1 =	vmov v4;
	v4 =	vmov v29;
	v2 =	vmov v14  }
0x21d: {  	v14 =	vmul.f32 v31, v22;
	[tilespmem:v5+s19+$0x0] =	vst.idx.add.f32.msk $0xffff, v19  }
0x21e: {  	v19 =	vmul.f32 v23, v11;
	v13 =	vpop (erf);
	[tilespmem:v5+s20+$0x0] =	vst.idx.add.f32.msk $0xffff, v12;
	v5 =	vmov v18  }
0x21f: {  	v21 =	vmul.f32 v24, v2;
	v20 =	vmul.f32 v13, v32;
	[tilespmem:v15+s16+$0x0] =	vst.idx.add.f32.msk $0xffff, v14;
	v12 =	vpop (erf)  }
0x220: {  	v22 =	vmul.f32 v12, v36;
	v23 =	vld.idx.msk [tilespmem:v16+s1+$0x0], $0xffff;
	v24 =	vpop (erf)  }
0x221: {  	[tilespmem:v6+s15+$0x0] =	vst.idx.add.f32.msk $0xffff, v20;
	v20 =	vmul.f32 v24, v34;
	v14 =	vpop (erf)  }
0x222: {  	[tilespmem:v18+s15+$0x0] =	vst.idx.add.f32.msk $0xffff, v22;
	v18 =	vmul.f32 v14, v37  }
0x223: {  	[tilespmem:v17+s15+$0x0] =	vst.idx.add.f32.msk $0xffff, v20  }
0x224: {  	[tilespmem:v29+s15+$0x0] =	vst.idx.add.f32.msk $0xffff, v18  }
0x225: {  	v18 =	vld.idx.msk [tilespmem:v10+s31+$0x0], $0xffff  }
0x226: {  	v22 =	vmul.f32 v23, v31;
	v20 =	vld.idx.msk [tilespmem:v9+s31+$0x0], $0xffff  }
0x227: {  	v23 =	vld.idx.msk [tilespmem:v25+s31+$0x0], $0xffff  }
0x228: {  	[tilespmem:v15+s18+$0x0] =	vst.idx.add.f32.msk $0xffff, v22  }
0x229: {  	v16 =	vld.idx.msk [tilespmem:v16+s0+$0x0], $0xffff  }
0x22a: {  	v22 =	vld.idx.msk [tilespmem:v8+s31+$0x0], $0xffff  }
0x22b: {  	v18 =	vmul.f32 v13, v18;
	[tilespmem:v3+s19+$0x0] =	vst.idx.add.f32.msk $0xffff, v19  }
0x22c: {  	v19 =	vmul.f32 v12, v20;
	[tilespmem:v3+s20+$0x0] =	vst.idx.add.f32.msk $0xffff, v11;
	v3 =	vmov v17;
	v11 =	vmov v24  }
0x22d: {  	[tilespmem:v6+s16+$0x0] =	vst.idx.add.f32.msk $0xffff, v18;
	v18 =	vmul.f32 v11, v23  }
0x22e: {  	[tilespmem:v5+s16+$0x0] =	vst.idx.add.f32.msk $0xffff, v19  }
0x22f: {  	v16 =	vmul.f32 v16, v31;
	[tilespmem:v17+s16+$0x0] =	vst.idx.add.f32.msk $0xffff, v18  }
0x230: {  	v18 =	vmul.f32 v14, v22;
	v17 =	vld.idx.msk [tilespmem:v10+s1+$0x0], $0xffff  }
0x231: {  	[tilespmem:v15+s19+$0x0] =	vst.idx.add.f32.msk $0xffff, v16  }
0x232: {  	[tilespmem:v15+s20+$0x0] =	vst.idx.add.f32.msk $0xffff, v31  }
.Ltmp2:
0x233: {  	[tilespmem:v4+s16+$0x0] =	vst.idx.add.f32.msk $0xffff, v18;
	(pc) =	sbr.rel @p0 .LBB2_7-.Ltmp2, $4  }
0x234: {  	v20 =	vld.idx.msk [tilespmem:v9+s1+$0x0], $0xffff  }
0x235: {  	v18 =	vld.idx.msk [tilespmem:v7+s1+$0x0], $0xffff  }
0x236: {  	v19 =	vmul.f32 v17, v13;
	v17 =	vld.idx.msk [tilespmem:v8+s1+$0x0], $0xffff  }
0x237: {  	s22 =	sadd.s32 $0x50, s22;
	[tilespmem:v1+s19+$0x0] =	vst.idx.add.f32.msk $0xffff, v21  }
0x238: {  	_ =	sdelay $0x3  }
0x239: {  	[tilespmem:v6+s18+$0x0] =	vst.idx.add.f32.msk $0xffff, v19  }
0x23a: {  	[tilespmem:v1+s20+$0x0] =	vst.idx.add.f32.msk $0xffff, v2;
	v15 =	vmul.f32 v20, v12  }
0x23b: {  	v10 =	vld.idx.msk [tilespmem:v10+s0+$0x0], $0xffff  }
0x23c: {  	v16 =	vmul.f32 v18, v11;
	[tilespmem:v5+s18+$0x0] =	vst.idx.add.f32.msk $0xffff, v15  }
0x23d: {  	v9 =	vld.idx.msk [tilespmem:v9+s0+$0x0], $0xffff  }
0x23e: {  	s9 =	sadd.s32 $0x3, s24;
	v62 =	vmul.f32 v17, v14;
	[tilespmem:v3+s18+$0x0] =	vst.idx.add.f32.msk $0xffff, v16  }
0x23f: {  	s10 =	smulhi.u32 $0x66666667, s9;
	v7 =	vld.idx.msk [tilespmem:v7+s0+$0x0], $0xffff  }
0x240: {  	[tilespmem:v4+s18+$0x0] =	vst.idx.add.f32.msk $0xffff, v62;
	v10 =	vmul.f32 v10, v13  }
0x241: {  	s10 =	sshrl.u32 s10, $0x5;
	v8 =	vld.idx.msk [tilespmem:v8+s0+$0x0], $0xffff  }
0x242: {  	s10 =	smul.u32 $0x50, s10;
	[tilespmem:v6+s19+$0x0] =	vst.idx.add.f32.msk $0xffff, v10;
	v63 =	vmul.f32 v9, v12  }
0x243: {  	[tilespmem:v6+s20+$0x0] =	vst.idx.add.f32.msk $0xffff, v13  }
0x244: {  	s9 =	ssub.s32 s9, s10;
	v1 =	vmul.f32 v7, v11;
	[tilespmem:v5+s19+$0x0] =	vst.idx.add.f32.msk $0xffff, v63  }
0x245: {  	s9 =	smul.u32 $0x7D0, s9;
	[tilespmem:v5+s20+$0x0] =	vst.idx.add.f32.msk $0xffff, v12  }
0x246: {  	v2 =	vmul.f32 v8, v14;
	[tilespmem:v3+s19+$0x0] =	vst.idx.add.f32.msk $0xffff, v1  }
0x247: {  	s26 =	sadd.s32 s7, s9;
	[tilespmem:v3+s20+$0x0] =	vst.idx.add.f32.msk $0xffff, v11  }
0x248: {  	s23 =	sadd.s32 $0x1, s23;
	s10 =	sshrl.u32 s26, $0x3;
	[tilespmem:v4+s19+$0x0] =	vst.idx.add.f32.msk $0xffff, v2  }
0x249: {  	p0 =	sne.s32 s23, $0x28;
	s11 =	sadd.s32 s3, s10;
	[tilespmem:v4+s20+$0x0] =	vst.idx.add.f32.msk $0xffff, v14  }
0x24a: {  	[tilespmem:s12], [sflag:$0x2] =	stream.linear.gather [hbm4b:s11+s2], $0x7D0, $0x38;
	[tilespmem:$0x1E280] =	vst v63  }
.Ltmp3:
0x24b: {  	s9 =	sadd.s32 s8, s9;
	(pc) =	sbr.rel @p0 .LBB2_4-.Ltmp3, $4  }
0x24c: {  	s9 =	sshrl.u32 s9, $0x3;
	s10 =	sadd.s32 s4, s10  }
0x24d: {  	[tilespmem:s13], [sflag:$0x2] =	stream.linear.gather [hbm4b:s10+s2], $0x7D0, $0x38;
	[tilespmem:$0x1E280] =	vst v63  }
0x24e: {  	s9 =	sadd.s32 s5, s9  }
0x24f: {  	[tilespmem:s14], [sflag:$0x2] =	stream.linear.gather [hbm4b:s9+s2], $0x7D0, $0x38;
	[tilespmem:$0x1E280] =	vst v63  }
0x250: {  	_ =	swait.ge [sflag:s6], $0x7D0  }
0x251: {  	[sflag:s6] =	ssyncset.done $0x0  }
0x252: {  	[sflag:s6] =	ssyncadd.s32 $0xFFFFF830  }
0x253: {  	_ =	swait.ge [sflag:s6], $0x7D0  }
0x254: {  	[sflag:s6] =	ssyncset.done $0x0  }
0x255: {  	[sflag:s6] =	ssyncadd.s32 $0xFFFFF830  }
0x256: {  	_ =	swait.ge [sflag:s6], $0x7D0  }
0x257: {  	[sflag:s6] =	ssyncset.done $0x0  }
0x258: {  	[sflag:s6] =	ssyncadd.s32 $0xFFFFF830  }
0x259: {  	_ =	swait.ge [sflag:s21], $0x7D0  }
0x25a: {  	[sflag:s21] =	ssyncset.done $0x0  }
0x25b: {  	[sflag:s21] =	ssyncadd.s32 $0xFFFFF830  }
0x25c: {  	_ =	swait.ge [sflag:s21], $0x7D0  }
0x25d: {  	[sflag:s21] =	ssyncset.done $0x0  }
0x25e: {  	[sflag:s21] =	ssyncadd.s32 $0xFFFFF830  }
0x25f: {  	_ =	swait.ge [sflag:s21], $0x7D0  }
0x260: {  	[sflag:s21] =	ssyncset.done $0x0  }
0x261: {  	s10 =	simm.s32 $0x3;
	s9 =	rddreg [dreg:$0xc];
	[sflag:s21] =	ssyncadd.s32 $0xFFFFF830  }
0x262: {  	[hbm4b:s9+s2] =	stream.linear.scatter [tilespmem:s15], [sflag:$0x3], $0x2710, $0x38;
	[tilespmem:$0x1E280] =	vst v63  }
0x263: {  	_ =	swait.ge [sflag:s10], $0x2710  }
0x264: {  	[sflag:s10] =	ssyncset.done $0x0  }
0x265: {  	s23 =	rddreg [dreg:$0xd];
	[sflag:s10] =	ssyncadd.s32 $0xFFFFD8F0  }
0x266: {  	[hbm4b:s23+s2] =	stream.linear.scatter [tilespmem:s16], [sflag:$0x3], $0x2710, $0x38;
	[tilespmem:$0x1E280] =	vst v63  }
0x267: {  	_ =	swait.ge [sflag:s10], $0x2710  }
0x268: {  	[sflag:s10] =	ssyncset.done $0x0  }
0x269: {  	s24 =	rddreg [dreg:$0xe];
	[sflag:s10] =	ssyncadd.s32 $0xFFFFD8F0  }
0x26a: {  	[hbm4b:s24+s2] =	stream.linear.scatter [tilespmem:s18], [sflag:$0x3], $0x2710, $0x38;
	[tilespmem:$0x1E280] =	vst v63  }
0x26b: {  	_ =	swait.ge [sflag:s10], $0x2710  }
0x26c: {  	[sflag:s10] =	ssyncset.done $0x0  }
0x26d: {  	s25 =	rddreg [dreg:$0xf];
	[sflag:s10] =	ssyncadd.s32 $0xFFFFD8F0  }
0x26e: {  	[hbm4b:s25+s2] =	stream.linear.scatter [tilespmem:s19], [sflag:$0x3], $0x2710, $0x38;
	[tilespmem:$0x1E280] =	vst v63  }
0x26f: {  	_ =	swait.ge [sflag:s10], $0x2710  }
0x270: {  	[sflag:s10] =	ssyncset.done $0x0  }
0x271: {  	s26 =	rddreg [dreg:$0x12];
	[sflag:s10] =	ssyncadd.s32 $0xFFFFD8F0  }
0x272: {  	[hbm4b:s26+s2] =	stream.linear.scatter [tilespmem:s20], [sflag:$0x3], $0x2710, $0x38;
	[tilespmem:$0x1E280] =	vst v63  }
0x273: {  	_ =	swait.ge [sflag:s10], $0x2710  }
0x274: {  	s11 =	rddreg [dreg:$0x15]  }
0x275: {  	s28 =	rddreg [dreg:$0x13];
	s11 =	sadd.s32 $0x1, s11  }
0x276: {  	p0 =	sne.s32 s11, s28  }
.Ltmp4:
0x277: {  	_ = 	snop;
	(pc) =	sbr.rel @p0 .LBB2_1-.Ltmp4, $3  }
0x278: {  	_ =	sdelay $0x1  }
0x279: {  	[sflag:s10] =	ssyncset.done $0x0  }
0x27a: {  	[sflag:s10] =	ssyncadd.s32 $0xFFFFD8F0  }
0x27b: {  	_ =	sfence.sel $0x180000  }
0x27c: {  	[bflag:$0x0] =	sbarrier.arrive $0xFFFF  }
0x27d: {  	_ =	strace $0x9000004D  }
0x27e: {  	s0 =	stileid.u32;
	[bflag:$0x2] =	sbarrier.arrive $0xFFFF  }
0x27f: {  	p0 =	sne.s32 s0, $0x0;
	s0 =	rddreg [dreg:$0x2]  }
0x280: {  	s0 =	sadd.s32 @!p0 $0x100000, s0  }
0x281: {  	[sflag:s0] =	ssyncadd.tile.s32 @!p0 $0x1;
	_ =	shalt  }
.Lfunc_end2:
_tile_overlayer_lowered:
.L_overlay_start_2:
0x282: {  	(tag) =	ssettag $0x2  }
0x283: {  	s0 =	rddreg [dreg:$0x0];
	s2 =	stileid.u32  }
0x284: {  	s1 =	rddreg [dreg:$0x1];
	p0 =	sne.s32 s2, $0x0  }
0x285: {  	s3 =	rddreg [dreg:$0x2];
	[bflag:$0x3] =	sbarrier.arrive $0xFFFF;
	s2 =	simm.s32 @!p0 $0x1C03  }
0x286: {  	[timem:s3], [sflag:s2] =	dma.local @!p0 [hbm:s0], s1  }
0x287: {  	s0 =	simm.s32 @!p0 $0x3  }
0x288: {  	_ =	swait.ge @!p0 [sflag:s0], s1  }
0x289: {  	s1 =	ssub.s32 @!p0 $0x0, s1;
	[sflag:s0] =	ssyncset.done @!p0 $0x0  }
0x28a: {  	[sflag:s0] =	ssyncadd.s32 @!p0 s1  }
0x28b: {  	[bflag:$0x3] =	sbarrier.arrive $0xFFFF  }
0x28c: {  	_ =	shalt  }

</sc_bundles>
